<compile_context>
chip_gen: v7x
topology: tpu7x:2x2x1
jax: 0.10.2.dev20260603
libtpu: 0.0.44.dev20260713+nightly
codegen_flags: <defaults>
</compile_context>

<pallas_src>
import jax
import jax.numpy as jnp
from jax import lax
from jax.experimental import pallas as pl
from jax.experimental.pallas import tpu as pltpu
from jax.experimental.pallas import tpu_sc as plsc

N = 10000
E = 320000
D = 128
H = 256
OUT = 128

NP = 10240
RB = 1024
NBLK = NP // RB
NTILES = 16
ROWS_PER_TILE = NP // NTILES
EPS = 1e-5

ECH = 64
NRING = 4
NCH_E = 320
EPAD = NTILES * NCH_E * ECH
GRP = 32
NGRP = NCH_E // GRP
CHUNK_D = 128
EPAD_H = EPAD // 2
NCH_D = EPAD_H // (NTILES * CHUNK_D)



def _tcA_body(x_ref, qw_ref, qb_ref, t_ref):
    y = lax.dot_general(x_ref[...], qw_ref[...], (((1,), (1,)), ((), ())),
                        preferred_element_type=jnp.float32)
    y = jnp.maximum(y + qb_ref[...][None, :], 0.0)
    t_ref[0] = y[:, :D]
    t_ref[1] = y[:, D:]


def _tc_a(x_pad, qw, qb):
    return pl.pallas_call(
        _tcA_body,
        grid=(NBLK,),
        in_specs=[
            pl.BlockSpec((RB, D), lambda i: (i, 0)),
            pl.BlockSpec((H, D), lambda i: (0, 0)),
            pl.BlockSpec((H,), lambda i: (0,)),
        ],
        out_specs=pl.BlockSpec((2, RB, D), lambda i: (0, i, 0)),
        out_shape=jax.ShapeDtypeStruct((2, NP, D), jnp.float32),
    )(x_pad, qw, qb)


def _tcB_body(x_ref, alo_ref, ahi_ref, deg_ref, w_ref, wb_ref,
              qw2_ref, qb2_ref, h1_ref, t2_ref):
    deg = jnp.sum(deg_ref[...], axis=(0, 1))
    inv = 1.0 / jnp.maximum(deg, 1.0)
    alo = alo_ref[0] * inv[:, None]
    ahi = ahi_ref[0] * inv[:, None]
    dn = (((1,), (1,)), ((), ()))
    z = lax.dot_general(x_ref[...], w_ref[:, :D], dn,
                        preferred_element_type=jnp.float32)
    z += lax.dot_general(alo, w_ref[:, D:2 * D], dn,
                         preferred_element_type=jnp.float32)
    z += lax.dot_general(ahi, w_ref[:, 2 * D:], dn,
                         preferred_element_type=jnp.float32)
    z = jnp.maximum(z + wb_ref[...][None, :], 0.0)
    nrm = jnp.sqrt(jnp.sum(z * z, axis=1, keepdims=True))
    h1 = z / jnp.maximum(nrm, 1e-12)
    h1_ref[...] = h1
    t2 = lax.dot_general(h1, qw2_ref[...], dn,
                         preferred_element_type=jnp.float32)
    t2 = jnp.maximum(t2 + qb2_ref[...][None, :], 0.0)
    t2_ref[0] = t2[:, :D]
    t2_ref[1] = t2[:, D:]


def _tc_b(x_pad, agg, deg2, w1, wb1, qw2, qb2):
    return pl.pallas_call(
        _tcB_body,
        grid=(NBLK,),
        in_specs=[
            pl.BlockSpec((RB, D), lambda i: (i, 0)),
            pl.BlockSpec((1, RB, D), lambda i: (0, i, 0)),
            pl.BlockSpec((1, RB, D), lambda i: (1, i, 0)),
            pl.BlockSpec((2, NTILES, RB), lambda i: (0, 0, i)),
            pl.BlockSpec((OUT, D + H), lambda i: (0, 0)),
            pl.BlockSpec((OUT,), lambda i: (0,)),
            pl.BlockSpec((H, OUT), lambda i: (0, 0)),
            pl.BlockSpec((H,), lambda i: (0,)),
        ],
        out_specs=[
            pl.BlockSpec((RB, OUT), lambda i: (i, 0)),
            pl.BlockSpec((2, RB, D), lambda i: (0, i, 0)),
        ],
        out_shape=[
            jax.ShapeDtypeStruct((NP, OUT), jnp.float32),
            jax.ShapeDtypeStruct((2, NP, D), jnp.float32),
        ],
    )(x_pad, agg, agg, deg2, w1, wb1, qw2, qb2)


def _tcDE_body(h1_ref, alo_ref, ahi_ref, deg_ref, w_ref, wb_ref,
               gw_ref, gb_ref, go_ref, g_ref, gn_ref, bn_ref,
               out_ref, h3_scr, acc_scr):
    i = pl.program_id(0)
    dn = (((1,), (1,)), ((), ()))

    @pl.when(i < NBLK)
    def _():
        deg = jnp.sum(deg_ref[...], axis=(0, 1))
        inv = 1.0 / jnp.maximum(deg, 1.0)
        alo = alo_ref[0] * inv[:, None]
        ahi = ahi_ref[0] * inv[:, None]
        z = lax.dot_general(h1_ref[...], w_ref[:, :OUT], dn,
                            preferred_element_type=jnp.float32)
        z += lax.dot_general(alo, w_ref[:, OUT:OUT + D], dn,
                             preferred_element_type=jnp.float32)
        z += lax.dot_general(ahi, w_ref[:, OUT + D:], dn,
                             preferred_element_type=jnp.float32)
        z = jnp.maximum(z + wb_ref[...][None, :], 0.0)
        nrm = jnp.sqrt(jnp.sum(z * z, axis=1, keepdims=True))
        h2 = z / jnp.maximum(nrm, 1e-12)
        h3 = lax.dot_general(h2, gw_ref[...], dn,
                             preferred_element_type=jnp.float32)
        h3 = jnp.maximum(h3 + gb_ref[...][None, :], 0.0)
        h3_scr[pl.ds(i * RB, RB), :] = h3
        row = i * RB + lax.broadcasted_iota(jnp.int32, (RB, 1), 0)
        h3m = jnp.where(row < N, h3, 0.0)

        @pl.when(i == 0)
        def _():
            acc_scr[...] = jnp.zeros_like(acc_scr)

        s1 = jnp.sum(h3m, axis=0, keepdims=True)
        s2 = jnp.sum(h3m * h3m, axis=0, keepdims=True)
        acc_scr[...] += jnp.concatenate(
            [s1, s2, jnp.zeros((6, OUT), jnp.float32)], axis=0)

    @pl.when(i >= NBLK)
    def _():
        j = i - NBLK
        mu = acc_scr[0, :] * (1.0 / N)
        ex2 = acc_scr[1, :] * (1.0 / N)
        var = ex2 - mu * mu
        inv1 = lax.rsqrt(var + EPS)
        gg = g_ref[0]
        var2 = (gg * gg) * go_ref[...] * go_ref[...] * var * inv1 * inv1
        inv2 = lax.rsqrt(var2 + EPS)
        a = gg * go_ref[...] * gn_ref[...] * inv1 * inv2
        b = bn_ref[...] - a * mu
        out_ref[...] = h3_scr[pl.ds(j * RB, RB), :] * a[None, :] + b[None, :]


def _tc_de(h1, agg, deg2, w2, wb2, gw, gb, go, g, gn, bn):
    clamp = NBLK - 1
    return pl.pallas_call(
        _tcDE_body,
        grid=(2 * NBLK,),
        in_specs=[
            pl.BlockSpec((RB, OUT), lambda i: (jnp.minimum(i, clamp), 0)),
            pl.BlockSpec((1, RB, D), lambda i: (0, jnp.minimum(i, clamp), 0)),
            pl.BlockSpec((1, RB, D), lambda i: (1, jnp.minimum(i, clamp), 0)),
            pl.BlockSpec((2, NTILES, RB),
                         lambda i: (0, 0, jnp.minimum(i, clamp))),
            pl.BlockSpec((OUT, OUT + H), lambda i: (0, 0)),
            pl.BlockSpec((OUT,), lambda i: (0,)),
            pl.BlockSpec((OUT, OUT), lambda i: (0, 0)),
            pl.BlockSpec((OUT,), lambda i: (0,)),
            pl.BlockSpec((OUT,), lambda i: (0,)),
            pl.BlockSpec((1,), lambda i: (0,)),
            pl.BlockSpec((OUT,), lambda i: (0,)),
            pl.BlockSpec((OUT,), lambda i: (0,)),
        ],
        out_specs=pl.BlockSpec((RB, OUT),
                               lambda i: (jnp.maximum(i - NBLK, 0), 0)),
        out_shape=jax.ShapeDtypeStruct((NP, OUT), jnp.float32),
        scratch_shapes=[
            pltpu.VMEM((NP, OUT), jnp.float32),
            pltpu.VMEM((8, OUT), jnp.float32),
        ],
    )(h1, agg, agg, deg2, w2, wb2, gw, gb, go, g, gn, bn)



def _zero_fill(ref, nrows, ncols16):
    def body(r, _):
        for k in range(ncols16):
            ref[r, pl.ds(k * 16, 16)] = jnp.zeros((16,), jnp.float32)
        return 0
    lax.fori_loop(0, nrows, body, 0, unroll=False)


def _sc_agg_body(t_hbm, src_hbm, dst_hbm, agg_hbm,
                 isrc, idst, grow, agg_sp, gsem):
    c = lax.axis_index("c")
    s = lax.axis_index("s")
    base = s * ROWS_PER_TILE

    _zero_fill(grow.at[0], ECH, D // 16)
    _zero_fill(grow.at[1], ECH, D // 16)
    for k in range(ROWS_PER_TILE // (2 * ECH)):
        pltpu.sync_copy(grow.at[0], agg_sp.at[pl.ds(base + k * 2 * ECH, ECH)])
        pltpu.sync_copy(grow.at[1],
                        agg_sp.at[pl.ds(base + k * 2 * ECH + ECH, ECH)])
    plsc.subcore_barrier()

    def gstart(j, b):
        return pltpu.async_copy(t_hbm.at[isrc.at[j]], grow.at[b], gsem)

    def gwait(b):
        pltpu.make_async_copy(t_hbm.at[isrc.at[0]], grow.at[b], gsem).wait()

    def group(gi, _):
        pltpu.sync_copy(src_hbm.at[c, s, pl.ds(gi * GRP, GRP)], isrc)
        pltpu.sync_copy(dst_hbm.at[s, pl.ds(gi * GRP, GRP)], idst)
        for b in range(NRING - 1):
            gstart(b, b)

        def ring(q, _):
            j0 = q * NRING
            for b in range(NRING):
                j = j0 + b
                gwait(b)

                @pl.when(j + NRING - 1 < GRP)
                def _():
                    gstart(j + NRING - 1, (b + NRING - 1) % NRING)

                pltpu.sync_copy(grow.at[b], agg_sp.at[idst.at[j]], add=True)
            return 0

        lax.fori_loop(0, GRP // NRING, ring, 0, unroll=False)
        return 0

    lax.fori_loop(0, NGRP, group, 0, unroll=False)
    plsc.subcore_barrier()

    pltpu.sync_copy(agg_sp.at[pl.ds(base, ROWS_PER_TILE)],
                    agg_hbm.at[c, pl.ds(base, ROWS_PER_TILE)])


def _sc_pass(t_flat, src_idx, dst_idx):
    mesh = plsc.VectorSubcoreMesh(core_axis_name="c", subcore_axis_name="s")
    return pl.kernel(
        _sc_agg_body,
        out_type=jax.ShapeDtypeStruct((2, NP, D), jnp.float32),
        mesh=mesh,
        scratch_types=[
            pltpu.VMEM((GRP, ECH), jnp.int32),
            pltpu.VMEM((GRP, ECH), jnp.int32),
            pltpu.VMEM((NRING, ECH, D), jnp.float32),
            pltpu.VMEM_SHARED((NP, D), jnp.float32),
            pltpu.SemaphoreType.DMA,
        ],
    )(t_flat, src_idx, dst_idx)


def _sc_deg_body(ddeg_hbm, deg_hbm, idx_deg, deg_local):
    c = lax.axis_index("c")
    s = lax.axis_index("s")
    pltpu.sync_copy(ddeg_hbm.at[c, s], idx_deg)

    def dz(r, _):
        deg_local[pl.ds(r * 16, 16)] = jnp.zeros((16,), jnp.float32)
        return 0
    lax.fori_loop(0, NP // 16, dz, 0, unroll=False)

    ones16 = jnp.ones((16,), jnp.float32)

    def dchunk(k, _):
        for m in range(CHUNK_D // 16):
            v = idx_deg[k, pl.ds(m * 16, 16)]
            plsc.addupdate_scatter(deg_local, [v], ones16)
        return 0
    lax.fori_loop(0, NCH_D, dchunk, 0, unroll=False)
    pltpu.sync_copy(deg_local, deg_hbm.at[c, s])


def _sc_deg(dst_deg):
    mesh = plsc.VectorSubcoreMesh(core_axis_name="c", subcore_axis_name="s")
    return pl.kernel(
        _sc_deg_body,
        out_type=jax.ShapeDtypeStruct((2, NTILES, NP), jnp.float32),
        mesh=mesh,
        scratch_types=[
            pltpu.VMEM((NCH_D, CHUNK_D), jnp.int32),
            pltpu.VMEM((NP,), jnp.float32),
        ],
        compiler_params=pltpu.CompilerParams(needs_layout_passes=False),
    )(dst_deg)



def kernel(x, edge_index, Q_w1, Q_b1, W_w1, W_b1, Q_w2, Q_b2, W_w2, W_b2,
           G_w, G_b, g, bn_out_gamma, bn_out_beta, bn_gamma, bn_beta):
    src = edge_index[0]
    dst = edge_index[1]

    x_pad = jnp.concatenate(
        [x, jnp.zeros((NP - N, D), jnp.float32)], axis=0)

    pe = EPAD - E
    ar = jnp.arange(pe, dtype=jnp.int32)
    src_p = jnp.concatenate([src, (ar * 7919) % N])
    dst_p = jnp.concatenate([dst, N + (ar % (NP - N))])
    src_idx = jnp.stack([src_p, src_p + NP]).reshape(2, NTILES, NCH_E, ECH)
    dst_idx = dst_p.reshape(NTILES, NCH_E, ECH)

    hp = E // 2
    pd = EPAD_H - hp
    ard = jnp.arange(pd, dtype=jnp.int32)
    dpad = N + (ard % (NP - N))
    dst_deg = jnp.stack([
        jnp.concatenate([dst[:hp], dpad]).reshape(NTILES, NCH_D, CHUNK_D),
        jnp.concatenate([dst[hp:], dpad]).reshape(NTILES, NCH_D, CHUNK_D),
    ])

    deg2 = _sc_deg(dst_deg)
    t1 = _tc_a(x_pad, Q_w1, Q_b1).reshape(2 * NP, D)
    agg1 = _sc_pass(t1, src_idx, dst_idx)
    h1, t2 = _tc_b(x_pad, agg1, deg2, W_w1, W_b1, Q_w2, Q_b2)
    agg2 = _sc_pass(t2.reshape(2 * NP, D), src_idx, dst_idx)
    out = _tc_de(h1, agg2, deg2, W_w2, W_b2, G_w, G_b,
                 bn_out_gamma, g, bn_gamma, bn_beta)
    return out[:N]

# --- scband reference (transcript-rebuilt; emitter-appended) ---
"""Pipeline reference for scband-gnet-54202487275758 (READ-ONLY COPY).

The authoritative reference and input builder live on the scoring server;
editing this copy changes nothing except your own understanding.
"""

import jax, jax.numpy as jnp
import numpy as np

N = 10000
E = 320000
D = 128
H = 256
OUT = 128


def setup_inputs(seed: int = 0) -> dict:
    key = jax.random.key(seed)
    ks = jax.random.split(key, 20)
    x = jax.random.normal(ks[0], (N, D), dtype=jnp.float32)
    edge_index = jax.random.randint(ks[1], (2, E), 0, N, dtype=jnp.int32)
    s = 0.05
    inp = {
        'x': x,
        'edge_index': edge_index,
        'Q_w1': jax.random.normal(ks[2], (H, D), dtype=jnp.float32) * s,
        'Q_b1': jnp.zeros((H,), dtype=jnp.float32),
        'W_w1': jax.random.normal(ks[3], (OUT, D + H), dtype=jnp.float32) * s,
        'W_b1': jnp.zeros((OUT,), dtype=jnp.float32),
        'Q_w2': jax.random.normal(ks[4], (H, OUT), dtype=jnp.float32) * s,
        'Q_b2': jnp.zeros((H,), dtype=jnp.float32),
        'W_w2': jax.random.normal(ks[5], (OUT, OUT + H), dtype=jnp.float32) * s,
        'W_b2': jnp.zeros((OUT,), dtype=jnp.float32),
        'G_w': jax.random.normal(ks[6], (OUT, OUT), dtype=jnp.float32) * s,
        'G_b': jnp.zeros((OUT,), dtype=jnp.float32),
        'g': jnp.ones((1,), dtype=jnp.float32),
        'bn_out_gamma': jnp.ones((OUT,), dtype=jnp.float32),
        'bn_out_beta': jnp.zeros((OUT,), dtype=jnp.float32),
        'bn_gamma': jnp.ones((OUT,), dtype=jnp.float32),
        'bn_beta': jnp.zeros((OUT,), dtype=jnp.float32),
    }
    return inp


def _pin_conv(h, src, dst, Qw, Qb, Ww, Wb):
    # PinSAGE-style conv: transform neighbor feats, mean-aggregate by dst,
    # concat with self, linear + relu, l2-normalize.
    m = jax.nn.relu(h[src] @ Qw.T + Qb)
    agg = jax.ops.segment_sum(m, dst, num_segments=N)
    deg = jax.ops.segment_sum(jnp.ones((src.shape[0],), m.dtype), dst, num_segments=N)
    agg = agg / jnp.clip(deg, 1.0)[:, None]
    z = jax.nn.relu(jnp.concatenate([h, agg], axis=1) @ Ww.T + Wb)
    nrm = jnp.linalg.norm(z, axis=1, keepdims=True)
    return z / jnp.clip(nrm, 1e-12)


def _batchnorm(h, gamma, beta, eps=1e-5):
    mu = h.mean(axis=0)
    var = h.var(axis=0)
    return (h - mu) / jnp.sqrt(var + eps) * gamma + beta


def reference(x, edge_index, Q_w1, Q_b1, W_w1, W_b1, Q_w2, Q_b2, W_w2, W_b2,
              G_w, G_b, g, bn_out_gamma, bn_out_beta, bn_gamma, bn_beta):
    src = edge_index[0]
    dst = edge_index[1]
    h = _pin_conv(x, src, dst, Q_w1, Q_b1, W_w1, W_b1)
    h = _pin_conv(h, src, dst, Q_w2, Q_b2, W_w2, W_b2)
    h = jax.nn.relu(h @ G_w.T + G_b)
    h = _batchnorm(h, bn_out_gamma, bn_out_beta)
    h = g * h  # dropout is identity in eval / dropout=0
    h = _batchnorm(h, bn_gamma, bn_beta)
    return h

if __name__ == "__main__":
    import jax
    _d = setup_inputs()
    print(jax.jit(kernel)(*tuple(_d.values())))

</pallas_src>

<mosaic_0001>
#map = affine_map<(d0, d1) -> (0, 0, 0, 0)>
#map1 = affine_map<(d0, d1) -> (0, 0, 0)>
module attributes {stable_mosaic.version = 14 : i64} {
  func.func @_sc_deg_body(%arg0: i32, %arg1: i32, %arg2: memref<2x16x80x128xi32, #tpu.memory_space<hbm>>, %arg3: memref<2x16x10240xf32, #tpu.memory_space<hbm>>, %arg4: memref<80x128xi32, #tpu.memory_space<vmem>>, %arg5: memref<10240xf32, #tpu.memory_space<vmem>>) attributes {dimension_semantics = [#tpu.dimension_semantics<core_parallel>, #tpu.dimension_semantics<subcore_parallel>], iteration_bounds = array<i64: 2, 16>, scalar_prefetch = 0 : i64, scratch_operands = 2 : i64, tpu.core_type = #tpu.core_type<sc_vector_subcore>, window_params = [{transform_indices = #map}, {transform_indices = #map1}]} {
    "tpu.region"() ({
      %run_scoped3A = tpu.sem_alloc : memref<!tpu.dma_semaphore, #tpu.memory_space<semaphore_mem>>
      %dma_start3A = arith.constant 0 : i32
      %dma_start3A_14 = arith.constant 0 : i32
      %dma_start3A_15 = tpu.memref_slice %arg2[%arg0, %arg1, %dma_start3A, %dma_start3A_14] : memref<2x16x80x128xi32, #tpu.memory_space<hbm>> -> memref<1x1x80x128xi32, #tpu.memory_space<hbm>>
      %dma_start3A_16 = tpu.memref_squeeze %dma_start3A_15 : memref<1x1x80x128xi32, #tpu.memory_space<hbm>> -> memref<80x128xi32, #tpu.memory_space<hbm>>
      %dma_start3A_17 = arith.constant 0 : i32
      %dma_start3A_18 = arith.constant 0 : i32
      %dma_start3A_19 = tpu.memref_slice %arg2[%arg0, %arg1, %dma_start3A_17, %dma_start3A_18] : memref<2x16x80x128xi32, #tpu.memory_space<hbm>> -> memref<1x1x80x128xi32, #tpu.memory_space<hbm>>
      %dma_start3A_20 = tpu.memref_squeeze %dma_start3A_19 : memref<1x1x80x128xi32, #tpu.memory_space<hbm>> -> memref<80x128xi32, #tpu.memory_space<hbm>>
      tpu.enqueue_dma source(%dma_start3A_20 : memref<80x128xi32, #tpu.memory_space<hbm>>) target(%arg4 : memref<80x128xi32, #tpu.memory_space<vmem>>) target_semaphore(%run_scoped3A : memref<!tpu.dma_semaphore, #tpu.memory_space<semaphore_mem>>)
      %dma_wait3A = arith.constant 0 : i32
      %dma_wait3A_21 = arith.constant 0 : i32
      %dma_wait3A_22 = tpu.memref_slice %arg2[%arg0, %arg1, %dma_wait3A, %dma_wait3A_21] : memref<2x16x80x128xi32, #tpu.memory_space<hbm>> -> memref<1x1x80x128xi32, #tpu.memory_space<hbm>>
      %dma_wait3A_23 = tpu.memref_squeeze %dma_wait3A_22 : memref<1x1x80x128xi32, #tpu.memory_space<hbm>> -> memref<80x128xi32, #tpu.memory_space<hbm>>
      %dma_wait3A_24 = arith.constant 0 : i32
      %dma_wait3A_25 = arith.constant 0 : i32
      %dma_wait3A_26 = tpu.memref_slice %arg2[%arg0, %arg1, %dma_wait3A_24, %dma_wait3A_25] : memref<2x16x80x128xi32, #tpu.memory_space<hbm>> -> memref<1x1x80x128xi32, #tpu.memory_space<hbm>>
      %dma_wait3A_27 = tpu.memref_squeeze %dma_wait3A_26 : memref<1x1x80x128xi32, #tpu.memory_space<hbm>> -> memref<80x128xi32, #tpu.memory_space<hbm>>
      tpu.wait_dma2 semaphore(%run_scoped3A : memref<!tpu.dma_semaphore, #tpu.memory_space<semaphore_mem>>) src(%dma_wait3A_27 : memref<80x128xi32, #tpu.memory_space<hbm>>) dst(%arg4 : memref<80x128xi32, #tpu.memory_space<vmem>>)
      tpu.yield
    }) : () -> ()
    %scan3A = arith.constant 0 : i32
    %scan3A_0 = arith.constant 0 : i32
    %scan3A_1 = arith.constant 640 : i32
    %scan3A_2 = arith.addi %scan3A_0, %scan3A_1 : i32
    %scan3A_3 = arith.constant 1 : i32
    %scan3A_4 = scf.for %scan3A_14 = %scan3A_0 to %scan3A_2 step %scan3A_3 iter_args(%scan3A_15 = %scan3A) -> (i32)  : i32 {
      %broadcast_in_dim3A_16 = arith.constant 0.000000e+00 : f32
      %broadcast_in_dim3A_17 = vector.broadcast %broadcast_in_dim3A_16 : f32 to vector<16xf32>
      %mul3A = arith.constant 16 : i32
      %mul3A_18 = arith.muli %scan3A_14, %mul3A : i32
      %swap3A = arith.index_cast %mul3A_18 : i32 to index
      %swap3A_19 = tpu.vector_load %arg5[%swap3A] {strides = array<i32>} : memref<10240xf32, #tpu.memory_space<vmem>>, vector<16xf32>,
      tpu.vector_store %arg5[%swap3A], %broadcast_in_dim3A_17 {strides = array<i32>} : memref<10240xf32, #tpu.memory_space<vmem>>, vector<16xf32>,
      %scan3A_20 = arith.constant 0 : i32
      scf.yield %scan3A_20 : i32
    }
    %scan3A_5 = arith.constant 640 : i32
    %broadcast_in_dim3A = arith.constant 1.000000e+00 : f32
    %broadcast_in_dim3A_6 = vector.broadcast %broadcast_in_dim3A : f32 to vector<16xf32>
    %scan3A_7 = arith.constant 0 : i32
    %scan3A_8 = arith.constant 0 : i32
    %scan3A_9 = arith.constant 80 : i32
    %scan3A_10 = arith.addi %scan3A_8, %scan3A_9 : i32
    %scan3A_11 = arith.constant 1 : i32
    %scan3A_12 = scf.for %scan3A_14 = %scan3A_8 to %scan3A_10 step %scan3A_11 iter_args(%scan3A_15 = %scan3A_7) -> (i32)  : i32 {
      %get3A = arith.index_cast %scan3A_14 : i32 to index
      %get3A_16 = arith.constant 0 : index
      %get3A_17 = tpu.vector_load %arg4[%get3A, %get3A_16] {strides = array<i32>} : memref<80x128xi32, #tpu.memory_space<vmem>>, vector<16xi32>,
      tpu.vector_store_idx %arg5[%get3A_17], %broadcast_in_dim3A_6 {add = true} : memref<10240xf32, #tpu.memory_space<vmem>>[vector<16xi32>], vector<16xf32>,
      %get3A_18 = arith.index_cast %scan3A_14 : i32 to index
      %get3A_19 = arith.constant 16 : index
      %get3A_20 = tpu.vector_load %arg4[%get3A_18, %get3A_19] {strides = array<i32>} : memref<80x128xi32, #tpu.memory_space<vmem>>, vector<16xi32>,
      tpu.vector_store_idx %arg5[%get3A_20], %broadcast_in_dim3A_6 {add = true} : memref<10240xf32, #tpu.memory_space<vmem>>[vector<16xi32>], vector<16xf32>,
      %get3A_21 = arith.index_cast %scan3A_14 : i32 to index
      %get3A_22 = arith.constant 32 : index
      %get3A_23 = tpu.vector_load %arg4[%get3A_21, %get3A_22] {strides = array<i32>} : memref<80x128xi32, #tpu.memory_space<vmem>>, vector<16xi32>,
      tpu.vector_store_idx %arg5[%get3A_23], %broadcast_in_dim3A_6 {add = true} : memref<10240xf32, #tpu.memory_space<vmem>>[vector<16xi32>], vector<16xf32>,
      %get3A_24 = arith.index_cast %scan3A_14 : i32 to index
      %get3A_25 = arith.constant 48 : index
      %get3A_26 = tpu.vector_load %arg4[%get3A_24, %get3A_25] {strides = array<i32>} : memref<80x128xi32, #tpu.memory_space<vmem>>, vector<16xi32>,
      tpu.vector_store_idx %arg5[%get3A_26], %broadcast_in_dim3A_6 {add = true} : memref<10240xf32, #tpu.memory_space<vmem>>[vector<16xi32>], vector<16xf32>,
      %get3A_27 = arith.index_cast %scan3A_14 : i32 to index
      %get3A_28 = arith.constant 64 : index
      %get3A_29 = tpu.vector_load %arg4[%get3A_27, %get3A_28] {strides = array<i32>} : memref<80x128xi32, #tpu.memory_space<vmem>>, vector<16xi32>,
      tpu.vector_store_idx %arg5[%get3A_29], %broadcast_in_dim3A_6 {add = true} : memref<10240xf32, #tpu.memory_space<vmem>>[vector<16xi32>], vector<16xf32>,
      %get3A_30 = arith.index_cast %scan3A_14 : i32 to index
      %get3A_31 = arith.constant 80 : index
      %get3A_32 = tpu.vector_load %arg4[%get3A_30, %get3A_31] {strides = array<i32>} : memref<80x128xi32, #tpu.memory_space<vmem>>, vector<16xi32>,
      tpu.vector_store_idx %arg5[%get3A_32], %broadcast_in_dim3A_6 {add = true} : memref<10240xf32, #tpu.memory_space<vmem>>[vector<16xi32>], vector<16xf32>,
      %get3A_33 = arith.index_cast %scan3A_14 : i32 to index
      %get3A_34 = arith.constant 96 : index
      %get3A_35 = tpu.vector_load %arg4[%get3A_33, %get3A_34] {strides = array<i32>} : memref<80x128xi32, #tpu.memory_space<vmem>>, vector<16xi32>,
      tpu.vector_store_idx %arg5[%get3A_35], %broadcast_in_dim3A_6 {add = true} : memref<10240xf32, #tpu.memory_space<vmem>>[vector<16xi32>], vector<16xf32>,
      %get3A_36 = arith.index_cast %scan3A_14 : i32 to index
      %get3A_37 = arith.constant 112 : index
      %get3A_38 = tpu.vector_load %arg4[%get3A_36, %get3A_37] {strides = array<i32>} : memref<80x128xi32, #tpu.memory_space<vmem>>, vector<16xi32>,
      tpu.vector_store_idx %arg5[%get3A_38], %broadcast_in_dim3A_6 {add = true} : memref<10240xf32, #tpu.memory_space<vmem>>[vector<16xi32>], vector<16xf32>,
      %scan3A_39 = arith.constant 0 : i32
      scf.yield %scan3A_39 : i32
    }
    %scan3A_13 = arith.constant 80 : i32
    "tpu.region"() ({
      %run_scoped3A = tpu.sem_alloc : memref<!tpu.dma_semaphore, #tpu.memory_space<semaphore_mem>>
      %dma_start3A = arith.constant 0 : i32
      %dma_start3A_14 = tpu.memref_slice %arg3[%arg0, %arg1, %dma_start3A] : memref<2x16x10240xf32, #tpu.memory_space<hbm>> -> memref<1x1x10240xf32, #tpu.memory_space<hbm>>
      %dma_start3A_15 = tpu.memref_squeeze %dma_start3A_14 : memref<1x1x10240xf32, #tpu.memory_space<hbm>> -> memref<10240xf32, #tpu.memory_space<hbm>>
      %dma_start3A_16 = arith.constant 0 : i32
      %dma_start3A_17 = tpu.memref_slice %arg3[%arg0, %arg1, %dma_start3A_16] : memref<2x16x10240xf32, #tpu.memory_space<hbm>> -> memref<1x1x10240xf32, #tpu.memory_space<hbm>>
      %dma_start3A_18 = tpu.memref_squeeze %dma_start3A_17 : memref<1x1x10240xf32, #tpu.memory_space<hbm>> -> memref<10240xf32, #tpu.memory_space<hbm>>
      tpu.enqueue_dma source(%arg5 : memref<10240xf32, #tpu.memory_space<vmem>>) target(%dma_start3A_18 : memref<10240xf32, #tpu.memory_space<hbm>>) target_semaphore(%run_scoped3A : memref<!tpu.dma_semaphore, #tpu.memory_space<semaphore_mem>>)
      %dma_wait3A = arith.constant 0 : i32
      %dma_wait3A_19 = tpu.memref_slice %arg3[%arg0, %arg1, %dma_wait3A] : memref<2x16x10240xf32, #tpu.memory_space<hbm>> -> memref<1x1x10240xf32, #tpu.memory_space<hbm>>
      %dma_wait3A_20 = tpu.memref_squeeze %dma_wait3A_19 : memref<1x1x10240xf32, #tpu.memory_space<hbm>> -> memref<10240xf32, #tpu.memory_space<hbm>>
      %dma_wait3A_21 = arith.constant 0 : i32
      %dma_wait3A_22 = tpu.memref_slice %arg3[%arg0, %arg1, %dma_wait3A_21] : memref<2x16x10240xf32, #tpu.memory_space<hbm>> -> memref<1x1x10240xf32, #tpu.memory_space<hbm>>
      %dma_wait3A_23 = tpu.memref_squeeze %dma_wait3A_22 : memref<1x1x10240xf32, #tpu.memory_space<hbm>> -> memref<10240xf32, #tpu.memory_space<hbm>>
      tpu.wait_dma2 semaphore(%run_scoped3A : memref<!tpu.dma_semaphore, #tpu.memory_space<semaphore_mem>>) src(%arg5 : memref<10240xf32, #tpu.memory_space<vmem>>) dst(%dma_wait3A_23 : memref<10240xf32, #tpu.memory_space<hbm>>)
      tpu.yield
    }) : () -> ()
    return
  }
}

#map = affine_map<(d0, d1) -> (0, 0)>
#map1 = affine_map<(d0, d1) -> (0, 0, 0, 0)>
#map2 = affine_map<(d0, d1) -> (0, 0, 0)>
module attributes {stable_mosaic.version = 14 : i64} {
  func.func @_sc_agg_body(%arg0: i32, %arg1: i32, %arg2: memref<20480x128xf32, #tpu.memory_space<hbm>>, %arg3: memref<2x16x320x64xi32, #tpu.memory_space<hbm>>, %arg4: memref<16x320x64xi32, #tpu.memory_space<hbm>>, %arg5: memref<2x10240x128xf32, #tpu.memory_space<hbm>>, %arg6: memref<32x64xi32, #tpu.memory_space<vmem>>, %arg7: memref<32x64xi32, #tpu.memory_space<vmem>>, %arg8: memref<4x64x128xf32, #tpu.memory_space<vmem>>, %arg9: memref<10240x128xf32, #tpu.memory_space<vmem_shared>>, %arg10: memref<!tpu.dma_semaphore, #tpu.memory_space<semaphore_mem>>) attributes {dimension_semantics = [#tpu.dimension_semantics<core_parallel>, #tpu.dimension_semantics<subcore_parallel>], iteration_bounds = array<i64: 2, 16>, scalar_prefetch = 0 : i64, scratch_operands = 5 : i64, tpu.core_type = #tpu.core_type<sc_vector_subcore>, window_params = [{transform_indices = #map}, {transform_indices = #map1}, {transform_indices = #map2}, {transform_indices = #map2}]} {
    %mul3A = arith.constant 640 : i32
    %mul3A_0 = arith.muli %arg1, %mul3A : i32
    %scan3A = arith.constant 0 : i32
    %scan3A_1 = arith.constant 0 : i32
    %scan3A_2 = arith.constant 0 : i32
    %scan3A_3 = arith.constant 64 : i32
    %scan3A_4 = arith.addi %scan3A_2, %scan3A_3 : i32
    %scan3A_5 = arith.constant 1 : i32
    %scan3A_6 = scf.for %scan3A_62 = %scan3A_2 to %scan3A_4 step %scan3A_5 iter_args(%scan3A_63 = %scan3A_1) -> (i32)  : i32 {
      %broadcast_in_dim3A = arith.constant 0.000000e+00 : f32
      %broadcast_in_dim3A_64 = vector.broadcast %broadcast_in_dim3A : f32 to vector<16xf32>
      %swap3A = arith.constant 0 : i32
      %swap3A_65 = arith.constant 0 : i32
      %swap3A_66 = tpu.memref_slice %arg8[%scan3A, %swap3A, %swap3A_65] : memref<4x64x128xf32, #tpu.memory_space<vmem>> -> memref<1x64x128xf32, #tpu.memory_space<vmem>>
      %swap3A_67 = tpu.memref_squeeze %swap3A_66 : memref<1x64x128xf32, #tpu.memory_space<vmem>> -> memref<64x128xf32, #tpu.memory_space<vmem>>
      %swap3A_68 = arith.index_cast %scan3A_62 : i32 to index
      %swap3A_69 = arith.constant 0 : index
      %swap3A_70 = tpu.vector_load %swap3A_67[%swap3A_68, %swap3A_69] {strides = array<i32>} : memref<64x128xf32, #tpu.memory_space<vmem>>, vector<1x16xf32>,
      %swap3A_71 = vector.shape_cast %swap3A_70 : vector<1x16xf32> to vector<16xf32>
      %swap3A_72 = vector.shape_cast %broadcast_in_dim3A_64 : vector<16xf32> to vector<1x16xf32>
      tpu.vector_store %swap3A_67[%swap3A_68, %swap3A_69], %swap3A_72 {strides = array<i32>} : memref<64x128xf32, #tpu.memory_space<vmem>>, vector<1x16xf32>,
      %broadcast_in_dim3A_73 = arith.constant 0.000000e+00 : f32
      %broadcast_in_dim3A_74 = vector.broadcast %broadcast_in_dim3A_73 : f32 to vector<16xf32>
      %swap3A_75 = arith.constant 0 : i32
      %swap3A_76 = arith.constant 0 : i32
      %swap3A_77 = tpu.memref_slice %arg8[%scan3A, %swap3A_75, %swap3A_76] : memref<4x64x128xf32, #tpu.memory_space<vmem>> -> memref<1x64x128xf32, #tpu.memory_space<vmem>>
      %swap3A_78 = tpu.memref_squeeze %swap3A_77 : memref<1x64x128xf32, #tpu.memory_space<vmem>> -> memref<64x128xf32, #tpu.memory_space<vmem>>
      %swap3A_79 = arith.index_cast %scan3A_62 : i32 to index
      %swap3A_80 = arith.constant 16 : index
      %swap3A_81 = tpu.vector_load %swap3A_78[%swap3A_79, %swap3A_80] {strides = array<i32>} : memref<64x128xf32, #tpu.memory_space<vmem>>, vector<1x16xf32>,
      %swap3A_82 = vector.shape_cast %swap3A_81 : vector<1x16xf32> to vector<16xf32>
      %swap3A_83 = vector.shape_cast %broadcast_in_dim3A_74 : vector<16xf32> to vector<1x16xf32>
      tpu.vector_store %swap3A_78[%swap3A_79, %swap3A_80], %swap3A_83 {strides = array<i32>} : memref<64x128xf32, #tpu.memory_space<vmem>>, vector<1x16xf32>,
      %broadcast_in_dim3A_84 = arith.constant 0.000000e+00 : f32
      %broadcast_in_dim3A_85 = vector.broadcast %broadcast_in_dim3A_84 : f32 to vector<16xf32>
      %swap3A_86 = arith.constant 0 : i32
      %swap3A_87 = arith.constant 0 : i32
      %swap3A_88 = tpu.memref_slice %arg8[%scan3A, %swap3A_86, %swap3A_87] : memref<4x64x128xf32, #tpu.memory_space<vmem>> -> memref<1x64x128xf32, #tpu.memory_space<vmem>>
      %swap3A_89 = tpu.memref_squeeze %swap3A_88 : memref<1x64x128xf32, #tpu.memory_space<vmem>> -> memref<64x128xf32, #tpu.memory_space<vmem>>
      %swap3A_90 = arith.index_cast %scan3A_62 : i32 to index
      %swap3A_91 = arith.constant 32 : index
      %swap3A_92 = tpu.vector_load %swap3A_89[%swap3A_90, %swap3A_91] {strides = array<i32>} : memref<64x128xf32, #tpu.memory_space<vmem>>, vector<1x16xf32>,
      %swap3A_93 = vector.shape_cast %swap3A_92 : vector<1x16xf32> to vector<16xf32>
      %swap3A_94 = vector.shape_cast %broadcast_in_dim3A_85 : vector<16xf32> to vector<1x16xf32>
      tpu.vector_store %swap3A_89[%swap3A_90, %swap3A_91], %swap3A_94 {strides = array<i32>} : memref<64x128xf32, #tpu.memory_space<vmem>>, vector<1x16xf32>,
      %broadcast_in_dim3A_95 = arith.constant 0.000000e+00 : f32
      %broadcast_in_dim3A_96 = vector.broadcast %broadcast_in_dim3A_95 : f32 to vector<16xf32>
      %swap3A_97 = arith.constant 0 : i32
      %swap3A_98 = arith.constant 0 : i32
      %swap3A_99 = tpu.memref_slice %arg8[%scan3A, %swap3A_97, %swap3A_98] : memref<4x64x128xf32, #tpu.memory_space<vmem>> -> memref<1x64x128xf32, #tpu.memory_space<vmem>>
      %swap3A_100 = tpu.memref_squeeze %swap3A_99 : memref<1x64x128xf32, #tpu.memory_space<vmem>> -> memref<64x128xf32, #tpu.memory_space<vmem>>
      %swap3A_101 = arith.index_cast %scan3A_62 : i32 to index
      %swap3A_102 = arith.constant 48 : index
      %swap3A_103 = tpu.vector_load %swap3A_100[%swap3A_101, %swap3A_102] {strides = array<i32>} : memref<64x128xf32, #tpu.memory_space<vmem>>, vector<1x16xf32>,
      %swap3A_104 = vector.shape_cast %swap3A_103 : vector<1x16xf32> to vector<16xf32>
      %swap3A_105 = vector.shape_cast %broadcast_in_dim3A_96 : vector<16xf32> to vector<1x16xf32>
      tpu.vector_store %swap3A_100[%swap3A_101, %swap3A_102], %swap3A_105 {strides = array<i32>} : memref<64x128xf32, #tpu.memory_space<vmem>>, vector<1x16xf32>,
      %broadcast_in_dim3A_106 = arith.constant 0.000000e+00 : f32
      %broadcast_in_dim3A_107 = vector.broadcast %broadcast_in_dim3A_106 : f32 to vector<16xf32>
      %swap3A_108 = arith.constant 0 : i32
      %swap3A_109 = arith.constant 0 : i32
      %swap3A_110 = tpu.memref_slice %arg8[%scan3A, %swap3A_108, %swap3A_109] : memref<4x64x128xf32, #tpu.memory_space<vmem>> -> memref<1x64x128xf32, #tpu.memory_space<vmem>>
      %swap3A_111 = tpu.memref_squeeze %swap3A_110 : memref<1x64x128xf32, #tpu.memory_space<vmem>> -> memref<64x128xf32, #tpu.memory_space<vmem>>
      %swap3A_112 = arith.index_cast %scan3A_62 : i32 to index
      %swap3A_113 = arith.constant 64 : index
      %swap3A_114 = tpu.vector_load %swap3A_111[%swap3A_112, %swap3A_113] {strides = array<i32>} : memref<64x128xf32, #tpu.memory_space<vmem>>, vector<1x16xf32>,
      %swap3A_115 = vector.shape_cast %swap3A_114 : vector<1x16xf32> to vector<16xf32>
      %swap3A_116 = vector.shape_cast %broadcast_in_dim3A_107 : vector<16xf32> to vector<1x16xf32>
      tpu.vector_store %swap3A_111[%swap3A_112, %swap3A_113], %swap3A_116 {strides = array<i32>} : memref<64x128xf32, #tpu.memory_space<vmem>>, vector<1x16xf32>,
      %broadcast_in_dim3A_117 = arith.constant 0.000000e+00 : f32
      %broadcast_in_dim3A_118 = vector.broadcast %broadcast_in_dim3A_117 : f32 to vector<16xf32>
      %swap3A_119 = arith.constant 0 : i32
      %swap3A_120 = arith.constant 0 : i32
      %swap3A_121 = tpu.memref_slice %arg8[%scan3A, %swap3A_119, %swap3A_120] : memref<4x64x128xf32, #tpu.memory_space<vmem>> -> memref<1x64x128xf32, #tpu.memory_space<vmem>>
      %swap3A_122 = tpu.memref_squeeze %swap3A_121 : memref<1x64x128xf32, #tpu.memory_space<vmem>> -> memref<64x128xf32, #tpu.memory_space<vmem>>
      %swap3A_123 = arith.index_cast %scan3A_62 : i32 to index
      %swap3A_124 = arith.constant 80 : index
      %swap3A_125 = tpu.vector_load %swap3A_122[%swap3A_123, %swap3A_124] {strides = array<i32>} : memref<64x128xf32, #tpu.memory_space<vmem>>, vector<1x16xf32>,
      %swap3A_126 = vector.shape_cast %swap3A_125 : vector<1x16xf32> to vector<16xf32>
      %swap3A_127 = vector.shape_cast %broadcast_in_dim3A_118 : vector<16xf32> to vector<1x16xf32>
      tpu.vector_store %swap3A_122[%swap3A_123, %swap3A_124], %swap3A_127 {strides = array<i32>} : memref<64x128xf32, #tpu.memory_space<vmem>>, vector<1x16xf32>,
      %broadcast_in_dim3A_128 = arith.constant 0.000000e+00 : f32
      %broadcast_in_dim3A_129 = vector.broadcast %broadcast_in_dim3A_128 : f32 to vector<16xf32>
      %swap3A_130 = arith.constant 0 : i32
      %swap3A_131 = arith.constant 0 : i32
      %swap3A_132 = tpu.memref_slice %arg8[%scan3A, %swap3A_130, %swap3A_131] : memref<4x64x128xf32, #tpu.memory_space<vmem>> -> memref<1x64x128xf32, #tpu.memory_space<vmem>>
      %swap3A_133 = tpu.memref_squeeze %swap3A_132 : memref<1x64x128xf32, #tpu.memory_space<vmem>> -> memref<64x128xf32, #tpu.memory_space<vmem>>
      %swap3A_134 = arith.index_cast %scan3A_62 : i32 to index
      %swap3A_135 = arith.constant 96 : index
      %swap3A_136 = tpu.vector_load %swap3A_133[%swap3A_134, %swap3A_135] {strides = array<i32>} : memref<64x128xf32, #tpu.memory_space<vmem>>, vector<1x16xf32>,
      %swap3A_137 = vector.shape_cast %swap3A_136 : vector<1x16xf32> to vector<16xf32>
      %swap3A_138 = vector.shape_cast %broadcast_in_dim3A_129 : vector<16xf32> to vector<1x16xf32>
      tpu.vector_store %swap3A_133[%swap3A_134, %swap3A_135], %swap3A_138 {strides = array<i32>} : memref<64x128xf32, #tpu.memory_space<vmem>>, vector<1x16xf32>,
      %broadcast_in_dim3A_139 = arith.constant 0.000000e+00 : f32
      %broadcast_in_dim3A_140 = vector.broadcast %broadcast_in_dim3A_139 : f32 to vector<16xf32>
      %swap3A_141 = arith.constant 0 : i32
      %swap3A_142 = arith.constant 0 : i32
      %swap3A_143 = tpu.memref_slice %arg8[%scan3A, %swap3A_141, %swap3A_142] : memref<4x64x128xf32, #tpu.memory_space<vmem>> -> memref<1x64x128xf32, #tpu.memory_space<vmem>>
      %swap3A_144 = tpu.memref_squeeze %swap3A_143 : memref<1x64x128xf32, #tpu.memory_space<vmem>> -> memref<64x128xf32, #tpu.memory_space<vmem>>
      %swap3A_145 = arith.index_cast %scan3A_62 : i32 to index
      %swap3A_146 = arith.constant 112 : index
      %swap3A_147 = tpu.vector_load %swap3A_144[%swap3A_145, %swap3A_146] {strides = array<i32>} : memref<64x128xf32, #tpu.memory_space<vmem>>, vector<1x16xf32>,
      %swap3A_148 = vector.shape_cast %swap3A_147 : vector<1x16xf32> to vector<16xf32>
      %swap3A_149 = vector.shape_cast %broadcast_in_dim3A_140 : vector<16xf32> to vector<1x16xf32>
      tpu.vector_store %swap3A_144[%swap3A_145, %swap3A_146], %swap3A_149 {strides = array<i32>} : memref<64x128xf32, #tpu.memory_space<vmem>>, vector<1x16xf32>,
      %scan3A_150 = arith.constant 0 : i32
      scf.yield %scan3A_150 : i32
    }
    %scan3A_7 = arith.constant 64 : i32
    %scan3A_8 = arith.constant 1 : i32
    %scan3A_9 = arith.constant 0 : i32
    %scan3A_10 = arith.constant 0 : i32
    %scan3A_11 = arith.constant 64 : i32
    %scan3A_12 = arith.addi %scan3A_10, %scan3A_11 : i32
    %scan3A_13 = arith.constant 1 : i32
    %scan3A_14 = scf.for %scan3A_62 = %scan3A_10 to %scan3A_12 step %scan3A_13 iter_args(%scan3A_63 = %scan3A_9) -> (i32)  : i32 {
      %broadcast_in_dim3A = arith.constant 0.000000e+00 : f32
      %broadcast_in_dim3A_64 = vector.broadcast %broadcast_in_dim3A : f32 to vector<16xf32>
      %swap3A = arith.constant 0 : i32
      %swap3A_65 = arith.constant 0 : i32
      %swap3A_66 = tpu.memref_slice %arg8[%scan3A_8, %swap3A, %swap3A_65] : memref<4x64x128xf32, #tpu.memory_space<vmem>> -> memref<1x64x128xf32, #tpu.memory_space<vmem>>
      %swap3A_67 = tpu.memref_squeeze %swap3A_66 : memref<1x64x128xf32, #tpu.memory_space<vmem>> -> memref<64x128xf32, #tpu.memory_space<vmem>>
      %swap3A_68 = arith.index_cast %scan3A_62 : i32 to index
      %swap3A_69 = arith.constant 0 : index
      %swap3A_70 = tpu.vector_load %swap3A_67[%swap3A_68, %swap3A_69] {strides = array<i32>} : memref<64x128xf32, #tpu.memory_space<vmem>>, vector<1x16xf32>,
      %swap3A_71 = vector.shape_cast %swap3A_70 : vector<1x16xf32> to vector<16xf32>
      %swap3A_72 = vector.shape_cast %broadcast_in_dim3A_64 : vector<16xf32> to vector<1x16xf32>
      tpu.vector_store %swap3A_67[%swap3A_68, %swap3A_69], %swap3A_72 {strides = array<i32>} : memref<64x128xf32, #tpu.memory_space<vmem>>, vector<1x16xf32>,
      %broadcast_in_dim3A_73 = arith.constant 0.000000e+00 : f32
      %broadcast_in_dim3A_74 = vector.broadcast %broadcast_in_dim3A_73 : f32 to vector<16xf32>
      %swap3A_75 = arith.constant 0 : i32
      %swap3A_76 = arith.constant 0 : i32
      %swap3A_77 = tpu.memref_slice %arg8[%scan3A_8, %swap3A_75, %swap3A_76] : memref<4x64x128xf32, #tpu.memory_space<vmem>> -> memref<1x64x128xf32, #tpu.memory_space<vmem>>
      %swap3A_78 = tpu.memref_squeeze %swap3A_77 : memref<1x64x128xf32, #tpu.memory_space<vmem>> -> memref<64x128xf32, #tpu.memory_space<vmem>>
      %swap3A_79 = arith.index_cast %scan3A_62 : i32 to index
      %swap3A_80 = arith.constant 16 : index
      %swap3A_81 = tpu.vector_load %swap3A_78[%swap3A_79, %swap3A_80] {strides = array<i32>} : memref<64x128xf32, #tpu.memory_space<vmem>>, vector<1x16xf32>,
      %swap3A_82 = vector.shape_cast %swap3A_81 : vector<1x16xf32> to vector<16xf32>
      %swap3A_83 = vector.shape_cast %broadcast_in_dim3A_74 : vector<16xf32> to vector<1x16xf32>
      tpu.vector_store %swap3A_78[%swap3A_79, %swap3A_80], %swap3A_83 {strides = array<i32>} : memref<64x128xf32, #tpu.memory_space<vmem>>, vector<1x16xf32>,
      %broadcast_in_dim3A_84 = arith.constant 0.000000e+00 : f32
      %broadcast_in_dim3A_85 = vector.broadcast %broadcast_in_dim3A_84 : f32 to vector<16xf32>
      %swap3A_86 = arith.constant 0 : i32
      %swap3A_87 = arith.constant 0 : i32
      %swap3A_88 = tpu.memref_slice %arg8[%scan3A_8, %swap3A_86, %swap3A_87] : memref<4x64x128xf32, #tpu.memory_space<vmem>> -> memref<1x64x128xf32, #tpu.memory_space<vmem>>
      %swap3A_89 = tpu.memref_squeeze %swap3A_88 : memref<1x64x128xf32, #tpu.memory_space<vmem>> -> memref<64x128xf32, #tpu.memory_space<vmem>>
      %swap3A_90 = arith.index_cast %scan3A_62 : i32 to index
      %swap3A_91 = arith.constant 32 : index
      %swap3A_92 = tpu.vector_load %swap3A_89[%swap3A_90, %swap3A_91] {strides = array<i32>} : memref<64x128xf32, #tpu.memory_space<vmem>>, vector<1x16xf32>,
      %swap3A_93 = vector.shape_cast %swap3A_92 : vector<1x16xf32> to vector<16xf32>
      %swap3A_94 = vector.shape_cast %broadcast_in_dim3A_85 : vector<16xf32> to vector<1x16xf32>
      tpu.vector_store %swap3A_89[%swap3A_90, %swap3A_91], %swap3A_94 {strides = array<i32>} : memref<64x128xf32, #tpu.memory_space<vmem>>, vector<1x16xf32>,
      %broadcast_in_dim3A_95 = arith.constant 0.000000e+00 : f32
      %broadcast_in_dim3A_96 = vector.broadcast %broadcast_in_dim3A_95 : f32 to vector<16xf32>
      %swap3A_97 = arith.constant 0 : i32
      %swap3A_98 = arith.constant 0 : i32
      %swap3A_99 = tpu.memref_slice %arg8[%scan3A_8, %swap3A_97, %swap3A_98] : memref<4x64x128xf32, #tpu.memory_space<vmem>> -> memref<1x64x128xf32, #tpu.memory_space<vmem>>
      %swap3A_100 = tpu.memref_squeeze %swap3A_99 : memref<1x64x128xf32, #tpu.memory_space<vmem>> -> memref<64x128xf32, #tpu.memory_space<vmem>>
      %swap3A_101 = arith.index_cast %scan3A_62 : i32 to index
      %swap3A_102 = arith.constant 48 : index
      %swap3A_103 = tpu.vector_load %swap3A_100[%swap3A_101, %swap3A_102] {strides = array<i32>} : memref<64x128xf32, #tpu.memory_space<vmem>>, vector<1x16xf32>,
      %swap3A_104 = vector.shape_cast %swap3A_103 : vector<1x16xf32> to vector<16xf32>
      %swap3A_105 = vector.shape_cast %broadcast_in_dim3A_96 : vector<16xf32> to vector<1x16xf32>
      tpu.vector_store %swap3A_100[%swap3A_101, %swap3A_102], %swap3A_105 {strides = array<i32>} : memref<64x128xf32, #tpu.memory_space<vmem>>, vector<1x16xf32>,
      %broadcast_in_dim3A_106 = arith.constant 0.000000e+00 : f32
      %broadcast_in_dim3A_107 = vector.broadcast %broadcast_in_dim3A_106 : f32 to vector<16xf32>
      %swap3A_108 = arith.constant 0 : i32
      %swap3A_109 = arith.constant 0 : i32
      %swap3A_110 = tpu.memref_slice %arg8[%scan3A_8, %swap3A_108, %swap3A_109] : memref<4x64x128xf32, #tpu.memory_space<vmem>> -> memref<1x64x128xf32, #tpu.memory_space<vmem>>
      %swap3A_111 = tpu.memref_squeeze %swap3A_110 : memref<1x64x128xf32, #tpu.memory_space<vmem>> -> memref<64x128xf32, #tpu.memory_space<vmem>>
      %swap3A_112 = arith.index_cast %scan3A_62 : i32 to index
      %swap3A_113 = arith.constant 64 : index
      %swap3A_114 = tpu.vector_load %swap3A_111[%swap3A_112, %swap3A_113] {strides = array<i32>} : memref<64x128xf32, #tpu.memory_space<vmem>>, vector<1x16xf32>,
      %swap3A_115 = vector.shape_cast %swap3A_114 : vector<1x16xf32> to vector<16xf32>
      %swap3A_116 = vector.shape_cast %broadcast_in_dim3A_107 : vector<16xf32> to vector<1x16xf32>
      tpu.vector_store %swap3A_111[%swap3A_112, %swap3A_113], %swap3A_116 {strides = array<i32>} : memref<64x128xf32, #tpu.memory_space<vmem>>, vector<1x16xf32>,
      %broadcast_in_dim3A_117 = arith.constant 0.000000e+00 : f32
      %broadcast_in_dim3A_118 = vector.broadcast %broadcast_in_dim3A_117 : f32 to vector<16xf32>
      %swap3A_119 = arith.constant 0 : i32
      %swap3A_120 = arith.constant 0 : i32
      %swap3A_121 = tpu.memref_slice %arg8[%scan3A_8, %swap3A_119, %swap3A_120] : memref<4x64x128xf32, #tpu.memory_space<vmem>> -> memref<1x64x128xf32, #tpu.memory_space<vmem>>
      %swap3A_122 = tpu.memref_squeeze %swap3A_121 : memref<1x64x128xf32, #tpu.memory_space<vmem>> -> memref<64x128xf32, #tpu.memory_space<vmem>>
      %swap3A_123 = arith.index_cast %scan3A_62 : i32 to index
      %swap3A_124 = arith.constant 80 : index
      %swap3A_125 = tpu.vector_load %swap3A_122[%swap3A_123, %swap3A_124] {strides = array<i32>} : memref<64x128xf32, #tpu.memory_space<vmem>>, vector<1x16xf32>,
      %swap3A_126 = vector.shape_cast %swap3A_125 : vector<1x16xf32> to vector<16xf32>
      %swap3A_127 = vector.shape_cast %broadcast_in_dim3A_118 : vector<16xf32> to vector<1x16xf32>
      tpu.vector_store %swap3A_122[%swap3A_123, %swap3A_124], %swap3A_127 {strides = array<i32>} : memref<64x128xf32, #tpu.memory_space<vmem>>, vector<1x16xf32>,
      %broadcast_in_dim3A_128 = arith.constant 0.000000e+00 : f32
      %broadcast_in_dim3A_129 = vector.broadcast %broadcast_in_dim3A_128 : f32 to vector<16xf32>
      %swap3A_130 = arith.constant 0 : i32
      %swap3A_131 = arith.constant 0 : i32
      %swap3A_132 = tpu.memref_slice %arg8[%scan3A_8, %swap3A_130, %swap3A_131] : memref<4x64x128xf32, #tpu.memory_space<vmem>> -> memref<1x64x128xf32, #tpu.memory_space<vmem>>
      %swap3A_133 = tpu.memref_squeeze %swap3A_132 : memref<1x64x128xf32, #tpu.memory_space<vmem>> -> memref<64x128xf32, #tpu.memory_space<vmem>>
      %swap3A_134 = arith.index_cast %scan3A_62 : i32 to index
      %swap3A_135 = arith.constant 96 : index
      %swap3A_136 = tpu.vector_load %swap3A_133[%swap3A_134, %swap3A_135] {strides = array<i32>} : memref<64x128xf32, #tpu.memory_space<vmem>>, vector<1x16xf32>,
      %swap3A_137 = vector.shape_cast %swap3A_136 : vector<1x16xf32> to vector<16xf32>
      %swap3A_138 = vector.shape_cast %broadcast_in_dim3A_129 : vector<16xf32> to vector<1x16xf32>
      tpu.vector_store %swap3A_133[%swap3A_134, %swap3A_135], %swap3A_138 {strides = array<i32>} : memref<64x128xf32, #tpu.memory_space<vmem>>, vector<1x16xf32>,
      %broadcast_in_dim3A_139 = arith.constant 0.000000e+00 : f32
      %broadcast_in_dim3A_140 = vector.broadcast %broadcast_in_dim3A_139 : f32 to vector<16xf32>
      %swap3A_141 = arith.constant 0 : i32
      %swap3A_142 = arith.constant 0 : i32
      %swap3A_143 = tpu.memref_slice %arg8[%scan3A_8, %swap3A_141, %swap3A_142] : memref<4x64x128xf32, #tpu.memory_space<vmem>> -> memref<1x64x128xf32, #tpu.memory_space<vmem>>
      %swap3A_144 = tpu.memref_squeeze %swap3A_143 : memref<1x64x128xf32, #tpu.memory_space<vmem>> -> memref<64x128xf32, #tpu.memory_space<vmem>>
      %swap3A_145 = arith.index_cast %scan3A_62 : i32 to index
      %swap3A_146 = arith.constant 112 : index
      %swap3A_147 = tpu.vector_load %swap3A_144[%swap3A_145, %swap3A_146] {strides = array<i32>} : memref<64x128xf32, #tpu.memory_space<vmem>>, vector<1x16xf32>,
      %swap3A_148 = vector.shape_cast %swap3A_147 : vector<1x16xf32> to vector<16xf32>
      %swap3A_149 = vector.shape_cast %broadcast_in_dim3A_140 : vector<16xf32> to vector<1x16xf32>
      tpu.vector_store %swap3A_144[%swap3A_145, %swap3A_146], %swap3A_149 {strides = array<i32>} : memref<64x128xf32, #tpu.memory_space<vmem>>, vector<1x16xf32>,
      %scan3A_150 = arith.constant 0 : i32
      scf.yield %scan3A_150 : i32
    }
    %scan3A_15 = arith.constant 64 : i32
    %add3A = arith.constant 0 : i32
    %add3A_16 = arith.addi %mul3A_0, %add3A : i32
    %run_scoped3A = arith.constant 0 : i32
    "tpu.region"() ({
      %run_scoped3A_62 = tpu.sem_alloc : memref<!tpu.dma_semaphore, #tpu.memory_space<semaphore_mem>>
      %dma_start3A = arith.constant 0 : i32
      %dma_start3A_63 = arith.constant 0 : i32
      %dma_start3A_64 = tpu.memref_slice %arg8[%run_scoped3A, %dma_start3A, %dma_start3A_63] : memref<4x64x128xf32, #tpu.memory_space<vmem>> -> memref<1x64x128xf32, #tpu.memory_space<vmem>>
      %dma_start3A_65 = tpu.memref_squeeze %dma_start3A_64 : memref<1x64x128xf32, #tpu.memory_space<vmem>> -> memref<64x128xf32, #tpu.memory_space<vmem>>
      %dma_start3A_66 = arith.constant 0 : i32
      %dma_start3A_67 = tpu.memref_slice %arg9[%add3A_16, %dma_start3A_66] : memref<10240x128xf32, #tpu.memory_space<vmem_shared>> -> memref<64x128xf32, #tpu.memory_space<vmem_shared>>
      %dma_start3A_68 = arith.constant 0 : i32
      %dma_start3A_69 = tpu.memref_slice %arg9[%add3A_16, %dma_start3A_68] : memref<10240x128xf32, #tpu.memory_space<vmem_shared>> -> memref<64x128xf32, #tpu.memory_space<vmem_shared>>
      %dma_start3A_70 = arith.constant 0 : i32
      %dma_start3A_71 = arith.constant 0 : i32
      %dma_start3A_72 = tpu.memref_slice %arg8[%run_scoped3A, %dma_start3A_70, %dma_start3A_71] : memref<4x64x128xf32, #tpu.memory_space<vmem>> -> memref<1x64x128xf32, #tpu.memory_space<vmem>>
      %dma_start3A_73 = tpu.memref_squeeze %dma_start3A_72 : memref<1x64x128xf32, #tpu.memory_space<vmem>> -> memref<64x128xf32, #tpu.memory_space<vmem>>
      tpu.enqueue_dma source(%dma_start3A_73 : memref<64x128xf32, #tpu.memory_space<vmem>>) target(%dma_start3A_69 : memref<64x128xf32, #tpu.memory_space<vmem_shared>>) target_semaphore(%run_scoped3A_62 : memref<!tpu.dma_semaphore, #tpu.memory_space<semaphore_mem>>)
      %dma_wait3A = arith.constant 0 : i32
      %dma_wait3A_74 = arith.constant 0 : i32
      %dma_wait3A_75 = tpu.memref_slice %arg8[%run_scoped3A, %dma_wait3A, %dma_wait3A_74] : memref<4x64x128xf32, #tpu.memory_space<vmem>> -> memref<1x64x128xf32, #tpu.memory_space<vmem>>
      %dma_wait3A_76 = tpu.memref_squeeze %dma_wait3A_75 : memref<1x64x128xf32, #tpu.memory_space<vmem>> -> memref<64x128xf32, #tpu.memory_space<vmem>>
      %dma_wait3A_77 = arith.constant 0 : i32
      %dma_wait3A_78 = tpu.memref_slice %arg9[%add3A_16, %dma_wait3A_77] : memref<10240x128xf32, #tpu.memory_space<vmem_shared>> -> memref<64x128xf32, #tpu.memory_space<vmem_shared>>
      %dma_wait3A_79 = arith.constant 0 : i32
      %dma_wait3A_80 = tpu.memref_slice %arg9[%add3A_16, %dma_wait3A_79] : memref<10240x128xf32, #tpu.memory_space<vmem_shared>> -> memref<64x128xf32, #tpu.memory_space<vmem_shared>>
      %dma_wait3A_81 = arith.constant 0 : i32
      %dma_wait3A_82 = arith.constant 0 : i32
      %dma_wait3A_83 = tpu.memref_slice %arg8[%run_scoped3A, %dma_wait3A_81, %dma_wait3A_82] : memref<4x64x128xf32, #tpu.memory_space<vmem>> -> memref<1x64x128xf32, #tpu.memory_space<vmem>>
      %dma_wait3A_84 = tpu.memref_squeeze %dma_wait3A_83 : memref<1x64x128xf32, #tpu.memory_space<vmem>> -> memref<64x128xf32, #tpu.memory_space<vmem>>
      tpu.wait_dma2 semaphore(%run_scoped3A_62 : memref<!tpu.dma_semaphore, #tpu.memory_space<semaphore_mem>>) src(%dma_wait3A_84 : memref<64x128xf32, #tpu.memory_space<vmem>>) dst(%dma_wait3A_80 : memref<64x128xf32, #tpu.memory_space<vmem_shared>>)
      tpu.yield
    }) : () -> ()
    %add3A_17 = arith.constant 0 : i32
    %add3A_18 = arith.addi %mul3A_0, %add3A_17 : i32
    %add3A_19 = arith.constant 64 : i32
    %add3A_20 = arith.addi %add3A_18, %add3A_19 : i32
    %run_scoped3A_21 = arith.constant 1 : i32
    "tpu.region"() ({
      %run_scoped3A_62 = tpu.sem_alloc : memref<!tpu.dma_semaphore, #tpu.memory_space<semaphore_mem>>
      %dma_start3A = arith.constant 0 : i32
      %dma_start3A_63 = arith.constant 0 : i32
      %dma_start3A_64 = tpu.memref_slice %arg8[%run_scoped3A_21, %dma_start3A, %dma_start3A_63] : memref<4x64x128xf32, #tpu.memory_space<vmem>> -> memref<1x64x128xf32, #tpu.memory_space<vmem>>
      %dma_start3A_65 = tpu.memref_squeeze %dma_start3A_64 : memref<1x64x128xf32, #tpu.memory_space<vmem>> -> memref<64x128xf32, #tpu.memory_space<vmem>>
      %dma_start3A_66 = arith.constant 0 : i32
      %dma_start3A_67 = tpu.memref_slice %arg9[%add3A_20, %dma_start3A_66] : memref<10240x128xf32, #tpu.memory_space<vmem_shared>> -> memref<64x128xf32, #tpu.memory_space<vmem_shared>>
      %dma_start3A_68 = arith.constant 0 : i32
      %dma_start3A_69 = tpu.memref_slice %arg9[%add3A_20, %dma_start3A_68] : memref<10240x128xf32, #tpu.memory_space<vmem_shared>> -> memref<64x128xf32, #tpu.memory_space<vmem_shared>>
      %dma_start3A_70 = arith.constant 0 : i32
      %dma_start3A_71 = arith.constant 0 : i32
      %dma_start3A_72 = tpu.memref_slice %arg8[%run_scoped3A_21, %dma_start3A_70, %dma_start3A_71] : memref<4x64x128xf32, #tpu.memory_space<vmem>> -> memref<1x64x128xf32, #tpu.memory_space<vmem>>
      %dma_start3A_73 = tpu.memref_squeeze %dma_start3A_72 : memref<1x64x128xf32, #tpu.memory_space<vmem>> -> memref<64x128xf32, #tpu.memory_space<vmem>>
      tpu.enqueue_dma source(%dma_start3A_73 : memref<64x128xf32, #tpu.memory_space<vmem>>) target(%dma_start3A_69 : memref<64x128xf32, #tpu.memory_space<vmem_shared>>) target_semaphore(%run_scoped3A_62 : memref<!tpu.dma_semaphore, #tpu.memory_space<semaphore_mem>>)
      %dma_wait3A = arith.constant 0 : i32
      %dma_wait3A_74 = arith.constant 0 : i32
      %dma_wait3A_75 = tpu.memref_slice %arg8[%run_scoped3A_21, %dma_wait3A, %dma_wait3A_74] : memref<4x64x128xf32, #tpu.memory_space<vmem>> -> memref<1x64x128xf32, #tpu.memory_space<vmem>>
      %dma_wait3A_76 = tpu.memref_squeeze %dma_wait3A_75 : memref<1x64x128xf32, #tpu.memory_space<vmem>> -> memref<64x128xf32, #tpu.memory_space<vmem>>
      %dma_wait3A_77 = arith.constant 0 : i32
      %dma_wait3A_78 = tpu.memref_slice %arg9[%add3A_20, %dma_wait3A_77] : memref<10240x128xf32, #tpu.memory_space<vmem_shared>> -> memref<64x128xf32, #tpu.memory_space<vmem_shared>>
      %dma_wait3A_79 = arith.constant 0 : i32
      %dma_wait3A_80 = tpu.memref_slice %arg9[%add3A_20, %dma_wait3A_79] : memref<10240x128xf32, #tpu.memory_space<vmem_shared>> -> memref<64x128xf32, #tpu.memory_space<vmem_shared>>
      %dma_wait3A_81 = arith.constant 0 : i32
      %dma_wait3A_82 = arith.constant 0 : i32
      %dma_wait3A_83 = tpu.memref_slice %arg8[%run_scoped3A_21, %dma_wait3A_81, %dma_wait3A_82] : memref<4x64x128xf32, #tpu.memory_space<vmem>> -> memref<1x64x128xf32, #tpu.memory_space<vmem>>
      %dma_wait3A_84 = tpu.memref_squeeze %dma_wait3A_83 : memref<1x64x128xf32, #tpu.memory_space<vmem>> -> memref<64x128xf32, #tpu.memory_space<vmem>>
      tpu.wait_dma2 semaphore(%run_scoped3A_62 : memref<!tpu.dma_semaphore, #tpu.memory_space<semaphore_mem>>) src(%dma_wait3A_84 : memref<64x128xf32, #tpu.memory_space<vmem>>) dst(%dma_wait3A_80 : memref<64x128xf32, #tpu.memory_space<vmem_shared>>)
      tpu.yield
    }) : () -> ()
    %add3A_22 = arith.constant 128 : i32
    %add3A_23 = arith.addi %mul3A_0, %add3A_22 : i32
    %run_scoped3A_24 = arith.constant 0 : i32
    "tpu.region"() ({
      %run_scoped3A_62 = tpu.sem_alloc : memref<!tpu.dma_semaphore, #tpu.memory_space<semaphore_mem>>
      %dma_start3A = arith.constant 0 : i32
      %dma_start3A_63 = arith.constant 0 : i32
      %dma_start3A_64 = tpu.memref_slice %arg8[%run_scoped3A_24, %dma_start3A, %dma_start3A_63] : memref<4x64x128xf32, #tpu.memory_space<vmem>> -> memref<1x64x128xf32, #tpu.memory_space<vmem>>
      %dma_start3A_65 = tpu.memref_squeeze %dma_start3A_64 : memref<1x64x128xf32, #tpu.memory_space<vmem>> -> memref<64x128xf32, #tpu.memory_space<vmem>>
      %dma_start3A_66 = arith.constant 0 : i32
      %dma_start3A_67 = tpu.memref_slice %arg9[%add3A_23, %dma_start3A_66] : memref<10240x128xf32, #tpu.memory_space<vmem_shared>> -> memref<64x128xf32, #tpu.memory_space<vmem_shared>>
      %dma_start3A_68 = arith.constant 0 : i32
      %dma_start3A_69 = tpu.memref_slice %arg9[%add3A_23, %dma_start3A_68] : memref<10240x128xf32, #tpu.memory_space<vmem_shared>> -> memref<64x128xf32, #tpu.memory_space<vmem_shared>>
      %dma_start3A_70 = arith.constant 0 : i32
      %dma_start3A_71 = arith.constant 0 : i32
      %dma_start3A_72 = tpu.memref_slice %arg8[%run_scoped3A_24, %dma_start3A_70, %dma_start3A_71] : memref<4x64x128xf32, #tpu.memory_space<vmem>> -> memref<1x64x128xf32, #tpu.memory_space<vmem>>
      %dma_start3A_73 = tpu.memref_squeeze %dma_start3A_72 : memref<1x64x128xf32, #tpu.memory_space<vmem>> -> memref<64x128xf32, #tpu.memory_space<vmem>>
      tpu.enqueue_dma source(%dma_start3A_73 : memref<64x128xf32, #tpu.memory_space<vmem>>) target(%dma_start3A_69 : memref<64x128xf32, #tpu.memory_space<vmem_shared>>) target_semaphore(%run_scoped3A_62 : memref<!tpu.dma_semaphore, #tpu.memory_space<semaphore_mem>>)
      %dma_wait3A = arith.constant 0 : i32
      %dma_wait3A_74 = arith.constant 0 : i32
      %dma_wait3A_75 = tpu.memref_slice %arg8[%run_scoped3A_24, %dma_wait3A, %dma_wait3A_74] : memref<4x64x128xf32, #tpu.memory_space<vmem>> -> memref<1x64x128xf32, #tpu.memory_space<vmem>>
      %dma_wait3A_76 = tpu.memref_squeeze %dma_wait3A_75 : memref<1x64x128xf32, #tpu.memory_space<vmem>> -> memref<64x128xf32, #tpu.memory_space<vmem>>
      %dma_wait3A_77 = arith.constant 0 : i32
      %dma_wait3A_78 = tpu.memref_slice %arg9[%add3A_23, %dma_wait3A_77] : memref<10240x128xf32, #tpu.memory_space<vmem_shared>> -> memref<64x128xf32, #tpu.memory_space<vmem_shared>>
      %dma_wait3A_79 = arith.constant 0 : i32
      %dma_wait3A_80 = tpu.memref_slice %arg9[%add3A_23, %dma_wait3A_79] : memref<10240x128xf32, #tpu.memory_space<vmem_shared>> -> memref<64x128xf32, #tpu.memory_space<vmem_shared>>
      %dma_wait3A_81 = arith.constant 0 : i32
      %dma_wait3A_82 = arith.constant 0 : i32
      %dma_wait3A_83 = tpu.memref_slice %arg8[%run_scoped3A_24, %dma_wait3A_81, %dma_wait3A_82] : memref<4x64x128xf32, #tpu.memory_space<vmem>> -> memref<1x64x128xf32, #tpu.memory_space<vmem>>
      %dma_wait3A_84 = tpu.memref_squeeze %dma_wait3A_83 : memref<1x64x128xf32, #tpu.memory_space<vmem>> -> memref<64x128xf32, #tpu.memory_space<vmem>>
      tpu.wait_dma2 semaphore(%run_scoped3A_62 : memref<!tpu.dma_semaphore, #tpu.memory_space<semaphore_mem>>) src(%dma_wait3A_84 : memref<64x128xf32, #tpu.memory_space<vmem>>) dst(%dma_wait3A_80 : memref<64x128xf32, #tpu.memory_space<vmem_shared>>)
      tpu.yield
    }) : () -> ()
    %add3A_25 = arith.constant 128 : i32
    %add3A_26 = arith.addi %mul3A_0, %add3A_25 : i32
    %add3A_27 = arith.constant 64 : i32
    %add3A_28 = arith.addi %add3A_26, %add3A_27 : i32
    %run_scoped3A_29 = arith.constant 1 : i32
    "tpu.region"() ({
      %run_scoped3A_62 = tpu.sem_alloc : memref<!tpu.dma_semaphore, #tpu.memory_space<semaphore_mem>>
      %dma_start3A = arith.constant 0 : i32
      %dma_start3A_63 = arith.constant 0 : i32
      %dma_start3A_64 = tpu.memref_slice %arg8[%run_scoped3A_29, %dma_start3A, %dma_start3A_63] : memref<4x64x128xf32, #tpu.memory_space<vmem>> -> memref<1x64x128xf32, #tpu.memory_space<vmem>>
      %dma_start3A_65 = tpu.memref_squeeze %dma_start3A_64 : memref<1x64x128xf32, #tpu.memory_space<vmem>> -> memref<64x128xf32, #tpu.memory_space<vmem>>
      %dma_start3A_66 = arith.constant 0 : i32
      %dma_start3A_67 = tpu.memref_slice %arg9[%add3A_28, %dma_start3A_66] : memref<10240x128xf32, #tpu.memory_space<vmem_shared>> -> memref<64x128xf32, #tpu.memory_space<vmem_shared>>
      %dma_start3A_68 = arith.constant 0 : i32
      %dma_start3A_69 = tpu.memref_slice %arg9[%add3A_28, %dma_start3A_68] : memref<10240x128xf32, #tpu.memory_space<vmem_shared>> -> memref<64x128xf32, #tpu.memory_space<vmem_shared>>
      %dma_start3A_70 = arith.constant 0 : i32
      %dma_start3A_71 = arith.constant 0 : i32
      %dma_start3A_72 = tpu.memref_slice %arg8[%run_scoped3A_29, %dma_start3A_70, %dma_start3A_71] : memref<4x64x128xf32, #tpu.memory_space<vmem>> -> memref<1x64x128xf32, #tpu.memory_space<vmem>>
      %dma_start3A_73 = tpu.memref_squeeze %dma_start3A_72 : memref<1x64x128xf32, #tpu.memory_space<vmem>> -> memref<64x128xf32, #tpu.memory_space<vmem>>
      tpu.enqueue_dma source(%dma_start3A_73 : memref<64x128xf32, #tpu.memory_space<vmem>>) target(%dma_start3A_69 : memref<64x128xf32, #tpu.memory_space<vmem_shared>>) target_semaphore(%run_scoped3A_62 : memref<!tpu.dma_semaphore, #tpu.memory_space<semaphore_mem>>)
      %dma_wait3A = arith.constant 0 : i32
      %dma_wait3A_74 = arith.constant 0 : i32
      %dma_wait3A_75 = tpu.memref_slice %arg8[%run_scoped3A_29, %dma_wait3A, %dma_wait3A_74] : memref<4x64x128xf32, #tpu.memory_space<vmem>> -> memref<1x64x128xf32, #tpu.memory_space<vmem>>
      %dma_wait3A_76 = tpu.memref_squeeze %dma_wait3A_75 : memref<1x64x128xf32, #tpu.memory_space<vmem>> -> memref<64x128xf32, #tpu.memory_space<vmem>>
      %dma_wait3A_77 = arith.constant 0 : i32
      %dma_wait3A_78 = tpu.memref_slice %arg9[%add3A_28, %dma_wait3A_77] : memref<10240x128xf32, #tpu.memory_space<vmem_shared>> -> memref<64x128xf32, #tpu.memory_space<vmem_shared>>
      %dma_wait3A_79 = arith.constant 0 : i32
      %dma_wait3A_80 = tpu.memref_slice %arg9[%add3A_28, %dma_wait3A_79] : memref<10240x128xf32, #tpu.memory_space<vmem_shared>> -> memref<64x128xf32, #tpu.memory_space<vmem_shared>>
      %dma_wait3A_81 = arith.constant 0 : i32
      %dma_wait3A_82 = arith.constant 0 : i32
      %dma_wait3A_83 = tpu.memref_slice %arg8[%run_scoped3A_29, %dma_wait3A_81, %dma_wait3A_82] : memref<4x64x128xf32, #tpu.memory_space<vmem>> -> memref<1x64x128xf32, #tpu.memory_space<vmem>>
      %dma_wait3A_84 = tpu.memref_squeeze %dma_wait3A_83 : memref<1x64x128xf32, #tpu.memory_space<vmem>> -> memref<64x128xf32, #tpu.memory_space<vmem>>
      tpu.wait_dma2 semaphore(%run_scoped3A_62 : memref<!tpu.dma_semaphore, #tpu.memory_space<semaphore_mem>>) src(%dma_wait3A_84 : memref<64x128xf32, #tpu.memory_space<vmem>>) dst(%dma_wait3A_80 : memref<64x128xf32, #tpu.memory_space<vmem_shared>>)
      tpu.yield
    }) : () -> ()
    %add3A_30 = arith.constant 256 : i32
    %add3A_31 = arith.addi %mul3A_0, %add3A_30 : i32
    %run_scoped3A_32 = arith.constant 0 : i32
    "tpu.region"() ({
      %run_scoped3A_62 = tpu.sem_alloc : memref<!tpu.dma_semaphore, #tpu.memory_space<semaphore_mem>>
      %dma_start3A = arith.constant 0 : i32
      %dma_start3A_63 = arith.constant 0 : i32
      %dma_start3A_64 = tpu.memref_slice %arg8[%run_scoped3A_32, %dma_start3A, %dma_start3A_63] : memref<4x64x128xf32, #tpu.memory_space<vmem>> -> memref<1x64x128xf32, #tpu.memory_space<vmem>>
      %dma_start3A_65 = tpu.memref_squeeze %dma_start3A_64 : memref<1x64x128xf32, #tpu.memory_space<vmem>> -> memref<64x128xf32, #tpu.memory_space<vmem>>
      %dma_start3A_66 = arith.constant 0 : i32
      %dma_start3A_67 = tpu.memref_slice %arg9[%add3A_31, %dma_start3A_66] : memref<10240x128xf32, #tpu.memory_space<vmem_shared>> -> memref<64x128xf32, #tpu.memory_space<vmem_shared>>
      %dma_start3A_68 = arith.constant 0 : i32
      %dma_start3A_69 = tpu.memref_slice %arg9[%add3A_31, %dma_start3A_68] : memref<10240x128xf32, #tpu.memory_space<vmem_shared>> -> memref<64x128xf32, #tpu.memory_space<vmem_shared>>
      %dma_start3A_70 = arith.constant 0 : i32
      %dma_start3A_71 = arith.constant 0 : i32
      %dma_start3A_72 = tpu.memref_slice %arg8[%run_scoped3A_32, %dma_start3A_70, %dma_start3A_71] : memref<4x64x128xf32, #tpu.memory_space<vmem>> -> memref<1x64x128xf32, #tpu.memory_space<vmem>>
      %dma_start3A_73 = tpu.memref_squeeze %dma_start3A_72 : memref<1x64x128xf32, #tpu.memory_space<vmem>> -> memref<64x128xf32, #tpu.memory_space<vmem>>
      tpu.enqueue_dma source(%dma_start3A_73 : memref<64x128xf32, #tpu.memory_space<vmem>>) target(%dma_start3A_69 : memref<64x128xf32, #tpu.memory_space<vmem_shared>>) target_semaphore(%run_scoped3A_62 : memref<!tpu.dma_semaphore, #tpu.memory_space<semaphore_mem>>)
      %dma_wait3A = arith.constant 0 : i32
      %dma_wait3A_74 = arith.constant 0 : i32
      %dma_wait3A_75 = tpu.memref_slice %arg8[%run_scoped3A_32, %dma_wait3A, %dma_wait3A_74] : memref<4x64x128xf32, #tpu.memory_space<vmem>> -> memref<1x64x128xf32, #tpu.memory_space<vmem>>
      %dma_wait3A_76 = tpu.memref_squeeze %dma_wait3A_75 : memref<1x64x128xf32, #tpu.memory_space<vmem>> -> memref<64x128xf32, #tpu.memory_space<vmem>>
      %dma_wait3A_77 = arith.constant 0 : i32
      %dma_wait3A_78 = tpu.memref_slice %arg9[%add3A_31, %dma_wait3A_77] : memref<10240x128xf32, #tpu.memory_space<vmem_shared>> -> memref<64x128xf32, #tpu.memory_space<vmem_shared>>
      %dma_wait3A_79 = arith.constant 0 : i32
      %dma_wait3A_80 = tpu.memref_slice %arg9[%add3A_31, %dma_wait3A_79] : memref<10240x128xf32, #tpu.memory_space<vmem_shared>> -> memref<64x128xf32, #tpu.memory_space<vmem_shared>>
      %dma_wait3A_81 = arith.constant 0 : i32
      %dma_wait3A_82 = arith.constant 0 : i32
      %dma_wait3A_83 = tpu.memref_slice %arg8[%run_scoped3A_32, %dma_wait3A_81, %dma_wait3A_82] : memref<4x64x128xf32, #tpu.memory_space<vmem>> -> memref<1x64x128xf32, #tpu.memory_space<vmem>>
      %dma_wait3A_84 = tpu.memref_squeeze %dma_wait3A_83 : memref<1x64x128xf32, #tpu.memory_space<vmem>> -> memref<64x128xf32, #tpu.memory_space<vmem>>
      tpu.wait_dma2 semaphore(%run_scoped3A_62 : memref<!tpu.dma_semaphore, #tpu.memory_space<semaphore_mem>>) src(%dma_wait3A_84 : memref<64x128xf32, #tpu.memory_space<vmem>>) dst(%dma_wait3A_80 : memref<64x128xf32, #tpu.memory_space<vmem_shared>>)
      tpu.yield
    }) : () -> ()
    %add3A_33 = arith.constant 256 : i32
    %add3A_34 = arith.addi %mul3A_0, %add3A_33 : i32
    %add3A_35 = arith.constant 64 : i32
    %add3A_36 = arith.addi %add3A_34, %add3A_35 : i32
    %run_scoped3A_37 = arith.constant 1 : i32
    "tpu.region"() ({
      %run_scoped3A_62 = tpu.sem_alloc : memref<!tpu.dma_semaphore, #tpu.memory_space<semaphore_mem>>
      %dma_start3A = arith.constant 0 : i32
      %dma_start3A_63 = arith.constant 0 : i32
      %dma_start3A_64 = tpu.memref_slice %arg8[%run_scoped3A_37, %dma_start3A, %dma_start3A_63] : memref<4x64x128xf32, #tpu.memory_space<vmem>> -> memref<1x64x128xf32, #tpu.memory_space<vmem>>
      %dma_start3A_65 = tpu.memref_squeeze %dma_start3A_64 : memref<1x64x128xf32, #tpu.memory_space<vmem>> -> memref<64x128xf32, #tpu.memory_space<vmem>>
      %dma_start3A_66 = arith.constant 0 : i32
      %dma_start3A_67 = tpu.memref_slice %arg9[%add3A_36, %dma_start3A_66] : memref<10240x128xf32, #tpu.memory_space<vmem_shared>> -> memref<64x128xf32, #tpu.memory_space<vmem_shared>>
      %dma_start3A_68 = arith.constant 0 : i32
      %dma_start3A_69 = tpu.memref_slice %arg9[%add3A_36, %dma_start3A_68] : memref<10240x128xf32, #tpu.memory_space<vmem_shared>> -> memref<64x128xf32, #tpu.memory_space<vmem_shared>>
      %dma_start3A_70 = arith.constant 0 : i32
      %dma_start3A_71 = arith.constant 0 : i32
      %dma_start3A_72 = tpu.memref_slice %arg8[%run_scoped3A_37, %dma_start3A_70, %dma_start3A_71] : memref<4x64x128xf32, #tpu.memory_space<vmem>> -> memref<1x64x128xf32, #tpu.memory_space<vmem>>
      %dma_start3A_73 = tpu.memref_squeeze %dma_start3A_72 : memref<1x64x128xf32, #tpu.memory_space<vmem>> -> memref<64x128xf32, #tpu.memory_space<vmem>>
      tpu.enqueue_dma source(%dma_start3A_73 : memref<64x128xf32, #tpu.memory_space<vmem>>) target(%dma_start3A_69 : memref<64x128xf32, #tpu.memory_space<vmem_shared>>) target_semaphore(%run_scoped3A_62 : memref<!tpu.dma_semaphore, #tpu.memory_space<semaphore_mem>>)
      %dma_wait3A = arith.constant 0 : i32
      %dma_wait3A_74 = arith.constant 0 : i32
      %dma_wait3A_75 = tpu.memref_slice %arg8[%run_scoped3A_37, %dma_wait3A, %dma_wait3A_74] : memref<4x64x128xf32, #tpu.memory_space<vmem>> -> memref<1x64x128xf32, #tpu.memory_space<vmem>>
      %dma_wait3A_76 = tpu.memref_squeeze %dma_wait3A_75 : memref<1x64x128xf32, #tpu.memory_space<vmem>> -> memref<64x128xf32, #tpu.memory_space<vmem>>
      %dma_wait3A_77 = arith.constant 0 : i32
      %dma_wait3A_78 = tpu.memref_slice %arg9[%add3A_36, %dma_wait3A_77] : memref<10240x128xf32, #tpu.memory_space<vmem_shared>> -> memref<64x128xf32, #tpu.memory_space<vmem_shared>>
      %dma_wait3A_79 = arith.constant 0 : i32
      %dma_wait3A_80 = tpu.memref_slice %arg9[%add3A_36, %dma_wait3A_79] : memref<10240x128xf32, #tpu.memory_space<vmem_shared>> -> memref<64x128xf32, #tpu.memory_space<vmem_shared>>
      %dma_wait3A_81 = arith.constant 0 : i32
      %dma_wait3A_82 = arith.constant 0 : i32
      %dma_wait3A_83 = tpu.memref_slice %arg8[%run_scoped3A_37, %dma_wait3A_81, %dma_wait3A_82] : memref<4x64x128xf32, #tpu.memory_space<vmem>> -> memref<1x64x128xf32, #tpu.memory_space<vmem>>
      %dma_wait3A_84 = tpu.memref_squeeze %dma_wait3A_83 : memref<1x64x128xf32, #tpu.memory_space<vmem>> -> memref<64x128xf32, #tpu.memory_space<vmem>>
      tpu.wait_dma2 semaphore(%run_scoped3A_62 : memref<!tpu.dma_semaphore, #tpu.memory_space<semaphore_mem>>) src(%dma_wait3A_84 : memref<64x128xf32, #tpu.memory_space<vmem>>) dst(%dma_wait3A_80 : memref<64x128xf32, #tpu.memory_space<vmem_shared>>)
      tpu.yield
    }) : () -> ()
    %add3A_38 = arith.constant 384 : i32
    %add3A_39 = arith.addi %mul3A_0, %add3A_38 : i32
    %run_scoped3A_40 = arith.constant 0 : i32
    "tpu.region"() ({
      %run_scoped3A_62 = tpu.sem_alloc : memref<!tpu.dma_semaphore, #tpu.memory_space<semaphore_mem>>
      %dma_start3A = arith.constant 0 : i32
      %dma_start3A_63 = arith.constant 0 : i32
      %dma_start3A_64 = tpu.memref_slice %arg8[%run_scoped3A_40, %dma_start3A, %dma_start3A_63] : memref<4x64x128xf32, #tpu.memory_space<vmem>> -> memref<1x64x128xf32, #tpu.memory_space<vmem>>
      %dma_start3A_65 = tpu.memref_squeeze %dma_start3A_64 : memref<1x64x128xf32, #tpu.memory_space<vmem>> -> memref<64x128xf32, #tpu.memory_space<vmem>>
      %dma_start3A_66 = arith.constant 0 : i32
      %dma_start3A_67 = tpu.memref_slice %arg9[%add3A_39, %dma_start3A_66] : memref<10240x128xf32, #tpu.memory_space<vmem_shared>> -> memref<64x128xf32, #tpu.memory_space<vmem_shared>>
      %dma_start3A_68 = arith.constant 0 : i32
      %dma_start3A_69 = tpu.memref_slice %arg9[%add3A_39, %dma_start3A_68] : memref<10240x128xf32, #tpu.memory_space<vmem_shared>> -> memref<64x128xf32, #tpu.memory_space<vmem_shared>>
      %dma_start3A_70 = arith.constant 0 : i32
      %dma_start3A_71 = arith.constant 0 : i32
      %dma_start3A_72 = tpu.memref_slice %arg8[%run_scoped3A_40, %dma_start3A_70, %dma_start3A_71] : memref<4x64x128xf32, #tpu.memory_space<vmem>> -> memref<1x64x128xf32, #tpu.memory_space<vmem>>
      %dma_start3A_73 = tpu.memref_squeeze %dma_start3A_72 : memref<1x64x128xf32, #tpu.memory_space<vmem>> -> memref<64x128xf32, #tpu.memory_space<vmem>>
      tpu.enqueue_dma source(%dma_start3A_73 : memref<64x128xf32, #tpu.memory_space<vmem>>) target(%dma_start3A_69 : memref<64x128xf32, #tpu.memory_space<vmem_shared>>) target_semaphore(%run_scoped3A_62 : memref<!tpu.dma_semaphore, #tpu.memory_space<semaphore_mem>>)
      %dma_wait3A = arith.constant 0 : i32
      %dma_wait3A_74 = arith.constant 0 : i32
      %dma_wait3A_75 = tpu.memref_slice %arg8[%run_scoped3A_40, %dma_wait3A, %dma_wait3A_74] : memref<4x64x128xf32, #tpu.memory_space<vmem>> -> memref<1x64x128xf32, #tpu.memory_space<vmem>>
      %dma_wait3A_76 = tpu.memref_squeeze %dma_wait3A_75 : memref<1x64x128xf32, #tpu.memory_space<vmem>> -> memref<64x128xf32, #tpu.memory_space<vmem>>
      %dma_wait3A_77 = arith.constant 0 : i32
      %dma_wait3A_78 = tpu.memref_slice %arg9[%add3A_39, %dma_wait3A_77] : memref<10240x128xf32, #tpu.memory_space<vmem_shared>> -> memref<64x128xf32, #tpu.memory_space<vmem_shared>>
      %dma_wait3A_79 = arith.constant 0 : i32
      %dma_wait3A_80 = tpu.memref_slice %arg9[%add3A_39, %dma_wait3A_79] : memref<10240x128xf32, #tpu.memory_space<vmem_shared>> -> memref<64x128xf32, #tpu.memory_space<vmem_shared>>
      %dma_wait3A_81 = arith.constant 0 : i32
      %dma_wait3A_82 = arith.constant 0 : i32
      %dma_wait3A_83 = tpu.memref_slice %arg8[%run_scoped3A_40, %dma_wait3A_81, %dma_wait3A_82] : memref<4x64x128xf32, #tpu.memory_space<vmem>> -> memref<1x64x128xf32, #tpu.memory_space<vmem>>
      %dma_wait3A_84 = tpu.memref_squeeze %dma_wait3A_83 : memref<1x64x128xf32, #tpu.memory_space<vmem>> -> memref<64x128xf32, #tpu.memory_space<vmem>>
      tpu.wait_dma2 semaphore(%run_scoped3A_62 : memref<!tpu.dma_semaphore, #tpu.memory_space<semaphore_mem>>) src(%dma_wait3A_84 : memref<64x128xf32, #tpu.memory_space<vmem>>) dst(%dma_wait3A_80 : memref<64x128xf32, #tpu.memory_space<vmem_shared>>)
      tpu.yield
    }) : () -> ()
    %add3A_41 = arith.constant 384 : i32
    %add3A_42 = arith.addi %mul3A_0, %add3A_41 : i32
    %add3A_43 = arith.constant 64 : i32
    %add3A_44 = arith.addi %add3A_42, %add3A_43 : i32
    %run_scoped3A_45 = arith.constant 1 : i32
    "tpu.region"() ({
      %run_scoped3A_62 = tpu.sem_alloc : memref<!tpu.dma_semaphore, #tpu.memory_space<semaphore_mem>>
      %dma_start3A = arith.constant 0 : i32
      %dma_start3A_63 = arith.constant 0 : i32
      %dma_start3A_64 = tpu.memref_slice %arg8[%run_scoped3A_45, %dma_start3A, %dma_start3A_63] : memref<4x64x128xf32, #tpu.memory_space<vmem>> -> memref<1x64x128xf32, #tpu.memory_space<vmem>>
      %dma_start3A_65 = tpu.memref_squeeze %dma_start3A_64 : memref<1x64x128xf32, #tpu.memory_space<vmem>> -> memref<64x128xf32, #tpu.memory_space<vmem>>
      %dma_start3A_66 = arith.constant 0 : i32
      %dma_start3A_67 = tpu.memref_slice %arg9[%add3A_44, %dma_start3A_66] : memref<10240x128xf32, #tpu.memory_space<vmem_shared>> -> memref<64x128xf32, #tpu.memory_space<vmem_shared>>
      %dma_start3A_68 = arith.constant 0 : i32
      %dma_start3A_69 = tpu.memref_slice %arg9[%add3A_44, %dma_start3A_68] : memref<10240x128xf32, #tpu.memory_space<vmem_shared>> -> memref<64x128xf32, #tpu.memory_space<vmem_shared>>
      %dma_start3A_70 = arith.constant 0 : i32
      %dma_start3A_71 = arith.constant 0 : i32
      %dma_start3A_72 = tpu.memref_slice %arg8[%run_scoped3A_45, %dma_start3A_70, %dma_start3A_71] : memref<4x64x128xf32, #tpu.memory_space<vmem>> -> memref<1x64x128xf32, #tpu.memory_space<vmem>>
      %dma_start3A_73 = tpu.memref_squeeze %dma_start3A_72 : memref<1x64x128xf32, #tpu.memory_space<vmem>> -> memref<64x128xf32, #tpu.memory_space<vmem>>
      tpu.enqueue_dma source(%dma_start3A_73 : memref<64x128xf32, #tpu.memory_space<vmem>>) target(%dma_start3A_69 : memref<64x128xf32, #tpu.memory_space<vmem_shared>>) target_semaphore(%run_scoped3A_62 : memref<!tpu.dma_semaphore, #tpu.memory_space<semaphore_mem>>)
      %dma_wait3A = arith.constant 0 : i32
      %dma_wait3A_74 = arith.constant 0 : i32
      %dma_wait3A_75 = tpu.memref_slice %arg8[%run_scoped3A_45, %dma_wait3A, %dma_wait3A_74] : memref<4x64x128xf32, #tpu.memory_space<vmem>> -> memref<1x64x128xf32, #tpu.memory_space<vmem>>
      %dma_wait3A_76 = tpu.memref_squeeze %dma_wait3A_75 : memref<1x64x128xf32, #tpu.memory_space<vmem>> -> memref<64x128xf32, #tpu.memory_space<vmem>>
      %dma_wait3A_77 = arith.constant 0 : i32
      %dma_wait3A_78 = tpu.memref_slice %arg9[%add3A_44, %dma_wait3A_77] : memref<10240x128xf32, #tpu.memory_space<vmem_shared>> -> memref<64x128xf32, #tpu.memory_space<vmem_shared>>
      %dma_wait3A_79 = arith.constant 0 : i32
      %dma_wait3A_80 = tpu.memref_slice %arg9[%add3A_44, %dma_wait3A_79] : memref<10240x128xf32, #tpu.memory_space<vmem_shared>> -> memref<64x128xf32, #tpu.memory_space<vmem_shared>>
      %dma_wait3A_81 = arith.constant 0 : i32
      %dma_wait3A_82 = arith.constant 0 : i32
      %dma_wait3A_83 = tpu.memref_slice %arg8[%run_scoped3A_45, %dma_wait3A_81, %dma_wait3A_82] : memref<4x64x128xf32, #tpu.memory_space<vmem>> -> memref<1x64x128xf32, #tpu.memory_space<vmem>>
      %dma_wait3A_84 = tpu.memref_squeeze %dma_wait3A_83 : memref<1x64x128xf32, #tpu.memory_space<vmem>> -> memref<64x128xf32, #tpu.memory_space<vmem>>
      tpu.wait_dma2 semaphore(%run_scoped3A_62 : memref<!tpu.dma_semaphore, #tpu.memory_space<semaphore_mem>>) src(%dma_wait3A_84 : memref<64x128xf32, #tpu.memory_space<vmem>>) dst(%dma_wait3A_80 : memref<64x128xf32, #tpu.memory_space<vmem_shared>>)
      tpu.yield
    }) : () -> ()
    %add3A_46 = arith.constant 512 : i32
    %add3A_47 = arith.addi %mul3A_0, %add3A_46 : i32
    %run_scoped3A_48 = arith.constant 0 : i32
    "tpu.region"() ({
      %run_scoped3A_62 = tpu.sem_alloc : memref<!tpu.dma_semaphore, #tpu.memory_space<semaphore_mem>>
      %dma_start3A = arith.constant 0 : i32
      %dma_start3A_63 = arith.constant 0 : i32
      %dma_start3A_64 = tpu.memref_slice %arg8[%run_scoped3A_48, %dma_start3A, %dma_start3A_63] : memref<4x64x128xf32, #tpu.memory_space<vmem>> -> memref<1x64x128xf32, #tpu.memory_space<vmem>>
      %dma_start3A_65 = tpu.memref_squeeze %dma_start3A_64 : memref<1x64x128xf32, #tpu.memory_space<vmem>> -> memref<64x128xf32, #tpu.memory_space<vmem>>
      %dma_start3A_66 = arith.constant 0 : i32
      %dma_start3A_67 = tpu.memref_slice %arg9[%add3A_47, %dma_start3A_66] : memref<10240x128xf32, #tpu.memory_space<vmem_shared>> -> memref<64x128xf32, #tpu.memory_space<vmem_shared>>
      %dma_start3A_68 = arith.constant 0 : i32
      %dma_start3A_69 = tpu.memref_slice %arg9[%add3A_47, %dma_start3A_68] : memref<10240x128xf32, #tpu.memory_space<vmem_shared>> -> memref<64x128xf32, #tpu.memory_space<vmem_shared>>
      %dma_start3A_70 = arith.constant 0 : i32
      %dma_start3A_71 = arith.constant 0 : i32
      %dma_start3A_72 = tpu.memref_slice %arg8[%run_scoped3A_48, %dma_start3A_70, %dma_start3A_71] : memref<4x64x128xf32, #tpu.memory_space<vmem>> -> memref<1x64x128xf32, #tpu.memory_space<vmem>>
      %dma_start3A_73 = tpu.memref_squeeze %dma_start3A_72 : memref<1x64x128xf32, #tpu.memory_space<vmem>> -> memref<64x128xf32, #tpu.memory_space<vmem>>
      tpu.enqueue_dma source(%dma_start3A_73 : memref<64x128xf32, #tpu.memory_space<vmem>>) target(%dma_start3A_69 : memref<64x128xf32, #tpu.memory_space<vmem_shared>>) target_semaphore(%run_scoped3A_62 : memref<!tpu.dma_semaphore, #tpu.memory_space<semaphore_mem>>)
      %dma_wait3A = arith.constant 0 : i32
      %dma_wait3A_74 = arith.constant 0 : i32
      %dma_wait3A_75 = tpu.memref_slice %arg8[%run_scoped3A_48, %dma_wait3A, %dma_wait3A_74] : memref<4x64x128xf32, #tpu.memory_space<vmem>> -> memref<1x64x128xf32, #tpu.memory_space<vmem>>
      %dma_wait3A_76 = tpu.memref_squeeze %dma_wait3A_75 : memref<1x64x128xf32, #tpu.memory_space<vmem>> -> memref<64x128xf32, #tpu.memory_space<vmem>>
      %dma_wait3A_77 = arith.constant 0 : i32
      %dma_wait3A_78 = tpu.memref_slice %arg9[%add3A_47, %dma_wait3A_77] : memref<10240x128xf32, #tpu.memory_space<vmem_shared>> -> memref<64x128xf32, #tpu.memory_space<vmem_shared>>
      %dma_wait3A_79 = arith.constant 0 : i32
      %dma_wait3A_80 = tpu.memref_slice %arg9[%add3A_47, %dma_wait3A_79] : memref<10240x128xf32, #tpu.memory_space<vmem_shared>> -> memref<64x128xf32, #tpu.memory_space<vmem_shared>>
      %dma_wait3A_81 = arith.constant 0 : i32
      %dma_wait3A_82 = arith.constant 0 : i32
      %dma_wait3A_83 = tpu.memref_slice %arg8[%run_scoped3A_48, %dma_wait3A_81, %dma_wait3A_82] : memref<4x64x128xf32, #tpu.memory_space<vmem>> -> memref<1x64x128xf32, #tpu.memory_space<vmem>>
      %dma_wait3A_84 = tpu.memref_squeeze %dma_wait3A_83 : memref<1x64x128xf32, #tpu.memory_space<vmem>> -> memref<64x128xf32, #tpu.memory_space<vmem>>
      tpu.wait_dma2 semaphore(%run_scoped3A_62 : memref<!tpu.dma_semaphore, #tpu.memory_space<semaphore_mem>>) src(%dma_wait3A_84 : memref<64x128xf32, #tpu.memory_space<vmem>>) dst(%dma_wait3A_80 : memref<64x128xf32, #tpu.memory_space<vmem_shared>>)
      tpu.yield
    }) : () -> ()
    %add3A_49 = arith.constant 512 : i32
    %add3A_50 = arith.addi %mul3A_0, %add3A_49 : i32
    %add3A_51 = arith.constant 64 : i32
    %add3A_52 = arith.addi %add3A_50, %add3A_51 : i32
    %run_scoped3A_53 = arith.constant 1 : i32
    "tpu.region"() ({
      %run_scoped3A_62 = tpu.sem_alloc : memref<!tpu.dma_semaphore, #tpu.memory_space<semaphore_mem>>
      %dma_start3A = arith.constant 0 : i32
      %dma_start3A_63 = arith.constant 0 : i32
      %dma_start3A_64 = tpu.memref_slice %arg8[%run_scoped3A_53, %dma_start3A, %dma_start3A_63] : memref<4x64x128xf32, #tpu.memory_space<vmem>> -> memref<1x64x128xf32, #tpu.memory_space<vmem>>
      %dma_start3A_65 = tpu.memref_squeeze %dma_start3A_64 : memref<1x64x128xf32, #tpu.memory_space<vmem>> -> memref<64x128xf32, #tpu.memory_space<vmem>>
      %dma_start3A_66 = arith.constant 0 : i32
      %dma_start3A_67 = tpu.memref_slice %arg9[%add3A_52, %dma_start3A_66] : memref<10240x128xf32, #tpu.memory_space<vmem_shared>> -> memref<64x128xf32, #tpu.memory_space<vmem_shared>>
      %dma_start3A_68 = arith.constant 0 : i32
      %dma_start3A_69 = tpu.memref_slice %arg9[%add3A_52, %dma_start3A_68] : memref<10240x128xf32, #tpu.memory_space<vmem_shared>> -> memref<64x128xf32, #tpu.memory_space<vmem_shared>>
      %dma_start3A_70 = arith.constant 0 : i32
      %dma_start3A_71 = arith.constant 0 : i32
      %dma_start3A_72 = tpu.memref_slice %arg8[%run_scoped3A_53, %dma_start3A_70, %dma_start3A_71] : memref<4x64x128xf32, #tpu.memory_space<vmem>> -> memref<1x64x128xf32, #tpu.memory_space<vmem>>
      %dma_start3A_73 = tpu.memref_squeeze %dma_start3A_72 : memref<1x64x128xf32, #tpu.memory_space<vmem>> -> memref<64x128xf32, #tpu.memory_space<vmem>>
      tpu.enqueue_dma source(%dma_start3A_73 : memref<64x128xf32, #tpu.memory_space<vmem>>) target(%dma_start3A_69 : memref<64x128xf32, #tpu.memory_space<vmem_shared>>) target_semaphore(%run_scoped3A_62 : memref<!tpu.dma_semaphore, #tpu.memory_space<semaphore_mem>>)
      %dma_wait3A = arith.constant 0 : i32
      %dma_wait3A_74 = arith.constant 0 : i32
      %dma_wait3A_75 = tpu.memref_slice %arg8[%run_scoped3A_53, %dma_wait3A, %dma_wait3A_74] : memref<4x64x128xf32, #tpu.memory_space<vmem>> -> memref<1x64x128xf32, #tpu.memory_space<vmem>>
      %dma_wait3A_76 = tpu.memref_squeeze %dma_wait3A_75 : memref<1x64x128xf32, #tpu.memory_space<vmem>> -> memref<64x128xf32, #tpu.memory_space<vmem>>
      %dma_wait3A_77 = arith.constant 0 : i32
      %dma_wait3A_78 = tpu.memref_slice %arg9[%add3A_52, %dma_wait3A_77] : memref<10240x128xf32, #tpu.memory_space<vmem_shared>> -> memref<64x128xf32, #tpu.memory_space<vmem_shared>>
      %dma_wait3A_79 = arith.constant 0 : i32
      %dma_wait3A_80 = tpu.memref_slice %arg9[%add3A_52, %dma_wait3A_79] : memref<10240x128xf32, #tpu.memory_space<vmem_shared>> -> memref<64x128xf32, #tpu.memory_space<vmem_shared>>
      %dma_wait3A_81 = arith.constant 0 : i32
      %dma_wait3A_82 = arith.constant 0 : i32
      %dma_wait3A_83 = tpu.memref_slice %arg8[%run_scoped3A_53, %dma_wait3A_81, %dma_wait3A_82] : memref<4x64x128xf32, #tpu.memory_space<vmem>> -> memref<1x64x128xf32, #tpu.memory_space<vmem>>
      %dma_wait3A_84 = tpu.memref_squeeze %dma_wait3A_83 : memref<1x64x128xf32, #tpu.memory_space<vmem>> -> memref<64x128xf32, #tpu.memory_space<vmem>>
      tpu.wait_dma2 semaphore(%run_scoped3A_62 : memref<!tpu.dma_semaphore, #tpu.memory_space<semaphore_mem>>) src(%dma_wait3A_84 : memref<64x128xf32, #tpu.memory_space<vmem>>) dst(%dma_wait3A_80 : memref<64x128xf32, #tpu.memory_space<vmem_shared>>)
      tpu.yield
    }) : () -> ()
    %barrier3A = arith.constant 0 : index
    tpu.barrier barrier_id(%barrier3A)
    %scan3A_54 = arith.constant 0 : i32
    %scan3A_55 = arith.constant 0 : i32
    %scan3A_56 = arith.constant 10 : i32
    %scan3A_57 = arith.addi %scan3A_55, %scan3A_56 : i32
    %scan3A_58 = arith.constant 1 : i32
    %scan3A_59 = scf.for %scan3A_62 = %scan3A_55 to %scan3A_57 step %scan3A_58 iter_args(%scan3A_63 = %scan3A_54) -> (i32)  : i32 {
      %mul3A_64 = arith.constant 32 : i32
      %mul3A_65 = arith.muli %scan3A_62, %mul3A_64 : i32
      "tpu.region"() ({
        %run_scoped3A_111 = tpu.sem_alloc : memref<!tpu.dma_semaphore, #tpu.memory_space<semaphore_mem>>
        %dma_start3A_112 = arith.constant 0 : i32
        %dma_start3A_113 = tpu.memref_slice %arg3[%arg0, %arg1, %mul3A_65, %dma_start3A_112] : memref<2x16x320x64xi32, #tpu.memory_space<hbm>> -> memref<1x1x32x64xi32, #tpu.memory_space<hbm>>
        %dma_start3A_114 = tpu.memref_squeeze %dma_start3A_113 : memref<1x1x32x64xi32, #tpu.memory_space<hbm>> -> memref<32x64xi32, #tpu.memory_space<hbm>>
        %dma_start3A_115 = arith.constant 0 : i32
        %dma_start3A_116 = tpu.memref_slice %arg3[%arg0, %arg1, %mul3A_65, %dma_start3A_115] : memref<2x16x320x64xi32, #tpu.memory_space<hbm>> -> memref<1x1x32x64xi32, #tpu.memory_space<hbm>>
        %dma_start3A_117 = tpu.memref_squeeze %dma_start3A_116 : memref<1x1x32x64xi32, #tpu.memory_space<hbm>> -> memref<32x64xi32, #tpu.memory_space<hbm>>
        tpu.enqueue_dma source(%dma_start3A_117 : memref<32x64xi32, #tpu.memory_space<hbm>>) target(%arg6 : memref<32x64xi32, #tpu.memory_space<vmem>>) target_semaphore(%run_scoped3A_111 : memref<!tpu.dma_semaphore, #tpu.memory_space<semaphore_mem>>)
        %dma_wait3A = arith.constant 0 : i32
        %dma_wait3A_118 = tpu.memref_slice %arg3[%arg0, %arg1, %mul3A_65, %dma_wait3A] : memref<2x16x320x64xi32, #tpu.memory_space<hbm>> -> memref<1x1x32x64xi32, #tpu.memory_space<hbm>>
        %dma_wait3A_119 = tpu.memref_squeeze %dma_wait3A_118 : memref<1x1x32x64xi32, #tpu.memory_space<hbm>> -> memref<32x64xi32, #tpu.memory_space<hbm>>
        %dma_wait3A_120 = arith.constant 0 : i32
        %dma_wait3A_121 = tpu.memref_slice %arg3[%arg0, %arg1, %mul3A_65, %dma_wait3A_120] : memref<2x16x320x64xi32, #tpu.memory_space<hbm>> -> memref<1x1x32x64xi32, #tpu.memory_space<hbm>>
        %dma_wait3A_122 = tpu.memref_squeeze %dma_wait3A_121 : memref<1x1x32x64xi32, #tpu.memory_space<hbm>> -> memref<32x64xi32, #tpu.memory_space<hbm>>
        tpu.wait_dma2 semaphore(%run_scoped3A_111 : memref<!tpu.dma_semaphore, #tpu.memory_space<semaphore_mem>>) src(%dma_wait3A_122 : memref<32x64xi32, #tpu.memory_space<hbm>>) dst(%arg6 : memref<32x64xi32, #tpu.memory_space<vmem>>)
        tpu.yield
      }) : () -> ()
      %mul3A_66 = arith.constant 32 : i32
      %mul3A_67 = arith.muli %scan3A_62, %mul3A_66 : i32
      "tpu.region"() ({
        %run_scoped3A_111 = tpu.sem_alloc : memref<!tpu.dma_semaphore, #tpu.memory_space<semaphore_mem>>
        %dma_start3A_112 = arith.constant 0 : i32
        %dma_start3A_113 = tpu.memref_slice %arg4[%arg1, %mul3A_67, %dma_start3A_112] : memref<16x320x64xi32, #tpu.memory_space<hbm>> -> memref<1x32x64xi32, #tpu.memory_space<hbm>>
        %dma_start3A_114 = tpu.memref_squeeze %dma_start3A_113 : memref<1x32x64xi32, #tpu.memory_space<hbm>> -> memref<32x64xi32, #tpu.memory_space<hbm>>
        %dma_start3A_115 = arith.constant 0 : i32
        %dma_start3A_116 = tpu.memref_slice %arg4[%arg1, %mul3A_67, %dma_start3A_115] : memref<16x320x64xi32, #tpu.memory_space<hbm>> -> memref<1x32x64xi32, #tpu.memory_space<hbm>>
        %dma_start3A_117 = tpu.memref_squeeze %dma_start3A_116 : memref<1x32x64xi32, #tpu.memory_space<hbm>> -> memref<32x64xi32, #tpu.memory_space<hbm>>
        tpu.enqueue_dma source(%dma_start3A_117 : memref<32x64xi32, #tpu.memory_space<hbm>>) target(%arg7 : memref<32x64xi32, #tpu.memory_space<vmem>>) target_semaphore(%run_scoped3A_111 : memref<!tpu.dma_semaphore, #tpu.memory_space<semaphore_mem>>)
        %dma_wait3A = arith.constant 0 : i32
        %dma_wait3A_118 = tpu.memref_slice %arg4[%arg1, %mul3A_67, %dma_wait3A] : memref<16x320x64xi32, #tpu.memory_space<hbm>> -> memref<1x32x64xi32, #tpu.memory_space<hbm>>
        %dma_wait3A_119 = tpu.memref_squeeze %dma_wait3A_118 : memref<1x32x64xi32, #tpu.memory_space<hbm>> -> memref<32x64xi32, #tpu.memory_space<hbm>>
        %dma_wait3A_120 = arith.constant 0 : i32
        %dma_wait3A_121 = tpu.memref_slice %arg4[%arg1, %mul3A_67, %dma_wait3A_120] : memref<16x320x64xi32, #tpu.memory_space<hbm>> -> memref<1x32x64xi32, #tpu.memory_space<hbm>>
        %dma_wait3A_122 = tpu.memref_squeeze %dma_wait3A_121 : memref<1x32x64xi32, #tpu.memory_space<hbm>> -> memref<32x64xi32, #tpu.memory_space<hbm>>
        tpu.wait_dma2 semaphore(%run_scoped3A_111 : memref<!tpu.dma_semaphore, #tpu.memory_space<semaphore_mem>>) src(%dma_wait3A_122 : memref<32x64xi32, #tpu.memory_space<hbm>>) dst(%arg7 : memref<32x64xi32, #tpu.memory_space<vmem>>)
        tpu.yield
      }) : () -> ()
      %dma_start3A = arith.constant 0 : i32
      %dma_start3A_68 = arith.constant 0 : i32
      %dma_start3A_69 = arith.constant 0 : i32
      %dma_start3A_70 = arith.constant 0 : i32
      %dma_start3A_71 = tpu.memref_slice %arg8[%dma_start3A_68, %dma_start3A_69, %dma_start3A_70] : memref<4x64x128xf32, #tpu.memory_space<vmem>> -> memref<1x64x128xf32, #tpu.memory_space<vmem>>
      %dma_start3A_72 = tpu.memref_squeeze %dma_start3A_71 : memref<1x64x128xf32, #tpu.memory_space<vmem>> -> memref<64x128xf32, #tpu.memory_space<vmem>>
      %dma_start3A_73 = arith.constant 0 : i32
      %dma_start3A_74 = tpu.memref_slice %arg6[%dma_start3A, %dma_start3A_73] : memref<32x64xi32, #tpu.memory_space<vmem>> -> memref<1x64xi32, #tpu.memory_space<vmem>>
      %dma_start3A_75 = tpu.memref_squeeze %dma_start3A_74 : memref<1x64xi32, #tpu.memory_space<vmem>> -> memref<64xi32, #tpu.memory_space<vmem>>
      %dma_start3A_76 = arith.constant 0 : i32
      %dma_start3A_77 = arith.constant 0 : i32
      %dma_start3A_78 = tpu.memref_slice %arg2[%dma_start3A_76, %dma_start3A_77] : memref<20480x128xf32, #tpu.memory_space<hbm>> -> memref<20480x128xf32, #tpu.memory_space<hbm>>
      tpu.enqueue_indirect_dma source(%dma_start3A_78 : memref<20480x128xf32, #tpu.memory_space<hbm>>) target(%dma_start3A_72 : memref<64x128xf32, #tpu.memory_space<vmem>>) offsets(%dma_start3A_75 : memref<64xi32, #tpu.memory_space<vmem>>) semaphore(%arg10 : memref<!tpu.dma_semaphore, #tpu.memory_space<semaphore_mem>>)
      %dma_start3A_79 = arith.constant 1 : i32
      %dma_start3A_80 = arith.constant 1 : i32
      %dma_start3A_81 = arith.constant 0 : i32
      %dma_start3A_82 = arith.constant 0 : i32
      %dma_start3A_83 = tpu.memref_slice %arg8[%dma_start3A_80, %dma_start3A_81, %dma_start3A_82] : memref<4x64x128xf32, #tpu.memory_space<vmem>> -> memref<1x64x128xf32, #tpu.memory_space<vmem>>
      %dma_start3A_84 = tpu.memref_squeeze %dma_start3A_83 : memref<1x64x128xf32, #tpu.memory_space<vmem>> -> memref<64x128xf32, #tpu.memory_space<vmem>>
      %dma_start3A_85 = arith.constant 0 : i32
      %dma_start3A_86 = tpu.memref_slice %arg6[%dma_start3A_79, %dma_start3A_85] : memref<32x64xi32, #tpu.memory_space<vmem>> -> memref<1x64xi32, #tpu.memory_space<vmem>>
      %dma_start3A_87 = tpu.memref_squeeze %dma_start3A_86 : memref<1x64xi32, #tpu.memory_space<vmem>> -> memref<64xi32, #tpu.memory_space<vmem>>
      %dma_start3A_88 = arith.constant 0 : i32
      %dma_start3A_89 = arith.constant 0 : i32
      %dma_start3A_90 = tpu.memref_slice %arg2[%dma_start3A_88, %dma_start3A_89] : memref<20480x128xf32, #tpu.memory_space<hbm>> -> memref<20480x128xf32, #tpu.memory_space<hbm>>
      tpu.enqueue_indirect_dma source(%dma_start3A_90 : memref<20480x128xf32, #tpu.memory_space<hbm>>) target(%dma_start3A_84 : memref<64x128xf32, #tpu.memory_space<vmem>>) offsets(%dma_start3A_87 : memref<64xi32, #tpu.memory_space<vmem>>) semaphore(%arg10 : memref<!tpu.dma_semaphore, #tpu.memory_space<semaphore_mem>>)
      %dma_start3A_91 = arith.constant 2 : i32
      %dma_start3A_92 = arith.constant 2 : i32
      %dma_start3A_93 = arith.constant 0 : i32
      %dma_start3A_94 = arith.constant 0 : i32
      %dma_start3A_95 = tpu.memref_slice %arg8[%dma_start3A_92, %dma_start3A_93, %dma_start3A_94] : memref<4x64x128xf32, #tpu.memory_space<vmem>> -> memref<1x64x128xf32, #tpu.memory_space<vmem>>
      %dma_start3A_96 = tpu.memref_squeeze %dma_start3A_95 : memref<1x64x128xf32, #tpu.memory_space<vmem>> -> memref<64x128xf32, #tpu.memory_space<vmem>>
      %dma_start3A_97 = arith.constant 0 : i32
      %dma_start3A_98 = tpu.memref_slice %arg6[%dma_start3A_91, %dma_start3A_97] : memref<32x64xi32, #tpu.memory_space<vmem>> -> memref<1x64xi32, #tpu.memory_space<vmem>>
      %dma_start3A_99 = tpu.memref_squeeze %dma_start3A_98 : memref<1x64xi32, #tpu.memory_space<vmem>> -> memref<64xi32, #tpu.memory_space<vmem>>
      %dma_start3A_100 = arith.constant 0 : i32
      %dma_start3A_101 = arith.constant 0 : i32
      %dma_start3A_102 = tpu.memref_slice %arg2[%dma_start3A_100, %dma_start3A_101] : memref<20480x128xf32, #tpu.memory_space<hbm>> -> memref<20480x128xf32, #tpu.memory_space<hbm>>
      tpu.enqueue_indirect_dma source(%dma_start3A_102 : memref<20480x128xf32, #tpu.memory_space<hbm>>) target(%dma_start3A_96 : memref<64x128xf32, #tpu.memory_space<vmem>>) offsets(%dma_start3A_99 : memref<64xi32, #tpu.memory_space<vmem>>) semaphore(%arg10 : memref<!tpu.dma_semaphore, #tpu.memory_space<semaphore_mem>>)
      %scan3A_103 = arith.constant 0 : i32
      %scan3A_104 = arith.constant 0 : i32
      %scan3A_105 = arith.constant 8 : i32
      %scan3A_106 = arith.addi %scan3A_104, %scan3A_105 : i32
      %scan3A_107 = arith.constant 1 : i32
      %scan3A_108 = scf.for %scan3A_111 = %scan3A_104 to %scan3A_106 step %scan3A_107 iter_args(%scan3A_112 = %scan3A_103) -> (i32)  : i32 {
        %mul3A_113 = arith.constant 4 : i32
        %mul3A_114 = arith.muli %scan3A_111, %mul3A_113 : i32
        %add3A_115 = arith.constant 0 : i32
        %add3A_116 = arith.addi %mul3A_114, %add3A_115 : i32
        %dma_wait3A = arith.constant 0 : i32
        %dma_wait3A_117 = arith.constant 0 : i32
        %dma_wait3A_118 = arith.constant 0 : i32
        %dma_wait3A_119 = arith.constant 0 : i32
        %dma_wait3A_120 = tpu.memref_slice %arg8[%dma_wait3A_117, %dma_wait3A_118, %dma_wait3A_119] : memref<4x64x128xf32, #tpu.memory_space<vmem>> -> memref<1x64x128xf32, #tpu.memory_space<vmem>>
        %dma_wait3A_121 = tpu.memref_squeeze %dma_wait3A_120 : memref<1x64x128xf32, #tpu.memory_space<vmem>> -> memref<64x128xf32, #tpu.memory_space<vmem>>
        %dma_wait3A_122 = arith.constant 0 : i32
        %dma_wait3A_123 = tpu.memref_slice %arg6[%dma_wait3A, %dma_wait3A_122] : memref<32x64xi32, #tpu.memory_space<vmem>> -> memref<1x64xi32, #tpu.memory_space<vmem>>
        %dma_wait3A_124 = tpu.memref_squeeze %dma_wait3A_123 : memref<1x64xi32, #tpu.memory_space<vmem>> -> memref<64xi32, #tpu.memory_space<vmem>>
        %dma_wait3A_125 = arith.constant 0 : i32
        %dma_wait3A_126 = arith.constant 0 : i32
        %dma_wait3A_127 = tpu.memref_slice %arg2[%dma_wait3A_125, %dma_wait3A_126] : memref<20480x128xf32, #tpu.memory_space<hbm>> -> memref<20480x128xf32, #tpu.memory_space<hbm>>
        tpu.wait_indirect_dma semaphore(%arg10 : memref<!tpu.dma_semaphore, #tpu.memory_space<semaphore_mem>>) src(%dma_wait3A_127 : memref<20480x128xf32, #tpu.memory_space<hbm>>) dst(%dma_wait3A_121 : memref<64x128xf32, #tpu.memory_space<vmem>>)
        %add3A_128 = arith.constant 4 : i32
        %add3A_129 = arith.addi %add3A_116, %add3A_128 : i32
        %sub3A = arith.constant 1 : i32
        %sub3A_130 = arith.subi %add3A_129, %sub3A : i32
        %lt3A = arith.constant 32 : i32
        %lt3A_131 = arith.cmpi slt, %sub3A_130, %lt3A : i32
        %convert_element_type3A = arith.extui %lt3A_131 : i1 to i32
        %cond3A = arith.constant 0 : i32
        %cond3A_132 = arith.cmpi ne, %convert_element_type3A, %cond3A : i32
        scf.if %cond3A_132 {
          %add3A_207 = arith.constant 4 : i32
          %add3A_208 = arith.addi %add3A_116, %add3A_207 : i32
          %sub3A_209 = arith.constant 1 : i32
          %sub3A_210 = arith.subi %add3A_208, %sub3A_209 : i32
          %dma_start3A_211 = arith.constant 3 : i32
          %dma_start3A_212 = arith.constant 0 : i32
          %dma_start3A_213 = arith.constant 0 : i32
          %dma_start3A_214 = tpu.memref_slice %arg8[%dma_start3A_211, %dma_start3A_212, %dma_start3A_213] : memref<4x64x128xf32, #tpu.memory_space<vmem>> -> memref<1x64x128xf32, #tpu.memory_space<vmem>>
          %dma_start3A_215 = tpu.memref_squeeze %dma_start3A_214 : memref<1x64x128xf32, #tpu.memory_space<vmem>> -> memref<64x128xf32, #tpu.memory_space<vmem>>
          %dma_start3A_216 = arith.constant 0 : i32
          %dma_start3A_217 = tpu.memref_slice %arg6[%sub3A_210, %dma_start3A_216] : memref<32x64xi32, #tpu.memory_space<vmem>> -> memref<1x64xi32, #tpu.memory_space<vmem>>
          %dma_start3A_218 = tpu.memref_squeeze %dma_start3A_217 : memref<1x64xi32, #tpu.memory_space<vmem>> -> memref<64xi32, #tpu.memory_space<vmem>>
          %dma_start3A_219 = arith.constant 0 : i32
          %dma_start3A_220 = arith.constant 0 : i32
          %dma_start3A_221 = tpu.memref_slice %arg2[%dma_start3A_219, %dma_start3A_220] : memref<20480x128xf32, #tpu.memory_space<hbm>> -> memref<20480x128xf32, #tpu.memory_space<hbm>>
          tpu.enqueue_indirect_dma source(%dma_start3A_221 : memref<20480x128xf32, #tpu.memory_space<hbm>>) target(%dma_start3A_215 : memref<64x128xf32, #tpu.memory_space<vmem>>) offsets(%dma_start3A_218 : memref<64xi32, #tpu.memory_space<vmem>>) semaphore(%arg10 : memref<!tpu.dma_semaphore, #tpu.memory_space<semaphore_mem>>)
        } else {
        }
        %run_scoped3A_133 = arith.constant 0 : i32
        "tpu.region"() ({
          %run_scoped3A_207 = tpu.sem_alloc : memref<!tpu.dma_semaphore, #tpu.memory_space<semaphore_mem>>
          %dma_start3A_208 = arith.constant 0 : i32
          %dma_start3A_209 = arith.constant 0 : i32
          %dma_start3A_210 = tpu.memref_slice %arg8[%run_scoped3A_133, %dma_start3A_208, %dma_start3A_209] : memref<4x64x128xf32, #tpu.memory_space<vmem>> -> memref<1x64x128xf32, #tpu.memory_space<vmem>>
          %dma_start3A_211 = tpu.memref_squeeze %dma_start3A_210 : memref<1x64x128xf32, #tpu.memory_space<vmem>> -> memref<64x128xf32, #tpu.memory_space<vmem>>
          %dma_start3A_212 = arith.constant 0 : i32
          %dma_start3A_213 = tpu.memref_slice %arg7[%add3A_116, %dma_start3A_212] : memref<32x64xi32, #tpu.memory_space<vmem>> -> memref<1x64xi32, #tpu.memory_space<vmem>>
          %dma_start3A_214 = tpu.memref_squeeze %dma_start3A_213 : memref<1x64xi32, #tpu.memory_space<vmem>> -> memref<64xi32, #tpu.memory_space<vmem>>
          %dma_start3A_215 = arith.constant 0 : i32
          %dma_start3A_216 = arith.constant 0 : i32
          %dma_start3A_217 = tpu.memref_slice %arg9[%dma_start3A_215, %dma_start3A_216] : memref<10240x128xf32, #tpu.memory_space<vmem_shared>> -> memref<10240x128xf32, #tpu.memory_space<vmem_shared>>
          tpu.enqueue_indirect_dma source(%dma_start3A_211 : memref<64x128xf32, #tpu.memory_space<vmem>>) target(%dma_start3A_217 : memref<10240x128xf32, #tpu.memory_space<vmem_shared>>) offsets(%dma_start3A_214 : memref<64xi32, #tpu.memory_space<vmem>>) semaphore(%run_scoped3A_207 : memref<!tpu.dma_semaphore, #tpu.memory_space<semaphore_mem>>) {add = true}
          %dma_wait3A_218 = arith.constant 0 : i32
          %dma_wait3A_219 = arith.constant 0 : i32
          %dma_wait3A_220 = tpu.memref_slice %arg8[%run_scoped3A_133, %dma_wait3A_218, %dma_wait3A_219] : memref<4x64x128xf32, #tpu.memory_space<vmem>> -> memref<1x64x128xf32, #tpu.memory_space<vmem>>
          %dma_wait3A_221 = tpu.memref_squeeze %dma_wait3A_220 : memref<1x64x128xf32, #tpu.memory_space<vmem>> -> memref<64x128xf32, #tpu.memory_space<vmem>>
          %dma_wait3A_222 = arith.constant 0 : i32
          %dma_wait3A_223 = tpu.memref_slice %arg7[%add3A_116, %dma_wait3A_222] : memref<32x64xi32, #tpu.memory_space<vmem>> -> memref<1x64xi32, #tpu.memory_space<vmem>>
          %dma_wait3A_224 = tpu.memref_squeeze %dma_wait3A_223 : memref<1x64xi32, #tpu.memory_space<vmem>> -> memref<64xi32, #tpu.memory_space<vmem>>
          %dma_wait3A_225 = arith.constant 0 : i32
          %dma_wait3A_226 = arith.constant 0 : i32
          %dma_wait3A_227 = tpu.memref_slice %arg9[%dma_wait3A_225, %dma_wait3A_226] : memref<10240x128xf32, #tpu.memory_space<vmem_shared>> -> memref<10240x128xf32, #tpu.memory_space<vmem_shared>>
          tpu.wait_indirect_dma semaphore(%run_scoped3A_207 : memref<!tpu.dma_semaphore, #tpu.memory_space<semaphore_mem>>) src(%dma_wait3A_221 : memref<64x128xf32, #tpu.memory_space<vmem>>) dst(%dma_wait3A_227 : memref<10240x128xf32, #tpu.memory_space<vmem_shared>>)
          tpu.yield
        }) : () -> ()
        %add3A_134 = arith.constant 1 : i32
        %add3A_135 = arith.addi %mul3A_114, %add3A_134 : i32
        %dma_wait3A_136 = arith.constant 0 : i32
        %dma_wait3A_137 = arith.constant 1 : i32
        %dma_wait3A_138 = arith.constant 0 : i32
        %dma_wait3A_139 = arith.constant 0 : i32
        %dma_wait3A_140 = tpu.memref_slice %arg8[%dma_wait3A_137, %dma_wait3A_138, %dma_wait3A_139] : memref<4x64x128xf32, #tpu.memory_space<vmem>> -> memref<1x64x128xf32, #tpu.memory_space<vmem>>
        %dma_wait3A_141 = tpu.memref_squeeze %dma_wait3A_140 : memref<1x64x128xf32, #tpu.memory_space<vmem>> -> memref<64x128xf32, #tpu.memory_space<vmem>>
        %dma_wait3A_142 = arith.constant 0 : i32
        %dma_wait3A_143 = tpu.memref_slice %arg6[%dma_wait3A_136, %dma_wait3A_142] : memref<32x64xi32, #tpu.memory_space<vmem>> -> memref<1x64xi32, #tpu.memory_space<vmem>>
        %dma_wait3A_144 = tpu.memref_squeeze %dma_wait3A_143 : memref<1x64xi32, #tpu.memory_space<vmem>> -> memref<64xi32, #tpu.memory_space<vmem>>
        %dma_wait3A_145 = arith.constant 0 : i32
        %dma_wait3A_146 = arith.constant 0 : i32
        %dma_wait3A_147 = tpu.memref_slice %arg2[%dma_wait3A_145, %dma_wait3A_146] : memref<20480x128xf32, #tpu.memory_space<hbm>> -> memref<20480x128xf32, #tpu.memory_space<hbm>>
        tpu.wait_indirect_dma semaphore(%arg10 : memref<!tpu.dma_semaphore, #tpu.memory_space<semaphore_mem>>) src(%dma_wait3A_147 : memref<20480x128xf32, #tpu.memory_space<hbm>>) dst(%dma_wait3A_141 : memref<64x128xf32, #tpu.memory_space<vmem>>)
        %add3A_148 = arith.constant 4 : i32
        %add3A_149 = arith.addi %add3A_135, %add3A_148 : i32
        %sub3A_150 = arith.constant 1 : i32
        %sub3A_151 = arith.subi %add3A_149, %sub3A_150 : i32
        %lt3A_152 = arith.constant 32 : i32
        %lt3A_153 = arith.cmpi slt, %sub3A_151, %lt3A_152 : i32
        %convert_element_type3A_154 = arith.extui %lt3A_153 : i1 to i32
        %cond3A_155 = arith.constant 0 : i32
        %cond3A_156 = arith.cmpi ne, %convert_element_type3A_154, %cond3A_155 : i32
        scf.if %cond3A_156 {
          %add3A_207 = arith.constant 4 : i32
          %add3A_208 = arith.addi %add3A_135, %add3A_207 : i32
          %sub3A_209 = arith.constant 1 : i32
          %sub3A_210 = arith.subi %add3A_208, %sub3A_209 : i32
          %dma_start3A_211 = arith.constant 0 : i32
          %dma_start3A_212 = arith.constant 0 : i32
          %dma_start3A_213 = arith.constant 0 : i32
          %dma_start3A_214 = tpu.memref_slice %arg8[%dma_start3A_211, %dma_start3A_212, %dma_start3A_213] : memref<4x64x128xf32, #tpu.memory_space<vmem>> -> memref<1x64x128xf32, #tpu.memory_space<vmem>>
          %dma_start3A_215 = tpu.memref_squeeze %dma_start3A_214 : memref<1x64x128xf32, #tpu.memory_space<vmem>> -> memref<64x128xf32, #tpu.memory_space<vmem>>
          %dma_start3A_216 = arith.constant 0 : i32
          %dma_start3A_217 = tpu.memref_slice %arg6[%sub3A_210, %dma_start3A_216] : memref<32x64xi32, #tpu.memory_space<vmem>> -> memref<1x64xi32, #tpu.memory_space<vmem>>
          %dma_start3A_218 = tpu.memref_squeeze %dma_start3A_217 : memref<1x64xi32, #tpu.memory_space<vmem>> -> memref<64xi32, #tpu.memory_space<vmem>>
          %dma_start3A_219 = arith.constant 0 : i32
          %dma_start3A_220 = arith.constant 0 : i32
          %dma_start3A_221 = tpu.memref_slice %arg2[%dma_start3A_219, %dma_start3A_220] : memref<20480x128xf32, #tpu.memory_space<hbm>> -> memref<20480x128xf32, #tpu.memory_space<hbm>>
          tpu.enqueue_indirect_dma source(%dma_start3A_221 : memref<20480x128xf32, #tpu.memory_space<hbm>>) target(%dma_start3A_215 : memref<64x128xf32, #tpu.memory_space<vmem>>) offsets(%dma_start3A_218 : memref<64xi32, #tpu.memory_space<vmem>>) semaphore(%arg10 : memref<!tpu.dma_semaphore, #tpu.memory_space<semaphore_mem>>)
        } else {
        }
        %run_scoped3A_157 = arith.constant 1 : i32
        "tpu.region"() ({
          %run_scoped3A_207 = tpu.sem_alloc : memref<!tpu.dma_semaphore, #tpu.memory_space<semaphore_mem>>
          %dma_start3A_208 = arith.constant 0 : i32
          %dma_start3A_209 = arith.constant 0 : i32
          %dma_start3A_210 = tpu.memref_slice %arg8[%run_scoped3A_157, %dma_start3A_208, %dma_start3A_209] : memref<4x64x128xf32, #tpu.memory_space<vmem>> -> memref<1x64x128xf32, #tpu.memory_space<vmem>>
          %dma_start3A_211 = tpu.memref_squeeze %dma_start3A_210 : memref<1x64x128xf32, #tpu.memory_space<vmem>> -> memref<64x128xf32, #tpu.memory_space<vmem>>
          %dma_start3A_212 = arith.constant 0 : i32
          %dma_start3A_213 = tpu.memref_slice %arg7[%add3A_135, %dma_start3A_212] : memref<32x64xi32, #tpu.memory_space<vmem>> -> memref<1x64xi32, #tpu.memory_space<vmem>>
          %dma_start3A_214 = tpu.memref_squeeze %dma_start3A_213 : memref<1x64xi32, #tpu.memory_space<vmem>> -> memref<64xi32, #tpu.memory_space<vmem>>
          %dma_start3A_215 = arith.constant 0 : i32
          %dma_start3A_216 = arith.constant 0 : i32
          %dma_start3A_217 = tpu.memref_slice %arg9[%dma_start3A_215, %dma_start3A_216] : memref<10240x128xf32, #tpu.memory_space<vmem_shared>> -> memref<10240x128xf32, #tpu.memory_space<vmem_shared>>
          tpu.enqueue_indirect_dma source(%dma_start3A_211 : memref<64x128xf32, #tpu.memory_space<vmem>>) target(%dma_start3A_217 : memref<10240x128xf32, #tpu.memory_space<vmem_shared>>) offsets(%dma_start3A_214 : memref<64xi32, #tpu.memory_space<vmem>>) semaphore(%run_scoped3A_207 : memref<!tpu.dma_semaphore, #tpu.memory_space<semaphore_mem>>) {add = true}
          %dma_wait3A_218 = arith.constant 0 : i32
          %dma_wait3A_219 = arith.constant 0 : i32
          %dma_wait3A_220 = tpu.memref_slice %arg8[%run_scoped3A_157, %dma_wait3A_218, %dma_wait3A_219] : memref<4x64x128xf32, #tpu.memory_space<vmem>> -> memref<1x64x128xf32, #tpu.memory_space<vmem>>
          %dma_wait3A_221 = tpu.memref_squeeze %dma_wait3A_220 : memref<1x64x128xf32, #tpu.memory_space<vmem>> -> memref<64x128xf32, #tpu.memory_space<vmem>>
          %dma_wait3A_222 = arith.constant 0 : i32
          %dma_wait3A_223 = tpu.memref_slice %arg7[%add3A_135, %dma_wait3A_222] : memref<32x64xi32, #tpu.memory_space<vmem>> -> memref<1x64xi32, #tpu.memory_space<vmem>>
          %dma_wait3A_224 = tpu.memref_squeeze %dma_wait3A_223 : memref<1x64xi32, #tpu.memory_space<vmem>> -> memref<64xi32, #tpu.memory_space<vmem>>
          %dma_wait3A_225 = arith.constant 0 : i32
          %dma_wait3A_226 = arith.constant 0 : i32
          %dma_wait3A_227 = tpu.memref_slice %arg9[%dma_wait3A_225, %dma_wait3A_226] : memref<10240x128xf32, #tpu.memory_space<vmem_shared>> -> memref<10240x128xf32, #tpu.memory_space<vmem_shared>>
          tpu.wait_indirect_dma semaphore(%run_scoped3A_207 : memref<!tpu.dma_semaphore, #tpu.memory_space<semaphore_mem>>) src(%dma_wait3A_221 : memref<64x128xf32, #tpu.memory_space<vmem>>) dst(%dma_wait3A_227 : memref<10240x128xf32, #tpu.memory_space<vmem_shared>>)
          tpu.yield
        }) : () -> ()
        %add3A_158 = arith.constant 2 : i32
        %add3A_159 = arith.addi %mul3A_114, %add3A_158 : i32
        %dma_wait3A_160 = arith.constant 0 : i32
        %dma_wait3A_161 = arith.constant 2 : i32
        %dma_wait3A_162 = arith.constant 0 : i32
        %dma_wait3A_163 = arith.constant 0 : i32
        %dma_wait3A_164 = tpu.memref_slice %arg8[%dma_wait3A_161, %dma_wait3A_162, %dma_wait3A_163] : memref<4x64x128xf32, #tpu.memory_space<vmem>> -> memref<1x64x128xf32, #tpu.memory_space<vmem>>
        %dma_wait3A_165 = tpu.memref_squeeze %dma_wait3A_164 : memref<1x64x128xf32, #tpu.memory_space<vmem>> -> memref<64x128xf32, #tpu.memory_space<vmem>>
        %dma_wait3A_166 = arith.constant 0 : i32
        %dma_wait3A_167 = tpu.memref_slice %arg6[%dma_wait3A_160, %dma_wait3A_166] : memref<32x64xi32, #tpu.memory_space<vmem>> -> memref<1x64xi32, #tpu.memory_space<vmem>>
        %dma_wait3A_168 = tpu.memref_squeeze %dma_wait3A_167 : memref<1x64xi32, #tpu.memory_space<vmem>> -> memref<64xi32, #tpu.memory_space<vmem>>
        %dma_wait3A_169 = arith.constant 0 : i32
        %dma_wait3A_170 = arith.constant 0 : i32
        %dma_wait3A_171 = tpu.memref_slice %arg2[%dma_wait3A_169, %dma_wait3A_170] : memref<20480x128xf32, #tpu.memory_space<hbm>> -> memref<20480x128xf32, #tpu.memory_space<hbm>>
        tpu.wait_indirect_dma semaphore(%arg10 : memref<!tpu.dma_semaphore, #tpu.memory_space<semaphore_mem>>) src(%dma_wait3A_171 : memref<20480x128xf32, #tpu.memory_space<hbm>>) dst(%dma_wait3A_165 : memref<64x128xf32, #tpu.memory_space<vmem>>)
        %add3A_172 = arith.constant 4 : i32
        %add3A_173 = arith.addi %add3A_159, %add3A_172 : i32
        %sub3A_174 = arith.constant 1 : i32
        %sub3A_175 = arith.subi %add3A_173, %sub3A_174 : i32
        %lt3A_176 = arith.constant 32 : i32
        %lt3A_177 = arith.cmpi slt, %sub3A_175, %lt3A_176 : i32
        %convert_element_type3A_178 = arith.extui %lt3A_177 : i1 to i32
        %cond3A_179 = arith.constant 0 : i32
        %cond3A_180 = arith.cmpi ne, %convert_element_type3A_178, %cond3A_179 : i32
        scf.if %cond3A_180 {
          %add3A_207 = arith.constant 4 : i32
          %add3A_208 = arith.addi %add3A_159, %add3A_207 : i32
          %sub3A_209 = arith.constant 1 : i32
          %sub3A_210 = arith.subi %add3A_208, %sub3A_209 : i32
          %dma_start3A_211 = arith.constant 1 : i32
          %dma_start3A_212 = arith.constant 0 : i32
          %dma_start3A_213 = arith.constant 0 : i32
          %dma_start3A_214 = tpu.memref_slice %arg8[%dma_start3A_211, %dma_start3A_212, %dma_start3A_213] : memref<4x64x128xf32, #tpu.memory_space<vmem>> -> memref<1x64x128xf32, #tpu.memory_space<vmem>>
          %dma_start3A_215 = tpu.memref_squeeze %dma_start3A_214 : memref<1x64x128xf32, #tpu.memory_space<vmem>> -> memref<64x128xf32, #tpu.memory_space<vmem>>
          %dma_start3A_216 = arith.constant 0 : i32
          %dma_start3A_217 = tpu.memref_slice %arg6[%sub3A_210, %dma_start3A_216] : memref<32x64xi32, #tpu.memory_space<vmem>> -> memref<1x64xi32, #tpu.memory_space<vmem>>
          %dma_start3A_218 = tpu.memref_squeeze %dma_start3A_217 : memref<1x64xi32, #tpu.memory_space<vmem>> -> memref<64xi32, #tpu.memory_space<vmem>>
          %dma_start3A_219 = arith.constant 0 : i32
          %dma_start3A_220 = arith.constant 0 : i32
          %dma_start3A_221 = tpu.memref_slice %arg2[%dma_start3A_219, %dma_start3A_220] : memref<20480x128xf32, #tpu.memory_space<hbm>> -> memref<20480x128xf32, #tpu.memory_space<hbm>>
          tpu.enqueue_indirect_dma source(%dma_start3A_221 : memref<20480x128xf32, #tpu.memory_space<hbm>>) target(%dma_start3A_215 : memref<64x128xf32, #tpu.memory_space<vmem>>) offsets(%dma_start3A_218 : memref<64xi32, #tpu.memory_space<vmem>>) semaphore(%arg10 : memref<!tpu.dma_semaphore, #tpu.memory_space<semaphore_mem>>)
        } else {
        }
        %run_scoped3A_181 = arith.constant 2 : i32
        "tpu.region"() ({
          %run_scoped3A_207 = tpu.sem_alloc : memref<!tpu.dma_semaphore, #tpu.memory_space<semaphore_mem>>
          %dma_start3A_208 = arith.constant 0 : i32
          %dma_start3A_209 = arith.constant 0 : i32
          %dma_start3A_210 = tpu.memref_slice %arg8[%run_scoped3A_181, %dma_start3A_208, %dma_start3A_209] : memref<4x64x128xf32, #tpu.memory_space<vmem>> -> memref<1x64x128xf32, #tpu.memory_space<vmem>>
          %dma_start3A_211 = tpu.memref_squeeze %dma_start3A_210 : memref<1x64x128xf32, #tpu.memory_space<vmem>> -> memref<64x128xf32, #tpu.memory_space<vmem>>
          %dma_start3A_212 = arith.constant 0 : i32
          %dma_start3A_213 = tpu.memref_slice %arg7[%add3A_159, %dma_start3A_212] : memref<32x64xi32, #tpu.memory_space<vmem>> -> memref<1x64xi32, #tpu.memory_space<vmem>>
          %dma_start3A_214 = tpu.memref_squeeze %dma_start3A_213 : memref<1x64xi32, #tpu.memory_space<vmem>> -> memref<64xi32, #tpu.memory_space<vmem>>
          %dma_start3A_215 = arith.constant 0 : i32
          %dma_start3A_216 = arith.constant 0 : i32
          %dma_start3A_217 = tpu.memref_slice %arg9[%dma_start3A_215, %dma_start3A_216] : memref<10240x128xf32, #tpu.memory_space<vmem_shared>> -> memref<10240x128xf32, #tpu.memory_space<vmem_shared>>
          tpu.enqueue_indirect_dma source(%dma_start3A_211 : memref<64x128xf32, #tpu.memory_space<vmem>>) target(%dma_start3A_217 : memref<10240x128xf32, #tpu.memory_space<vmem_shared>>) offsets(%dma_start3A_214 : memref<64xi32, #tpu.memory_space<vmem>>) semaphore(%run_scoped3A_207 : memref<!tpu.dma_semaphore, #tpu.memory_space<semaphore_mem>>) {add = true}
          %dma_wait3A_218 = arith.constant 0 : i32
          %dma_wait3A_219 = arith.constant 0 : i32
          %dma_wait3A_220 = tpu.memref_slice %arg8[%run_scoped3A_181, %dma_wait3A_218, %dma_wait3A_219] : memref<4x64x128xf32, #tpu.memory_space<vmem>> -> memref<1x64x128xf32, #tpu.memory_space<vmem>>
          %dma_wait3A_221 = tpu.memref_squeeze %dma_wait3A_220 : memref<1x64x128xf32, #tpu.memory_space<vmem>> -> memref<64x128xf32, #tpu.memory_space<vmem>>
          %dma_wait3A_222 = arith.constant 0 : i32
          %dma_wait3A_223 = tpu.memref_slice %arg7[%add3A_159, %dma_wait3A_222] : memref<32x64xi32, #tpu.memory_space<vmem>> -> memref<1x64xi32, #tpu.memory_space<vmem>>
          %dma_wait3A_224 = tpu.memref_squeeze %dma_wait3A_223 : memref<1x64xi32, #tpu.memory_space<vmem>> -> memref<64xi32, #tpu.memory_space<vmem>>
          %dma_wait3A_225 = arith.constant 0 : i32
          %dma_wait3A_226 = arith.constant 0 : i32
          %dma_wait3A_227 = tpu.memref_slice %arg9[%dma_wait3A_225, %dma_wait3A_226] : memref<10240x128xf32, #tpu.memory_space<vmem_shared>> -> memref<10240x128xf32, #tpu.memory_space<vmem_shared>>
          tpu.wait_indirect_dma semaphore(%run_scoped3A_207 : memref<!tpu.dma_semaphore, #tpu.memory_space<semaphore_mem>>) src(%dma_wait3A_221 : memref<64x128xf32, #tpu.memory_space<vmem>>) dst(%dma_wait3A_227 : memref<10240x128xf32, #tpu.memory_space<vmem_shared>>)
          tpu.yield
        }) : () -> ()
        %add3A_182 = arith.constant 3 : i32
        %add3A_183 = arith.addi %mul3A_114, %add3A_182 : i32
        %dma_wait3A_184 = arith.constant 0 : i32
        %dma_wait3A_185 = arith.constant 3 : i32
        %dma_wait3A_186 = arith.constant 0 : i32
        %dma_wait3A_187 = arith.constant 0 : i32
        %dma_wait3A_188 = tpu.memref_slice %arg8[%dma_wait3A_185, %dma_wait3A_186, %dma_wait3A_187] : memref<4x64x128xf32, #tpu.memory_space<vmem>> -> memref<1x64x128xf32, #tpu.memory_space<vmem>>
        %dma_wait3A_189 = tpu.memref_squeeze %dma_wait3A_188 : memref<1x64x128xf32, #tpu.memory_space<vmem>> -> memref<64x128xf32, #tpu.memory_space<vmem>>
        %dma_wait3A_190 = arith.constant 0 : i32
        %dma_wait3A_191 = tpu.memref_slice %arg6[%dma_wait3A_184, %dma_wait3A_190] : memref<32x64xi32, #tpu.memory_space<vmem>> -> memref<1x64xi32, #tpu.memory_space<vmem>>
        %dma_wait3A_192 = tpu.memref_squeeze %dma_wait3A_191 : memref<1x64xi32, #tpu.memory_space<vmem>> -> memref<64xi32, #tpu.memory_space<vmem>>
        %dma_wait3A_193 = arith.constant 0 : i32
        %dma_wait3A_194 = arith.constant 0 : i32
        %dma_wait3A_195 = tpu.memref_slice %arg2[%dma_wait3A_193, %dma_wait3A_194] : memref<20480x128xf32, #tpu.memory_space<hbm>> -> memref<20480x128xf32, #tpu.memory_space<hbm>>
        tpu.wait_indirect_dma semaphore(%arg10 : memref<!tpu.dma_semaphore, #tpu.memory_space<semaphore_mem>>) src(%dma_wait3A_195 : memref<20480x128xf32, #tpu.memory_space<hbm>>) dst(%dma_wait3A_189 : memref<64x128xf32, #tpu.memory_space<vmem>>)
        %add3A_196 = arith.constant 4 : i32
        %add3A_197 = arith.addi %add3A_183, %add3A_196 : i32
        %sub3A_198 = arith.constant 1 : i32
        %sub3A_199 = arith.subi %add3A_197, %sub3A_198 : i32
        %lt3A_200 = arith.constant 32 : i32
        %lt3A_201 = arith.cmpi slt, %sub3A_199, %lt3A_200 : i32
        %convert_element_type3A_202 = arith.extui %lt3A_201 : i1 to i32
        %cond3A_203 = arith.constant 0 : i32
        %cond3A_204 = arith.cmpi ne, %convert_element_type3A_202, %cond3A_203 : i32
        scf.if %cond3A_204 {
          %add3A_207 = arith.constant 4 : i32
          %add3A_208 = arith.addi %add3A_183, %add3A_207 : i32
          %sub3A_209 = arith.constant 1 : i32
          %sub3A_210 = arith.subi %add3A_208, %sub3A_209 : i32
          %dma_start3A_211 = arith.constant 2 : i32
          %dma_start3A_212 = arith.constant 0 : i32
          %dma_start3A_213 = arith.constant 0 : i32
          %dma_start3A_214 = tpu.memref_slice %arg8[%dma_start3A_211, %dma_start3A_212, %dma_start3A_213] : memref<4x64x128xf32, #tpu.memory_space<vmem>> -> memref<1x64x128xf32, #tpu.memory_space<vmem>>
          %dma_start3A_215 = tpu.memref_squeeze %dma_start3A_214 : memref<1x64x128xf32, #tpu.memory_space<vmem>> -> memref<64x128xf32, #tpu.memory_space<vmem>>
          %dma_start3A_216 = arith.constant 0 : i32
          %dma_start3A_217 = tpu.memref_slice %arg6[%sub3A_210, %dma_start3A_216] : memref<32x64xi32, #tpu.memory_space<vmem>> -> memref<1x64xi32, #tpu.memory_space<vmem>>
          %dma_start3A_218 = tpu.memref_squeeze %dma_start3A_217 : memref<1x64xi32, #tpu.memory_space<vmem>> -> memref<64xi32, #tpu.memory_space<vmem>>
          %dma_start3A_219 = arith.constant 0 : i32
          %dma_start3A_220 = arith.constant 0 : i32
          %dma_start3A_221 = tpu.memref_slice %arg2[%dma_start3A_219, %dma_start3A_220] : memref<20480x128xf32, #tpu.memory_space<hbm>> -> memref<20480x128xf32, #tpu.memory_space<hbm>>
          tpu.enqueue_indirect_dma source(%dma_start3A_221 : memref<20480x128xf32, #tpu.memory_space<hbm>>) target(%dma_start3A_215 : memref<64x128xf32, #tpu.memory_space<vmem>>) offsets(%dma_start3A_218 : memref<64xi32, #tpu.memory_space<vmem>>) semaphore(%arg10 : memref<!tpu.dma_semaphore, #tpu.memory_space<semaphore_mem>>)
        } else {
        }
        %run_scoped3A_205 = arith.constant 3 : i32
        "tpu.region"() ({
          %run_scoped3A_207 = tpu.sem_alloc : memref<!tpu.dma_semaphore, #tpu.memory_space<semaphore_mem>>
          %dma_start3A_208 = arith.constant 0 : i32
          %dma_start3A_209 = arith.constant 0 : i32
          %dma_start3A_210 = tpu.memref_slice %arg8[%run_scoped3A_205, %dma_start3A_208, %dma_start3A_209] : memref<4x64x128xf32, #tpu.memory_space<vmem>> -> memref<1x64x128xf32, #tpu.memory_space<vmem>>
          %dma_start3A_211 = tpu.memref_squeeze %dma_start3A_210 : memref<1x64x128xf32, #tpu.memory_space<vmem>> -> memref<64x128xf32, #tpu.memory_space<vmem>>
          %dma_start3A_212 = arith.constant 0 : i32
          %dma_start3A_213 = tpu.memref_slice %arg7[%add3A_183, %dma_start3A_212] : memref<32x64xi32, #tpu.memory_space<vmem>> -> memref<1x64xi32, #tpu.memory_space<vmem>>
          %dma_start3A_214 = tpu.memref_squeeze %dma_start3A_213 : memref<1x64xi32, #tpu.memory_space<vmem>> -> memref<64xi32, #tpu.memory_space<vmem>>
          %dma_start3A_215 = arith.constant 0 : i32
          %dma_start3A_216 = arith.constant 0 : i32
          %dma_start3A_217 = tpu.memref_slice %arg9[%dma_start3A_215, %dma_start3A_216] : memref<10240x128xf32, #tpu.memory_space<vmem_shared>> -> memref<10240x128xf32, #tpu.memory_space<vmem_shared>>
          tpu.enqueue_indirect_dma source(%dma_start3A_211 : memref<64x128xf32, #tpu.memory_space<vmem>>) target(%dma_start3A_217 : memref<10240x128xf32, #tpu.memory_space<vmem_shared>>) offsets(%dma_start3A_214 : memref<64xi32, #tpu.memory_space<vmem>>) semaphore(%run_scoped3A_207 : memref<!tpu.dma_semaphore, #tpu.memory_space<semaphore_mem>>) {add = true}
          %dma_wait3A_218 = arith.constant 0 : i32
          %dma_wait3A_219 = arith.constant 0 : i32
          %dma_wait3A_220 = tpu.memref_slice %arg8[%run_scoped3A_205, %dma_wait3A_218, %dma_wait3A_219] : memref<4x64x128xf32, #tpu.memory_space<vmem>> -> memref<1x64x128xf32, #tpu.memory_space<vmem>>
          %dma_wait3A_221 = tpu.memref_squeeze %dma_wait3A_220 : memref<1x64x128xf32, #tpu.memory_space<vmem>> -> memref<64x128xf32, #tpu.memory_space<vmem>>
          %dma_wait3A_222 = arith.constant 0 : i32
          %dma_wait3A_223 = tpu.memref_slice %arg7[%add3A_183, %dma_wait3A_222] : memref<32x64xi32, #tpu.memory_space<vmem>> -> memref<1x64xi32, #tpu.memory_space<vmem>>
          %dma_wait3A_224 = tpu.memref_squeeze %dma_wait3A_223 : memref<1x64xi32, #tpu.memory_space<vmem>> -> memref<64xi32, #tpu.memory_space<vmem>>
          %dma_wait3A_225 = arith.constant 0 : i32
          %dma_wait3A_226 = arith.constant 0 : i32
          %dma_wait3A_227 = tpu.memref_slice %arg9[%dma_wait3A_225, %dma_wait3A_226] : memref<10240x128xf32, #tpu.memory_space<vmem_shared>> -> memref<10240x128xf32, #tpu.memory_space<vmem_shared>>
          tpu.wait_indirect_dma semaphore(%run_scoped3A_207 : memref<!tpu.dma_semaphore, #tpu.memory_space<semaphore_mem>>) src(%dma_wait3A_221 : memref<64x128xf32, #tpu.memory_space<vmem>>) dst(%dma_wait3A_227 : memref<10240x128xf32, #tpu.memory_space<vmem_shared>>)
          tpu.yield
        }) : () -> ()
        %scan3A_206 = arith.constant 0 : i32
        scf.yield %scan3A_206 : i32
      }
      %scan3A_109 = arith.constant 8 : i32
      %scan3A_110 = arith.constant 0 : i32
      scf.yield %scan3A_110 : i32
    }
    %scan3A_60 = arith.constant 10 : i32
    %barrier3A_61 = arith.constant 0 : index
    tpu.barrier barrier_id(%barrier3A_61)
    "tpu.region"() ({
      %run_scoped3A_62 = tpu.sem_alloc : memref<!tpu.dma_semaphore, #tpu.memory_space<semaphore_mem>>
      %dma_start3A = arith.constant 0 : i32
      %dma_start3A_63 = tpu.memref_slice %arg5[%arg0, %mul3A_0, %dma_start3A] : memref<2x10240x128xf32, #tpu.memory_space<hbm>> -> memref<1x640x128xf32, #tpu.memory_space<hbm>>
      %dma_start3A_64 = tpu.memref_squeeze %dma_start3A_63 : memref<1x640x128xf32, #tpu.memory_space<hbm>> -> memref<640x128xf32, #tpu.memory_space<hbm>>
      %dma_start3A_65 = arith.constant 0 : i32
      %dma_start3A_66 = tpu.memref_slice %arg9[%mul3A_0, %dma_start3A_65] : memref<10240x128xf32, #tpu.memory_space<vmem_shared>> -> memref<640x128xf32, #tpu.memory_space<vmem_shared>>
      tpu.enqueue_dma source(%dma_start3A_66 : memref<640x128xf32, #tpu.memory_space<vmem_shared>>) target(%dma_start3A_64 : memref<640x128xf32, #tpu.memory_space<hbm>>) target_semaphore(%run_scoped3A_62 : memref<!tpu.dma_semaphore, #tpu.memory_space<semaphore_mem>>)
      %dma_wait3A = arith.constant 0 : i32
      %dma_wait3A_67 = tpu.memref_slice %arg5[%arg0, %mul3A_0, %dma_wait3A] : memref<2x10240x128xf32, #tpu.memory_space<hbm>> -> memref<1x640x128xf32, #tpu.memory_space<hbm>>
      %dma_wait3A_68 = tpu.memref_squeeze %dma_wait3A_67 : memref<1x640x128xf32, #tpu.memory_space<hbm>> -> memref<640x128xf32, #tpu.memory_space<hbm>>
      %dma_wait3A_69 = arith.constant 0 : i32
      %dma_wait3A_70 = tpu.memref_slice %arg9[%mul3A_0, %dma_wait3A_69] : memref<10240x128xf32, #tpu.memory_space<vmem_shared>> -> memref<640x128xf32, #tpu.memory_space<vmem_shared>>
      tpu.wait_dma2 semaphore(%run_scoped3A_62 : memref<!tpu.dma_semaphore, #tpu.memory_space<semaphore_mem>>) src(%dma_wait3A_70 : memref<640x128xf32, #tpu.memory_space<vmem_shared>>) dst(%dma_wait3A_68 : memref<640x128xf32, #tpu.memory_space<hbm>>)
      tpu.yield
    }) : () -> ()
    return
  }
}

#map = affine_map<(d0, d1) -> (0, 0)>
#map1 = affine_map<(d0, d1) -> (0, 0, 0, 0)>
#map2 = affine_map<(d0, d1) -> (0, 0, 0)>
module attributes {stable_mosaic.version = 14 : i64} {
  func.func @_sc_agg_body(%arg0: i32, %arg1: i32, %arg2: memref<20480x128xf32, #tpu.memory_space<hbm>>, %arg3: memref<2x16x320x64xi32, #tpu.memory_space<hbm>>, %arg4: memref<16x320x64xi32, #tpu.memory_space<hbm>>, %arg5: memref<2x10240x128xf32, #tpu.memory_space<hbm>>, %arg6: memref<32x64xi32, #tpu.memory_space<vmem>>, %arg7: memref<32x64xi32, #tpu.memory_space<vmem>>, %arg8: memref<4x64x128xf32, #tpu.memory_space<vmem>>, %arg9: memref<10240x128xf32, #tpu.memory_space<vmem_shared>>, %arg10: memref<!tpu.dma_semaphore, #tpu.memory_space<semaphore_mem>>) attributes {dimension_semantics = [#tpu.dimension_semantics<core_parallel>, #tpu.dimension_semantics<subcore_parallel>], iteration_bounds = array<i64: 2, 16>, scalar_prefetch = 0 : i64, scratch_operands = 5 : i64, tpu.core_type = #tpu.core_type<sc_vector_subcore>, window_params = [{transform_indices = #map}, {transform_indices = #map1}, {transform_indices = #map2}, {transform_indices = #map2}]} {
    %mul3A = arith.constant 640 : i32
    %mul3A_0 = arith.muli %arg1, %mul3A : i32
    %scan3A = arith.constant 0 : i32
    %scan3A_1 = arith.constant 0 : i32
    %scan3A_2 = arith.constant 0 : i32
    %scan3A_3 = arith.constant 64 : i32
    %scan3A_4 = arith.addi %scan3A_2, %scan3A_3 : i32
    %scan3A_5 = arith.constant 1 : i32
    %scan3A_6 = scf.for %scan3A_62 = %scan3A_2 to %scan3A_4 step %scan3A_5 iter_args(%scan3A_63 = %scan3A_1) -> (i32)  : i32 {
      %broadcast_in_dim3A = arith.constant 0.000000e+00 : f32
      %broadcast_in_dim3A_64 = vector.broadcast %broadcast_in_dim3A : f32 to vector<16xf32>
      %swap3A = arith.constant 0 : i32
      %swap3A_65 = arith.constant 0 : i32
      %swap3A_66 = tpu.memref_slice %arg8[%scan3A, %swap3A, %swap3A_65] : memref<4x64x128xf32, #tpu.memory_space<vmem>> -> memref<1x64x128xf32, #tpu.memory_space<vmem>>
      %swap3A_67 = tpu.memref_squeeze %swap3A_66 : memref<1x64x128xf32, #tpu.memory_space<vmem>> -> memref<64x128xf32, #tpu.memory_space<vmem>>
      %swap3A_68 = arith.index_cast %scan3A_62 : i32 to index
      %swap3A_69 = arith.constant 0 : index
      %swap3A_70 = tpu.vector_load %swap3A_67[%swap3A_68, %swap3A_69] {strides = array<i32>} : memref<64x128xf32, #tpu.memory_space<vmem>>, vector<1x16xf32>,
      %swap3A_71 = vector.shape_cast %swap3A_70 : vector<1x16xf32> to vector<16xf32>
      %swap3A_72 = vector.shape_cast %broadcast_in_dim3A_64 : vector<16xf32> to vector<1x16xf32>
      tpu.vector_store %swap3A_67[%swap3A_68, %swap3A_69], %swap3A_72 {strides = array<i32>} : memref<64x128xf32, #tpu.memory_space<vmem>>, vector<1x16xf32>,
      %broadcast_in_dim3A_73 = arith.constant 0.000000e+00 : f32
      %broadcast_in_dim3A_74 = vector.broadcast %broadcast_in_dim3A_73 : f32 to vector<16xf32>
      %swap3A_75 = arith.constant 0 : i32
      %swap3A_76 = arith.constant 0 : i32
      %swap3A_77 = tpu.memref_slice %arg8[%scan3A, %swap3A_75, %swap3A_76] : memref<4x64x128xf32, #tpu.memory_space<vmem>> -> memref<1x64x128xf32, #tpu.memory_space<vmem>>
      %swap3A_78 = tpu.memref_squeeze %swap3A_77 : memref<1x64x128xf32, #tpu.memory_space<vmem>> -> memref<64x128xf32, #tpu.memory_space<vmem>>
      %swap3A_79 = arith.index_cast %scan3A_62 : i32 to index
      %swap3A_80 = arith.constant 16 : index
      %swap3A_81 = tpu.vector_load %swap3A_78[%swap3A_79, %swap3A_80] {strides = array<i32>} : memref<64x128xf32, #tpu.memory_space<vmem>>, vector<1x16xf32>,
      %swap3A_82 = vector.shape_cast %swap3A_81 : vector<1x16xf32> to vector<16xf32>
      %swap3A_83 = vector.shape_cast %broadcast_in_dim3A_74 : vector<16xf32> to vector<1x16xf32>
      tpu.vector_store %swap3A_78[%swap3A_79, %swap3A_80], %swap3A_83 {strides = array<i32>} : memref<64x128xf32, #tpu.memory_space<vmem>>, vector<1x16xf32>,
      %broadcast_in_dim3A_84 = arith.constant 0.000000e+00 : f32
      %broadcast_in_dim3A_85 = vector.broadcast %broadcast_in_dim3A_84 : f32 to vector<16xf32>
      %swap3A_86 = arith.constant 0 : i32
      %swap3A_87 = arith.constant 0 : i32
      %swap3A_88 = tpu.memref_slice %arg8[%scan3A, %swap3A_86, %swap3A_87] : memref<4x64x128xf32, #tpu.memory_space<vmem>> -> memref<1x64x128xf32, #tpu.memory_space<vmem>>
      %swap3A_89 = tpu.memref_squeeze %swap3A_88 : memref<1x64x128xf32, #tpu.memory_space<vmem>> -> memref<64x128xf32, #tpu.memory_space<vmem>>
      %swap3A_90 = arith.index_cast %scan3A_62 : i32 to index
      %swap3A_91 = arith.constant 32 : index
      %swap3A_92 = tpu.vector_load %swap3A_89[%swap3A_90, %swap3A_91] {strides = array<i32>} : memref<64x128xf32, #tpu.memory_space<vmem>>, vector<1x16xf32>,
      %swap3A_93 = vector.shape_cast %swap3A_92 : vector<1x16xf32> to vector<16xf32>
      %swap3A_94 = vector.shape_cast %broadcast_in_dim3A_85 : vector<16xf32> to vector<1x16xf32>
      tpu.vector_store %swap3A_89[%swap3A_90, %swap3A_91], %swap3A_94 {strides = array<i32>} : memref<64x128xf32, #tpu.memory_space<vmem>>, vector<1x16xf32>,
      %broadcast_in_dim3A_95 = arith.constant 0.000000e+00 : f32
      %broadcast_in_dim3A_96 = vector.broadcast %broadcast_in_dim3A_95 : f32 to vector<16xf32>
      %swap3A_97 = arith.constant 0 : i32
      %swap3A_98 = arith.constant 0 : i32
      %swap3A_99 = tpu.memref_slice %arg8[%scan3A, %swap3A_97, %swap3A_98] : memref<4x64x128xf32, #tpu.memory_space<vmem>> -> memref<1x64x128xf32, #tpu.memory_space<vmem>>
      %swap3A_100 = tpu.memref_squeeze %swap3A_99 : memref<1x64x128xf32, #tpu.memory_space<vmem>> -> memref<64x128xf32, #tpu.memory_space<vmem>>
      %swap3A_101 = arith.index_cast %scan3A_62 : i32 to index
      %swap3A_102 = arith.constant 48 : index
      %swap3A_103 = tpu.vector_load %swap3A_100[%swap3A_101, %swap3A_102] {strides = array<i32>} : memref<64x128xf32, #tpu.memory_space<vmem>>, vector<1x16xf32>,
      %swap3A_104 = vector.shape_cast %swap3A_103 : vector<1x16xf32> to vector<16xf32>
      %swap3A_105 = vector.shape_cast %broadcast_in_dim3A_96 : vector<16xf32> to vector<1x16xf32>
      tpu.vector_store %swap3A_100[%swap3A_101, %swap3A_102], %swap3A_105 {strides = array<i32>} : memref<64x128xf32, #tpu.memory_space<vmem>>, vector<1x16xf32>,
      %broadcast_in_dim3A_106 = arith.constant 0.000000e+00 : f32
      %broadcast_in_dim3A_107 = vector.broadcast %broadcast_in_dim3A_106 : f32 to vector<16xf32>
      %swap3A_108 = arith.constant 0 : i32
      %swap3A_109 = arith.constant 0 : i32
      %swap3A_110 = tpu.memref_slice %arg8[%scan3A, %swap3A_108, %swap3A_109] : memref<4x64x128xf32, #tpu.memory_space<vmem>> -> memref<1x64x128xf32, #tpu.memory_space<vmem>>
      %swap3A_111 = tpu.memref_squeeze %swap3A_110 : memref<1x64x128xf32, #tpu.memory_space<vmem>> -> memref<64x128xf32, #tpu.memory_space<vmem>>
      %swap3A_112 = arith.index_cast %scan3A_62 : i32 to index
      %swap3A_113 = arith.constant 64 : index
      %swap3A_114 = tpu.vector_load %swap3A_111[%swap3A_112, %swap3A_113] {strides = array<i32>} : memref<64x128xf32, #tpu.memory_space<vmem>>, vector<1x16xf32>,
      %swap3A_115 = vector.shape_cast %swap3A_114 : vector<1x16xf32> to vector<16xf32>
      %swap3A_116 = vector.shape_cast %broadcast_in_dim3A_107 : vector<16xf32> to vector<1x16xf32>
      tpu.vector_store %swap3A_111[%swap3A_112, %swap3A_113], %swap3A_116 {strides = array<i32>} : memref<64x128xf32, #tpu.memory_space<vmem>>, vector<1x16xf32>,
      %broadcast_in_dim3A_117 = arith.constant 0.000000e+00 : f32
      %broadcast_in_dim3A_118 = vector.broadcast %broadcast_in_dim3A_117 : f32 to vector<16xf32>
      %swap3A_119 = arith.constant 0 : i32
      %swap3A_120 = arith.constant 0 : i32
      %swap3A_121 = tpu.memref_slice %arg8[%scan3A, %swap3A_119, %swap3A_120] : memref<4x64x128xf32, #tpu.memory_space<vmem>> -> memref<1x64x128xf32, #tpu.memory_space<vmem>>
      %swap3A_122 = tpu.memref_squeeze %swap3A_121 : memref<1x64x128xf32, #tpu.memory_space<vmem>> -> memref<64x128xf32, #tpu.memory_space<vmem>>
      %swap3A_123 = arith.index_cast %scan3A_62 : i32 to index
      %swap3A_124 = arith.constant 80 : index
      %swap3A_125 = tpu.vector_load %swap3A_122[%swap3A_123, %swap3A_124] {strides = array<i32>} : memref<64x128xf32, #tpu.memory_space<vmem>>, vector<1x16xf32>,
      %swap3A_126 = vector.shape_cast %swap3A_125 : vector<1x16xf32> to vector<16xf32>
      %swap3A_127 = vector.shape_cast %broadcast_in_dim3A_118 : vector<16xf32> to vector<1x16xf32>
      tpu.vector_store %swap3A_122[%swap3A_123, %swap3A_124], %swap3A_127 {strides = array<i32>} : memref<64x128xf32, #tpu.memory_space<vmem>>, vector<1x16xf32>,
      %broadcast_in_dim3A_128 = arith.constant 0.000000e+00 : f32
      %broadcast_in_dim3A_129 = vector.broadcast %broadcast_in_dim3A_128 : f32 to vector<16xf32>
      %swap3A_130 = arith.constant 0 : i32
      %swap3A_131 = arith.constant 0 : i32
      %swap3A_132 = tpu.memref_slice %arg8[%scan3A, %swap3A_130, %swap3A_131] : memref<4x64x128xf32, #tpu.memory_space<vmem>> -> memref<1x64x128xf32, #tpu.memory_space<vmem>>
      %swap3A_133 = tpu.memref_squeeze %swap3A_132 : memref<1x64x128xf32, #tpu.memory_space<vmem>> -> memref<64x128xf32, #tpu.memory_space<vmem>>
      %swap3A_134 = arith.index_cast %scan3A_62 : i32 to index
      %swap3A_135 = arith.constant 96 : index
      %swap3A_136 = tpu.vector_load %swap3A_133[%swap3A_134, %swap3A_135] {strides = array<i32>} : memref<64x128xf32, #tpu.memory_space<vmem>>, vector<1x16xf32>,
      %swap3A_137 = vector.shape_cast %swap3A_136 : vector<1x16xf32> to vector<16xf32>
      %swap3A_138 = vector.shape_cast %broadcast_in_dim3A_129 : vector<16xf32> to vector<1x16xf32>
      tpu.vector_store %swap3A_133[%swap3A_134, %swap3A_135], %swap3A_138 {strides = array<i32>} : memref<64x128xf32, #tpu.memory_space<vmem>>, vector<1x16xf32>,
      %broadcast_in_dim3A_139 = arith.constant 0.000000e+00 : f32
      %broadcast_in_dim3A_140 = vector.broadcast %broadcast_in_dim3A_139 : f32 to vector<16xf32>
      %swap3A_141 = arith.constant 0 : i32
      %swap3A_142 = arith.constant 0 : i32
      %swap3A_143 = tpu.memref_slice %arg8[%scan3A, %swap3A_141, %swap3A_142] : memref<4x64x128xf32, #tpu.memory_space<vmem>> -> memref<1x64x128xf32, #tpu.memory_space<vmem>>
      %swap3A_144 = tpu.memref_squeeze %swap3A_143 : memref<1x64x128xf32, #tpu.memory_space<vmem>> -> memref<64x128xf32, #tpu.memory_space<vmem>>
      %swap3A_145 = arith.index_cast %scan3A_62 : i32 to index
      %swap3A_146 = arith.constant 112 : index
      %swap3A_147 = tpu.vector_load %swap3A_144[%swap3A_145, %swap3A_146] {strides = array<i32>} : memref<64x128xf32, #tpu.memory_space<vmem>>, vector<1x16xf32>,
      %swap3A_148 = vector.shape_cast %swap3A_147 : vector<1x16xf32> to vector<16xf32>
      %swap3A_149 = vector.shape_cast %broadcast_in_dim3A_140 : vector<16xf32> to vector<1x16xf32>
      tpu.vector_store %swap3A_144[%swap3A_145, %swap3A_146], %swap3A_149 {strides = array<i32>} : memref<64x128xf32, #tpu.memory_space<vmem>>, vector<1x16xf32>,
      %scan3A_150 = arith.constant 0 : i32
      scf.yield %scan3A_150 : i32
    }
    %scan3A_7 = arith.constant 64 : i32
    %scan3A_8 = arith.constant 1 : i32
    %scan3A_9 = arith.constant 0 : i32
    %scan3A_10 = arith.constant 0 : i32
    %scan3A_11 = arith.constant 64 : i32
    %scan3A_12 = arith.addi %scan3A_10, %scan3A_11 : i32
    %scan3A_13 = arith.constant 1 : i32
    %scan3A_14 = scf.for %scan3A_62 = %scan3A_10 to %scan3A_12 step %scan3A_13 iter_args(%scan3A_63 = %scan3A_9) -> (i32)  : i32 {
      %broadcast_in_dim3A = arith.constant 0.000000e+00 : f32
      %broadcast_in_dim3A_64 = vector.broadcast %broadcast_in_dim3A : f32 to vector<16xf32>
      %swap3A = arith.constant 0 : i32
      %swap3A_65 = arith.constant 0 : i32
      %swap3A_66 = tpu.memref_slice %arg8[%scan3A_8, %swap3A, %swap3A_65] : memref<4x64x128xf32, #tpu.memory_space<vmem>> -> memref<1x64x128xf32, #tpu.memory_space<vmem>>
      %swap3A_67 = tpu.memref_squeeze %swap3A_66 : memref<1x64x128xf32, #tpu.memory_space<vmem>> -> memref<64x128xf32, #tpu.memory_space<vmem>>
      %swap3A_68 = arith.index_cast %scan3A_62 : i32 to index
      %swap3A_69 = arith.constant 0 : index
      %swap3A_70 = tpu.vector_load %swap3A_67[%swap3A_68, %swap3A_69] {strides = array<i32>} : memref<64x128xf32, #tpu.memory_space<vmem>>, vector<1x16xf32>,
      %swap3A_71 = vector.shape_cast %swap3A_70 : vector<1x16xf32> to vector<16xf32>
      %swap3A_72 = vector.shape_cast %broadcast_in_dim3A_64 : vector<16xf32> to vector<1x16xf32>
      tpu.vector_store %swap3A_67[%swap3A_68, %swap3A_69], %swap3A_72 {strides = array<i32>} : memref<64x128xf32, #tpu.memory_space<vmem>>, vector<1x16xf32>,
      %broadcast_in_dim3A_73 = arith.constant 0.000000e+00 : f32
      %broadcast_in_dim3A_74 = vector.broadcast %broadcast_in_dim3A_73 : f32 to vector<16xf32>
      %swap3A_75 = arith.constant 0 : i32
      %swap3A_76 = arith.constant 0 : i32
      %swap3A_77 = tpu.memref_slice %arg8[%scan3A_8, %swap3A_75, %swap3A_76] : memref<4x64x128xf32, #tpu.memory_space<vmem>> -> memref<1x64x128xf32, #tpu.memory_space<vmem>>
      %swap3A_78 = tpu.memref_squeeze %swap3A_77 : memref<1x64x128xf32, #tpu.memory_space<vmem>> -> memref<64x128xf32, #tpu.memory_space<vmem>>
      %swap3A_79 = arith.index_cast %scan3A_62 : i32 to index
      %swap3A_80 = arith.constant 16 : index
      %swap3A_81 = tpu.vector_load %swap3A_78[%swap3A_79, %swap3A_80] {strides = array<i32>} : memref<64x128xf32, #tpu.memory_space<vmem>>, vector<1x16xf32>,
      %swap3A_82 = vector.shape_cast %swap3A_81 : vector<1x16xf32> to vector<16xf32>
      %swap3A_83 = vector.shape_cast %broadcast_in_dim3A_74 : vector<16xf32> to vector<1x16xf32>
      tpu.vector_store %swap3A_78[%swap3A_79, %swap3A_80], %swap3A_83 {strides = array<i32>} : memref<64x128xf32, #tpu.memory_space<vmem>>, vector<1x16xf32>,
      %broadcast_in_dim3A_84 = arith.constant 0.000000e+00 : f32
      %broadcast_in_dim3A_85 = vector.broadcast %broadcast_in_dim3A_84 : f32 to vector<16xf32>
      %swap3A_86 = arith.constant 0 : i32
      %swap3A_87 = arith.constant 0 : i32
      %swap3A_88 = tpu.memref_slice %arg8[%scan3A_8, %swap3A_86, %swap3A_87] : memref<4x64x128xf32, #tpu.memory_space<vmem>> -> memref<1x64x128xf32, #tpu.memory_space<vmem>>
      %swap3A_89 = tpu.memref_squeeze %swap3A_88 : memref<1x64x128xf32, #tpu.memory_space<vmem>> -> memref<64x128xf32, #tpu.memory_space<vmem>>
      %swap3A_90 = arith.index_cast %scan3A_62 : i32 to index
      %swap3A_91 = arith.constant 32 : index
      %swap3A_92 = tpu.vector_load %swap3A_89[%swap3A_90, %swap3A_91] {strides = array<i32>} : memref<64x128xf32, #tpu.memory_space<vmem>>, vector<1x16xf32>,
      %swap3A_93 = vector.shape_cast %swap3A_92 : vector<1x16xf32> to vector<16xf32>
      %swap3A_94 = vector.shape_cast %broadcast_in_dim3A_85 : vector<16xf32> to vector<1x16xf32>
      tpu.vector_store %swap3A_89[%swap3A_90, %swap3A_91], %swap3A_94 {strides = array<i32>} : memref<64x128xf32, #tpu.memory_space<vmem>>, vector<1x16xf32>,
      %broadcast_in_dim3A_95 = arith.constant 0.000000e+00 : f32
      %broadcast_in_dim3A_96 = vector.broadcast %broadcast_in_dim3A_95 : f32 to vector<16xf32>
      %swap3A_97 = arith.constant 0 : i32
      %swap3A_98 = arith.constant 0 : i32
      %swap3A_99 = tpu.memref_slice %arg8[%scan3A_8, %swap3A_97, %swap3A_98] : memref<4x64x128xf32, #tpu.memory_space<vmem>> -> memref<1x64x128xf32, #tpu.memory_space<vmem>>
      %swap3A_100 = tpu.memref_squeeze %swap3A_99 : memref<1x64x128xf32, #tpu.memory_space<vmem>> -> memref<64x128xf32, #tpu.memory_space<vmem>>
      %swap3A_101 = arith.index_cast %scan3A_62 : i32 to index
      %swap3A_102 = arith.constant 48 : index
      %swap3A_103 = tpu.vector_load %swap3A_100[%swap3A_101, %swap3A_102] {strides = array<i32>} : memref<64x128xf32, #tpu.memory_space<vmem>>, vector<1x16xf32>,
      %swap3A_104 = vector.shape_cast %swap3A_103 : vector<1x16xf32> to vector<16xf32>
      %swap3A_105 = vector.shape_cast %broadcast_in_dim3A_96 : vector<16xf32> to vector<1x16xf32>
      tpu.vector_store %swap3A_100[%swap3A_101, %swap3A_102], %swap3A_105 {strides = array<i32>} : memref<64x128xf32, #tpu.memory_space<vmem>>, vector<1x16xf32>,
      %broadcast_in_dim3A_106 = arith.constant 0.000000e+00 : f32
      %broadcast_in_dim3A_107 = vector.broadcast %broadcast_in_dim3A_106 : f32 to vector<16xf32>
      %swap3A_108 = arith.constant 0 : i32
      %swap3A_109 = arith.constant 0 : i32
      %swap3A_110 = tpu.memref_slice %arg8[%scan3A_8, %swap3A_108, %swap3A_109] : memref<4x64x128xf32, #tpu.memory_space<vmem>> -> memref<1x64x128xf32, #tpu.memory_space<vmem>>
      %swap3A_111 = tpu.memref_squeeze %swap3A_110 : memref<1x64x128xf32, #tpu.memory_space<vmem>> -> memref<64x128xf32, #tpu.memory_space<vmem>>
      %swap3A_112 = arith.index_cast %scan3A_62 : i32 to index
      %swap3A_113 = arith.constant 64 : index
      %swap3A_114 = tpu.vector_load %swap3A_111[%swap3A_112, %swap3A_113] {strides = array<i32>} : memref<64x128xf32, #tpu.memory_space<vmem>>, vector<1x16xf32>,
      %swap3A_115 = vector.shape_cast %swap3A_114 : vector<1x16xf32> to vector<16xf32>
      %swap3A_116 = vector.shape_cast %broadcast_in_dim3A_107 : vector<16xf32> to vector<1x16xf32>
      tpu.vector_store %swap3A_111[%swap3A_112, %swap3A_113], %swap3A_116 {strides = array<i32>} : memref<64x128xf32, #tpu.memory_space<vmem>>, vector<1x16xf32>,
      %broadcast_in_dim3A_117 = arith.constant 0.000000e+00 : f32
      %broadcast_in_dim3A_118 = vector.broadcast %broadcast_in_dim3A_117 : f32 to vector<16xf32>
      %swap3A_119 = arith.constant 0 : i32
      %swap3A_120 = arith.constant 0 : i32
      %swap3A_121 = tpu.memref_slice %arg8[%scan3A_8, %swap3A_119, %swap3A_120] : memref<4x64x128xf32, #tpu.memory_space<vmem>> -> memref<1x64x128xf32, #tpu.memory_space<vmem>>
      %swap3A_122 = tpu.memref_squeeze %swap3A_121 : memref<1x64x128xf32, #tpu.memory_space<vmem>> -> memref<64x128xf32, #tpu.memory_space<vmem>>
      %swap3A_123 = arith.index_cast %scan3A_62 : i32 to index
      %swap3A_124 = arith.constant 80 : index
      %swap3A_125 = tpu.vector_load %swap3A_122[%swap3A_123, %swap3A_124] {strides = array<i32>} : memref<64x128xf32, #tpu.memory_space<vmem>>, vector<1x16xf32>,
      %swap3A_126 = vector.shape_cast %swap3A_125 : vector<1x16xf32> to vector<16xf32>
      %swap3A_127 = vector.shape_cast %broadcast_in_dim3A_118 : vector<16xf32> to vector<1x16xf32>
      tpu.vector_store %swap3A_122[%swap3A_123, %swap3A_124], %swap3A_127 {strides = array<i32>} : memref<64x128xf32, #tpu.memory_space<vmem>>, vector<1x16xf32>,
      %broadcast_in_dim3A_128 = arith.constant 0.000000e+00 : f32
      %broadcast_in_dim3A_129 = vector.broadcast %broadcast_in_dim3A_128 : f32 to vector<16xf32>
      %swap3A_130 = arith.constant 0 : i32
      %swap3A_131 = arith.constant 0 : i32
      %swap3A_132 = tpu.memref_slice %arg8[%scan3A_8, %swap3A_130, %swap3A_131] : memref<4x64x128xf32, #tpu.memory_space<vmem>> -> memref<1x64x128xf32, #tpu.memory_space<vmem>>
      %swap3A_133 = tpu.memref_squeeze %swap3A_132 : memref<1x64x128xf32, #tpu.memory_space<vmem>> -> memref<64x128xf32, #tpu.memory_space<vmem>>
      %swap3A_134 = arith.index_cast %scan3A_62 : i32 to index
      %swap3A_135 = arith.constant 96 : index
      %swap3A_136 = tpu.vector_load %swap3A_133[%swap3A_134, %swap3A_135] {strides = array<i32>} : memref<64x128xf32, #tpu.memory_space<vmem>>, vector<1x16xf32>,
      %swap3A_137 = vector.shape_cast %swap3A_136 : vector<1x16xf32> to vector<16xf32>
      %swap3A_138 = vector.shape_cast %broadcast_in_dim3A_129 : vector<16xf32> to vector<1x16xf32>
      tpu.vector_store %swap3A_133[%swap3A_134, %swap3A_135], %swap3A_138 {strides = array<i32>} : memref<64x128xf32, #tpu.memory_space<vmem>>, vector<1x16xf32>,
      %broadcast_in_dim3A_139 = arith.constant 0.000000e+00 : f32
      %broadcast_in_dim3A_140 = vector.broadcast %broadcast_in_dim3A_139 : f32 to vector<16xf32>
      %swap3A_141 = arith.constant 0 : i32
      %swap3A_142 = arith.constant 0 : i32
      %swap3A_143 = tpu.memref_slice %arg8[%scan3A_8, %swap3A_141, %swap3A_142] : memref<4x64x128xf32, #tpu.memory_space<vmem>> -> memref<1x64x128xf32, #tpu.memory_space<vmem>>
      %swap3A_144 = tpu.memref_squeeze %swap3A_143 : memref<1x64x128xf32, #tpu.memory_space<vmem>> -> memref<64x128xf32, #tpu.memory_space<vmem>>
      %swap3A_145 = arith.index_cast %scan3A_62 : i32 to index
      %swap3A_146 = arith.constant 112 : index
      %swap3A_147 = tpu.vector_load %swap3A_144[%swap3A_145, %swap3A_146] {strides = array<i32>} : memref<64x128xf32, #tpu.memory_space<vmem>>, vector<1x16xf32>,
      %swap3A_148 = vector.shape_cast %swap3A_147 : vector<1x16xf32> to vector<16xf32>
      %swap3A_149 = vector.shape_cast %broadcast_in_dim3A_140 : vector<16xf32> to vector<1x16xf32>
      tpu.vector_store %swap3A_144[%swap3A_145, %swap3A_146], %swap3A_149 {strides = array<i32>} : memref<64x128xf32, #tpu.memory_space<vmem>>, vector<1x16xf32>,
      %scan3A_150 = arith.constant 0 : i32
      scf.yield %scan3A_150 : i32
    }
    %scan3A_15 = arith.constant 64 : i32
    %add3A = arith.constant 0 : i32
    %add3A_16 = arith.addi %mul3A_0, %add3A : i32
    %run_scoped3A = arith.constant 0 : i32
    "tpu.region"() ({
      %run_scoped3A_62 = tpu.sem_alloc : memref<!tpu.dma_semaphore, #tpu.memory_space<semaphore_mem>>
      %dma_start3A = arith.constant 0 : i32
      %dma_start3A_63 = arith.constant 0 : i32
      %dma_start3A_64 = tpu.memref_slice %arg8[%run_scoped3A, %dma_start3A, %dma_start3A_63] : memref<4x64x128xf32, #tpu.memory_space<vmem>> -> memref<1x64x128xf32, #tpu.memory_space<vmem>>
      %dma_start3A_65 = tpu.memref_squeeze %dma_start3A_64 : memref<1x64x128xf32, #tpu.memory_space<vmem>> -> memref<64x128xf32, #tpu.memory_space<vmem>>
      %dma_start3A_66 = arith.constant 0 : i32
      %dma_start3A_67 = tpu.memref_slice %arg9[%add3A_16, %dma_start3A_66] : memref<10240x128xf32, #tpu.memory_space<vmem_shared>> -> memref<64x128xf32, #tpu.memory_space<vmem_shared>>
      %dma_start3A_68 = arith.constant 0 : i32
      %dma_start3A_69 = tpu.memref_slice %arg9[%add3A_16, %dma_start3A_68] : memref<10240x128xf32, #tpu.memory_space<vmem_shared>> -> memref<64x128xf32, #tpu.memory_space<vmem_shared>>
      %dma_start3A_70 = arith.constant 0 : i32
      %dma_start3A_71 = arith.constant 0 : i32
      %dma_start3A_72 = tpu.memref_slice %arg8[%run_scoped3A, %dma_start3A_70, %dma_start3A_71] : memref<4x64x128xf32, #tpu.memory_space<vmem>> -> memref<1x64x128xf32, #tpu.memory_space<vmem>>
      %dma_start3A_73 = tpu.memref_squeeze %dma_start3A_72 : memref<1x64x128xf32, #tpu.memory_space<vmem>> -> memref<64x128xf32, #tpu.memory_space<vmem>>
      tpu.enqueue_dma source(%dma_start3A_73 : memref<64x128xf32, #tpu.memory_space<vmem>>) target(%dma_start3A_69 : memref<64x128xf32, #tpu.memory_space<vmem_shared>>) target_semaphore(%run_scoped3A_62 : memref<!tpu.dma_semaphore, #tpu.memory_space<semaphore_mem>>)
      %dma_wait3A = arith.constant 0 : i32
      %dma_wait3A_74 = arith.constant 0 : i32
      %dma_wait3A_75 = tpu.memref_slice %arg8[%run_scoped3A, %dma_wait3A, %dma_wait3A_74] : memref<4x64x128xf32, #tpu.memory_space<vmem>> -> memref<1x64x128xf32, #tpu.memory_space<vmem>>
      %dma_wait3A_76 = tpu.memref_squeeze %dma_wait3A_75 : memref<1x64x128xf32, #tpu.memory_space<vmem>> -> memref<64x128xf32, #tpu.memory_space<vmem>>
      %dma_wait3A_77 = arith.constant 0 : i32
      %dma_wait3A_78 = tpu.memref_slice %arg9[%add3A_16, %dma_wait3A_77] : memref<10240x128xf32, #tpu.memory_space<vmem_shared>> -> memref<64x128xf32, #tpu.memory_space<vmem_shared>>
      %dma_wait3A_79 = arith.constant 0 : i32
      %dma_wait3A_80 = tpu.memref_slice %arg9[%add3A_16, %dma_wait3A_79] : memref<10240x128xf32, #tpu.memory_space<vmem_shared>> -> memref<64x128xf32, #tpu.memory_space<vmem_shared>>
      %dma_wait3A_81 = arith.constant 0 : i32
      %dma_wait3A_82 = arith.constant 0 : i32
      %dma_wait3A_83 = tpu.memref_slice %arg8[%run_scoped3A, %dma_wait3A_81, %dma_wait3A_82] : memref<4x64x128xf32, #tpu.memory_space<vmem>> -> memref<1x64x128xf32, #tpu.memory_space<vmem>>
      %dma_wait3A_84 = tpu.memref_squeeze %dma_wait3A_83 : memref<1x64x128xf32, #tpu.memory_space<vmem>> -> memref<64x128xf32, #tpu.memory_space<vmem>>
      tpu.wait_dma2 semaphore(%run_scoped3A_62 : memref<!tpu.dma_semaphore, #tpu.memory_space<semaphore_mem>>) src(%dma_wait3A_84 : memref<64x128xf32, #tpu.memory_space<vmem>>) dst(%dma_wait3A_80 : memref<64x128xf32, #tpu.memory_space<vmem_shared>>)
      tpu.yield
    }) : () -> ()
    %add3A_17 = arith.constant 0 : i32
    %add3A_18 = arith.addi %mul3A_0, %add3A_17 : i32
    %add3A_19 = arith.constant 64 : i32
    %add3A_20 = arith.addi %add3A_18, %add3A_19 : i32
    %run_scoped3A_21 = arith.constant 1 : i32
    "tpu.region"() ({
      %run_scoped3A_62 = tpu.sem_alloc : memref<!tpu.dma_semaphore, #tpu.memory_space<semaphore_mem>>
      %dma_start3A = arith.constant 0 : i32
      %dma_start3A_63 = arith.constant 0 : i32
      %dma_start3A_64 = tpu.memref_slice %arg8[%run_scoped3A_21, %dma_start3A, %dma_start3A_63] : memref<4x64x128xf32, #tpu.memory_space<vmem>> -> memref<1x64x128xf32, #tpu.memory_space<vmem>>
      %dma_start3A_65 = tpu.memref_squeeze %dma_start3A_64 : memref<1x64x128xf32, #tpu.memory_space<vmem>> -> memref<64x128xf32, #tpu.memory_space<vmem>>
      %dma_start3A_66 = arith.constant 0 : i32
      %dma_start3A_67 = tpu.memref_slice %arg9[%add3A_20, %dma_start3A_66] : memref<10240x128xf32, #tpu.memory_space<vmem_shared>> -> memref<64x128xf32, #tpu.memory_space<vmem_shared>>
      %dma_start3A_68 = arith.constant 0 : i32
      %dma_start3A_69 = tpu.memref_slice %arg9[%add3A_20, %dma_start3A_68] : memref<10240x128xf32, #tpu.memory_space<vmem_shared>> -> memref<64x128xf32, #tpu.memory_space<vmem_shared>>
      %dma_start3A_70 = arith.constant 0 : i32
      %dma_start3A_71 = arith.constant 0 : i32
      %dma_start3A_72 = tpu.memref_slice %arg8[%run_scoped3A_21, %dma_start3A_70, %dma_start3A_71] : memref<4x64x128xf32, #tpu.memory_space<vmem>> -> memref<1x64x128xf32, #tpu.memory_space<vmem>>
      %dma_start3A_73 = tpu.memref_squeeze %dma_start3A_72 : memref<1x64x128xf32, #tpu.memory_space<vmem>> -> memref<64x128xf32, #tpu.memory_space<vmem>>
      tpu.enqueue_dma source(%dma_start3A_73 : memref<64x128xf32, #tpu.memory_space<vmem>>) target(%dma_start3A_69 : memref<64x128xf32, #tpu.memory_space<vmem_shared>>) target_semaphore(%run_scoped3A_62 : memref<!tpu.dma_semaphore, #tpu.memory_space<semaphore_mem>>)
      %dma_wait3A = arith.constant 0 : i32
      %dma_wait3A_74 = arith.constant 0 : i32
      %dma_wait3A_75 = tpu.memref_slice %arg8[%run_scoped3A_21, %dma_wait3A, %dma_wait3A_74] : memref<4x64x128xf32, #tpu.memory_space<vmem>> -> memref<1x64x128xf32, #tpu.memory_space<vmem>>
      %dma_wait3A_76 = tpu.memref_squeeze %dma_wait3A_75 : memref<1x64x128xf32, #tpu.memory_space<vmem>> -> memref<64x128xf32, #tpu.memory_space<vmem>>
      %dma_wait3A_77 = arith.constant 0 : i32
      %dma_wait3A_78 = tpu.memref_slice %arg9[%add3A_20, %dma_wait3A_77] : memref<10240x128xf32, #tpu.memory_space<vmem_shared>> -> memref<64x128xf32, #tpu.memory_space<vmem_shared>>
      %dma_wait3A_79 = arith.constant 0 : i32
      %dma_wait3A_80 = tpu.memref_slice %arg9[%add3A_20, %dma_wait3A_79] : memref<10240x128xf32, #tpu.memory_space<vmem_shared>> -> memref<64x128xf32, #tpu.memory_space<vmem_shared>>
      %dma_wait3A_81 = arith.constant 0 : i32
      %dma_wait3A_82 = arith.constant 0 : i32
      %dma_wait3A_83 = tpu.memref_slice %arg8[%run_scoped3A_21, %dma_wait3A_81, %dma_wait3A_82] : memref<4x64x128xf32, #tpu.memory_space<vmem>> -> memref<1x64x128xf32, #tpu.memory_space<vmem>>
      %dma_wait3A_84 = tpu.memref_squeeze %dma_wait3A_83 : memref<1x64x128xf32, #tpu.memory_space<vmem>> -> memref<64x128xf32, #tpu.memory_space<vmem>>
      tpu.wait_dma2 semaphore(%run_scoped3A_62 : memref<!tpu.dma_semaphore, #tpu.memory_space<semaphore_mem>>) src(%dma_wait3A_84 : memref<64x128xf32, #tpu.memory_space<vmem>>) dst(%dma_wait3A_80 : memref<64x128xf32, #tpu.memory_space<vmem_shared>>)
      tpu.yield
    }) : () -> ()
    %add3A_22 = arith.constant 128 : i32
    %add3A_23 = arith.addi %mul3A_0, %add3A_22 : i32
    %run_scoped3A_24 = arith.constant 0 : i32
    "tpu.region"() ({
      %run_scoped3A_62 = tpu.sem_alloc : memref<!tpu.dma_semaphore, #tpu.memory_space<semaphore_mem>>
      %dma_start3A = arith.constant 0 : i32
      %dma_start3A_63 = arith.constant 0 : i32
      %dma_start3A_64 = tpu.memref_slice %arg8[%run_scoped3A_24, %dma_start3A, %dma_start3A_63] : memref<4x64x128xf32, #tpu.memory_space<vmem>> -> memref<1x64x128xf32, #tpu.memory_space<vmem>>
      %dma_start3A_65 = tpu.memref_squeeze %dma_start3A_64 : memref<1x64x128xf32, #tpu.memory_space<vmem>> -> memref<64x128xf32, #tpu.memory_space<vmem>>
      %dma_start3A_66 = arith.constant 0 : i32
      %dma_start3A_67 = tpu.memref_slice %arg9[%add3A_23, %dma_start3A_66] : memref<10240x128xf32, #tpu.memory_space<vmem_shared>> -> memref<64x128xf32, #tpu.memory_space<vmem_shared>>
      %dma_start3A_68 = arith.constant 0 : i32
      %dma_start3A_69 = tpu.memref_slice %arg9[%add3A_23, %dma_start3A_68] : memref<10240x128xf32, #tpu.memory_space<vmem_shared>> -> memref<64x128xf32, #tpu.memory_space<vmem_shared>>
      %dma_start3A_70 = arith.constant 0 : i32
      %dma_start3A_71 = arith.constant 0 : i32
      %dma_start3A_72 = tpu.memref_slice %arg8[%run_scoped3A_24, %dma_start3A_70, %dma_start3A_71] : memref<4x64x128xf32, #tpu.memory_space<vmem>> -> memref<1x64x128xf32, #tpu.memory_space<vmem>>
      %dma_start3A_73 = tpu.memref_squeeze %dma_start3A_72 : memref<1x64x128xf32, #tpu.memory_space<vmem>> -> memref<64x128xf32, #tpu.memory_space<vmem>>
      tpu.enqueue_dma source(%dma_start3A_73 : memref<64x128xf32, #tpu.memory_space<vmem>>) target(%dma_start3A_69 : memref<64x128xf32, #tpu.memory_space<vmem_shared>>) target_semaphore(%run_scoped3A_62 : memref<!tpu.dma_semaphore, #tpu.memory_space<semaphore_mem>>)
      %dma_wait3A = arith.constant 0 : i32
      %dma_wait3A_74 = arith.constant 0 : i32
      %dma_wait3A_75 = tpu.memref_slice %arg8[%run_scoped3A_24, %dma_wait3A, %dma_wait3A_74] : memref<4x64x128xf32, #tpu.memory_space<vmem>> -> memref<1x64x128xf32, #tpu.memory_space<vmem>>
      %dma_wait3A_76 = tpu.memref_squeeze %dma_wait3A_75 : memref<1x64x128xf32, #tpu.memory_space<vmem>> -> memref<64x128xf32, #tpu.memory_space<vmem>>
      %dma_wait3A_77 = arith.constant 0 : i32
      %dma_wait3A_78 = tpu.memref_slice %arg9[%add3A_23, %dma_wait3A_77] : memref<10240x128xf32, #tpu.memory_space<vmem_shared>> -> memref<64x128xf32, #tpu.memory_space<vmem_shared>>
      %dma_wait3A_79 = arith.constant 0 : i32
      %dma_wait3A_80 = tpu.memref_slice %arg9[%add3A_23, %dma_wait3A_79] : memref<10240x128xf32, #tpu.memory_space<vmem_shared>> -> memref<64x128xf32, #tpu.memory_space<vmem_shared>>
      %dma_wait3A_81 = arith.constant 0 : i32
      %dma_wait3A_82 = arith.constant 0 : i32
      %dma_wait3A_83 = tpu.memref_slice %arg8[%run_scoped3A_24, %dma_wait3A_81, %dma_wait3A_82] : memref<4x64x128xf32, #tpu.memory_space<vmem>> -> memref<1x64x128xf32, #tpu.memory_space<vmem>>
      %dma_wait3A_84 = tpu.memref_squeeze %dma_wait3A_83 : memref<1x64x128xf32, #tpu.memory_space<vmem>> -> memref<64x128xf32, #tpu.memory_space<vmem>>
      tpu.wait_dma2 semaphore(%run_scoped3A_62 : memref<!tpu.dma_semaphore, #tpu.memory_space<semaphore_mem>>) src(%dma_wait3A_84 : memref<64x128xf32, #tpu.memory_space<vmem>>) dst(%dma_wait3A_80 : memref<64x128xf32, #tpu.memory_space<vmem_shared>>)
      tpu.yield
    }) : () -> ()
    %add3A_25 = arith.constant 128 : i32
    %add3A_26 = arith.addi %mul3A_0, %add3A_25 : i32
    %add3A_27 = arith.constant 64 : i32
    %add3A_28 = arith.addi %add3A_26, %add3A_27 : i32
    %run_scoped3A_29 = arith.constant 1 : i32
    "tpu.region"() ({
      %run_scoped3A_62 = tpu.sem_alloc : memref<!tpu.dma_semaphore, #tpu.memory_space<semaphore_mem>>
      %dma_start3A = arith.constant 0 : i32
      %dma_start3A_63 = arith.constant 0 : i32
      %dma_start3A_64 = tpu.memref_slice %arg8[%run_scoped3A_29, %dma_start3A, %dma_start3A_63] : memref<4x64x128xf32, #tpu.memory_space<vmem>> -> memref<1x64x128xf32, #tpu.memory_space<vmem>>
      %dma_start3A_65 = tpu.memref_squeeze %dma_start3A_64 : memref<1x64x128xf32, #tpu.memory_space<vmem>> -> memref<64x128xf32, #tpu.memory_space<vmem>>
      %dma_start3A_66 = arith.constant 0 : i32
      %dma_start3A_67 = tpu.memref_slice %arg9[%add3A_28, %dma_start3A_66] : memref<10240x128xf32, #tpu.memory_space<vmem_shared>> -> memref<64x128xf32, #tpu.memory_space<vmem_shared>>
      %dma_start3A_68 = arith.constant 0 : i32
      %dma_start3A_69 = tpu.memref_slice %arg9[%add3A_28, %dma_start3A_68] : memref<10240x128xf32, #tpu.memory_space<vmem_shared>> -> memref<64x128xf32, #tpu.memory_space<vmem_shared>>
      %dma_start3A_70 = arith.constant 0 : i32
      %dma_start3A_71 = arith.constant 0 : i32
      %dma_start3A_72 = tpu.memref_slice %arg8[%run_scoped3A_29, %dma_start3A_70, %dma_start3A_71] : memref<4x64x128xf32, #tpu.memory_space<vmem>> -> memref<1x64x128xf32, #tpu.memory_space<vmem>>
      %dma_start3A_73 = tpu.memref_squeeze %dma_start3A_72 : memref<1x64x128xf32, #tpu.memory_space<vmem>> -> memref<64x128xf32, #tpu.memory_space<vmem>>
      tpu.enqueue_dma source(%dma_start3A_73 : memref<64x128xf32, #tpu.memory_space<vmem>>) target(%dma_start3A_69 : memref<64x128xf32, #tpu.memory_space<vmem_shared>>) target_semaphore(%run_scoped3A_62 : memref<!tpu.dma_semaphore, #tpu.memory_space<semaphore_mem>>)
      %dma_wait3A = arith.constant 0 : i32
      %dma_wait3A_74 = arith.constant 0 : i32
      %dma_wait3A_75 = tpu.memref_slice %arg8[%run_scoped3A_29, %dma_wait3A, %dma_wait3A_74] : memref<4x64x128xf32, #tpu.memory_space<vmem>> -> memref<1x64x128xf32, #tpu.memory_space<vmem>>
      %dma_wait3A_76 = tpu.memref_squeeze %dma_wait3A_75 : memref<1x64x128xf32, #tpu.memory_space<vmem>> -> memref<64x128xf32, #tpu.memory_space<vmem>>
      %dma_wait3A_77 = arith.constant 0 : i32
      %dma_wait3A_78 = tpu.memref_slice %arg9[%add3A_28, %dma_wait3A_77] : memref<10240x128xf32, #tpu.memory_space<vmem_shared>> -> memref<64x128xf32, #tpu.memory_space<vmem_shared>>
      %dma_wait3A_79 = arith.constant 0 : i32
      %dma_wait3A_80 = tpu.memref_slice %arg9[%add3A_28, %dma_wait3A_79] : memref<10240x128xf32, #tpu.memory_space<vmem_shared>> -> memref<64x128xf32, #tpu.memory_space<vmem_shared>>
      %dma_wait3A_81 = arith.constant 0 : i32
      %dma_wait3A_82 = arith.constant 0 : i32
      %dma_wait3A_83 = tpu.memref_slice %arg8[%run_scoped3A_29, %dma_wait3A_81, %dma_wait3A_82] : memref<4x64x128xf32, #tpu.memory_space<vmem>> -> memref<1x64x128xf32, #tpu.memory_space<vmem>>
      %dma_wait3A_84 = tpu.memref_squeeze %dma_wait3A_83 : memref<1x64x128xf32, #tpu.memory_space<vmem>> -> memref<64x128xf32, #tpu.memory_space<vmem>>
      tpu.wait_dma2 semaphore(%run_scoped3A_62 : memref<!tpu.dma_semaphore, #tpu.memory_space<semaphore_mem>>) src(%dma_wait3A_84 : memref<64x128xf32, #tpu.memory_space<vmem>>) dst(%dma_wait3A_80 : memref<64x128xf32, #tpu.memory_space<vmem_shared>>)
      tpu.yield
    }) : () -> ()
    %add3A_30 = arith.constant 256 : i32
    %add3A_31 = arith.addi %mul3A_0, %add3A_30 : i32
    %run_scoped3A_32 = arith.constant 0 : i32
    "tpu.region"() ({
      %run_scoped3A_62 = tpu.sem_alloc : memref<!tpu.dma_semaphore, #tpu.memory_space<semaphore_mem>>
      %dma_start3A = arith.constant 0 : i32
      %dma_start3A_63 = arith.constant 0 : i32
      %dma_start3A_64 = tpu.memref_slice %arg8[%run_scoped3A_32, %dma_start3A, %dma_start3A_63] : memref<4x64x128xf32, #tpu.memory_space<vmem>> -> memref<1x64x128xf32, #tpu.memory_space<vmem>>
      %dma_start3A_65 = tpu.memref_squeeze %dma_start3A_64 : memref<1x64x128xf32, #tpu.memory_space<vmem>> -> memref<64x128xf32, #tpu.memory_space<vmem>>
      %dma_start3A_66 = arith.constant 0 : i32
      %dma_start3A_67 = tpu.memref_slice %arg9[%add3A_31, %dma_start3A_66] : memref<10240x128xf32, #tpu.memory_space<vmem_shared>> -> memref<64x128xf32, #tpu.memory_space<vmem_shared>>
      %dma_start3A_68 = arith.constant 0 : i32
      %dma_start3A_69 = tpu.memref_slice %arg9[%add3A_31, %dma_start3A_68] : memref<10240x128xf32, #tpu.memory_space<vmem_shared>> -> memref<64x128xf32, #tpu.memory_space<vmem_shared>>
      %dma_start3A_70 = arith.constant 0 : i32
      %dma_start3A_71 = arith.constant 0 : i32
      %dma_start3A_72 = tpu.memref_slice %arg8[%run_scoped3A_32, %dma_start3A_70, %dma_start3A_71] : memref<4x64x128xf32, #tpu.memory_space<vmem>> -> memref<1x64x128xf32, #tpu.memory_space<vmem>>
      %dma_start3A_73 = tpu.memref_squeeze %dma_start3A_72 : memref<1x64x128xf32, #tpu.memory_space<vmem>> -> memref<64x128xf32, #tpu.memory_space<vmem>>
      tpu.enqueue_dma source(%dma_start3A_73 : memref<64x128xf32, #tpu.memory_space<vmem>>) target(%dma_start3A_69 : memref<64x128xf32, #tpu.memory_space<vmem_shared>>) target_semaphore(%run_scoped3A_62 : memref<!tpu.dma_semaphore, #tpu.memory_space<semaphore_mem>>)
      %dma_wait3A = arith.constant 0 : i32
      %dma_wait3A_74 = arith.constant 0 : i32
      %dma_wait3A_75 = tpu.memref_slice %arg8[%run_scoped3A_32, %dma_wait3A, %dma_wait3A_74] : memref<4x64x128xf32, #tpu.memory_space<vmem>> -> memref<1x64x128xf32, #tpu.memory_space<vmem>>
      %dma_wait3A_76 = tpu.memref_squeeze %dma_wait3A_75 : memref<1x64x128xf32, #tpu.memory_space<vmem>> -> memref<64x128xf32, #tpu.memory_space<vmem>>
      %dma_wait3A_77 = arith.constant 0 : i32
      %dma_wait3A_78 = tpu.memref_slice %arg9[%add3A_31, %dma_wait3A_77] : memref<10240x128xf32, #tpu.memory_space<vmem_shared>> -> memref<64x128xf32, #tpu.memory_space<vmem_shared>>
      %dma_wait3A_79 = arith.constant 0 : i32
      %dma_wait3A_80 = tpu.memref_slice %arg9[%add3A_31, %dma_wait3A_79] : memref<10240x128xf32, #tpu.memory_space<vmem_shared>> -> memref<64x128xf32, #tpu.memory_space<vmem_shared>>
      %dma_wait3A_81 = arith.constant 0 : i32
      %dma_wait3A_82 = arith.constant 0 : i32
      %dma_wait3A_83 = tpu.memref_slice %arg8[%run_scoped3A_32, %dma_wait3A_81, %dma_wait3A_82] : memref<4x64x128xf32, #tpu.memory_space<vmem>> -> memref<1x64x128xf32, #tpu.memory_space<vmem>>
      %dma_wait3A_84 = tpu.memref_squeeze %dma_wait3A_83 : memref<1x64x128xf32, #tpu.memory_space<vmem>> -> memref<64x128xf32, #tpu.memory_space<vmem>>
      tpu.wait_dma2 semaphore(%run_scoped3A_62 : memref<!tpu.dma_semaphore, #tpu.memory_space<semaphore_mem>>) src(%dma_wait3A_84 : memref<64x128xf32, #tpu.memory_space<vmem>>) dst(%dma_wait3A_80 : memref<64x128xf32, #tpu.memory_space<vmem_shared>>)
      tpu.yield
    }) : () -> ()
    %add3A_33 = arith.constant 256 : i32
    %add3A_34 = arith.addi %mul3A_0, %add3A_33 : i32
    %add3A_35 = arith.constant 64 : i32
    %add3A_36 = arith.addi %add3A_34, %add3A_35 : i32
    %run_scoped3A_37 = arith.constant 1 : i32
    "tpu.region"() ({
      %run_scoped3A_62 = tpu.sem_alloc : memref<!tpu.dma_semaphore, #tpu.memory_space<semaphore_mem>>
      %dma_start3A = arith.constant 0 : i32
      %dma_start3A_63 = arith.constant 0 : i32
      %dma_start3A_64 = tpu.memref_slice %arg8[%run_scoped3A_37, %dma_start3A, %dma_start3A_63] : memref<4x64x128xf32, #tpu.memory_space<vmem>> -> memref<1x64x128xf32, #tpu.memory_space<vmem>>
      %dma_start3A_65 = tpu.memref_squeeze %dma_start3A_64 : memref<1x64x128xf32, #tpu.memory_space<vmem>> -> memref<64x128xf32, #tpu.memory_space<vmem>>
      %dma_start3A_66 = arith.constant 0 : i32
      %dma_start3A_67 = tpu.memref_slice %arg9[%add3A_36, %dma_start3A_66] : memref<10240x128xf32, #tpu.memory_space<vmem_shared>> -> memref<64x128xf32, #tpu.memory_space<vmem_shared>>
      %dma_start3A_68 = arith.constant 0 : i32
      %dma_start3A_69 = tpu.memref_slice %arg9[%add3A_36, %dma_start3A_68] : memref<10240x128xf32, #tpu.memory_space<vmem_shared>> -> memref<64x128xf32, #tpu.memory_space<vmem_shared>>
      %dma_start3A_70 = arith.constant 0 : i32
      %dma_start3A_71 = arith.constant 0 : i32
      %dma_start3A_72 = tpu.memref_slice %arg8[%run_scoped3A_37, %dma_start3A_70, %dma_start3A_71] : memref<4x64x128xf32, #tpu.memory_space<vmem>> -> memref<1x64x128xf32, #tpu.memory_space<vmem>>
      %dma_start3A_73 = tpu.memref_squeeze %dma_start3A_72 : memref<1x64x128xf32, #tpu.memory_space<vmem>> -> memref<64x128xf32, #tpu.memory_space<vmem>>
      tpu.enqueue_dma source(%dma_start3A_73 : memref<64x128xf32, #tpu.memory_space<vmem>>) target(%dma_start3A_69 : memref<64x128xf32, #tpu.memory_space<vmem_shared>>) target_semaphore(%run_scoped3A_62 : memref<!tpu.dma_semaphore, #tpu.memory_space<semaphore_mem>>)
      %dma_wait3A = arith.constant 0 : i32
      %dma_wait3A_74 = arith.constant 0 : i32
      %dma_wait3A_75 = tpu.memref_slice %arg8[%run_scoped3A_37, %dma_wait3A, %dma_wait3A_74] : memref<4x64x128xf32, #tpu.memory_space<vmem>> -> memref<1x64x128xf32, #tpu.memory_space<vmem>>
      %dma_wait3A_76 = tpu.memref_squeeze %dma_wait3A_75 : memref<1x64x128xf32, #tpu.memory_space<vmem>> -> memref<64x128xf32, #tpu.memory_space<vmem>>
      %dma_wait3A_77 = arith.constant 0 : i32
      %dma_wait3A_78 = tpu.memref_slice %arg9[%add3A_36, %dma_wait3A_77] : memref<10240x128xf32, #tpu.memory_space<vmem_shared>> -> memref<64x128xf32, #tpu.memory_space<vmem_shared>>
      %dma_wait3A_79 = arith.constant 0 : i32
      %dma_wait3A_80 = tpu.memref_slice %arg9[%add3A_36, %dma_wait3A_79] : memref<10240x128xf32, #tpu.memory_space<vmem_shared>> -> memref<64x128xf32, #tpu.memory_space<vmem_shared>>
      %dma_wait3A_81 = arith.constant 0 : i32
      %dma_wait3A_82 = arith.constant 0 : i32
      %dma_wait3A_83 = tpu.memref_slice %arg8[%run_scoped3A_37, %dma_wait3A_81, %dma_wait3A_82] : memref<4x64x128xf32, #tpu.memory_space<vmem>> -> memref<1x64x128xf32, #tpu.memory_space<vmem>>
      %dma_wait3A_84 = tpu.memref_squeeze %dma_wait3A_83 : memref<1x64x128xf32, #tpu.memory_space<vmem>> -> memref<64x128xf32, #tpu.memory_space<vmem>>
      tpu.wait_dma2 semaphore(%run_scoped3A_62 : memref<!tpu.dma_semaphore, #tpu.memory_space<semaphore_mem>>) src(%dma_wait3A_84 : memref<64x128xf32, #tpu.memory_space<vmem>>) dst(%dma_wait3A_80 : memref<64x128xf32, #tpu.memory_space<vmem_shared>>)
      tpu.yield
    }) : () -> ()
    %add3A_38 = arith.constant 384 : i32
    %add3A_39 = arith.addi %mul3A_0, %add3A_38 : i32
    %run_scoped3A_40 = arith.constant 0 : i32
    "tpu.region"() ({
      %run_scoped3A_62 = tpu.sem_alloc : memref<!tpu.dma_semaphore, #tpu.memory_space<semaphore_mem>>
      %dma_start3A = arith.constant 0 : i32
      %dma_start3A_63 = arith.constant 0 : i32
      %dma_start3A_64 = tpu.memref_slice %arg8[%run_scoped3A_40, %dma_start3A, %dma_start3A_63] : memref<4x64x128xf32, #tpu.memory_space<vmem>> -> memref<1x64x128xf32, #tpu.memory_space<vmem>>
      %dma_start3A_65 = tpu.memref_squeeze %dma_start3A_64 : memref<1x64x128xf32, #tpu.memory_space<vmem>> -> memref<64x128xf32, #tpu.memory_space<vmem>>
      %dma_start3A_66 = arith.constant 0 : i32
      %dma_start3A_67 = tpu.memref_slice %arg9[%add3A_39, %dma_start3A_66] : memref<10240x128xf32, #tpu.memory_space<vmem_shared>> -> memref<64x128xf32, #tpu.memory_space<vmem_shared>>
      %dma_start3A_68 = arith.constant 0 : i32
      %dma_start3A_69 = tpu.memref_slice %arg9[%add3A_39, %dma_start3A_68] : memref<10240x128xf32, #tpu.memory_space<vmem_shared>> -> memref<64x128xf32, #tpu.memory_space<vmem_shared>>
      %dma_start3A_70 = arith.constant 0 : i32
      %dma_start3A_71 = arith.constant 0 : i32
      %dma_start3A_72 = tpu.memref_slice %arg8[%run_scoped3A_40, %dma_start3A_70, %dma_start3A_71] : memref<4x64x128xf32, #tpu.memory_space<vmem>> -> memref<1x64x128xf32, #tpu.memory_space<vmem>>
      %dma_start3A_73 = tpu.memref_squeeze %dma_start3A_72 : memref<1x64x128xf32, #tpu.memory_space<vmem>> -> memref<64x128xf32, #tpu.memory_space<vmem>>
      tpu.enqueue_dma source(%dma_start3A_73 : memref<64x128xf32, #tpu.memory_space<vmem>>) target(%dma_start3A_69 : memref<64x128xf32, #tpu.memory_space<vmem_shared>>) target_semaphore(%run_scoped3A_62 : memref<!tpu.dma_semaphore, #tpu.memory_space<semaphore_mem>>)
      %dma_wait3A = arith.constant 0 : i32
      %dma_wait3A_74 = arith.constant 0 : i32
      %dma_wait3A_75 = tpu.memref_slice %arg8[%run_scoped3A_40, %dma_wait3A, %dma_wait3A_74] : memref<4x64x128xf32, #tpu.memory_space<vmem>> -> memref<1x64x128xf32, #tpu.memory_space<vmem>>
      %dma_wait3A_76 = tpu.memref_squeeze %dma_wait3A_75 : memref<1x64x128xf32, #tpu.memory_space<vmem>> -> memref<64x128xf32, #tpu.memory_space<vmem>>
      %dma_wait3A_77 = arith.constant 0 : i32
      %dma_wait3A_78 = tpu.memref_slice %arg9[%add3A_39, %dma_wait3A_77] : memref<10240x128xf32, #tpu.memory_space<vmem_shared>> -> memref<64x128xf32, #tpu.memory_space<vmem_shared>>
      %dma_wait3A_79 = arith.constant 0 : i32
      %dma_wait3A_80 = tpu.memref_slice %arg9[%add3A_39, %dma_wait3A_79] : memref<10240x128xf32, #tpu.memory_space<vmem_shared>> -> memref<64x128xf32, #tpu.memory_space<vmem_shared>>
      %dma_wait3A_81 = arith.constant 0 : i32
      %dma_wait3A_82 = arith.constant 0 : i32
      %dma_wait3A_83 = tpu.memref_slice %arg8[%run_scoped3A_40, %dma_wait3A_81, %dma_wait3A_82] : memref<4x64x128xf32, #tpu.memory_space<vmem>> -> memref<1x64x128xf32, #tpu.memory_space<vmem>>
      %dma_wait3A_84 = tpu.memref_squeeze %dma_wait3A_83 : memref<1x64x128xf32, #tpu.memory_space<vmem>> -> memref<64x128xf32, #tpu.memory_space<vmem>>
      tpu.wait_dma2 semaphore(%run_scoped3A_62 : memref<!tpu.dma_semaphore, #tpu.memory_space<semaphore_mem>>) src(%dma_wait3A_84 : memref<64x128xf32, #tpu.memory_space<vmem>>) dst(%dma_wait3A_80 : memref<64x128xf32, #tpu.memory_space<vmem_shared>>)
      tpu.yield
    }) : () -> ()
    %add3A_41 = arith.constant 384 : i32
    %add3A_42 = arith.addi %mul3A_0, %add3A_41 : i32
    %add3A_43 = arith.constant 64 : i32
    %add3A_44 = arith.addi %add3A_42, %add3A_43 : i32
    %run_scoped3A_45 = arith.constant 1 : i32
    "tpu.region"() ({
      %run_scoped3A_62 = tpu.sem_alloc : memref<!tpu.dma_semaphore, #tpu.memory_space<semaphore_mem>>
      %dma_start3A = arith.constant 0 : i32
      %dma_start3A_63 = arith.constant 0 : i32
      %dma_start3A_64 = tpu.memref_slice %arg8[%run_scoped3A_45, %dma_start3A, %dma_start3A_63] : memref<4x64x128xf32, #tpu.memory_space<vmem>> -> memref<1x64x128xf32, #tpu.memory_space<vmem>>
      %dma_start3A_65 = tpu.memref_squeeze %dma_start3A_64 : memref<1x64x128xf32, #tpu.memory_space<vmem>> -> memref<64x128xf32, #tpu.memory_space<vmem>>
      %dma_start3A_66 = arith.constant 0 : i32
      %dma_start3A_67 = tpu.memref_slice %arg9[%add3A_44, %dma_start3A_66] : memref<10240x128xf32, #tpu.memory_space<vmem_shared>> -> memref<64x128xf32, #tpu.memory_space<vmem_shared>>
      %dma_start3A_68 = arith.constant 0 : i32
      %dma_start3A_69 = tpu.memref_slice %arg9[%add3A_44, %dma_start3A_68] : memref<10240x128xf32, #tpu.memory_space<vmem_shared>> -> memref<64x128xf32, #tpu.memory_space<vmem_shared>>
      %dma_start3A_70 = arith.constant 0 : i32
      %dma_start3A_71 = arith.constant 0 : i32
      %dma_start3A_72 = tpu.memref_slice %arg8[%run_scoped3A_45, %dma_start3A_70, %dma_start3A_71] : memref<4x64x128xf32, #tpu.memory_space<vmem>> -> memref<1x64x128xf32, #tpu.memory_space<vmem>>
      %dma_start3A_73 = tpu.memref_squeeze %dma_start3A_72 : memref<1x64x128xf32, #tpu.memory_space<vmem>> -> memref<64x128xf32, #tpu.memory_space<vmem>>
      tpu.enqueue_dma source(%dma_start3A_73 : memref<64x128xf32, #tpu.memory_space<vmem>>) target(%dma_start3A_69 : memref<64x128xf32, #tpu.memory_space<vmem_shared>>) target_semaphore(%run_scoped3A_62 : memref<!tpu.dma_semaphore, #tpu.memory_space<semaphore_mem>>)
      %dma_wait3A = arith.constant 0 : i32
      %dma_wait3A_74 = arith.constant 0 : i32
      %dma_wait3A_75 = tpu.memref_slice %arg8[%run_scoped3A_45, %dma_wait3A, %dma_wait3A_74] : memref<4x64x128xf32, #tpu.memory_space<vmem>> -> memref<1x64x128xf32, #tpu.memory_space<vmem>>
      %dma_wait3A_76 = tpu.memref_squeeze %dma_wait3A_75 : memref<1x64x128xf32, #tpu.memory_space<vmem>> -> memref<64x128xf32, #tpu.memory_space<vmem>>
      %dma_wait3A_77 = arith.constant 0 : i32
      %dma_wait3A_78 = tpu.memref_slice %arg9[%add3A_44, %dma_wait3A_77] : memref<10240x128xf32, #tpu.memory_space<vmem_shared>> -> memref<64x128xf32, #tpu.memory_space<vmem_shared>>
      %dma_wait3A_79 = arith.constant 0 : i32
      %dma_wait3A_80 = tpu.memref_slice %arg9[%add3A_44, %dma_wait3A_79] : memref<10240x128xf32, #tpu.memory_space<vmem_shared>> -> memref<64x128xf32, #tpu.memory_space<vmem_shared>>
      %dma_wait3A_81 = arith.constant 0 : i32
      %dma_wait3A_82 = arith.constant 0 : i32
      %dma_wait3A_83 = tpu.memref_slice %arg8[%run_scoped3A_45, %dma_wait3A_81, %dma_wait3A_82] : memref<4x64x128xf32, #tpu.memory_space<vmem>> -> memref<1x64x128xf32, #tpu.memory_space<vmem>>
      %dma_wait3A_84 = tpu.memref_squeeze %dma_wait3A_83 : memref<1x64x128xf32, #tpu.memory_space<vmem>> -> memref<64x128xf32, #tpu.memory_space<vmem>>
      tpu.wait_dma2 semaphore(%run_scoped3A_62 : memref<!tpu.dma_semaphore, #tpu.memory_space<semaphore_mem>>) src(%dma_wait3A_84 : memref<64x128xf32, #tpu.memory_space<vmem>>) dst(%dma_wait3A_80 : memref<64x128xf32, #tpu.memory_space<vmem_shared>>)
      tpu.yield
    }) : () -> ()
    %add3A_46 = arith.constant 512 : i32
    %add3A_47 = arith.addi %mul3A_0, %add3A_46 : i32
    %run_scoped3A_48 = arith.constant 0 : i32
    "tpu.region"() ({
      %run_scoped3A_62 = tpu.sem_alloc : memref<!tpu.dma_semaphore, #tpu.memory_space<semaphore_mem>>
      %dma_start3A = arith.constant 0 : i32
      %dma_start3A_63 = arith.constant 0 : i32
      %dma_start3A_64 = tpu.memref_slice %arg8[%run_scoped3A_48, %dma_start3A, %dma_start3A_63] : memref<4x64x128xf32, #tpu.memory_space<vmem>> -> memref<1x64x128xf32, #tpu.memory_space<vmem>>
      %dma_start3A_65 = tpu.memref_squeeze %dma_start3A_64 : memref<1x64x128xf32, #tpu.memory_space<vmem>> -> memref<64x128xf32, #tpu.memory_space<vmem>>
      %dma_start3A_66 = arith.constant 0 : i32
      %dma_start3A_67 = tpu.memref_slice %arg9[%add3A_47, %dma_start3A_66] : memref<10240x128xf32, #tpu.memory_space<vmem_shared>> -> memref<64x128xf32, #tpu.memory_space<vmem_shared>>
      %dma_start3A_68 = arith.constant 0 : i32
      %dma_start3A_69 = tpu.memref_slice %arg9[%add3A_47, %dma_start3A_68] : memref<10240x128xf32, #tpu.memory_space<vmem_shared>> -> memref<64x128xf32, #tpu.memory_space<vmem_shared>>
      %dma_start3A_70 = arith.constant 0 : i32
      %dma_start3A_71 = arith.constant 0 : i32
      %dma_start3A_72 = tpu.memref_slice %arg8[%run_scoped3A_48, %dma_start3A_70, %dma_start3A_71] : memref<4x64x128xf32, #tpu.memory_space<vmem>> -> memref<1x64x128xf32, #tpu.memory_space<vmem>>
      %dma_start3A_73 = tpu.memref_squeeze %dma_start3A_72 : memref<1x64x128xf32, #tpu.memory_space<vmem>> -> memref<64x128xf32, #tpu.memory_space<vmem>>
      tpu.enqueue_dma source(%dma_start3A_73 : memref<64x128xf32, #tpu.memory_space<vmem>>) target(%dma_start3A_69 : memref<64x128xf32, #tpu.memory_space<vmem_shared>>) target_semaphore(%run_scoped3A_62 : memref<!tpu.dma_semaphore, #tpu.memory_space<semaphore_mem>>)
      %dma_wait3A = arith.constant 0 : i32
      %dma_wait3A_74 = arith.constant 0 : i32
      %dma_wait3A_75 = tpu.memref_slice %arg8[%run_scoped3A_48, %dma_wait3A, %dma_wait3A_74] : memref<4x64x128xf32, #tpu.memory_space<vmem>> -> memref<1x64x128xf32, #tpu.memory_space<vmem>>
      %dma_wait3A_76 = tpu.memref_squeeze %dma_wait3A_75 : memref<1x64x128xf32, #tpu.memory_space<vmem>> -> memref<64x128xf32, #tpu.memory_space<vmem>>
      %dma_wait3A_77 = arith.constant 0 : i32
      %dma_wait3A_78 = tpu.memref_slice %arg9[%add3A_47, %dma_wait3A_77] : memref<10240x128xf32, #tpu.memory_space<vmem_shared>> -> memref<64x128xf32, #tpu.memory_space<vmem_shared>>
      %dma_wait3A_79 = arith.constant 0 : i32
      %dma_wait3A_80 = tpu.memref_slice %arg9[%add3A_47, %dma_wait3A_79] : memref<10240x128xf32, #tpu.memory_space<vmem_shared>> -> memref<64x128xf32, #tpu.memory_space<vmem_shared>>
      %dma_wait3A_81 = arith.constant 0 : i32
      %dma_wait3A_82 = arith.constant 0 : i32
      %dma_wait3A_83 = tpu.memref_slice %arg8[%run_scoped3A_48, %dma_wait3A_81, %dma_wait3A_82] : memref<4x64x128xf32, #tpu.memory_space<vmem>> -> memref<1x64x128xf32, #tpu.memory_space<vmem>>
      %dma_wait3A_84 = tpu.memref_squeeze %dma_wait3A_83 : memref<1x64x128xf32, #tpu.memory_space<vmem>> -> memref<64x128xf32, #tpu.memory_space<vmem>>
      tpu.wait_dma2 semaphore(%run_scoped3A_62 : memref<!tpu.dma_semaphore, #tpu.memory_space<semaphore_mem>>) src(%dma_wait3A_84 : memref<64x128xf32, #tpu.memory_space<vmem>>) dst(%dma_wait3A_80 : memref<64x128xf32, #tpu.memory_space<vmem_shared>>)
      tpu.yield
    }) : () -> ()
    %add3A_49 = arith.constant 512 : i32
    %add3A_50 = arith.addi %mul3A_0, %add3A_49 : i32
    %add3A_51 = arith.constant 64 : i32
    %add3A_52 = arith.addi %add3A_50, %add3A_51 : i32
    %run_scoped3A_53 = arith.constant 1 : i32
    "tpu.region"() ({
      %run_scoped3A_62 = tpu.sem_alloc : memref<!tpu.dma_semaphore, #tpu.memory_space<semaphore_mem>>
      %dma_start3A = arith.constant 0 : i32
      %dma_start3A_63 = arith.constant 0 : i32
      %dma_start3A_64 = tpu.memref_slice %arg8[%run_scoped3A_53, %dma_start3A, %dma_start3A_63] : memref<4x64x128xf32, #tpu.memory_space<vmem>> -> memref<1x64x128xf32, #tpu.memory_space<vmem>>
      %dma_start3A_65 = tpu.memref_squeeze %dma_start3A_64 : memref<1x64x128xf32, #tpu.memory_space<vmem>> -> memref<64x128xf32, #tpu.memory_space<vmem>>
      %dma_start3A_66 = arith.constant 0 : i32
      %dma_start3A_67 = tpu.memref_slice %arg9[%add3A_52, %dma_start3A_66] : memref<10240x128xf32, #tpu.memory_space<vmem_shared>> -> memref<64x128xf32, #tpu.memory_space<vmem_shared>>
      %dma_start3A_68 = arith.constant 0 : i32
      %dma_start3A_69 = tpu.memref_slice %arg9[%add3A_52, %dma_start3A_68] : memref<10240x128xf32, #tpu.memory_space<vmem_shared>> -> memref<64x128xf32, #tpu.memory_space<vmem_shared>>
      %dma_start3A_70 = arith.constant 0 : i32
      %dma_start3A_71 = arith.constant 0 : i32
      %dma_start3A_72 = tpu.memref_slice %arg8[%run_scoped3A_53, %dma_start3A_70, %dma_start3A_71] : memref<4x64x128xf32, #tpu.memory_space<vmem>> -> memref<1x64x128xf32, #tpu.memory_space<vmem>>
      %dma_start3A_73 = tpu.memref_squeeze %dma_start3A_72 : memref<1x64x128xf32, #tpu.memory_space<vmem>> -> memref<64x128xf32, #tpu.memory_space<vmem>>
      tpu.enqueue_dma source(%dma_start3A_73 : memref<64x128xf32, #tpu.memory_space<vmem>>) target(%dma_start3A_69 : memref<64x128xf32, #tpu.memory_space<vmem_shared>>) target_semaphore(%run_scoped3A_62 : memref<!tpu.dma_semaphore, #tpu.memory_space<semaphore_mem>>)
      %dma_wait3A = arith.constant 0 : i32
      %dma_wait3A_74 = arith.constant 0 : i32
      %dma_wait3A_75 = tpu.memref_slice %arg8[%run_scoped3A_53, %dma_wait3A, %dma_wait3A_74] : memref<4x64x128xf32, #tpu.memory_space<vmem>> -> memref<1x64x128xf32, #tpu.memory_space<vmem>>
      %dma_wait3A_76 = tpu.memref_squeeze %dma_wait3A_75 : memref<1x64x128xf32, #tpu.memory_space<vmem>> -> memref<64x128xf32, #tpu.memory_space<vmem>>
      %dma_wait3A_77 = arith.constant 0 : i32
      %dma_wait3A_78 = tpu.memref_slice %arg9[%add3A_52, %dma_wait3A_77] : memref<10240x128xf32, #tpu.memory_space<vmem_shared>> -> memref<64x128xf32, #tpu.memory_space<vmem_shared>>
      %dma_wait3A_79 = arith.constant 0 : i32
      %dma_wait3A_80 = tpu.memref_slice %arg9[%add3A_52, %dma_wait3A_79] : memref<10240x128xf32, #tpu.memory_space<vmem_shared>> -> memref<64x128xf32, #tpu.memory_space<vmem_shared>>
      %dma_wait3A_81 = arith.constant 0 : i32
      %dma_wait3A_82 = arith.constant 0 : i32
      %dma_wait3A_83 = tpu.memref_slice %arg8[%run_scoped3A_53, %dma_wait3A_81, %dma_wait3A_82] : memref<4x64x128xf32, #tpu.memory_space<vmem>> -> memref<1x64x128xf32, #tpu.memory_space<vmem>>
      %dma_wait3A_84 = tpu.memref_squeeze %dma_wait3A_83 : memref<1x64x128xf32, #tpu.memory_space<vmem>> -> memref<64x128xf32, #tpu.memory_space<vmem>>
      tpu.wait_dma2 semaphore(%run_scoped3A_62 : memref<!tpu.dma_semaphore, #tpu.memory_space<semaphore_mem>>) src(%dma_wait3A_84 : memref<64x128xf32, #tpu.memory_space<vmem>>) dst(%dma_wait3A_80 : memref<64x128xf32, #tpu.memory_space<vmem_shared>>)
      tpu.yield
    }) : () -> ()
    %barrier3A = arith.constant 0 : index
    tpu.barrier barrier_id(%barrier3A)
    %scan3A_54 = arith.constant 0 : i32
    %scan3A_55 = arith.constant 0 : i32
    %scan3A_56 = arith.constant 10 : i32
    %scan3A_57 = arith.addi %scan3A_55, %scan3A_56 : i32
    %scan3A_58 = arith.constant 1 : i32
    %scan3A_59 = scf.for %scan3A_62 = %scan3A_55 to %scan3A_57 step %scan3A_58 iter_args(%scan3A_63 = %scan3A_54) -> (i32)  : i32 {
      %mul3A_64 = arith.constant 32 : i32
      %mul3A_65 = arith.muli %scan3A_62, %mul3A_64 : i32
      "tpu.region"() ({
        %run_scoped3A_111 = tpu.sem_alloc : memref<!tpu.dma_semaphore, #tpu.memory_space<semaphore_mem>>
        %dma_start3A_112 = arith.constant 0 : i32
        %dma_start3A_113 = tpu.memref_slice %arg3[%arg0, %arg1, %mul3A_65, %dma_start3A_112] : memref<2x16x320x64xi32, #tpu.memory_space<hbm>> -> memref<1x1x32x64xi32, #tpu.memory_space<hbm>>
        %dma_start3A_114 = tpu.memref_squeeze %dma_start3A_113 : memref<1x1x32x64xi32, #tpu.memory_space<hbm>> -> memref<32x64xi32, #tpu.memory_space<hbm>>
        %dma_start3A_115 = arith.constant 0 : i32
        %dma_start3A_116 = tpu.memref_slice %arg3[%arg0, %arg1, %mul3A_65, %dma_start3A_115] : memref<2x16x320x64xi32, #tpu.memory_space<hbm>> -> memref<1x1x32x64xi32, #tpu.memory_space<hbm>>
        %dma_start3A_117 = tpu.memref_squeeze %dma_start3A_116 : memref<1x1x32x64xi32, #tpu.memory_space<hbm>> -> memref<32x64xi32, #tpu.memory_space<hbm>>
        tpu.enqueue_dma source(%dma_start3A_117 : memref<32x64xi32, #tpu.memory_space<hbm>>) target(%arg6 : memref<32x64xi32, #tpu.memory_space<vmem>>) target_semaphore(%run_scoped3A_111 : memref<!tpu.dma_semaphore, #tpu.memory_space<semaphore_mem>>)
        %dma_wait3A = arith.constant 0 : i32
        %dma_wait3A_118 = tpu.memref_slice %arg3[%arg0, %arg1, %mul3A_65, %dma_wait3A] : memref<2x16x320x64xi32, #tpu.memory_space<hbm>> -> memref<1x1x32x64xi32, #tpu.memory_space<hbm>>
        %dma_wait3A_119 = tpu.memref_squeeze %dma_wait3A_118 : memref<1x1x32x64xi32, #tpu.memory_space<hbm>> -> memref<32x64xi32, #tpu.memory_space<hbm>>
        %dma_wait3A_120 = arith.constant 0 : i32
        %dma_wait3A_121 = tpu.memref_slice %arg3[%arg0, %arg1, %mul3A_65, %dma_wait3A_120] : memref<2x16x320x64xi32, #tpu.memory_space<hbm>> -> memref<1x1x32x64xi32, #tpu.memory_space<hbm>>
        %dma_wait3A_122 = tpu.memref_squeeze %dma_wait3A_121 : memref<1x1x32x64xi32, #tpu.memory_space<hbm>> -> memref<32x64xi32, #tpu.memory_space<hbm>>
        tpu.wait_dma2 semaphore(%run_scoped3A_111 : memref<!tpu.dma_semaphore, #tpu.memory_space<semaphore_mem>>) src(%dma_wait3A_122 : memref<32x64xi32, #tpu.memory_space<hbm>>) dst(%arg6 : memref<32x64xi32, #tpu.memory_space<vmem>>)
        tpu.yield
      }) : () -> ()
      %mul3A_66 = arith.constant 32 : i32
      %mul3A_67 = arith.muli %scan3A_62, %mul3A_66 : i32
      "tpu.region"() ({
        %run_scoped3A_111 = tpu.sem_alloc : memref<!tpu.dma_semaphore, #tpu.memory_space<semaphore_mem>>
        %dma_start3A_112 = arith.constant 0 : i32
        %dma_start3A_113 = tpu.memref_slice %arg4[%arg1, %mul3A_67, %dma_start3A_112] : memref<16x320x64xi32, #tpu.memory_space<hbm>> -> memref<1x32x64xi32, #tpu.memory_space<hbm>>
        %dma_start3A_114 = tpu.memref_squeeze %dma_start3A_113 : memref<1x32x64xi32, #tpu.memory_space<hbm>> -> memref<32x64xi32, #tpu.memory_space<hbm>>
        %dma_start3A_115 = arith.constant 0 : i32
        %dma_start3A_116 = tpu.memref_slice %arg4[%arg1, %mul3A_67, %dma_start3A_115] : memref<16x320x64xi32, #tpu.memory_space<hbm>> -> memref<1x32x64xi32, #tpu.memory_space<hbm>>
        %dma_start3A_117 = tpu.memref_squeeze %dma_start3A_116 : memref<1x32x64xi32, #tpu.memory_space<hbm>> -> memref<32x64xi32, #tpu.memory_space<hbm>>
        tpu.enqueue_dma source(%dma_start3A_117 : memref<32x64xi32, #tpu.memory_space<hbm>>) target(%arg7 : memref<32x64xi32, #tpu.memory_space<vmem>>) target_semaphore(%run_scoped3A_111 : memref<!tpu.dma_semaphore, #tpu.memory_space<semaphore_mem>>)
        %dma_wait3A = arith.constant 0 : i32
        %dma_wait3A_118 = tpu.memref_slice %arg4[%arg1, %mul3A_67, %dma_wait3A] : memref<16x320x64xi32, #tpu.memory_space<hbm>> -> memref<1x32x64xi32, #tpu.memory_space<hbm>>
        %dma_wait3A_119 = tpu.memref_squeeze %dma_wait3A_118 : memref<1x32x64xi32, #tpu.memory_space<hbm>> -> memref<32x64xi32, #tpu.memory_space<hbm>>
        %dma_wait3A_120 = arith.constant 0 : i32
        %dma_wait3A_121 = tpu.memref_slice %arg4[%arg1, %mul3A_67, %dma_wait3A_120] : memref<16x320x64xi32, #tpu.memory_space<hbm>> -> memref<1x32x64xi32, #tpu.memory_space<hbm>>
        %dma_wait3A_122 = tpu.memref_squeeze %dma_wait3A_121 : memref<1x32x64xi32, #tpu.memory_space<hbm>> -> memref<32x64xi32, #tpu.memory_space<hbm>>
        tpu.wait_dma2 semaphore(%run_scoped3A_111 : memref<!tpu.dma_semaphore, #tpu.memory_space<semaphore_mem>>) src(%dma_wait3A_122 : memref<32x64xi32, #tpu.memory_space<hbm>>) dst(%arg7 : memref<32x64xi32, #tpu.memory_space<vmem>>)
        tpu.yield
      }) : () -> ()
      %dma_start3A = arith.constant 0 : i32
      %dma_start3A_68 = arith.constant 0 : i32
      %dma_start3A_69 = arith.constant 0 : i32
      %dma_start3A_70 = arith.constant 0 : i32
      %dma_start3A_71 = tpu.memref_slice %arg8[%dma_start3A_68, %dma_start3A_69, %dma_start3A_70] : memref<4x64x128xf32, #tpu.memory_space<vmem>> -> memref<1x64x128xf32, #tpu.memory_space<vmem>>
      %dma_start3A_72 = tpu.memref_squeeze %dma_start3A_71 : memref<1x64x128xf32, #tpu.memory_space<vmem>> -> memref<64x128xf32, #tpu.memory_space<vmem>>
      %dma_start3A_73 = arith.constant 0 : i32
      %dma_start3A_74 = tpu.memref_slice %arg6[%dma_start3A, %dma_start3A_73] : memref<32x64xi32, #tpu.memory_space<vmem>> -> memref<1x64xi32, #tpu.memory_space<vmem>>
      %dma_start3A_75 = tpu.memref_squeeze %dma_start3A_74 : memref<1x64xi32, #tpu.memory_space<vmem>> -> memref<64xi32, #tpu.memory_space<vmem>>
      %dma_start3A_76 = arith.constant 0 : i32
      %dma_start3A_77 = arith.constant 0 : i32
      %dma_start3A_78 = tpu.memref_slice %arg2[%dma_start3A_76, %dma_start3A_77] : memref<20480x128xf32, #tpu.memory_space<hbm>> -> memref<20480x128xf32, #tpu.memory_space<hbm>>
      tpu.enqueue_indirect_dma source(%dma_start3A_78 : memref<20480x128xf32, #tpu.memory_space<hbm>>) target(%dma_start3A_72 : memref<64x128xf32, #tpu.memory_space<vmem>>) offsets(%dma_start3A_75 : memref<64xi32, #tpu.memory_space<vmem>>) semaphore(%arg10 : memref<!tpu.dma_semaphore, #tpu.memory_space<semaphore_mem>>)
      %dma_start3A_79 = arith.constant 1 : i32
      %dma_start3A_80 = arith.constant 1 : i32
      %dma_start3A_81 = arith.constant 0 : i32
      %dma_start3A_82 = arith.constant 0 : i32
      %dma_start3A_83 = tpu.memref_slice %arg8[%dma_start3A_80, %dma_start3A_81, %dma_start3A_82] : memref<4x64x128xf32, #tpu.memory_space<vmem>> -> memref<1x64x128xf32, #tpu.memory_space<vmem>>
      %dma_start3A_84 = tpu.memref_squeeze %dma_start3A_83 : memref<1x64x128xf32, #tpu.memory_space<vmem>> -> memref<64x128xf32, #tpu.memory_space<vmem>>
      %dma_start3A_85 = arith.constant 0 : i32
      %dma_start3A_86 = tpu.memref_slice %arg6[%dma_start3A_79, %dma_start3A_85] : memref<32x64xi32, #tpu.memory_space<vmem>> -> memref<1x64xi32, #tpu.memory_space<vmem>>
      %dma_start3A_87 = tpu.memref_squeeze %dma_start3A_86 : memref<1x64xi32, #tpu.memory_space<vmem>> -> memref<64xi32, #tpu.memory_space<vmem>>
      %dma_start3A_88 = arith.constant 0 : i32
      %dma_start3A_89 = arith.constant 0 : i32
      %dma_start3A_90 = tpu.memref_slice %arg2[%dma_start3A_88, %dma_start3A_89] : memref<20480x128xf32, #tpu.memory_space<hbm>> -> memref<20480x128xf32, #tpu.memory_space<hbm>>
      tpu.enqueue_indirect_dma source(%dma_start3A_90 : memref<20480x128xf32, #tpu.memory_space<hbm>>) target(%dma_start3A_84 : memref<64x128xf32, #tpu.memory_space<vmem>>) offsets(%dma_start3A_87 : memref<64xi32, #tpu.memory_space<vmem>>) semaphore(%arg10 : memref<!tpu.dma_semaphore, #tpu.memory_space<semaphore_mem>>)
      %dma_start3A_91 = arith.constant 2 : i32
      %dma_start3A_92 = arith.constant 2 : i32
      %dma_start3A_93 = arith.constant 0 : i32
      %dma_start3A_94 = arith.constant 0 : i32
      %dma_start3A_95 = tpu.memref_slice %arg8[%dma_start3A_92, %dma_start3A_93, %dma_start3A_94] : memref<4x64x128xf32, #tpu.memory_space<vmem>> -> memref<1x64x128xf32, #tpu.memory_space<vmem>>
      %dma_start3A_96 = tpu.memref_squeeze %dma_start3A_95 : memref<1x64x128xf32, #tpu.memory_space<vmem>> -> memref<64x128xf32, #tpu.memory_space<vmem>>
      %dma_start3A_97 = arith.constant 0 : i32
      %dma_start3A_98 = tpu.memref_slice %arg6[%dma_start3A_91, %dma_start3A_97] : memref<32x64xi32, #tpu.memory_space<vmem>> -> memref<1x64xi32, #tpu.memory_space<vmem>>
      %dma_start3A_99 = tpu.memref_squeeze %dma_start3A_98 : memref<1x64xi32, #tpu.memory_space<vmem>> -> memref<64xi32, #tpu.memory_space<vmem>>
      %dma_start3A_100 = arith.constant 0 : i32
      %dma_start3A_101 = arith.constant 0 : i32
      %dma_start3A_102 = tpu.memref_slice %arg2[%dma_start3A_100, %dma_start3A_101] : memref<20480x128xf32, #tpu.memory_space<hbm>> -> memref<20480x128xf32, #tpu.memory_space<hbm>>
      tpu.enqueue_indirect_dma source(%dma_start3A_102 : memref<20480x128xf32, #tpu.memory_space<hbm>>) target(%dma_start3A_96 : memref<64x128xf32, #tpu.memory_space<vmem>>) offsets(%dma_start3A_99 : memref<64xi32, #tpu.memory_space<vmem>>) semaphore(%arg10 : memref<!tpu.dma_semaphore, #tpu.memory_space<semaphore_mem>>)
      %scan3A_103 = arith.constant 0 : i32
      %scan3A_104 = arith.constant 0 : i32
      %scan3A_105 = arith.constant 8 : i32
      %scan3A_106 = arith.addi %scan3A_104, %scan3A_105 : i32
      %scan3A_107 = arith.constant 1 : i32
      %scan3A_108 = scf.for %scan3A_111 = %scan3A_104 to %scan3A_106 step %scan3A_107 iter_args(%scan3A_112 = %scan3A_103) -> (i32)  : i32 {
        %mul3A_113 = arith.constant 4 : i32
        %mul3A_114 = arith.muli %scan3A_111, %mul3A_113 : i32
        %add3A_115 = arith.constant 0 : i32
        %add3A_116 = arith.addi %mul3A_114, %add3A_115 : i32
        %dma_wait3A = arith.constant 0 : i32
        %dma_wait3A_117 = arith.constant 0 : i32
        %dma_wait3A_118 = arith.constant 0 : i32
        %dma_wait3A_119 = arith.constant 0 : i32
        %dma_wait3A_120 = tpu.memref_slice %arg8[%dma_wait3A_117, %dma_wait3A_118, %dma_wait3A_119] : memref<4x64x128xf32, #tpu.memory_space<vmem>> -> memref<1x64x128xf32, #tpu.memory_space<vmem>>
        %dma_wait3A_121 = tpu.memref_squeeze %dma_wait3A_120 : memref<1x64x128xf32, #tpu.memory_space<vmem>> -> memref<64x128xf32, #tpu.memory_space<vmem>>
        %dma_wait3A_122 = arith.constant 0 : i32
        %dma_wait3A_123 = tpu.memref_slice %arg6[%dma_wait3A, %dma_wait3A_122] : memref<32x64xi32, #tpu.memory_space<vmem>> -> memref<1x64xi32, #tpu.memory_space<vmem>>
        %dma_wait3A_124 = tpu.memref_squeeze %dma_wait3A_123 : memref<1x64xi32, #tpu.memory_space<vmem>> -> memref<64xi32, #tpu.memory_space<vmem>>
        %dma_wait3A_125 = arith.constant 0 : i32
        %dma_wait3A_126 = arith.constant 0 : i32
        %dma_wait3A_127 = tpu.memref_slice %arg2[%dma_wait3A_125, %dma_wait3A_126] : memref<20480x128xf32, #tpu.memory_space<hbm>> -> memref<20480x128xf32, #tpu.memory_space<hbm>>
        tpu.wait_indirect_dma semaphore(%arg10 : memref<!tpu.dma_semaphore, #tpu.memory_space<semaphore_mem>>) src(%dma_wait3A_127 : memref<20480x128xf32, #tpu.memory_space<hbm>>) dst(%dma_wait3A_121 : memref<64x128xf32, #tpu.memory_space<vmem>>)
        %add3A_128 = arith.constant 4 : i32
        %add3A_129 = arith.addi %add3A_116, %add3A_128 : i32
        %sub3A = arith.constant 1 : i32
        %sub3A_130 = arith.subi %add3A_129, %sub3A : i32
        %lt3A = arith.constant 32 : i32
        %lt3A_131 = arith.cmpi slt, %sub3A_130, %lt3A : i32
        %convert_element_type3A = arith.extui %lt3A_131 : i1 to i32
        %cond3A = arith.constant 0 : i32
        %cond3A_132 = arith.cmpi ne, %convert_element_type3A, %cond3A : i32
        scf.if %cond3A_132 {
          %add3A_207 = arith.constant 4 : i32
          %add3A_208 = arith.addi %add3A_116, %add3A_207 : i32
          %sub3A_209 = arith.constant 1 : i32
          %sub3A_210 = arith.subi %add3A_208, %sub3A_209 : i32
          %dma_start3A_211 = arith.constant 3 : i32
          %dma_start3A_212 = arith.constant 0 : i32
          %dma_start3A_213 = arith.constant 0 : i32
          %dma_start3A_214 = tpu.memref_slice %arg8[%dma_start3A_211, %dma_start3A_212, %dma_start3A_213] : memref<4x64x128xf32, #tpu.memory_space<vmem>> -> memref<1x64x128xf32, #tpu.memory_space<vmem>>
          %dma_start3A_215 = tpu.memref_squeeze %dma_start3A_214 : memref<1x64x128xf32, #tpu.memory_space<vmem>> -> memref<64x128xf32, #tpu.memory_space<vmem>>
          %dma_start3A_216 = arith.constant 0 : i32
          %dma_start3A_217 = tpu.memref_slice %arg6[%sub3A_210, %dma_start3A_216] : memref<32x64xi32, #tpu.memory_space<vmem>> -> memref<1x64xi32, #tpu.memory_space<vmem>>
          %dma_start3A_218 = tpu.memref_squeeze %dma_start3A_217 : memref<1x64xi32, #tpu.memory_space<vmem>> -> memref<64xi32, #tpu.memory_space<vmem>>
          %dma_start3A_219 = arith.constant 0 : i32
          %dma_start3A_220 = arith.constant 0 : i32
          %dma_start3A_221 = tpu.memref_slice %arg2[%dma_start3A_219, %dma_start3A_220] : memref<20480x128xf32, #tpu.memory_space<hbm>> -> memref<20480x128xf32, #tpu.memory_space<hbm>>
          tpu.enqueue_indirect_dma source(%dma_start3A_221 : memref<20480x128xf32, #tpu.memory_space<hbm>>) target(%dma_start3A_215 : memref<64x128xf32, #tpu.memory_space<vmem>>) offsets(%dma_start3A_218 : memref<64xi32, #tpu.memory_space<vmem>>) semaphore(%arg10 : memref<!tpu.dma_semaphore, #tpu.memory_space<semaphore_mem>>)
        } else {
        }
        %run_scoped3A_133 = arith.constant 0 : i32
        "tpu.region"() ({
          %run_scoped3A_207 = tpu.sem_alloc : memref<!tpu.dma_semaphore, #tpu.memory_space<semaphore_mem>>
          %dma_start3A_208 = arith.constant 0 : i32
          %dma_start3A_209 = arith.constant 0 : i32
          %dma_start3A_210 = tpu.memref_slice %arg8[%run_scoped3A_133, %dma_start3A_208, %dma_start3A_209] : memref<4x64x128xf32, #tpu.memory_space<vmem>> -> memref<1x64x128xf32, #tpu.memory_space<vmem>>
          %dma_start3A_211 = tpu.memref_squeeze %dma_start3A_210 : memref<1x64x128xf32, #tpu.memory_space<vmem>> -> memref<64x128xf32, #tpu.memory_space<vmem>>
          %dma_start3A_212 = arith.constant 0 : i32
          %dma_start3A_213 = tpu.memref_slice %arg7[%add3A_116, %dma_start3A_212] : memref<32x64xi32, #tpu.memory_space<vmem>> -> memref<1x64xi32, #tpu.memory_space<vmem>>
          %dma_start3A_214 = tpu.memref_squeeze %dma_start3A_213 : memref<1x64xi32, #tpu.memory_space<vmem>> -> memref<64xi32, #tpu.memory_space<vmem>>
          %dma_start3A_215 = arith.constant 0 : i32
          %dma_start3A_216 = arith.constant 0 : i32
          %dma_start3A_217 = tpu.memref_slice %arg9[%dma_start3A_215, %dma_start3A_216] : memref<10240x128xf32, #tpu.memory_space<vmem_shared>> -> memref<10240x128xf32, #tpu.memory_space<vmem_shared>>
          tpu.enqueue_indirect_dma source(%dma_start3A_211 : memref<64x128xf32, #tpu.memory_space<vmem>>) target(%dma_start3A_217 : memref<10240x128xf32, #tpu.memory_space<vmem_shared>>) offsets(%dma_start3A_214 : memref<64xi32, #tpu.memory_space<vmem>>) semaphore(%run_scoped3A_207 : memref<!tpu.dma_semaphore, #tpu.memory_space<semaphore_mem>>) {add = true}
          %dma_wait3A_218 = arith.constant 0 : i32
          %dma_wait3A_219 = arith.constant 0 : i32
          %dma_wait3A_220 = tpu.memref_slice %arg8[%run_scoped3A_133, %dma_wait3A_218, %dma_wait3A_219] : memref<4x64x128xf32, #tpu.memory_space<vmem>> -> memref<1x64x128xf32, #tpu.memory_space<vmem>>
          %dma_wait3A_221 = tpu.memref_squeeze %dma_wait3A_220 : memref<1x64x128xf32, #tpu.memory_space<vmem>> -> memref<64x128xf32, #tpu.memory_space<vmem>>
          %dma_wait3A_222 = arith.constant 0 : i32
          %dma_wait3A_223 = tpu.memref_slice %arg7[%add3A_116, %dma_wait3A_222] : memref<32x64xi32, #tpu.memory_space<vmem>> -> memref<1x64xi32, #tpu.memory_space<vmem>>
          %dma_wait3A_224 = tpu.memref_squeeze %dma_wait3A_223 : memref<1x64xi32, #tpu.memory_space<vmem>> -> memref<64xi32, #tpu.memory_space<vmem>>
          %dma_wait3A_225 = arith.constant 0 : i32
          %dma_wait3A_226 = arith.constant 0 : i32
          %dma_wait3A_227 = tpu.memref_slice %arg9[%dma_wait3A_225, %dma_wait3A_226] : memref<10240x128xf32, #tpu.memory_space<vmem_shared>> -> memref<10240x128xf32, #tpu.memory_space<vmem_shared>>
          tpu.wait_indirect_dma semaphore(%run_scoped3A_207 : memref<!tpu.dma_semaphore, #tpu.memory_space<semaphore_mem>>) src(%dma_wait3A_221 : memref<64x128xf32, #tpu.memory_space<vmem>>) dst(%dma_wait3A_227 : memref<10240x128xf32, #tpu.memory_space<vmem_shared>>)
          tpu.yield
        }) : () -> ()
        %add3A_134 = arith.constant 1 : i32
        %add3A_135 = arith.addi %mul3A_114, %add3A_134 : i32
        %dma_wait3A_136 = arith.constant 0 : i32
        %dma_wait3A_137 = arith.constant 1 : i32
        %dma_wait3A_138 = arith.constant 0 : i32
        %dma_wait3A_139 = arith.constant 0 : i32
        %dma_wait3A_140 = tpu.memref_slice %arg8[%dma_wait3A_137, %dma_wait3A_138, %dma_wait3A_139] : memref<4x64x128xf32, #tpu.memory_space<vmem>> -> memref<1x64x128xf32, #tpu.memory_space<vmem>>
        %dma_wait3A_141 = tpu.memref_squeeze %dma_wait3A_140 : memref<1x64x128xf32, #tpu.memory_space<vmem>> -> memref<64x128xf32, #tpu.memory_space<vmem>>
        %dma_wait3A_142 = arith.constant 0 : i32
        %dma_wait3A_143 = tpu.memref_slice %arg6[%dma_wait3A_136, %dma_wait3A_142] : memref<32x64xi32, #tpu.memory_space<vmem>> -> memref<1x64xi32, #tpu.memory_space<vmem>>
        %dma_wait3A_144 = tpu.memref_squeeze %dma_wait3A_143 : memref<1x64xi32, #tpu.memory_space<vmem>> -> memref<64xi32, #tpu.memory_space<vmem>>
        %dma_wait3A_145 = arith.constant 0 : i32
        %dma_wait3A_146 = arith.constant 0 : i32
        %dma_wait3A_147 = tpu.memref_slice %arg2[%dma_wait3A_145, %dma_wait3A_146] : memref<20480x128xf32, #tpu.memory_space<hbm>> -> memref<20480x128xf32, #tpu.memory_space<hbm>>
        tpu.wait_indirect_dma semaphore(%arg10 : memref<!tpu.dma_semaphore, #tpu.memory_space<semaphore_mem>>) src(%dma_wait3A_147 : memref<20480x128xf32, #tpu.memory_space<hbm>>) dst(%dma_wait3A_141 : memref<64x128xf32, #tpu.memory_space<vmem>>)
        %add3A_148 = arith.constant 4 : i32
        %add3A_149 = arith.addi %add3A_135, %add3A_148 : i32
        %sub3A_150 = arith.constant 1 : i32
        %sub3A_151 = arith.subi %add3A_149, %sub3A_150 : i32
        %lt3A_152 = arith.constant 32 : i32
        %lt3A_153 = arith.cmpi slt, %sub3A_151, %lt3A_152 : i32
        %convert_element_type3A_154 = arith.extui %lt3A_153 : i1 to i32
        %cond3A_155 = arith.constant 0 : i32
        %cond3A_156 = arith.cmpi ne, %convert_element_type3A_154, %cond3A_155 : i32
        scf.if %cond3A_156 {
          %add3A_207 = arith.constant 4 : i32
          %add3A_208 = arith.addi %add3A_135, %add3A_207 : i32
          %sub3A_209 = arith.constant 1 : i32
          %sub3A_210 = arith.subi %add3A_208, %sub3A_209 : i32
          %dma_start3A_211 = arith.constant 0 : i32
          %dma_start3A_212 = arith.constant 0 : i32
          %dma_start3A_213 = arith.constant 0 : i32
          %dma_start3A_214 = tpu.memref_slice %arg8[%dma_start3A_211, %dma_start3A_212, %dma_start3A_213] : memref<4x64x128xf32, #tpu.memory_space<vmem>> -> memref<1x64x128xf32, #tpu.memory_space<vmem>>
          %dma_start3A_215 = tpu.memref_squeeze %dma_start3A_214 : memref<1x64x128xf32, #tpu.memory_space<vmem>> -> memref<64x128xf32, #tpu.memory_space<vmem>>
          %dma_start3A_216 = arith.constant 0 : i32
          %dma_start3A_217 = tpu.memref_slice %arg6[%sub3A_210, %dma_start3A_216] : memref<32x64xi32, #tpu.memory_space<vmem>> -> memref<1x64xi32, #tpu.memory_space<vmem>>
          %dma_start3A_218 = tpu.memref_squeeze %dma_start3A_217 : memref<1x64xi32, #tpu.memory_space<vmem>> -> memref<64xi32, #tpu.memory_space<vmem>>
          %dma_start3A_219 = arith.constant 0 : i32
          %dma_start3A_220 = arith.constant 0 : i32
          %dma_start3A_221 = tpu.memref_slice %arg2[%dma_start3A_219, %dma_start3A_220] : memref<20480x128xf32, #tpu.memory_space<hbm>> -> memref<20480x128xf32, #tpu.memory_space<hbm>>
          tpu.enqueue_indirect_dma source(%dma_start3A_221 : memref<20480x128xf32, #tpu.memory_space<hbm>>) target(%dma_start3A_215 : memref<64x128xf32, #tpu.memory_space<vmem>>) offsets(%dma_start3A_218 : memref<64xi32, #tpu.memory_space<vmem>>) semaphore(%arg10 : memref<!tpu.dma_semaphore, #tpu.memory_space<semaphore_mem>>)
        } else {
        }
        %run_scoped3A_157 = arith.constant 1 : i32
        "tpu.region"() ({
          %run_scoped3A_207 = tpu.sem_alloc : memref<!tpu.dma_semaphore, #tpu.memory_space<semaphore_mem>>
          %dma_start3A_208 = arith.constant 0 : i32
          %dma_start3A_209 = arith.constant 0 : i32
          %dma_start3A_210 = tpu.memref_slice %arg8[%run_scoped3A_157, %dma_start3A_208, %dma_start3A_209] : memref<4x64x128xf32, #tpu.memory_space<vmem>> -> memref<1x64x128xf32, #tpu.memory_space<vmem>>
          %dma_start3A_211 = tpu.memref_squeeze %dma_start3A_210 : memref<1x64x128xf32, #tpu.memory_space<vmem>> -> memref<64x128xf32, #tpu.memory_space<vmem>>
          %dma_start3A_212 = arith.constant 0 : i32
          %dma_start3A_213 = tpu.memref_slice %arg7[%add3A_135, %dma_start3A_212] : memref<32x64xi32, #tpu.memory_space<vmem>> -> memref<1x64xi32, #tpu.memory_space<vmem>>
          %dma_start3A_214 = tpu.memref_squeeze %dma_start3A_213 : memref<1x64xi32, #tpu.memory_space<vmem>> -> memref<64xi32, #tpu.memory_space<vmem>>
          %dma_start3A_215 = arith.constant 0 : i32
          %dma_start3A_216 = arith.constant 0 : i32
          %dma_start3A_217 = tpu.memref_slice %arg9[%dma_start3A_215, %dma_start3A_216] : memref<10240x128xf32, #tpu.memory_space<vmem_shared>> -> memref<10240x128xf32, #tpu.memory_space<vmem_shared>>
          tpu.enqueue_indirect_dma source(%dma_start3A_211 : memref<64x128xf32, #tpu.memory_space<vmem>>) target(%dma_start3A_217 : memref<10240x128xf32, #tpu.memory_space<vmem_shared>>) offsets(%dma_start3A_214 : memref<64xi32, #tpu.memory_space<vmem>>) semaphore(%run_scoped3A_207 : memref<!tpu.dma_semaphore, #tpu.memory_space<semaphore_mem>>) {add = true}
          %dma_wait3A_218 = arith.constant 0 : i32
          %dma_wait3A_219 = arith.constant 0 : i32
          %dma_wait3A_220 = tpu.memref_slice %arg8[%run_scoped3A_157, %dma_wait3A_218, %dma_wait3A_219] : memref<4x64x128xf32, #tpu.memory_space<vmem>> -> memref<1x64x128xf32, #tpu.memory_space<vmem>>
          %dma_wait3A_221 = tpu.memref_squeeze %dma_wait3A_220 : memref<1x64x128xf32, #tpu.memory_space<vmem>> -> memref<64x128xf32, #tpu.memory_space<vmem>>
          %dma_wait3A_222 = arith.constant 0 : i32
          %dma_wait3A_223 = tpu.memref_slice %arg7[%add3A_135, %dma_wait3A_222] : memref<32x64xi32, #tpu.memory_space<vmem>> -> memref<1x64xi32, #tpu.memory_space<vmem>>
          %dma_wait3A_224 = tpu.memref_squeeze %dma_wait3A_223 : memref<1x64xi32, #tpu.memory_space<vmem>> -> memref<64xi32, #tpu.memory_space<vmem>>
          %dma_wait3A_225 = arith.constant 0 : i32
          %dma_wait3A_226 = arith.constant 0 : i32
          %dma_wait3A_227 = tpu.memref_slice %arg9[%dma_wait3A_225, %dma_wait3A_226] : memref<10240x128xf32, #tpu.memory_space<vmem_shared>> -> memref<10240x128xf32, #tpu.memory_space<vmem_shared>>
          tpu.wait_indirect_dma semaphore(%run_scoped3A_207 : memref<!tpu.dma_semaphore, #tpu.memory_space<semaphore_mem>>) src(%dma_wait3A_221 : memref<64x128xf32, #tpu.memory_space<vmem>>) dst(%dma_wait3A_227 : memref<10240x128xf32, #tpu.memory_space<vmem_shared>>)
          tpu.yield
        }) : () -> ()
        %add3A_158 = arith.constant 2 : i32
        %add3A_159 = arith.addi %mul3A_114, %add3A_158 : i32
        %dma_wait3A_160 = arith.constant 0 : i32
        %dma_wait3A_161 = arith.constant 2 : i32
        %dma_wait3A_162 = arith.constant 0 : i32
        %dma_wait3A_163 = arith.constant 0 : i32
        %dma_wait3A_164 = tpu.memref_slice %arg8[%dma_wait3A_161, %dma_wait3A_162, %dma_wait3A_163] : memref<4x64x128xf32, #tpu.memory_space<vmem>> -> memref<1x64x128xf32, #tpu.memory_space<vmem>>
        %dma_wait3A_165 = tpu.memref_squeeze %dma_wait3A_164 : memref<1x64x128xf32, #tpu.memory_space<vmem>> -> memref<64x128xf32, #tpu.memory_space<vmem>>
        %dma_wait3A_166 = arith.constant 0 : i32
        %dma_wait3A_167 = tpu.memref_slice %arg6[%dma_wait3A_160, %dma_wait3A_166] : memref<32x64xi32, #tpu.memory_space<vmem>> -> memref<1x64xi32, #tpu.memory_space<vmem>>
        %dma_wait3A_168 = tpu.memref_squeeze %dma_wait3A_167 : memref<1x64xi32, #tpu.memory_space<vmem>> -> memref<64xi32, #tpu.memory_space<vmem>>
        %dma_wait3A_169 = arith.constant 0 : i32
        %dma_wait3A_170 = arith.constant 0 : i32
        %dma_wait3A_171 = tpu.memref_slice %arg2[%dma_wait3A_169, %dma_wait3A_170] : memref<20480x128xf32, #tpu.memory_space<hbm>> -> memref<20480x128xf32, #tpu.memory_space<hbm>>
        tpu.wait_indirect_dma semaphore(%arg10 : memref<!tpu.dma_semaphore, #tpu.memory_space<semaphore_mem>>) src(%dma_wait3A_171 : memref<20480x128xf32, #tpu.memory_space<hbm>>) dst(%dma_wait3A_165 : memref<64x128xf32, #tpu.memory_space<vmem>>)
        %add3A_172 = arith.constant 4 : i32
        %add3A_173 = arith.addi %add3A_159, %add3A_172 : i32
        %sub3A_174 = arith.constant 1 : i32
        %sub3A_175 = arith.subi %add3A_173, %sub3A_174 : i32
        %lt3A_176 = arith.constant 32 : i32
        %lt3A_177 = arith.cmpi slt, %sub3A_175, %lt3A_176 : i32
        %convert_element_type3A_178 = arith.extui %lt3A_177 : i1 to i32
        %cond3A_179 = arith.constant 0 : i32
        %cond3A_180 = arith.cmpi ne, %convert_element_type3A_178, %cond3A_179 : i32
        scf.if %cond3A_180 {
          %add3A_207 = arith.constant 4 : i32
          %add3A_208 = arith.addi %add3A_159, %add3A_207 : i32
          %sub3A_209 = arith.constant 1 : i32
          %sub3A_210 = arith.subi %add3A_208, %sub3A_209 : i32
          %dma_start3A_211 = arith.constant 1 : i32
          %dma_start3A_212 = arith.constant 0 : i32
          %dma_start3A_213 = arith.constant 0 : i32
          %dma_start3A_214 = tpu.memref_slice %arg8[%dma_start3A_211, %dma_start3A_212, %dma_start3A_213] : memref<4x64x128xf32, #tpu.memory_space<vmem>> -> memref<1x64x128xf32, #tpu.memory_space<vmem>>
          %dma_start3A_215 = tpu.memref_squeeze %dma_start3A_214 : memref<1x64x128xf32, #tpu.memory_space<vmem>> -> memref<64x128xf32, #tpu.memory_space<vmem>>
          %dma_start3A_216 = arith.constant 0 : i32
          %dma_start3A_217 = tpu.memref_slice %arg6[%sub3A_210, %dma_start3A_216] : memref<32x64xi32, #tpu.memory_space<vmem>> -> memref<1x64xi32, #tpu.memory_space<vmem>>
          %dma_start3A_218 = tpu.memref_squeeze %dma_start3A_217 : memref<1x64xi32, #tpu.memory_space<vmem>> -> memref<64xi32, #tpu.memory_space<vmem>>
          %dma_start3A_219 = arith.constant 0 : i32
          %dma_start3A_220 = arith.constant 0 : i32
          %dma_start3A_221 = tpu.memref_slice %arg2[%dma_start3A_219, %dma_start3A_220] : memref<20480x128xf32, #tpu.memory_space<hbm>> -> memref<20480x128xf32, #tpu.memory_space<hbm>>
          tpu.enqueue_indirect_dma source(%dma_start3A_221 : memref<20480x128xf32, #tpu.memory_space<hbm>>) target(%dma_start3A_215 : memref<64x128xf32, #tpu.memory_space<vmem>>) offsets(%dma_start3A_218 : memref<64xi32, #tpu.memory_space<vmem>>) semaphore(%arg10 : memref<!tpu.dma_semaphore, #tpu.memory_space<semaphore_mem>>)
        } else {
        }
        %run_scoped3A_181 = arith.constant 2 : i32
        "tpu.region"() ({
          %run_scoped3A_207 = tpu.sem_alloc : memref<!tpu.dma_semaphore, #tpu.memory_space<semaphore_mem>>
          %dma_start3A_208 = arith.constant 0 : i32
          %dma_start3A_209 = arith.constant 0 : i32
          %dma_start3A_210 = tpu.memref_slice %arg8[%run_scoped3A_181, %dma_start3A_208, %dma_start3A_209] : memref<4x64x128xf32, #tpu.memory_space<vmem>> -> memref<1x64x128xf32, #tpu.memory_space<vmem>>
          %dma_start3A_211 = tpu.memref_squeeze %dma_start3A_210 : memref<1x64x128xf32, #tpu.memory_space<vmem>> -> memref<64x128xf32, #tpu.memory_space<vmem>>
          %dma_start3A_212 = arith.constant 0 : i32
          %dma_start3A_213 = tpu.memref_slice %arg7[%add3A_159, %dma_start3A_212] : memref<32x64xi32, #tpu.memory_space<vmem>> -> memref<1x64xi32, #tpu.memory_space<vmem>>
          %dma_start3A_214 = tpu.memref_squeeze %dma_start3A_213 : memref<1x64xi32, #tpu.memory_space<vmem>> -> memref<64xi32, #tpu.memory_space<vmem>>
          %dma_start3A_215 = arith.constant 0 : i32
          %dma_start3A_216 = arith.constant 0 : i32
          %dma_start3A_217 = tpu.memref_slice %arg9[%dma_start3A_215, %dma_start3A_216] : memref<10240x128xf32, #tpu.memory_space<vmem_shared>> -> memref<10240x128xf32, #tpu.memory_space<vmem_shared>>
          tpu.enqueue_indirect_dma source(%dma_start3A_211 : memref<64x128xf32, #tpu.memory_space<vmem>>) target(%dma_start3A_217 : memref<10240x128xf32, #tpu.memory_space<vmem_shared>>) offsets(%dma_start3A_214 : memref<64xi32, #tpu.memory_space<vmem>>) semaphore(%run_scoped3A_207 : memref<!tpu.dma_semaphore, #tpu.memory_space<semaphore_mem>>) {add = true}
          %dma_wait3A_218 = arith.constant 0 : i32
          %dma_wait3A_219 = arith.constant 0 : i32
          %dma_wait3A_220 = tpu.memref_slice %arg8[%run_scoped3A_181, %dma_wait3A_218, %dma_wait3A_219] : memref<4x64x128xf32, #tpu.memory_space<vmem>> -> memref<1x64x128xf32, #tpu.memory_space<vmem>>
          %dma_wait3A_221 = tpu.memref_squeeze %dma_wait3A_220 : memref<1x64x128xf32, #tpu.memory_space<vmem>> -> memref<64x128xf32, #tpu.memory_space<vmem>>
          %dma_wait3A_222 = arith.constant 0 : i32
          %dma_wait3A_223 = tpu.memref_slice %arg7[%add3A_159, %dma_wait3A_222] : memref<32x64xi32, #tpu.memory_space<vmem>> -> memref<1x64xi32, #tpu.memory_space<vmem>>
          %dma_wait3A_224 = tpu.memref_squeeze %dma_wait3A_223 : memref<1x64xi32, #tpu.memory_space<vmem>> -> memref<64xi32, #tpu.memory_space<vmem>>
          %dma_wait3A_225 = arith.constant 0 : i32
          %dma_wait3A_226 = arith.constant 0 : i32
          %dma_wait3A_227 = tpu.memref_slice %arg9[%dma_wait3A_225, %dma_wait3A_226] : memref<10240x128xf32, #tpu.memory_space<vmem_shared>> -> memref<10240x128xf32, #tpu.memory_space<vmem_shared>>
          tpu.wait_indirect_dma semaphore(%run_scoped3A_207 : memref<!tpu.dma_semaphore, #tpu.memory_space<semaphore_mem>>) src(%dma_wait3A_221 : memref<64x128xf32, #tpu.memory_space<vmem>>) dst(%dma_wait3A_227 : memref<10240x128xf32, #tpu.memory_space<vmem_shared>>)
          tpu.yield
        }) : () -> ()
        %add3A_182 = arith.constant 3 : i32
        %add3A_183 = arith.addi %mul3A_114, %add3A_182 : i32
        %dma_wait3A_184 = arith.constant 0 : i32
        %dma_wait3A_185 = arith.constant 3 : i32
        %dma_wait3A_186 = arith.constant 0 : i32
        %dma_wait3A_187 = arith.constant 0 : i32
        %dma_wait3A_188 = tpu.memref_slice %arg8[%dma_wait3A_185, %dma_wait3A_186, %dma_wait3A_187] : memref<4x64x128xf32, #tpu.memory_space<vmem>> -> memref<1x64x128xf32, #tpu.memory_space<vmem>>
        %dma_wait3A_189 = tpu.memref_squeeze %dma_wait3A_188 : memref<1x64x128xf32, #tpu.memory_space<vmem>> -> memref<64x128xf32, #tpu.memory_space<vmem>>
        %dma_wait3A_190 = arith.constant 0 : i32
        %dma_wait3A_191 = tpu.memref_slice %arg6[%dma_wait3A_184, %dma_wait3A_190] : memref<32x64xi32, #tpu.memory_space<vmem>> -> memref<1x64xi32, #tpu.memory_space<vmem>>
        %dma_wait3A_192 = tpu.memref_squeeze %dma_wait3A_191 : memref<1x64xi32, #tpu.memory_space<vmem>> -> memref<64xi32, #tpu.memory_space<vmem>>
        %dma_wait3A_193 = arith.constant 0 : i32
        %dma_wait3A_194 = arith.constant 0 : i32
        %dma_wait3A_195 = tpu.memref_slice %arg2[%dma_wait3A_193, %dma_wait3A_194] : memref<20480x128xf32, #tpu.memory_space<hbm>> -> memref<20480x128xf32, #tpu.memory_space<hbm>>
        tpu.wait_indirect_dma semaphore(%arg10 : memref<!tpu.dma_semaphore, #tpu.memory_space<semaphore_mem>>) src(%dma_wait3A_195 : memref<20480x128xf32, #tpu.memory_space<hbm>>) dst(%dma_wait3A_189 : memref<64x128xf32, #tpu.memory_space<vmem>>)
        %add3A_196 = arith.constant 4 : i32
        %add3A_197 = arith.addi %add3A_183, %add3A_196 : i32
        %sub3A_198 = arith.constant 1 : i32
        %sub3A_199 = arith.subi %add3A_197, %sub3A_198 : i32
        %lt3A_200 = arith.constant 32 : i32
        %lt3A_201 = arith.cmpi slt, %sub3A_199, %lt3A_200 : i32
        %convert_element_type3A_202 = arith.extui %lt3A_201 : i1 to i32
        %cond3A_203 = arith.constant 0 : i32
        %cond3A_204 = arith.cmpi ne, %convert_element_type3A_202, %cond3A_203 : i32
        scf.if %cond3A_204 {
          %add3A_207 = arith.constant 4 : i32
          %add3A_208 = arith.addi %add3A_183, %add3A_207 : i32
          %sub3A_209 = arith.constant 1 : i32
          %sub3A_210 = arith.subi %add3A_208, %sub3A_209 : i32
          %dma_start3A_211 = arith.constant 2 : i32
          %dma_start3A_212 = arith.constant 0 : i32
          %dma_start3A_213 = arith.constant 0 : i32
          %dma_start3A_214 = tpu.memref_slice %arg8[%dma_start3A_211, %dma_start3A_212, %dma_start3A_213] : memref<4x64x128xf32, #tpu.memory_space<vmem>> -> memref<1x64x128xf32, #tpu.memory_space<vmem>>
          %dma_start3A_215 = tpu.memref_squeeze %dma_start3A_214 : memref<1x64x128xf32, #tpu.memory_space<vmem>> -> memref<64x128xf32, #tpu.memory_space<vmem>>
          %dma_start3A_216 = arith.constant 0 : i32
          %dma_start3A_217 = tpu.memref_slice %arg6[%sub3A_210, %dma_start3A_216] : memref<32x64xi32, #tpu.memory_space<vmem>> -> memref<1x64xi32, #tpu.memory_space<vmem>>
          %dma_start3A_218 = tpu.memref_squeeze %dma_start3A_217 : memref<1x64xi32, #tpu.memory_space<vmem>> -> memref<64xi32, #tpu.memory_space<vmem>>
          %dma_start3A_219 = arith.constant 0 : i32
          %dma_start3A_220 = arith.constant 0 : i32
          %dma_start3A_221 = tpu.memref_slice %arg2[%dma_start3A_219, %dma_start3A_220] : memref<20480x128xf32, #tpu.memory_space<hbm>> -> memref<20480x128xf32, #tpu.memory_space<hbm>>
          tpu.enqueue_indirect_dma source(%dma_start3A_221 : memref<20480x128xf32, #tpu.memory_space<hbm>>) target(%dma_start3A_215 : memref<64x128xf32, #tpu.memory_space<vmem>>) offsets(%dma_start3A_218 : memref<64xi32, #tpu.memory_space<vmem>>) semaphore(%arg10 : memref<!tpu.dma_semaphore, #tpu.memory_space<semaphore_mem>>)
        } else {
        }
        %run_scoped3A_205 = arith.constant 3 : i32
        "tpu.region"() ({
          %run_scoped3A_207 = tpu.sem_alloc : memref<!tpu.dma_semaphore, #tpu.memory_space<semaphore_mem>>
          %dma_start3A_208 = arith.constant 0 : i32
          %dma_start3A_209 = arith.constant 0 : i32
          %dma_start3A_210 = tpu.memref_slice %arg8[%run_scoped3A_205, %dma_start3A_208, %dma_start3A_209] : memref<4x64x128xf32, #tpu.memory_space<vmem>> -> memref<1x64x128xf32, #tpu.memory_space<vmem>>
          %dma_start3A_211 = tpu.memref_squeeze %dma_start3A_210 : memref<1x64x128xf32, #tpu.memory_space<vmem>> -> memref<64x128xf32, #tpu.memory_space<vmem>>
          %dma_start3A_212 = arith.constant 0 : i32
          %dma_start3A_213 = tpu.memref_slice %arg7[%add3A_183, %dma_start3A_212] : memref<32x64xi32, #tpu.memory_space<vmem>> -> memref<1x64xi32, #tpu.memory_space<vmem>>
          %dma_start3A_214 = tpu.memref_squeeze %dma_start3A_213 : memref<1x64xi32, #tpu.memory_space<vmem>> -> memref<64xi32, #tpu.memory_space<vmem>>
          %dma_start3A_215 = arith.constant 0 : i32
          %dma_start3A_216 = arith.constant 0 : i32
          %dma_start3A_217 = tpu.memref_slice %arg9[%dma_start3A_215, %dma_start3A_216] : memref<10240x128xf32, #tpu.memory_space<vmem_shared>> -> memref<10240x128xf32, #tpu.memory_space<vmem_shared>>
          tpu.enqueue_indirect_dma source(%dma_start3A_211 : memref<64x128xf32, #tpu.memory_space<vmem>>) target(%dma_start3A_217 : memref<10240x128xf32, #tpu.memory_space<vmem_shared>>) offsets(%dma_start3A_214 : memref<64xi32, #tpu.memory_space<vmem>>) semaphore(%run_scoped3A_207 : memref<!tpu.dma_semaphore, #tpu.memory_space<semaphore_mem>>) {add = true}
          %dma_wait3A_218 = arith.constant 0 : i32
          %dma_wait3A_219 = arith.constant 0 : i32
          %dma_wait3A_220 = tpu.memref_slice %arg8[%run_scoped3A_205, %dma_wait3A_218, %dma_wait3A_219] : memref<4x64x128xf32, #tpu.memory_space<vmem>> -> memref<1x64x128xf32, #tpu.memory_space<vmem>>
          %dma_wait3A_221 = tpu.memref_squeeze %dma_wait3A_220 : memref<1x64x128xf32, #tpu.memory_space<vmem>> -> memref<64x128xf32, #tpu.memory_space<vmem>>
          %dma_wait3A_222 = arith.constant 0 : i32
          %dma_wait3A_223 = tpu.memref_slice %arg7[%add3A_183, %dma_wait3A_222] : memref<32x64xi32, #tpu.memory_space<vmem>> -> memref<1x64xi32, #tpu.memory_space<vmem>>
          %dma_wait3A_224 = tpu.memref_squeeze %dma_wait3A_223 : memref<1x64xi32, #tpu.memory_space<vmem>> -> memref<64xi32, #tpu.memory_space<vmem>>
          %dma_wait3A_225 = arith.constant 0 : i32
          %dma_wait3A_226 = arith.constant 0 : i32
          %dma_wait3A_227 = tpu.memref_slice %arg9[%dma_wait3A_225, %dma_wait3A_226] : memref<10240x128xf32, #tpu.memory_space<vmem_shared>> -> memref<10240x128xf32, #tpu.memory_space<vmem_shared>>
          tpu.wait_indirect_dma semaphore(%run_scoped3A_207 : memref<!tpu.dma_semaphore, #tpu.memory_space<semaphore_mem>>) src(%dma_wait3A_221 : memref<64x128xf32, #tpu.memory_space<vmem>>) dst(%dma_wait3A_227 : memref<10240x128xf32, #tpu.memory_space<vmem_shared>>)
          tpu.yield
        }) : () -> ()
        %scan3A_206 = arith.constant 0 : i32
        scf.yield %scan3A_206 : i32
      }
      %scan3A_109 = arith.constant 8 : i32
      %scan3A_110 = arith.constant 0 : i32
      scf.yield %scan3A_110 : i32
    }
    %scan3A_60 = arith.constant 10 : i32
    %barrier3A_61 = arith.constant 0 : index
    tpu.barrier barrier_id(%barrier3A_61)
    "tpu.region"() ({
      %run_scoped3A_62 = tpu.sem_alloc : memref<!tpu.dma_semaphore, #tpu.memory_space<semaphore_mem>>
      %dma_start3A = arith.constant 0 : i32
      %dma_start3A_63 = tpu.memref_slice %arg5[%arg0, %mul3A_0, %dma_start3A] : memref<2x10240x128xf32, #tpu.memory_space<hbm>> -> memref<1x640x128xf32, #tpu.memory_space<hbm>>
      %dma_start3A_64 = tpu.memref_squeeze %dma_start3A_63 : memref<1x640x128xf32, #tpu.memory_space<hbm>> -> memref<640x128xf32, #tpu.memory_space<hbm>>
      %dma_start3A_65 = arith.constant 0 : i32
      %dma_start3A_66 = tpu.memref_slice %arg9[%mul3A_0, %dma_start3A_65] : memref<10240x128xf32, #tpu.memory_space<vmem_shared>> -> memref<640x128xf32, #tpu.memory_space<vmem_shared>>
      tpu.enqueue_dma source(%dma_start3A_66 : memref<640x128xf32, #tpu.memory_space<vmem_shared>>) target(%dma_start3A_64 : memref<640x128xf32, #tpu.memory_space<hbm>>) target_semaphore(%run_scoped3A_62 : memref<!tpu.dma_semaphore, #tpu.memory_space<semaphore_mem>>)
      %dma_wait3A = arith.constant 0 : i32
      %dma_wait3A_67 = tpu.memref_slice %arg5[%arg0, %mul3A_0, %dma_wait3A] : memref<2x10240x128xf32, #tpu.memory_space<hbm>> -> memref<1x640x128xf32, #tpu.memory_space<hbm>>
      %dma_wait3A_68 = tpu.memref_squeeze %dma_wait3A_67 : memref<1x640x128xf32, #tpu.memory_space<hbm>> -> memref<640x128xf32, #tpu.memory_space<hbm>>
      %dma_wait3A_69 = arith.constant 0 : i32
      %dma_wait3A_70 = tpu.memref_slice %arg9[%mul3A_0, %dma_wait3A_69] : memref<10240x128xf32, #tpu.memory_space<vmem_shared>> -> memref<640x128xf32, #tpu.memory_space<vmem_shared>>
      tpu.wait_dma2 semaphore(%run_scoped3A_62 : memref<!tpu.dma_semaphore, #tpu.memory_space<semaphore_mem>>) src(%dma_wait3A_70 : memref<640x128xf32, #tpu.memory_space<vmem_shared>>) dst(%dma_wait3A_68 : memref<640x128xf32, #tpu.memory_space<hbm>>)
      tpu.yield
    }) : () -> ()
    return
  }
}

module attributes {stable_mosaic.version = 14 : i64} {
  func.func @_tcA_body(%arg0: i32, %arg1: memref<1024x128xf32, #tpu.memory_space<vmem>>, %arg2: memref<256x128xf32, #tpu.memory_space<vmem>>, %arg3: memref<256xf32, #tpu.memory_space<vmem>>, %arg4: memref<2x1024x128xf32, #tpu.memory_space<vmem>>) attributes {dimension_semantics = [#tpu.dimension_semantics<arbitrary>], iteration_bounds = array<i64: 10>, scalar_prefetch = 0 : i64, scratch_operands = 0 : i64, tpu.core_type = #tpu.core_type<tc>, window_params = [{transform_indices = @transform_0, window_bounds = array<i64: 1024, 128>}, {pipeline_mode = #tpu.pipeline_mode<synchronous>, transform_indices = @transform_1, window_bounds = array<i64: 256, 128>}, {pipeline_mode = #tpu.pipeline_mode<synchronous>, transform_indices = @transform_2, window_bounds = array<i64: 256>}, {transform_indices = @transform_3, window_bounds = array<i64: 2, 1024, 128>}]} {
    %get3A = arith.constant 0 : index
    %get3A_0 = arith.constant 0 : index
    %get3A_1 = vector.load %arg1[%get3A, %get3A_0] : memref<1024x128xf32, #tpu.memory_space<vmem>>, vector<1024x128xf32>
    %get3A_2 = arith.constant 0 : index
    %get3A_3 = arith.constant 0 : index
    %get3A_4 = vector.load %arg2[%get3A_2, %get3A_3] : memref<256x128xf32, #tpu.memory_space<vmem>>, vector<256x128xf32>
    %dot_general3A = arith.constant dense<0.000000e+00> : vector<1024x256xf32>
    %dot_general3A_5 = tpu.matmul %get3A_1, %get3A_4, %dot_general3A {dimension_numbers = #tpu.dot_dimension_numbers<[1], [1], [0], [0], [0, 0, 1, 0], [], []>, transpose_lhs_hint = false} : vector<1024x128xf32>, vector<256x128xf32>, vector<1024x256xf32> -> vector<1024x256xf32>
    %get3A_6 = arith.constant 0 : index
    %get3A_7 = vector.load %arg3[%get3A_6] : memref<256xf32, #tpu.memory_space<vmem>>, vector<256xf32>
    %broadcast_in_dim3A = vector.shape_cast %get3A_7 : vector<256xf32> to vector<1x256xf32>
    %add3A = vector.broadcast %broadcast_in_dim3A : vector<1x256xf32> to vector<1024x256xf32>
    %add3A_8 = arith.addf %dot_general3A_5, %add3A : vector<1024x256xf32>
    %max3A = arith.constant 0.000000e+00 : f32
    %max3A_9 = vector.broadcast %max3A : f32 to vector<1024x256xf32>
    %max3A_10 = arith.maximumf %add3A_8, %max3A_9 : vector<1024x256xf32>
    %slice3A = vector.extract_strided_slice %max3A_10 {offsets = [0, 0], sizes = [1024, 128], strides = [1, 1]} : vector<1024x256xf32> to vector<1024x128xf32>
    %swap3A = arith.constant 0 : index
    %swap3A_11 = arith.constant 0 : index
    %swap3A_12 = arith.constant 0 : index
    %swap3A_13 = vector.load %arg4[%swap3A, %swap3A_11, %swap3A_12] : memref<2x1024x128xf32, #tpu.memory_space<vmem>>, vector<1x1024x128xf32>
    %swap3A_14 = vector.shape_cast %swap3A_13 : vector<1x1024x128xf32> to vector<1024x128xf32>
    %swap3A_15 = vector.shape_cast %slice3A : vector<1024x128xf32> to vector<1x1024x128xf32>
    tpu.vector_store %arg4[%swap3A, %swap3A_11, %swap3A_12], %swap3A_15 {strides = array<i32>} : memref<2x1024x128xf32, #tpu.memory_space<vmem>>, vector<1x1024x128xf32>,
    %slice3A_16 = vector.extract_strided_slice %max3A_10 {offsets = [0, 128], sizes = [1024, 128], strides = [1, 1]} : vector<1024x256xf32> to vector<1024x128xf32>
    %swap3A_17 = arith.constant 1 : index
    %swap3A_18 = arith.constant 0 : index
    %swap3A_19 = arith.constant 0 : index
    %swap3A_20 = vector.load %arg4[%swap3A_17, %swap3A_18, %swap3A_19] : memref<2x1024x128xf32, #tpu.memory_space<vmem>>, vector<1x1024x128xf32>
    %swap3A_21 = vector.shape_cast %swap3A_20 : vector<1x1024x128xf32> to vector<1024x128xf32>
    %swap3A_22 = vector.shape_cast %slice3A_16 : vector<1024x128xf32> to vector<1x1024x128xf32>
    tpu.vector_store %arg4[%swap3A_17, %swap3A_18, %swap3A_19], %swap3A_22 {strides = array<i32>} : memref<2x1024x128xf32, #tpu.memory_space<vmem>>, vector<1x1024x128xf32>,
    return
  }
  func.func @transform_0(%arg0: i32) -> (i32, i32) {
    %c0_i32 = arith.constant 0 : i32
    %c0_i32_0 = arith.constant 0 : i32
    return %arg0, %c0_i32 : i32, i32
  }
  func.func @transform_1(%arg0: i32) -> (i32, i32) {
    %c0_i32 = arith.constant 0 : i32
    %c0_i32_0 = arith.constant 0 : i32
    %c0_i32_1 = arith.constant 0 : i32
    return %c0_i32, %c0_i32_0 : i32, i32
  }
  func.func @transform_2(%arg0: i32) -> i32 {
    %c0_i32 = arith.constant 0 : i32
    %c0_i32_0 = arith.constant 0 : i32
    return %c0_i32 : i32
  }
  func.func @transform_3(%arg0: i32) -> (i32, i32, i32) {
    %c0_i32 = arith.constant 0 : i32
    %c0_i32_0 = arith.constant 0 : i32
    %c0_i32_1 = arith.constant 0 : i32
    return %c0_i32, %arg0, %c0_i32_0 : i32, i32, i32
  }
}

module attributes {stable_mosaic.version = 14 : i64} {
  func.func @_tcB_body(%arg0: i32, %arg1: memref<1024x128xf32, #tpu.memory_space<vmem>>, %arg2: memref<1x1024x128xf32, #tpu.memory_space<vmem>>, %arg3: memref<1x1024x128xf32, #tpu.memory_space<vmem>>, %arg4: memref<2x16x1024xf32, #tpu.memory_space<vmem>>, %arg5: memref<128x384xf32, #tpu.memory_space<vmem>>, %arg6: memref<128xf32, #tpu.memory_space<vmem>>, %arg7: memref<256x128xf32, #tpu.memory_space<vmem>>, %arg8: memref<256xf32, #tpu.memory_space<vmem>>, %arg9: memref<1024x128xf32, #tpu.memory_space<vmem>>, %arg10: memref<2x1024x128xf32, #tpu.memory_space<vmem>>) attributes {dimension_semantics = [#tpu.dimension_semantics<arbitrary>], iteration_bounds = array<i64: 10>, scalar_prefetch = 0 : i64, scratch_operands = 0 : i64, tpu.core_type = #tpu.core_type<tc>, window_params = [{transform_indices = @transform_0, window_bounds = array<i64: 1024, 128>}, {transform_indices = @transform_1, window_bounds = array<i64: 1, 1024, 128>}, {transform_indices = @transform_2, window_bounds = array<i64: 1, 1024, 128>}, {transform_indices = @transform_3, window_bounds = array<i64: 2, 16, 1024>}, {pipeline_mode = #tpu.pipeline_mode<synchronous>, transform_indices = @transform_4, window_bounds = array<i64: 128, 384>}, {pipeline_mode = #tpu.pipeline_mode<synchronous>, transform_indices = @transform_5, window_bounds = array<i64: 128>}, {pipeline_mode = #tpu.pipeline_mode<synchronous>, transform_indices = @transform_6, window_bounds = array<i64: 256, 128>}, {pipeline_mode = #tpu.pipeline_mode<synchronous>, transform_indices = @transform_7, window_bounds = array<i64: 256>}, {transform_indices = @transform_8, window_bounds = array<i64: 1024, 128>}, {transform_indices = @transform_9, window_bounds = array<i64: 2, 1024, 128>}]} {
    %get3A = arith.constant 0 : index
    %get3A_0 = arith.constant 0 : index
    %get3A_1 = arith.constant 0 : index
    %get3A_2 = vector.load %arg4[%get3A, %get3A_0, %get3A_1] : memref<2x16x1024xf32, #tpu.memory_space<vmem>>, vector<2x16x1024xf32>
    %reduce_sum3A = arith.constant dense<0.000000e+00> : vector<1024xf32>
    %reduce_sum3A_3 = vector.multi_reduction <add>, %get3A_2, %reduce_sum3A [0, 1] : vector<2x16x1024xf32> to vector<1024xf32>
    %max3A = arith.constant 1.000000e+00 : f32
    %max3A_4 = vector.broadcast %max3A : f32 to vector<1024xf32>
    %max3A_5 = arith.maximumf %reduce_sum3A_3, %max3A_4 : vector<1024xf32>
    %div3A = arith.constant 1.000000e+00 : f32
    %div3A_6 = vector.broadcast %div3A : f32 to vector<1024xf32>
    %div3A_7 = arith.divf %div3A_6, %max3A_5 : vector<1024xf32>
    %get3A_8 = arith.constant 0 : index
    %get3A_9 = arith.constant 0 : index
    %get3A_10 = arith.constant 0 : index
    %get3A_11 = vector.load %arg2[%get3A_8, %get3A_9, %get3A_10] : memref<1x1024x128xf32, #tpu.memory_space<vmem>>, vector<1x1024x128xf32>
    %get3A_12 = vector.shape_cast %get3A_11 : vector<1x1024x128xf32> to vector<1024x128xf32>
    %broadcast_in_dim3A = vector.shape_cast %div3A_7 : vector<1024xf32> to vector<1024x1xf32>
    %mul3A = vector.broadcast %broadcast_in_dim3A : vector<1024x1xf32> to vector<1024x128xf32>
    %mul3A_13 = arith.mulf %get3A_12, %mul3A : vector<1024x128xf32>
    %get3A_14 = arith.constant 0 : index
    %get3A_15 = arith.constant 0 : index
    %get3A_16 = arith.constant 0 : index
    %get3A_17 = vector.load %arg3[%get3A_14, %get3A_15, %get3A_16] : memref<1x1024x128xf32, #tpu.memory_space<vmem>>, vector<1x1024x128xf32>
    %get3A_18 = vector.shape_cast %get3A_17 : vector<1x1024x128xf32> to vector<1024x128xf32>
    %broadcast_in_dim3A_19 = vector.shape_cast %div3A_7 : vector<1024xf32> to vector<1024x1xf32>
    %mul3A_20 = vector.broadcast %broadcast_in_dim3A_19 : vector<1024x1xf32> to vector<1024x128xf32>
    %mul3A_21 = arith.mulf %get3A_18, %mul3A_20 : vector<1024x128xf32>
    %get3A_22 = arith.constant 0 : index
    %get3A_23 = arith.constant 0 : index
    %get3A_24 = vector.load %arg1[%get3A_22, %get3A_23] : memref<1024x128xf32, #tpu.memory_space<vmem>>, vector<1024x128xf32>
    %get3A_25 = arith.constant 0 : index
    %get3A_26 = arith.constant 0 : index
    %get3A_27 = vector.load %arg5[%get3A_25, %get3A_26] : memref<128x384xf32, #tpu.memory_space<vmem>>, vector<128x128xf32>
    %dot_general3A = arith.constant dense<0.000000e+00> : vector<1024x128xf32>
    %dot_general3A_28 = tpu.matmul %get3A_24, %get3A_27, %dot_general3A {dimension_numbers = #tpu.dot_dimension_numbers<[1], [1], [0], [0], [0, 0, 1, 0], [], []>, transpose_lhs_hint = false} : vector<1024x128xf32>, vector<128x128xf32>, vector<1024x128xf32> -> vector<1024x128xf32>
    %get3A_29 = arith.constant 0 : index
    %get3A_30 = arith.constant 128 : index
    %get3A_31 = vector.load %arg5[%get3A_29, %get3A_30] : memref<128x384xf32, #tpu.memory_space<vmem>>, vector<128x128xf32>
    %dot_general3A_32 = arith.constant dense<0.000000e+00> : vector<1024x128xf32>
    %dot_general3A_33 = tpu.matmul %mul3A_13, %get3A_31, %dot_general3A_32 {dimension_numbers = #tpu.dot_dimension_numbers<[1], [1], [0], [0], [0, 0, 1, 0], [], []>, transpose_lhs_hint = false} : vector<1024x128xf32>, vector<128x128xf32>, vector<1024x128xf32> -> vector<1024x128xf32>
    %add3A = arith.addf %dot_general3A_28, %dot_general3A_33 : vector<1024x128xf32>
    %get3A_34 = arith.constant 0 : index
    %get3A_35 = arith.constant 256 : index
    %get3A_36 = vector.load %arg5[%get3A_34, %get3A_35] : memref<128x384xf32, #tpu.memory_space<vmem>>, vector<128x128xf32>
    %dot_general3A_37 = arith.constant dense<0.000000e+00> : vector<1024x128xf32>
    %dot_general3A_38 = tpu.matmul %mul3A_21, %get3A_36, %dot_general3A_37 {dimension_numbers = #tpu.dot_dimension_numbers<[1], [1], [0], [0], [0, 0, 1, 0], [], []>, transpose_lhs_hint = false} : vector<1024x128xf32>, vector<128x128xf32>, vector<1024x128xf32> -> vector<1024x128xf32>
    %add3A_39 = arith.addf %add3A, %dot_general3A_38 : vector<1024x128xf32>
    %get3A_40 = arith.constant 0 : index
    %get3A_41 = vector.load %arg6[%get3A_40] : memref<128xf32, #tpu.memory_space<vmem>>, vector<128xf32>
    %broadcast_in_dim3A_42 = vector.shape_cast %get3A_41 : vector<128xf32> to vector<1x128xf32>
    %add3A_43 = vector.broadcast %broadcast_in_dim3A_42 : vector<1x128xf32> to vector<1024x128xf32>
    %add3A_44 = arith.addf %add3A_39, %add3A_43 : vector<1024x128xf32>
    %max3A_45 = arith.constant 0.000000e+00 : f32
    %max3A_46 = vector.broadcast %max3A_45 : f32 to vector<1024x128xf32>
    %max3A_47 = arith.maximumf %add3A_44, %max3A_46 : vector<1024x128xf32>
    %mul3A_48 = arith.mulf %max3A_47, %max3A_47 : vector<1024x128xf32>
    %reduce_sum3A_49 = arith.constant dense<0.000000e+00> : vector<1024xf32>
    %reduce_sum3A_50 = vector.multi_reduction <add>, %mul3A_48, %reduce_sum3A_49 [1] : vector<1024x128xf32> to vector<1024xf32>
    %broadcast_in_dim3A_51 = vector.shape_cast %reduce_sum3A_50 : vector<1024xf32> to vector<1024x1xf32>
    %sqrt3A = math.sqrt %broadcast_in_dim3A_51 : vector<1024x1xf32>
    %max3A_52 = arith.constant 9.99999996E-13 : f32
    %max3A_53 = vector.broadcast %max3A_52 : f32 to vector<1024x1xf32>
    %max3A_54 = arith.maximumf %sqrt3A, %max3A_53 : vector<1024x1xf32>
    %div3A_55 = vector.broadcast %max3A_54 : vector<1024x1xf32> to vector<1024x128xf32>
    %div3A_56 = arith.divf %max3A_47, %div3A_55 : vector<1024x128xf32>
    %swap3A = arith.constant 0 : index
    %swap3A_57 = arith.constant 0 : index
    %swap3A_58 = vector.load %arg9[%swap3A, %swap3A_57] : memref<1024x128xf32, #tpu.memory_space<vmem>>, vector<1024x128xf32>
    tpu.vector_store %arg9[%swap3A, %swap3A_57], %div3A_56 {strides = array<i32>} : memref<1024x128xf32, #tpu.memory_space<vmem>>, vector<1024x128xf32>,
    %get3A_59 = arith.constant 0 : index
    %get3A_60 = arith.constant 0 : index
    %get3A_61 = vector.load %arg7[%get3A_59, %get3A_60] : memref<256x128xf32, #tpu.memory_space<vmem>>, vector<256x128xf32>
    %dot_general3A_62 = arith.constant dense<0.000000e+00> : vector<1024x256xf32>
    %dot_general3A_63 = tpu.matmul %div3A_56, %get3A_61, %dot_general3A_62 {dimension_numbers = #tpu.dot_dimension_numbers<[1], [1], [0], [0], [0, 0, 1, 0], [], []>, transpose_lhs_hint = false} : vector<1024x128xf32>, vector<256x128xf32>, vector<1024x256xf32> -> vector<1024x256xf32>
    %get3A_64 = arith.constant 0 : index
    %get3A_65 = vector.load %arg8[%get3A_64] : memref<256xf32, #tpu.memory_space<vmem>>, vector<256xf32>
    %broadcast_in_dim3A_66 = vector.shape_cast %get3A_65 : vector<256xf32> to vector<1x256xf32>
    %add3A_67 = vector.broadcast %broadcast_in_dim3A_66 : vector<1x256xf32> to vector<1024x256xf32>
    %add3A_68 = arith.addf %dot_general3A_63, %add3A_67 : vector<1024x256xf32>
    %max3A_69 = arith.constant 0.000000e+00 : f32
    %max3A_70 = vector.broadcast %max3A_69 : f32 to vector<1024x256xf32>
    %max3A_71 = arith.maximumf %add3A_68, %max3A_70 : vector<1024x256xf32>
    %slice3A = vector.extract_strided_slice %max3A_71 {offsets = [0, 0], sizes = [1024, 128], strides = [1, 1]} : vector<1024x256xf32> to vector<1024x128xf32>
    %swap3A_72 = arith.constant 0 : index
    %swap3A_73 = arith.constant 0 : index
    %swap3A_74 = arith.constant 0 : index
    %swap3A_75 = vector.load %arg10[%swap3A_72, %swap3A_73, %swap3A_74] : memref<2x1024x128xf32, #tpu.memory_space<vmem>>, vector<1x1024x128xf32>
    %swap3A_76 = vector.shape_cast %swap3A_75 : vector<1x1024x128xf32> to vector<1024x128xf32>
    %swap3A_77 = vector.shape_cast %slice3A : vector<1024x128xf32> to vector<1x1024x128xf32>
    tpu.vector_store %arg10[%swap3A_72, %swap3A_73, %swap3A_74], %swap3A_77 {strides = array<i32>} : memref<2x1024x128xf32, #tpu.memory_space<vmem>>, vector<1x1024x128xf32>,
    %slice3A_78 = vector.extract_strided_slice %max3A_71 {offsets = [0, 128], sizes = [1024, 128], strides = [1, 1]} : vector<1024x256xf32> to vector<1024x128xf32>
    %swap3A_79 = arith.constant 1 : index
    %swap3A_80 = arith.constant 0 : index
    %swap3A_81 = arith.constant 0 : index
    %swap3A_82 = vector.load %arg10[%swap3A_79, %swap3A_80, %swap3A_81] : memref<2x1024x128xf32, #tpu.memory_space<vmem>>, vector<1x1024x128xf32>
    %swap3A_83 = vector.shape_cast %swap3A_82 : vector<1x1024x128xf32> to vector<1024x128xf32>
    %swap3A_84 = vector.shape_cast %slice3A_78 : vector<1024x128xf32> to vector<1x1024x128xf32>
    tpu.vector_store %arg10[%swap3A_79, %swap3A_80, %swap3A_81], %swap3A_84 {strides = array<i32>} : memref<2x1024x128xf32, #tpu.memory_space<vmem>>, vector<1x1024x128xf32>,
    return
  }
  func.func @transform_0(%arg0: i32) -> (i32, i32) {
    %c0_i32 = arith.constant 0 : i32
    %c0_i32_0 = arith.constant 0 : i32
    return %arg0, %c0_i32 : i32, i32
  }
  func.func @transform_1(%arg0: i32) -> (i32, i32, i32) {
    %c0_i32 = arith.constant 0 : i32
    %c0_i32_0 = arith.constant 0 : i32
    %c0_i32_1 = arith.constant 0 : i32
    return %c0_i32, %arg0, %c0_i32_0 : i32, i32, i32
  }
  func.func @transform_2(%arg0: i32) -> (i32, i32, i32) {
    %c1_i32 = arith.constant 1 : i32
    %c0_i32 = arith.constant 0 : i32
    %c0_i32_0 = arith.constant 0 : i32
    return %c1_i32, %arg0, %c0_i32 : i32, i32, i32
  }
  func.func @transform_3(%arg0: i32) -> (i32, i32, i32) {
    %c0_i32 = arith.constant 0 : i32
    %c0_i32_0 = arith.constant 0 : i32
    %c0_i32_1 = arith.constant 0 : i32
    return %c0_i32, %c0_i32_0, %arg0 : i32, i32, i32
  }
  func.func @transform_4(%arg0: i32) -> (i32, i32) {
    %c0_i32 = arith.constant 0 : i32
    %c0_i32_0 = arith.constant 0 : i32
    %c0_i32_1 = arith.constant 0 : i32
    return %c0_i32, %c0_i32_0 : i32, i32
  }
  func.func @transform_5(%arg0: i32) -> i32 {
    %c0_i32 = arith.constant 0 : i32
    %c0_i32_0 = arith.constant 0 : i32
    return %c0_i32 : i32
  }
  func.func @transform_6(%arg0: i32) -> (i32, i32) {
    %c0_i32 = arith.constant 0 : i32
    %c0_i32_0 = arith.constant 0 : i32
    %c0_i32_1 = arith.constant 0 : i32
    return %c0_i32, %c0_i32_0 : i32, i32
  }
  func.func @transform_7(%arg0: i32) -> i32 {
    %c0_i32 = arith.constant 0 : i32
    %c0_i32_0 = arith.constant 0 : i32
    return %c0_i32 : i32
  }
  func.func @transform_8(%arg0: i32) -> (i32, i32) {
    %c0_i32 = arith.constant 0 : i32
    %c0_i32_0 = arith.constant 0 : i32
    return %arg0, %c0_i32 : i32, i32
  }
  func.func @transform_9(%arg0: i32) -> (i32, i32, i32) {
    %c0_i32 = arith.constant 0 : i32
    %c0_i32_0 = arith.constant 0 : i32
    %c0_i32_1 = arith.constant 0 : i32
    return %c0_i32, %arg0, %c0_i32_0 : i32, i32, i32
  }
}

module attributes {stable_mosaic.version = 14 : i64} {
  func.func @_tcDE_body(%arg0: i32, %arg1: memref<1024x128xf32, #tpu.memory_space<vmem>>, %arg2: memref<1x1024x128xf32, #tpu.memory_space<vmem>>, %arg3: memref<1x1024x128xf32, #tpu.memory_space<vmem>>, %arg4: memref<2x16x1024xf32, #tpu.memory_space<vmem>>, %arg5: memref<128x384xf32, #tpu.memory_space<vmem>>, %arg6: memref<128xf32, #tpu.memory_space<vmem>>, %arg7: memref<128x128xf32, #tpu.memory_space<vmem>>, %arg8: memref<128xf32, #tpu.memory_space<vmem>>, %arg9: memref<128xf32, #tpu.memory_space<vmem>>, %arg10: memref<1xf32, #tpu.memory_space<vmem>>, %arg11: memref<128xf32, #tpu.memory_space<vmem>>, %arg12: memref<128xf32, #tpu.memory_space<vmem>>, %arg13: memref<1024x128xf32, #tpu.memory_space<vmem>>, %arg14: memref<10240x128xf32, #tpu.memory_space<vmem>>, %arg15: memref<8x128xf32, #tpu.memory_space<vmem>>) attributes {dimension_semantics = [#tpu.dimension_semantics<arbitrary>], iteration_bounds = array<i64: 20>, scalar_prefetch = 0 : i64, scratch_operands = 2 : i64, tpu.core_type = #tpu.core_type<tc>, window_params = [{transform_indices = @transform_0, window_bounds = array<i64: 1024, 128>}, {transform_indices = @transform_1, window_bounds = array<i64: 1, 1024, 128>}, {transform_indices = @transform_2, window_bounds = array<i64: 1, 1024, 128>}, {transform_indices = @transform_3, window_bounds = array<i64: 2, 16, 1024>}, {pipeline_mode = #tpu.pipeline_mode<synchronous>, transform_indices = @transform_4, window_bounds = array<i64: 128, 384>}, {pipeline_mode = #tpu.pipeline_mode<synchronous>, transform_indices = @transform_5, window_bounds = array<i64: 128>}, {pipeline_mode = #tpu.pipeline_mode<synchronous>, transform_indices = @transform_6, window_bounds = array<i64: 128, 128>}, {pipeline_mode = #tpu.pipeline_mode<synchronous>, transform_indices = @transform_7, window_bounds = array<i64: 128>}, {pipeline_mode = #tpu.pipeline_mode<synchronous>, transform_indices = @transform_8, window_bounds = array<i64: 128>}, {pipeline_mode = #tpu.pipeline_mode<synchronous>, transform_indices = @transform_9, window_bounds = array<i64: 1>}, {pipeline_mode = #tpu.pipeline_mode<synchronous>, transform_indices = @transform_10, window_bounds = array<i64: 128>}, {pipeline_mode = #tpu.pipeline_mode<synchronous>, transform_indices = @transform_11, window_bounds = array<i64: 128>}, {transform_indices = @transform_12, window_bounds = array<i64: 1024, 128>}]} {
    %lt3A = arith.constant 10 : i32
    %lt3A_0 = arith.cmpi slt, %arg0, %lt3A : i32
    %convert_element_type3A = arith.extui %lt3A_0 : i1 to i32
    %cond3A = arith.constant 0 : i32
    %cond3A_1 = arith.cmpi ne, %convert_element_type3A, %cond3A : i32
    scf.if %cond3A_1 {
      %get3A = arith.constant 0 : index
      %get3A_6 = arith.constant 0 : index
      %get3A_7 = arith.constant 0 : index
      %get3A_8 = vector.load %arg4[%get3A, %get3A_6, %get3A_7] : memref<2x16x1024xf32, #tpu.memory_space<vmem>>, vector<2x16x1024xf32>
      %reduce_sum3A = arith.constant dense<0.000000e+00> : vector<1024xf32>
      %reduce_sum3A_9 = vector.multi_reduction <add>, %get3A_8, %reduce_sum3A [0, 1] : vector<2x16x1024xf32> to vector<1024xf32>
      %max3A = arith.constant 1.000000e+00 : f32
      %max3A_10 = vector.broadcast %max3A : f32 to vector<1024xf32>
      %max3A_11 = arith.maximumf %reduce_sum3A_9, %max3A_10 : vector<1024xf32>
      %div3A = arith.constant 1.000000e+00 : f32
      %div3A_12 = vector.broadcast %div3A : f32 to vector<1024xf32>
      %div3A_13 = arith.divf %div3A_12, %max3A_11 : vector<1024xf32>
      %get3A_14 = arith.constant 0 : index
      %get3A_15 = arith.constant 0 : index
      %get3A_16 = arith.constant 0 : index
      %get3A_17 = vector.load %arg2[%get3A_14, %get3A_15, %get3A_16] : memref<1x1024x128xf32, #tpu.memory_space<vmem>>, vector<1x1024x128xf32>
      %get3A_18 = vector.shape_cast %get3A_17 : vector<1x1024x128xf32> to vector<1024x128xf32>
      %broadcast_in_dim3A = vector.shape_cast %div3A_13 : vector<1024xf32> to vector<1024x1xf32>
      %mul3A = vector.broadcast %broadcast_in_dim3A : vector<1024x1xf32> to vector<1024x128xf32>
      %mul3A_19 = arith.mulf %get3A_18, %mul3A : vector<1024x128xf32>
      %get3A_20 = arith.constant 0 : index
      %get3A_21 = arith.constant 0 : index
      %get3A_22 = arith.constant 0 : index
      %get3A_23 = vector.load %arg3[%get3A_20, %get3A_21, %get3A_22] : memref<1x1024x128xf32, #tpu.memory_space<vmem>>, vector<1x1024x128xf32>
      %get3A_24 = vector.shape_cast %get3A_23 : vector<1x1024x128xf32> to vector<1024x128xf32>
      %broadcast_in_dim3A_25 = vector.shape_cast %div3A_13 : vector<1024xf32> to vector<1024x1xf32>
      %mul3A_26 = vector.broadcast %broadcast_in_dim3A_25 : vector<1024x1xf32> to vector<1024x128xf32>
      %mul3A_27 = arith.mulf %get3A_24, %mul3A_26 : vector<1024x128xf32>
      %get3A_28 = arith.constant 0 : index
      %get3A_29 = arith.constant 0 : index
      %get3A_30 = vector.load %arg1[%get3A_28, %get3A_29] : memref<1024x128xf32, #tpu.memory_space<vmem>>, vector<1024x128xf32>
      %get3A_31 = arith.constant 0 : index
      %get3A_32 = arith.constant 0 : index
      %get3A_33 = vector.load %arg5[%get3A_31, %get3A_32] : memref<128x384xf32, #tpu.memory_space<vmem>>, vector<128x128xf32>
      %dot_general3A = arith.constant dense<0.000000e+00> : vector<1024x128xf32>
      %dot_general3A_34 = tpu.matmul %get3A_30, %get3A_33, %dot_general3A {dimension_numbers = #tpu.dot_dimension_numbers<[1], [1], [0], [0], [0, 0, 1, 0], [], []>, transpose_lhs_hint = false} : vector<1024x128xf32>, vector<128x128xf32>, vector<1024x128xf32> -> vector<1024x128xf32>
      %get3A_35 = arith.constant 0 : index
      %get3A_36 = arith.constant 128 : index
      %get3A_37 = vector.load %arg5[%get3A_35, %get3A_36] : memref<128x384xf32, #tpu.memory_space<vmem>>, vector<128x128xf32>
      %dot_general3A_38 = arith.constant dense<0.000000e+00> : vector<1024x128xf32>
      %dot_general3A_39 = tpu.matmul %mul3A_19, %get3A_37, %dot_general3A_38 {dimension_numbers = #tpu.dot_dimension_numbers<[1], [1], [0], [0], [0, 0, 1, 0], [], []>, transpose_lhs_hint = false} : vector<1024x128xf32>, vector<128x128xf32>, vector<1024x128xf32> -> vector<1024x128xf32>
      %add3A = arith.addf %dot_general3A_34, %dot_general3A_39 : vector<1024x128xf32>
      %get3A_40 = arith.constant 0 : index
      %get3A_41 = arith.constant 256 : index
      %get3A_42 = vector.load %arg5[%get3A_40, %get3A_41] : memref<128x384xf32, #tpu.memory_space<vmem>>, vector<128x128xf32>
      %dot_general3A_43 = arith.constant dense<0.000000e+00> : vector<1024x128xf32>
      %dot_general3A_44 = tpu.matmul %mul3A_27, %get3A_42, %dot_general3A_43 {dimension_numbers = #tpu.dot_dimension_numbers<[1], [1], [0], [0], [0, 0, 1, 0], [], []>, transpose_lhs_hint = false} : vector<1024x128xf32>, vector<128x128xf32>, vector<1024x128xf32> -> vector<1024x128xf32>
      %add3A_45 = arith.addf %add3A, %dot_general3A_44 : vector<1024x128xf32>
      %get3A_46 = arith.constant 0 : index
      %get3A_47 = vector.load %arg6[%get3A_46] : memref<128xf32, #tpu.memory_space<vmem>>, vector<128xf32>
      %broadcast_in_dim3A_48 = vector.shape_cast %get3A_47 : vector<128xf32> to vector<1x128xf32>
      %add3A_49 = vector.broadcast %broadcast_in_dim3A_48 : vector<1x128xf32> to vector<1024x128xf32>
      %add3A_50 = arith.addf %add3A_45, %add3A_49 : vector<1024x128xf32>
      %max3A_51 = arith.constant 0.000000e+00 : f32
      %max3A_52 = vector.broadcast %max3A_51 : f32 to vector<1024x128xf32>
      %max3A_53 = arith.maximumf %add3A_50, %max3A_52 : vector<1024x128xf32>
      %mul3A_54 = arith.mulf %max3A_53, %max3A_53 : vector<1024x128xf32>
      %reduce_sum3A_55 = arith.constant dense<0.000000e+00> : vector<1024xf32>
      %reduce_sum3A_56 = vector.multi_reduction <add>, %mul3A_54, %reduce_sum3A_55 [1] : vector<1024x128xf32> to vector<1024xf32>
      %broadcast_in_dim3A_57 = vector.shape_cast %reduce_sum3A_56 : vector<1024xf32> to vector<1024x1xf32>
      %sqrt3A = math.sqrt %broadcast_in_dim3A_57 : vector<1024x1xf32>
      %max3A_58 = arith.constant 9.99999996E-13 : f32
      %max3A_59 = vector.broadcast %max3A_58 : f32 to vector<1024x1xf32>
      %max3A_60 = arith.maximumf %sqrt3A, %max3A_59 : vector<1024x1xf32>
      %div3A_61 = vector.broadcast %max3A_60 : vector<1024x1xf32> to vector<1024x128xf32>
      %div3A_62 = arith.divf %max3A_53, %div3A_61 : vector<1024x128xf32>
      %get3A_63 = arith.constant 0 : index
      %get3A_64 = arith.constant 0 : index
      %get3A_65 = vector.load %arg7[%get3A_63, %get3A_64] : memref<128x128xf32, #tpu.memory_space<vmem>>, vector<128x128xf32>
      %dot_general3A_66 = arith.constant dense<0.000000e+00> : vector<1024x128xf32>
      %dot_general3A_67 = tpu.matmul %div3A_62, %get3A_65, %dot_general3A_66 {dimension_numbers = #tpu.dot_dimension_numbers<[1], [1], [0], [0], [0, 0, 1, 0], [], []>, transpose_lhs_hint = false} : vector<1024x128xf32>, vector<128x128xf32>, vector<1024x128xf32> -> vector<1024x128xf32>
      %get3A_68 = arith.constant 0 : index
      %get3A_69 = vector.load %arg8[%get3A_68] : memref<128xf32, #tpu.memory_space<vmem>>, vector<128xf32>
      %broadcast_in_dim3A_70 = vector.shape_cast %get3A_69 : vector<128xf32> to vector<1x128xf32>
      %add3A_71 = vector.broadcast %broadcast_in_dim3A_70 : vector<1x128xf32> to vector<1024x128xf32>
      %add3A_72 = arith.addf %dot_general3A_67, %add3A_71 : vector<1024x128xf32>
      %max3A_73 = arith.constant 0.000000e+00 : f32
      %max3A_74 = vector.broadcast %max3A_73 : f32 to vector<1024x128xf32>
      %max3A_75 = arith.maximumf %add3A_72, %max3A_74 : vector<1024x128xf32>
      %mul3A_76 = arith.constant 1024 : i32
      %mul3A_77 = arith.muli %arg0, %mul3A_76 : i32
      %swap3A = arith.index_cast %mul3A_77 : i32 to index
      %swap3A_78 = arith.constant 0 : index
      %swap3A_79 = vector.load %arg14[%swap3A, %swap3A_78] : memref<10240x128xf32, #tpu.memory_space<vmem>>, vector<1024x128xf32>
      tpu.vector_store %arg14[%swap3A, %swap3A_78], %max3A_75 {strides = array<i32>} : memref<10240x128xf32, #tpu.memory_space<vmem>>, vector<1024x128xf32>,
      %mul3A_80 = arith.constant 1024 : i32
      %mul3A_81 = arith.muli %arg0, %mul3A_80 : i32
      %iota3A = tpu.iota {dimensions = array<i32: 0>} : vector<1024x1xi32>
      %add3A_82 = vector.broadcast %mul3A_81 : i32 to vector<1024x1xi32>
      %add3A_83 = arith.addi %add3A_82, %iota3A : vector<1024x1xi32>
      %lt3A_84 = arith.constant 10000 : i32
      %lt3A_85 = vector.broadcast %lt3A_84 : i32 to vector<1024x1xi32>
      %lt3A_86 = arith.cmpi slt, %add3A_83, %lt3A_85 : vector<1024x1xi32>
      %jit3A = arith.constant 0.000000e+00 : f32
      %broadcast_in_dim3A_87 = vector.shape_cast %lt3A_86 : vector<1024x1xi1> to vector<1024x1xi1>
      %broadcast_in_dim3A_88 = vector.broadcast %broadcast_in_dim3A_87 : vector<1024x1xi1> to vector<1024x128xi1>
      %broadcast_in_dim3A_89 = vector.broadcast %jit3A : f32 to vector<1024x128xf32>
      %select_n3A = arith.select %broadcast_in_dim3A_88, %max3A_75, %broadcast_in_dim3A_89 : vector<1024x128xi1>, vector<1024x128xf32>
      %eq3A = arith.constant 0 : i32
      %eq3A_90 = arith.cmpi eq, %arg0, %eq3A : i32
      %convert_element_type3A_91 = arith.extui %eq3A_90 : i1 to i32
      %cond3A_92 = arith.constant 0 : i32
      %cond3A_93 = arith.cmpi ne, %convert_element_type3A_91, %cond3A_92 : i32
      scf.if %cond3A_93 {
        %broadcast_in_dim3A_110 = arith.constant 0.000000e+00 : f32
        %broadcast_in_dim3A_111 = vector.broadcast %broadcast_in_dim3A_110 : f32 to vector<8x128xf32>
        %swap3A_112 = arith.constant 0 : index
        %swap3A_113 = arith.constant 0 : index
        %swap3A_114 = vector.load %arg15[%swap3A_112, %swap3A_113] : memref<8x128xf32, #tpu.memory_space<vmem>>, vector<8x128xf32>
        tpu.vector_store %arg15[%swap3A_112, %swap3A_113], %broadcast_in_dim3A_111 {strides = array<i32>} : memref<8x128xf32, #tpu.memory_space<vmem>>, vector<8x128xf32>,
      } else {
      }
      %reduce_sum3A_94 = arith.constant dense<0.000000e+00> : vector<128xf32>
      %reduce_sum3A_95 = vector.multi_reduction <add>, %select_n3A, %reduce_sum3A_94 [0] : vector<1024x128xf32> to vector<128xf32>
      %broadcast_in_dim3A_96 = vector.shape_cast %reduce_sum3A_95 : vector<128xf32> to vector<1x128xf32>
      %mul3A_97 = arith.mulf %select_n3A, %select_n3A : vector<1024x128xf32>
      %reduce_sum3A_98 = arith.constant dense<0.000000e+00> : vector<128xf32>
      %reduce_sum3A_99 = vector.multi_reduction <add>, %mul3A_97, %reduce_sum3A_98 [0] : vector<1024x128xf32> to vector<128xf32>
      %broadcast_in_dim3A_100 = vector.shape_cast %reduce_sum3A_99 : vector<128xf32> to vector<1x128xf32>
      %get3A_101 = arith.constant 0 : index
      %get3A_102 = arith.constant 0 : index
      %get3A_103 = vector.load %arg15[%get3A_101, %get3A_102] : memref<8x128xf32, #tpu.memory_space<vmem>>, vector<8x128xf32>
      %broadcast_in_dim3A_104 = arith.constant 0.000000e+00 : f32
      %broadcast_in_dim3A_105 = vector.broadcast %broadcast_in_dim3A_104 : f32 to vector<6x128xf32>
      %concatenate3A = tpu.concatenate %broadcast_in_dim3A_96, %broadcast_in_dim3A_100, %broadcast_in_dim3A_105 in 0 : vector<1x128xf32>, vector<1x128xf32>, vector<6x128xf32> -> vector<8x128xf32>
      %add3A_106 = arith.addf %get3A_103, %concatenate3A : vector<8x128xf32>
      %swap3A_107 = arith.constant 0 : index
      %swap3A_108 = arith.constant 0 : index
      %swap3A_109 = vector.load %arg15[%swap3A_107, %swap3A_108] : memref<8x128xf32, #tpu.memory_space<vmem>>, vector<8x128xf32>
      tpu.vector_store %arg15[%swap3A_107, %swap3A_108], %add3A_106 {strides = array<i32>} : memref<8x128xf32, #tpu.memory_space<vmem>>, vector<8x128xf32>,
    } else {
    }
    %ge3A = arith.constant 10 : i32
    %ge3A_2 = arith.cmpi sge, %arg0, %ge3A : i32
    %convert_element_type3A_3 = arith.extui %ge3A_2 : i1 to i32
    %cond3A_4 = arith.constant 0 : i32
    %cond3A_5 = arith.cmpi ne, %convert_element_type3A_3, %cond3A_4 : i32
    scf.if %cond3A_5 {
      %sub3A = arith.constant 10 : i32
      %sub3A_6 = arith.subi %arg0, %sub3A : i32
      %get3A = arith.constant 0 : index
      %get3A_7 = arith.constant 0 : index
      %get3A_8 = vector.load %arg15[%get3A, %get3A_7] : memref<8x128xf32, #tpu.memory_space<vmem>>, vector<1x128xf32>
      %get3A_9 = vector.shape_cast %get3A_8 : vector<1x128xf32> to vector<128xf32>
      %mul3A = arith.constant 9.99999974E-5 : f32
      %mul3A_10 = vector.broadcast %mul3A : f32 to vector<128xf32>
      %mul3A_11 = arith.mulf %get3A_9, %mul3A_10 : vector<128xf32>
      %get3A_12 = arith.constant 1 : index
      %get3A_13 = arith.constant 0 : index
      %get3A_14 = vector.load %arg15[%get3A_12, %get3A_13] : memref<8x128xf32, #tpu.memory_space<vmem>>, vector<1x128xf32>
      %get3A_15 = vector.shape_cast %get3A_14 : vector<1x128xf32> to vector<128xf32>
      %mul3A_16 = arith.constant 9.99999974E-5 : f32
      %mul3A_17 = vector.broadcast %mul3A_16 : f32 to vector<128xf32>
      %mul3A_18 = arith.mulf %get3A_15, %mul3A_17 : vector<128xf32>
      %mul3A_19 = arith.mulf %mul3A_11, %mul3A_11 : vector<128xf32>
      %sub3A_20 = arith.subf %mul3A_18, %mul3A_19 : vector<128xf32>
      %add3A = arith.constant 9.99999974E-6 : f32
      %add3A_21 = vector.broadcast %add3A : f32 to vector<128xf32>
      %add3A_22 = arith.addf %sub3A_20, %add3A_21 : vector<128xf32>
      %rsqrt3A = math.rsqrt %add3A_22 : vector<128xf32>
      %get3A_23 = arith.constant 0 : index
      %get3A_24 = vector.load %arg10[%get3A_23] : memref<1xf32, #tpu.memory_space<vmem>>, vector<1xf32>
      %get3A_25 = vector.extract %get3A_24[0] : f32 from vector<1xf32>
      %mul3A_26 = arith.mulf %get3A_25, %get3A_25 : f32
      %get3A_27 = arith.constant 0 : index
      %get3A_28 = vector.load %arg9[%get3A_27] : memref<128xf32, #tpu.memory_space<vmem>>, vector<128xf32>
      %mul3A_29 = vector.broadcast %mul3A_26 : f32 to vector<128xf32>
      %mul3A_30 = arith.mulf %mul3A_29, %get3A_28 : vector<128xf32>
      %get3A_31 = arith.constant 0 : index
      %get3A_32 = vector.load %arg9[%get3A_31] : memref<128xf32, #tpu.memory_space<vmem>>, vector<128xf32>
      %mul3A_33 = arith.mulf %mul3A_30, %get3A_32 : vector<128xf32>
      %mul3A_34 = arith.mulf %mul3A_33, %sub3A_20 : vector<128xf32>
      %mul3A_35 = arith.mulf %mul3A_34, %rsqrt3A : vector<128xf32>
      %mul3A_36 = arith.mulf %mul3A_35, %rsqrt3A : vector<128xf32>
      %add3A_37 = arith.constant 9.99999974E-6 : f32
      %add3A_38 = vector.broadcast %add3A_37 : f32 to vector<128xf32>
      %add3A_39 = arith.addf %mul3A_36, %add3A_38 : vector<128xf32>
      %rsqrt3A_40 = math.rsqrt %add3A_39 : vector<128xf32>
      %get3A_41 = arith.constant 0 : index
      %get3A_42 = vector.load %arg9[%get3A_41] : memref<128xf32, #tpu.memory_space<vmem>>, vector<128xf32>
      %mul3A_43 = vector.broadcast %get3A_25 : f32 to vector<128xf32>
      %mul3A_44 = arith.mulf %mul3A_43, %get3A_42 : vector<128xf32>
      %get3A_45 = arith.constant 0 : index
      %get3A_46 = vector.load %arg11[%get3A_45] : memref<128xf32, #tpu.memory_space<vmem>>, vector<128xf32>
      %mul3A_47 = arith.mulf %mul3A_44, %get3A_46 : vector<128xf32>
      %mul3A_48 = arith.mulf %mul3A_47, %rsqrt3A : vector<128xf32>
      %mul3A_49 = arith.mulf %mul3A_48, %rsqrt3A_40 : vector<128xf32>
      %get3A_50 = arith.constant 0 : index
      %get3A_51 = vector.load %arg12[%get3A_50] : memref<128xf32, #tpu.memory_space<vmem>>, vector<128xf32>
      %mul3A_52 = arith.mulf %mul3A_49, %mul3A_11 : vector<128xf32>
      %sub3A_53 = arith.subf %get3A_51, %mul3A_52 : vector<128xf32>
      %mul3A_54 = arith.constant 1024 : i32
      %mul3A_55 = arith.muli %sub3A_6, %mul3A_54 : i32
      %get3A_56 = arith.index_cast %mul3A_55 : i32 to index
      %get3A_57 = arith.constant 0 : index
      %get3A_58 = vector.load %arg14[%get3A_56, %get3A_57] : memref<10240x128xf32, #tpu.memory_space<vmem>>, vector<1024x128xf32>
      %broadcast_in_dim3A = vector.shape_cast %mul3A_49 : vector<128xf32> to vector<1x128xf32>
      %mul3A_59 = vector.broadcast %broadcast_in_dim3A : vector<1x128xf32> to vector<1024x128xf32>
      %mul3A_60 = arith.mulf %get3A_58, %mul3A_59 : vector<1024x128xf32>
      %broadcast_in_dim3A_61 = vector.shape_cast %sub3A_53 : vector<128xf32> to vector<1x128xf32>
      %add3A_62 = vector.broadcast %broadcast_in_dim3A_61 : vector<1x128xf32> to vector<1024x128xf32>
      %add3A_63 = arith.addf %mul3A_60, %add3A_62 : vector<1024x128xf32>
      %swap3A = arith.constant 0 : index
      %swap3A_64 = arith.constant 0 : index
      %swap3A_65 = vector.load %arg13[%swap3A, %swap3A_64] : memref<1024x128xf32, #tpu.memory_space<vmem>>, vector<1024x128xf32>
      tpu.vector_store %arg13[%swap3A, %swap3A_64], %add3A_63 {strides = array<i32>} : memref<1024x128xf32, #tpu.memory_space<vmem>>, vector<1024x128xf32>,
    } else {
    }
    return
  }
  func.func @transform_0(%arg0: i32) -> (i32, i32) {
    %min3A = arith.constant 9 : i32
    %min3A_0 = arith.minsi %arg0, %min3A : i32
    %c0_i32 = arith.constant 0 : i32
    %c0_i32_1 = arith.constant 0 : i32
    return %min3A_0, %c0_i32 : i32, i32
  }
  func.func @transform_1(%arg0: i32) -> (i32, i32, i32) {
    %min3A = arith.constant 9 : i32
    %min3A_0 = arith.minsi %arg0, %min3A : i32
    %c0_i32 = arith.constant 0 : i32
    %c0_i32_1 = arith.constant 0 : i32
    %c0_i32_2 = arith.constant 0 : i32
    return %c0_i32, %min3A_0, %c0_i32_1 : i32, i32, i32
  }
  func.func @transform_2(%arg0: i32) -> (i32, i32, i32) {
    %min3A = arith.constant 9 : i32
    %min3A_0 = arith.minsi %arg0, %min3A : i32
    %c1_i32 = arith.constant 1 : i32
    %c0_i32 = arith.constant 0 : i32
    %c0_i32_1 = arith.constant 0 : i32
    return %c1_i32, %min3A_0, %c0_i32 : i32, i32, i32
  }
  func.func @transform_3(%arg0: i32) -> (i32, i32, i32) {
    %min3A = arith.constant 9 : i32
    %min3A_0 = arith.minsi %arg0, %min3A : i32
    %c0_i32 = arith.constant 0 : i32
    %c0_i32_1 = arith.constant 0 : i32
    %c0_i32_2 = arith.constant 0 : i32
    return %c0_i32, %c0_i32_1, %min3A_0 : i32, i32, i32
  }
  func.func @transform_4(%arg0: i32) -> (i32, i32) {
    %c0_i32 = arith.constant 0 : i32
    %c0_i32_0 = arith.constant 0 : i32
    %c0_i32_1 = arith.constant 0 : i32
    return %c0_i32, %c0_i32_0 : i32, i32
  }
  func.func @transform_5(%arg0: i32) -> i32 {
    %c0_i32 = arith.constant 0 : i32
    %c0_i32_0 = arith.constant 0 : i32
    return %c0_i32 : i32
  }
  func.func @transform_6(%arg0: i32) -> (i32, i32) {
    %c0_i32 = arith.constant 0 : i32
    %c0_i32_0 = arith.constant 0 : i32
    %c0_i32_1 = arith.constant 0 : i32
    return %c0_i32, %c0_i32_0 : i32, i32
  }
  func.func @transform_7(%arg0: i32) -> i32 {
    %c0_i32 = arith.constant 0 : i32
    %c0_i32_0 = arith.constant 0 : i32
    return %c0_i32 : i32
  }
  func.func @transform_8(%arg0: i32) -> i32 {
    %c0_i32 = arith.constant 0 : i32
    %c0_i32_0 = arith.constant 0 : i32
    return %c0_i32 : i32
  }
  func.func @transform_9(%arg0: i32) -> i32 {
    %c0_i32 = arith.constant 0 : i32
    %c0_i32_0 = arith.constant 0 : i32
    return %c0_i32 : i32
  }
  func.func @transform_10(%arg0: i32) -> i32 {
    %c0_i32 = arith.constant 0 : i32
    %c0_i32_0 = arith.constant 0 : i32
    return %c0_i32 : i32
  }
  func.func @transform_11(%arg0: i32) -> i32 {
    %c0_i32 = arith.constant 0 : i32
    %c0_i32_0 = arith.constant 0 : i32
    return %c0_i32 : i32
  }
  func.func @transform_12(%arg0: i32) -> (i32, i32) {
    %sub3A = arith.constant 10 : i32
    %sub3A_0 = arith.subi %arg0, %sub3A : i32
    %max3A = arith.constant 0 : i32
    %max3A_1 = arith.maxsi %sub3A_0, %max3A : i32
    %c0_i32 = arith.constant 0 : i32
    %c0_i32_2 = arith.constant 0 : i32
    return %max3A_1, %c0_i32 : i32, i32
  }
}

</mosaic_0001>

<sc_bundles>
// kernel: kernel.11.cloned.1.call-start
scs
__scs_entry_jumppad:
0x0: {  	(pc) =	sbr.rel $0x88, $3  }
0x1: {  	(tag) =	ssettag $0x0;
	lr =	simm.s32 $0x1  }
0x2: {  	[smem:$0x3F91] =	sst lr;
	_ =	strace $0xD0000000  }
0x3: {  	_ = 	snop  }
0x4: {  	_ = 	snop  }
0x5: {  	_ = 	snop  }
0x6: {  	_ = 	snop  }
0x7: {  	_ = 	snop  }
__scs_overlays_trampoline_lowered:
0x8: {  	[smem:$0x3FA0] =	sst s0  }
0x9: {  	[smem:$0x3FA1] =	sst s1  }
0xa: {  	[smem:$0x3FA2] =	sst s2  }
0xb: {  	[smem:$0x3FA3] =	sst s3  }
0xc: {  	[smem:$0x3FA4] =	sst s4  }
0xd: {  	[smem:$0x3FA5] =	sst s5  }
0xe: {  	[smem:$0x3FA6] =	sst s6  }
0xf: {  	[smem:$0x3FA7] =	sst s7  }
0x10: {  	[smem:$0x3FA8] =	sst s8  }
0x11: {  	[smem:$0x3FA9] =	sst s9;
	s0 =	simm.s32 @!p0 $0x0  }
0x12: {  	s1 =	sld [smem:$0x3F8F];
	s0 =	simm.s32 @p0 $0x1  }
0x13: {  	[smem:$0x3FAA] =	sst s0;
	s0 =	simm.s32 @!p1 $0x0  }
0x14: {  	s2 =	sld [smem:$0x3F8E];
	s0 =	simm.s32 @p1 $0x1  }
0x15: {  	[smem:$0x3FAB] =	sst s0;
	s0 =	simm.s32 @!p2 $0x0  }
0x16: {  	s3 =	sld [smem:$0x3FDB];
	s0 =	simm.s32 @p2 $0x1  }
0x17: {  	s4 =	simm.s32 $0x1BF5;
	[smem:$0x3FAD] =	sst s0  }
0x18: {  	s0 =	sld [smem:$0x3F90];
	_ =	swait.ge [sflag:s4], $0x0  }
0x19: {  	s7 =	sld [smem:$0x3F91]  }
0x1a: {  	s8 =	sadd.s32 $0xFFFFE003, lr  }
0x1b: {  	s9 =	sadd.s32 $0xFFFFFEF7, lr;
	s5 =	simm.s32 $0xFFFFFFFF;
	p2 =	slt.u32 s8, $0xFFFFF086  }
0x1c: {  	p1 =	slt.u32 s9, $0xF7A;
	s5 =	simm.s32 @!p2 $0x0  }
0x1d: {  	s5 =	simm.s32 @p1 $0x1;
	p0 =	seq.s32 s7, s2  }
0x1e: {  	s7 =	smul.u32 @!p0 $0xF7A, s2;
	p2 =	seq.s32 @!p0 s5, $0x0  }
0x1f: {  	s9 =	smul.u32 $0xF7A, s1;
	s8 =	simm.s32 @!p0 $0x1BF5;
	p2 =	por !p2, p0  }
0x20: {  	[sflag:s8] =	ssyncset.s32 @!p0 $0xFFFFF086;
	s6 =	sadd.s32 @!p0 s3, s7;
	s7 =	simm.s32 @!p0 $0x108  }
0x21: {  	s3 =	sadd.s32 s3, s9;
	s6 =	sadd.s32 @!p0 $0x88, s6;
	s7 =	simm.s32 @p2 $0x1082  }
0x22: {  	[simem:s7], [sflag:s8] =	dma.local @!p0 [hbm:s6], $0xF7A  }
0x23: {  	s9 =	sor.u32 $0xD0000000, s2;
	s6 =	simm.s32 $0x108;
	_ =	swait.ge @!p0 [sflag:s8], $0x0  }
0x24: {  	s3 =	sadd.s32 $0x88, s3;
	s6 =	simm.s32 @!p1 $0x1082;
	[sflag:s4] =	ssyncset.s32 $0xFFFFF086  }
0x25: {  	[simem:s6], [sflag:s4] =	dma.local [hbm:s3], $0xF7A  }
0x26: {  	[smem:$0x3F91] =	sst s1;
	(tag) =	ssettag s2;
	_ =	strace s9  }
0x27: {  	s1 =	sld [smem:$0x3FA1]  }
0x28: {  	s2 =	sld [smem:$0x3FA2]  }
0x29: {  	s4 =	sld [smem:$0x3FA4]  }
0x2a: {  	p0 =	seq.s32 s5, $0x0;
	s5 =	sld [smem:$0x3FA5]  }
0x2b: {  	s6 =	sld [smem:$0x3FA6]  }
0x2c: {  	s7 =	sld [smem:$0x3FA7]  }
0x2d: {  	s3 =	simm.s32 $0x108;
	s8 =	sld [smem:$0x3FA8]  }
0x2e: {  	s3 =	simm.s32 @!p0 $0x1082;
	s9 =	sld [smem:$0x3FA9]  }
0x2f: {  	lr =	sadd.s32 s0, s3;
	s0 =	sld [smem:$0x3FA0]  }
0x30: {  	s3 =	sld [smem:$0x3FA3]  }
0x31: {  	[smem:$0x3FAC] =	sst s10  }
0x32: {  	s10 =	sld [smem:$0x3FAA];
	_ =	sdelay $0x3  }
0x33: {  	p0 =	seq.s32 s10, $0x1;
	s10 =	sld [smem:$0x3FAC];
	_ =	sdelay $0x3  }
0x34: {  	[smem:$0x3FAC] =	sst s10  }
0x35: {  	s10 =	sld [smem:$0x3FAB];
	_ =	sdelay $0x3  }
0x36: {  	p1 =	seq.s32 s10, $0x1;
	s10 =	sld [smem:$0x3FAC];
	_ =	sdelay $0x3  }
0x37: {  	[smem:$0x3FAC] =	sst s10  }
0x38: {  	s10 =	sld [smem:$0x3FAD]  }
0x39: {  	_ = 	snop;
	(pc) =	sbr.ind lr, $3  }
0x3a: {  	_ = 	snop  }
0x3b: {  	_ = 	snop  }
0x3c: {  	p2 =	seq.s32 s10, $0x1;
	s10 =	sld [smem:$0x3FAC]  }
0x3d: {  	_ =	shalt  }
0x3e: {  	_ =	shalt  }
0x3f: {  	_ =	shalt  }
0x40: {  	_ =	shalt  }
0x41: {  	_ =	shalt  }
0x42: {  	_ =	shalt  }
0x43: {  	_ =	shalt  }
0x44: {  	_ =	shalt  }
0x45: {  	_ =	shalt  }
0x46: {  	_ =	shalt  }
0x47: {  	_ =	shalt  }
0x48: {  	_ =	shalt  }
0x49: {  	_ =	shalt  }
0x4a: {  	_ =	shalt  }
0x4b: {  	_ =	shalt  }
0x4c: {  	_ =	shalt  }
0x4d: {  	_ =	shalt  }
0x4e: {  	_ =	shalt  }
0x4f: {  	_ =	shalt  }
0x50: {  	_ =	shalt  }
0x51: {  	_ =	shalt  }
0x52: {  	_ =	shalt  }
0x53: {  	_ =	shalt  }
0x54: {  	_ =	shalt  }
0x55: {  	_ =	shalt  }
0x56: {  	_ =	shalt  }
0x57: {  	_ =	shalt  }
0x58: {  	_ =	shalt  }
0x59: {  	_ =	shalt  }
0x5a: {  	_ =	shalt  }
0x5b: {  	_ =	shalt  }
0x5c: {  	_ =	shalt  }
0x5d: {  	_ =	shalt  }
0x5e: {  	_ =	shalt  }
0x5f: {  	_ =	shalt  }
0x60: {  	_ =	shalt  }
0x61: {  	_ =	shalt  }
0x62: {  	_ =	shalt  }
0x63: {  	_ =	shalt  }
0x64: {  	_ =	shalt  }
0x65: {  	_ =	shalt  }
0x66: {  	_ =	shalt  }
0x67: {  	_ =	shalt  }
0x68: {  	_ =	shalt  }
0x69: {  	_ =	shalt  }
0x6a: {  	_ =	shalt  }
0x6b: {  	_ =	shalt  }
0x6c: {  	_ =	shalt  }
0x6d: {  	_ =	shalt  }
0x6e: {  	_ =	shalt  }
0x6f: {  	_ =	shalt  }
0x70: {  	_ =	shalt  }
0x71: {  	_ =	shalt  }
0x72: {  	_ =	shalt  }
0x73: {  	_ =	shalt  }
0x74: {  	_ =	shalt  }
0x75: {  	_ =	shalt  }
0x76: {  	_ =	shalt  }
0x77: {  	_ =	shalt  }
0x78: {  	_ =	shalt  }
0x79: {  	_ =	shalt  }
0x7a: {  	_ =	shalt  }
0x7b: {  	_ =	shalt  }
0x7c: {  	_ =	shalt  }
0x7d: {  	_ =	shalt  }
0x7e: {  	_ =	shalt  }
0x7f: {  	_ =	shalt  }
0x80: {  	_ =	shalt  }
0x81: {  	_ =	shalt  }
0x82: {  	_ =	shalt  }
0x83: {  	_ =	shalt  }
0x84: {  	_ =	shalt  }
0x85: {  	_ =	shalt  }
0x86: {  	_ =	shalt  }
0x87: {  	_ =	shalt  }
.Lfunc_end0:
.L_simem_size_0:
called_computation.1_lowered:
.L_overlay_start_0:
0x88: {  	s2 =	sld [smem:$0x3FD9]  }
0x89: {  	s3 =	sld [smem:$0x3FFE];
	_ =	sdelay $0x1  }
0x8a: {  	s1 =	srdreg.scid  }
0x8b: {  	s0 =	sand.u32 $0x1, s1  }
0x8c: {  	s17 =	sshll.u32 s0, $0xA;
	s2 =	sadd.s32 s3, s2  }
0x8d: {  	s2 =	sadd.s32 s2, s17  }
0x8e: {  	[smem:$0x3FB8] =	sst s2  }
0x8f: {  	_ = 	snop  }
0x90: {  	s2 =	sld [smem:$0x3FD0];
	(tm) =	ssettm $0x1  }
0x91: {  	s18 =	sld [smem:$0x3FFB];
	_ =	sdelay $0x3  }
0x92: {  	_ =	strace s18  }
0x93: {  	s3 =	sld [smem:$0x3FFC];
	_ =	sdelay $0x3  }
0x94: {  	_ =	strace s3  }
0x95: {  	s3 =	sld [smem:$0x3FFD];
	_ =	sdelay $0x3  }
0x96: {  	_ =	strace s3  }
0x97: {  	_ =	strace $0x8FFFFFFF  }
0x98: {  	s19 =	sld [smem:$0x3FDB];
	_ =	sdelay $0x1  }
0x99: {  	s4 =	simm.s32 $_scs_section_size  }
0x9a: {  	s5 =	simm.s32 $_size__tile_overlayer_lowered;
	s6 =	simm.s32 $_tile_overlayer_lowered  }
0x9b: {  	s22 =	simm.s32 $0x1BFF;
	s21 =	sshll.u32 s6, $0x1;
	s3 =	sadd.s32 s4, s19  }
0x9c: {  	s7 =	simm.s32 $0x0;
	s20 =	sshll.u32 s5, $0x1;
	s5 =	sadd.s32 s21, s3  }
0x9d: {  	[timem:s7], [sflag:s22] =	dma.local [hbm:s5], s20  }
0x9e: {  	_ =	swait.ge [sflag:s22], s20  }
0x9f: {  	s4 =	ssub.s32 $0x0, s20;
	[sflag:s22] =	ssyncset.done $0x0  }
0xa0: {  	[sflag:s22] =	ssyncadd.s32 s4;
	_ =	sdelay $0x1  }
0xa1: {  	s23 =	simm.s32 $0x1B8B  }
0xa2: {  	_ =	swait.ge [sflag:s23], $0x1  }
0xa3: {  	[sflag:s23] =	ssyncset.done $0x0  }
0xa4: {  	s25 =	simm.s32 $0x1B8E;
	s24 =	sld [smem:$0x3FFE];
	[sflag:s23] =	ssyncadd.s32 $0xFFFFFFFF  }
0xa5: {  	s26 =	simm.s32 $execute0_lowered;
	[smem:$0x3FD2] =	sst s25  }
0xa6: {  	s5 =	sshll.u32 s26, $0x1;
	_ =	strace $0x80000046;
	[dreg:$0x1] =	wrdreg $0xFFFFFFFF  }
0xa7: {  	s28 =	simm.s32 $_size_execute0_lowered;
	s3 =	sadd.s32 s3, s5;
	[dreg:$0x0] =	wrdreg $0x0  }
0xa8: {  	s5 =	sshll.u32 s28, $0x1;
	[dreg:$0x2] =	wrdreg s3  }
0xa9: {  	[dreg:$0x3] =	wrdreg s5  }
0xaa: {  	[dreg:$0x4] =	wrdreg $0xC0  }
0xab: {  	_ =	task [dreg:s7], $0x5FFFF  }
0xac: {  	[dreg:$0x1] =	wrdreg $0xFFFFFFFF  }
0xad: {  	[dreg:$0x0] =	wrdreg $0x60  }
0xae: {  	[dreg:$0x2] =	wrdreg s24  }
0xaf: {  	[dreg:$0x3] =	wrdreg s2  }
0xb0: {  	[dreg:$0x4] =	wrdreg $0xA0000  }
0xb1: {  	[dreg:$0x5] =	wrdreg $0xA  }
0xb2: {  	_ =	task.clear_ibuf [dreg:s7], $0x6FFFF;
	_ =	strace $0x90000046  }
0xb3: {  	s29 =	simm.s32 $0xA;
	_ =	strace $0x80000048  }
0xb4: {  	_ =	swait.ge [sflag:s29], $0x1  }
0xb5: {  	[sflag:s29] =	ssyncadd.s32 $0xFFFFFFFF  }
0xb6: {  	_ =	strace $0x90000048  }
0xb7: {  	_ =	sfence  }
0xb8: {  	s30 =	sld [smem:$0x0];
	_ =	sdelay $0x2  }
0xb9: {  	s31 =	sshll.u32 s1, $0xD;
	s1 =	sshrl.u32 s1, $0x2  }
0xba: {  	s3 =	sand.u32 $0x4000, s31;
	s1 =	sadd.s32 s1, s30  }
0xbb: {  	s0 =	sor.u32 s3, s0;
	s1 =	sshll.u32 s1, $0x11  }
0xbc: {  	s0 =	sor.u32 s1, s0  }
0xbd: {  	s0 =	sadd.s32 $0x8F2B, s0  }
0xbe: {  	[sflag:s0] =	ssyncadd.remote.s32 $0x1  }
0xbf: {  	_ =	sfence.sel $0xFFFF  }
0xc0: {  	[dreg:$0x0] =	wrdreg $0xFFFFFFFF;
	(pc) =	sbr.abs _section_cstart, $3  }
0xc1: {  	[dreg:$0x1] =	wrdreg $0xFFFFFFFF  }
0xc2: {  	_ =	task.clear_ibuf [dreg:s7], $0x2FFFF;
	_ =	strace $0x9FFFFFFF  }
0xc3: {  	(tm) =	ssettm $0x7FFFFFFF  }
tec
execute0_lowered:
.L_overlay_start_1:
0x0: {  	(tag) =	ssettag $0x1  }
0x1: {  	s0 =	rddreg [dreg:$0x0]  }
0x2: {  	s1 =	rddreg [dreg:$0x1]  }
0x3: {  	s2 =	rddreg [dreg:$0x2]  }
0x4: {  	s3 =	srdreg.scid;
	s11 =	stileid.u32  }
0x5: {  	s4 =	simm.s32 $0x0;
	s3 =	sand.u32 $0x1, s3;
	s8 =	smul.u32 $0x14000, s11  }
0x6: {  	s28 =	simm.s32 $0x100;
	s29 =	simm.s32 $0x6000;
	s7 =	smul.u32 $0x140000, s3  }
0x7: {  	s30 =	simm.s32 $0x1;
	s31 =	simm.s32 $0x8000;
	s9 =	smul.u32 $0x50000, s11  }
0x8: {  	[smem:$0x7FF] =	sst s4;
	s5 =	sadd.s32 $0x2AA00, s0;
	s7 =	sadd.s32 s8, s7  }
0x9: {  	s6 =	sadd.s32 $0x2A00, s0;
	s9 =	sshrl.u32 s9, $0x2;
	s7 =	sshrl.u32 s7, $0x3  }
0xa: {  	s14 =	smul.u32 $0xA000, s11;
	s0 =	sadd.s32 s7, s0;
	s7 =	sadd.s32 s9, s2  }
0xb: {  	_ =	strace $0x80000047;
	s19 =	ssub.s32 $0x2, s3;
	s9 =	sadd.s32 $0x2000, s7  }
0xc: {  	s3 =	smul.u32 $0xA0000, s3;
	s20 =	sadd.s32 $0x4000, s7;
	[dreg:$0x4] =	wrdreg s9  }
0xd: {  	s10 =	sshrl.u32 s19, $0x1;
	s21 =	sadd.s32 $0x6000, s7;
	[dreg:$0x5] =	wrdreg s20  }
0xe: {  	s8 =	ssub.s32 s19, s10;
	s22 =	sadd.s32 $0x8000, s7;
	[dreg:$0x6] =	wrdreg s21  }
0xf: {  	s18 =	sadd.s32 s3, s14;
	s23 =	sadd.s32 $0xA000, s7;
	[dreg:$0x7] =	wrdreg s22  }
0x10: {  	s3 =	simm.s32 $0x1E00;
	s24 =	sadd.s32 $0xC000, s7;
	[dreg:$0x8] =	wrdreg s23  }
0x11: {  	s10 =	simm.s32 $0x1F80;
	s25 =	sadd.s32 $0xE000, s7;
	[dreg:$0x9] =	wrdreg s24  }
0x12: {  	s26 =	sadd.s32 $0x10000, s7;
	s17 =	sadd.s32 $0x12000, s7;
	[dreg:$0xa] =	wrdreg s25  }
0x13: {  	s19 =	sadd.s32 $0x7AA00, s0;
	s0 =	simm.s32 $0xF80;
	[dreg:$0xb] =	wrdreg s26  }
0x14: {  	s20 =	smax.u32 s8, $0x1;
	s21 =	simm.s32 $0x2000;
	s22 =	simm.s32 $0x2  }
0x15: {  	s23 =	simm.s32 $0x4000;
	s24 =	simm.s32 $0x1000;
	s25 =	simm.s32 $0x40  }
0x16: {  	v0 =	vimm.f32 $0.0e+00;
	s26 =	simm.s32 $0x80;
	s8 =	simm.s32 $0x1E80;
	s9 =	simm.s32 $0x1F00  }
.LBB2_1:
0x17: {  	s11 =	simm.s32 $0x0;
	s12 =	simm.s32 $0x200  }
.LBB2_2:
0x18: {  	p0 =	sne.s32 s12, $0x7E00;
	[tilespmem:s11+$0x2070] =	vst v0  }
0x19: {  	[tilespmem:s11+$0x2000] =	vst v0  }
0x1a: {  	[tilespmem:s11+$0x2010] =	vst v0  }
.Ltmp0:
0x1b: {  	[tilespmem:s11+$0x2020] =	vst v0;
	(pc) =	sbr.rel @p0 .LBB2_2-.Ltmp0, $4  }
0x1c: {  	[tilespmem:s11+$0x2030] =	vst v0  }
0x1d: {  	[tilespmem:s11+$0x2040] =	vst v0  }
0x1e: {  	[tilespmem:s11+$0x2050] =	vst v0  }
0x1f: {  	[tilespmem:s11+$0x2060] =	vst v0;
	s11 =	sshra.s32 s12, $0x2;
	s12 =	sadd.s32 $0x200, s12  }
0x20: {  	[tilespmem:s11+$0x2070] =	vst v0  }
0x21: {  	[tilespmem:s11+$0x2000] =	vst v0  }
0x22: {  	[tilespmem:s11+$0x2010] =	vst v0  }
0x23: {  	[tilespmem:s11+$0x2020] =	vst v0  }
0x24: {  	[tilespmem:s11+$0x2030] =	vst v0  }
0x25: {  	[tilespmem:s11+$0x2040] =	vst v0  }
0x26: {  	[tilespmem:s11+$0x2050] =	vst v0  }
0x27: {  	[tilespmem:s11+$0x2060] =	vst v0;
	s11 =	simm.s32 $0x0;
	s12 =	simm.s32 $0x200  }
.LBB2_4:
0x28: {  	p0 =	sne.s32 s12, $0x7E00;
	[tilespmem:s11+$0x4070] =	vst v0  }
0x29: {  	[tilespmem:s11+$0x4000] =	vst v0  }
0x2a: {  	[tilespmem:s11+$0x4010] =	vst v0  }
.Ltmp1:
0x2b: {  	[tilespmem:s11+$0x4020] =	vst v0;
	(pc) =	sbr.rel @p0 .LBB2_4-.Ltmp1, $4  }
0x2c: {  	[tilespmem:s11+$0x4030] =	vst v0  }
0x2d: {  	[tilespmem:s11+$0x4040] =	vst v0  }
0x2e: {  	[tilespmem:s11+$0x4050] =	vst v0  }
0x2f: {  	[tilespmem:s11+$0x4060] =	vst v0;
	s11 =	sshra.s32 s12, $0x2;
	s12 =	sadd.s32 $0x200, s12  }
0x30: {  	[tilespmem:s11+$0x4070] =	vst v0  }
0x31: {  	[tilespmem:s11+$0x4000] =	vst v0  }
0x32: {  	[tilespmem:s11+$0x4010] =	vst v0  }
0x33: {  	[tilespmem:s11+$0x4020] =	vst v0  }
0x34: {  	[tilespmem:s11+$0x4030] =	vst v0  }
0x35: {  	[tilespmem:s11+$0x4040] =	vst v0  }
0x36: {  	[tilespmem:s11+$0x4050] =	vst v0  }
0x37: {  	[tilespmem:s11+$0x4060] =	vst v0  }
0x38: {  	[spmem:s7] =	stream.linear.scatter [tilespmem:s21], [sflag:$0x2], $0x2000, $0x38;
	[tilespmem:$0x1E000] =	vst v63  }
0x39: {  	_ =	swait.ge [sflag:s22], $0x2000  }
0x3a: {  	[sflag:s22] =	ssyncset.done $0x0  }
0x3b: {  	s12 =	rddreg [dreg:$0x4];
	[sflag:s22] =	ssyncadd.s32 $0xFFFFE000  }
0x3c: {  	[spmem:s12] =	stream.linear.scatter [tilespmem:s23], [sflag:$0x2], $0x2000, $0x38;
	[tilespmem:$0x1E000] =	vst v63  }
0x3d: {  	_ =	swait.ge [sflag:s22], $0x2000  }
0x3e: {  	[sflag:s22] =	ssyncset.done $0x0  }
0x3f: {  	s13 =	rddreg [dreg:$0x5];
	[sflag:s22] =	ssyncadd.s32 $0xFFFFE000  }
0x40: {  	[spmem:s13] =	stream.linear.scatter [tilespmem:s21], [sflag:$0x2], $0x2000, $0x38;
	[tilespmem:$0x1E000] =	vst v63  }
0x41: {  	_ =	swait.ge [sflag:s22], $0x2000  }
0x42: {  	[sflag:s22] =	ssyncset.done $0x0  }
0x43: {  	s15 =	rddreg [dreg:$0x6];
	[sflag:s22] =	ssyncadd.s32 $0xFFFFE000  }
0x44: {  	[spmem:s15] =	stream.linear.scatter [tilespmem:s23], [sflag:$0x2], $0x2000, $0x38;
	[tilespmem:$0x1E000] =	vst v63  }
0x45: {  	_ =	swait.ge [sflag:s22], $0x2000  }
0x46: {  	[sflag:s22] =	ssyncset.done $0x0  }
0x47: {  	s16 =	rddreg [dreg:$0x7];
	[sflag:s22] =	ssyncadd.s32 $0xFFFFE000  }
0x48: {  	[spmem:s16] =	stream.linear.scatter [tilespmem:s21], [sflag:$0x2], $0x2000, $0x38;
	[tilespmem:$0x1E000] =	vst v63  }
0x49: {  	_ =	swait.ge [sflag:s22], $0x2000  }
0x4a: {  	[sflag:s22] =	ssyncset.done $0x0  }
0x4b: {  	s12 =	rddreg [dreg:$0x8];
	[sflag:s22] =	ssyncadd.s32 $0xFFFFE000  }
0x4c: {  	[spmem:s12] =	stream.linear.scatter [tilespmem:s23], [sflag:$0x2], $0x2000, $0x38;
	[tilespmem:$0x1E000] =	vst v63  }
0x4d: {  	_ =	swait.ge [sflag:s22], $0x2000  }
0x4e: {  	[sflag:s22] =	ssyncset.done $0x0  }
0x4f: {  	s13 =	rddreg [dreg:$0x9];
	[sflag:s22] =	ssyncadd.s32 $0xFFFFE000  }
0x50: {  	[spmem:s13] =	stream.linear.scatter [tilespmem:s21], [sflag:$0x2], $0x2000, $0x38;
	[tilespmem:$0x1E000] =	vst v63  }
0x51: {  	_ =	swait.ge [sflag:s22], $0x2000  }
0x52: {  	[sflag:s22] =	ssyncset.done $0x0  }
0x53: {  	s15 =	rddreg [dreg:$0xa];
	[sflag:s22] =	ssyncadd.s32 $0xFFFFE000  }
0x54: {  	[spmem:s15] =	stream.linear.scatter [tilespmem:s23], [sflag:$0x2], $0x2000, $0x38;
	[tilespmem:$0x1E000] =	vst v63  }
0x55: {  	_ =	swait.ge [sflag:s22], $0x2000  }
0x56: {  	[sflag:s22] =	ssyncset.done $0x0  }
0x57: {  	s16 =	rddreg [dreg:$0xb];
	[sflag:s22] =	ssyncadd.s32 $0xFFFFE000  }
0x58: {  	[spmem:s16] =	stream.linear.scatter [tilespmem:s21], [sflag:$0x2], $0x2000, $0x38;
	[tilespmem:$0x1E000] =	vst v63  }
0x59: {  	_ =	swait.ge [sflag:s22], $0x2000  }
0x5a: {  	[sflag:s22] =	ssyncset.done $0x0  }
0x5b: {  	[sflag:s22] =	ssyncadd.s32 $0xFFFFE000  }
0x5c: {  	[spmem:s17] =	stream.linear.scatter [tilespmem:s23], [sflag:$0x2], $0x2000, $0x38;
	[tilespmem:$0x1E000] =	vst v63  }
0x5d: {  	_ =	swait.ge [sflag:s22], $0x2000  }
0x5e: {  	[sflag:s22] =	ssyncset.done $0x0  }
0x5f: {  	[sflag:s22] =	ssyncadd.s32 $0xFFFFE000  }
0x60: {  	s11 =	simm.s32 $0x0;
	s12 =	simm.s32 $0x0;
	[bflag:$0x0] =	sbarrier.arrive $0xFFFF  }
.LBB2_6:
0x61: {  	s13 =	sshll.u32 s12, $0xC  }
0x62: {  	s15 =	sadd.s32 s18, s13  }
0x63: {  	s15 =	sshrl.u32 s15, $0x3  }
0x64: {  	s15 =	sadd.s32 s6, s15  }
0x65: {  	[tilespmem:s11], [sflag:$0x2] =	stream.linear.gather [hbm4b:s15+s11], $0x1000, $0x38;
	[tilespmem:$0x1E000] =	vst v63  }
0x66: {  	s13 =	sadd.s32 s14, s13;
	_ =	swait.ge [sflag:s22], $0x1000  }
0x67: {  	s13 =	sshrl.u32 s13, $0x3;
	[sflag:s22] =	ssyncset.done $0x0  }
0x68: {  	s13 =	sadd.s32 s1, s13;
	[sflag:s22] =	ssyncadd.s32 $0xFFFFF000  }
0x69: {  	[tilespmem:s24], [sflag:$0x2] =	stream.linear.gather [hbm4b:s13+s11], $0x1000, $0x38;
	[tilespmem:$0x1E000] =	vst v63  }
0x6a: {  	_ =	swait.ge [sflag:s22], $0x1000  }
0x6b: {  	[sflag:s22] =	ssyncset.done $0x0  }
0x6c: {  	[sflag:s22] =	ssyncadd.s32 $0xFFFFF000  }
0x6d: {  	[tilespmem:s21], [sflag:$0x1] =	stream.indirect.gather [hbm4b:s5+s25], $0x80, s11, s25, $0xb8;
	[tilespmem:$0x1E000] =	vst v63  }
0x6e: {  	_ = 	snop  }
0x6f: {  	[tilespmem:s23], [sflag:$0x1] =	stream.indirect.gather [hbm4b:s5+s25], $0x80, s26, s25, $0xb8;
	[tilespmem:$0x1E000] =	vst v63  }
0x70: {  	_ = 	snop  }
0x71: {  	[tilespmem:s29], [sflag:$0x1] =	stream.indirect.gather [hbm4b:s5+s25], $0x80, s28, s25, $0xb8;
	[tilespmem:$0x1E000] =	vst v63  }
0x72: {  	_ =	swait.ge [sflag:s30], $0x2000  }
0x73: {  	[sflag:s30] =	ssyncset.done $0x0  }
0x74: {  	s15 =	simm.s32 $0x180;
	[sflag:s30] =	ssyncadd.s32 $0xFFFFE000  }
0x75: {  	[tilespmem:s31], [sflag:$0x1] =	stream.indirect.gather [hbm4b:s5+s25], $0x80, s15, s25, $0xb8;
	[tilespmem:$0x1E000] =	vst v63  }
0x76: {  	s16 =	simm.s32 $0x1000  }
0x77: {  	[spmem:s2] =	stream.indirect.scatter.add.f32 [tilespmem:s21], [sflag:$0x2], $0x80, s16, s25, $0xb8;
	[tilespmem:$0x1E000] =	vst v63  }
0x78: {  	_ =	swait.ge [sflag:s22], $0x2000  }
0x79: {  	[sflag:s22] =	ssyncset.done $0x0  }
0x7a: {  	[sflag:s22] =	ssyncadd.s32 $0xFFFFE000  }
0x7b: {  	_ =	swait.ge [sflag:s30], $0x2000  }
0x7c: {  	[sflag:s30] =	ssyncset.done $0x0  }
0x7d: {  	s15 =	simm.s32 $0x200;
	[sflag:s30] =	ssyncadd.s32 $0xFFFFE000  }
0x7e: {  	[tilespmem:s21], [sflag:$0x1] =	stream.indirect.gather [hbm4b:s5+s25], $0x80, s15, s25, $0xb8;
	[tilespmem:$0x1E000] =	vst v63  }
0x7f: {  	s16 =	simm.s32 $0x1080  }
0x80: {  	[spmem:s2] =	stream.indirect.scatter.add.f32 [tilespmem:s23], [sflag:$0x2], $0x80, s16, s25, $0xb8;
	[tilespmem:$0x1E000] =	vst v63  }
0x81: {  	_ =	swait.ge [sflag:s22], $0x2000  }
0x82: {  	[sflag:s22] =	ssyncset.done $0x0  }
0x83: {  	[sflag:s22] =	ssyncadd.s32 $0xFFFFE000  }
0x84: {  	_ =	swait.ge [sflag:s30], $0x2000  }
0x85: {  	[sflag:s30] =	ssyncset.done $0x0  }
0x86: {  	s15 =	simm.s32 $0x280;
	[sflag:s30] =	ssyncadd.s32 $0xFFFFE000  }
0x87: {  	[tilespmem:s23], [sflag:$0x1] =	stream.indirect.gather [hbm4b:s5+s25], $0x80, s15, s25, $0xb8;
	[tilespmem:$0x1E000] =	vst v63  }
0x88: {  	s16 =	simm.s32 $0x1100  }
0x89: {  	[spmem:s2] =	stream.indirect.scatter.add.f32 [tilespmem:s29], [sflag:$0x2], $0x80, s16, s25, $0xb8;
	[tilespmem:$0x1E000] =	vst v63  }
0x8a: {  	_ =	swait.ge [sflag:s22], $0x2000  }
0x8b: {  	[sflag:s22] =	ssyncset.done $0x0  }
0x8c: {  	[sflag:s22] =	ssyncadd.s32 $0xFFFFE000  }
0x8d: {  	_ =	swait.ge [sflag:s30], $0x2000  }
0x8e: {  	[sflag:s30] =	ssyncset.done $0x0  }
0x8f: {  	s15 =	simm.s32 $0x300;
	[sflag:s30] =	ssyncadd.s32 $0xFFFFE000  }
0x90: {  	[tilespmem:s29], [sflag:$0x1] =	stream.indirect.gather [hbm4b:s5+s25], $0x80, s15, s25, $0xb8;
	[tilespmem:$0x1E000] =	vst v63  }
0x91: {  	s16 =	simm.s32 $0x1180  }
0x92: {  	[spmem:s2] =	stream.indirect.scatter.add.f32 [tilespmem:s31], [sflag:$0x2], $0x80, s16, s25, $0xb8;
	[tilespmem:$0x1E000] =	vst v63  }
0x93: {  	_ =	swait.ge [sflag:s22], $0x2000  }
0x94: {  	s13 =	simm.s32 $0x800;
	[sflag:s22] =	ssyncset.done $0x0  }
.LBB2_7:
0x95: {  	p0 =	sne.s32 s13, $0x3000  }
0x96: {  	[sflag:s22] =	ssyncadd.s32 $0xFFFFE000;
	s15 =	smov.u32 s13;
	s13 =	sadd.s32 $0x800, s13  }
0x97: {  	_ = 	snop  }
0x98: {  	_ =	swait.ge [sflag:s30], $0x2000  }
0x99: {  	s15 =	sshra.s32 s15, $0x2;
	[sflag:s30] =	ssyncset.done $0x0  }
0x9a: {  	s16 =	sadd.s32 $0x180, s15;
	[sflag:s30] =	ssyncadd.s32 $0xFFFFE000  }
0x9b: {  	[tilespmem:s31], [sflag:$0x1] =	stream.indirect.gather [hbm4b:s5+s25], $0x80, s16, s25, $0xb8;
	[tilespmem:$0x1E000] =	vst v63  }
0x9c: {  	s16 =	sadd.s32 $0x1000, s15  }
0x9d: {  	[spmem:s2] =	stream.indirect.scatter.add.f32 [tilespmem:s21], [sflag:$0x2], $0x80, s16, s25, $0xb8;
	[tilespmem:$0x1E000] =	vst v63  }
0x9e: {  	_ =	swait.ge [sflag:s22], $0x2000  }
0x9f: {  	[sflag:s22] =	ssyncset.done $0x0  }
0xa0: {  	[sflag:s22] =	ssyncadd.s32 $0xFFFFE000  }
0xa1: {  	_ =	swait.ge [sflag:s30], $0x2000  }
0xa2: {  	[sflag:s30] =	ssyncset.done $0x0  }
0xa3: {  	s16 =	sadd.s32 $0x200, s15;
	[sflag:s30] =	ssyncadd.s32 $0xFFFFE000  }
0xa4: {  	[tilespmem:s21], [sflag:$0x1] =	stream.indirect.gather [hbm4b:s5+s25], $0x80, s16, s25, $0xb8;
	[tilespmem:$0x1E000] =	vst v63  }
0xa5: {  	s16 =	sadd.s32 $0x1080, s15  }
0xa6: {  	[spmem:s2] =	stream.indirect.scatter.add.f32 [tilespmem:s23], [sflag:$0x2], $0x80, s16, s25, $0xb8;
	[tilespmem:$0x1E000] =	vst v63  }
0xa7: {  	_ =	swait.ge [sflag:s22], $0x2000  }
0xa8: {  	[sflag:s22] =	ssyncset.done $0x0  }
0xa9: {  	[sflag:s22] =	ssyncadd.s32 $0xFFFFE000  }
0xaa: {  	_ =	swait.ge [sflag:s30], $0x2000  }
0xab: {  	[sflag:s30] =	ssyncset.done $0x0  }
0xac: {  	s16 =	sadd.s32 $0x280, s15;
	[sflag:s30] =	ssyncadd.s32 $0xFFFFE000  }
0xad: {  	[tilespmem:s23], [sflag:$0x1] =	stream.indirect.gather [hbm4b:s5+s25], $0x80, s16, s25, $0xb8;
	[tilespmem:$0x1E000] =	vst v63  }
0xae: {  	s16 =	sadd.s32 $0x1100, s15  }
0xaf: {  	[spmem:s2] =	stream.indirect.scatter.add.f32 [tilespmem:s29], [sflag:$0x2], $0x80, s16, s25, $0xb8;
	[tilespmem:$0x1E000] =	vst v63  }
0xb0: {  	_ =	swait.ge [sflag:s22], $0x2000  }
0xb1: {  	[sflag:s22] =	ssyncset.done $0x0  }
0xb2: {  	[sflag:s22] =	ssyncadd.s32 $0xFFFFE000  }
0xb3: {  	_ =	swait.ge [sflag:s30], $0x2000  }
0xb4: {  	[sflag:s30] =	ssyncset.done $0x0  }
0xb5: {  	s16 =	sadd.s32 $0x300, s15;
	[sflag:s30] =	ssyncadd.s32 $0xFFFFE000  }
0xb6: {  	[tilespmem:s29], [sflag:$0x1] =	stream.indirect.gather [hbm4b:s5+s25], $0x80, s16, s25, $0xb8;
	[tilespmem:$0x1E000] =	vst v63  }
.Ltmp2:
0xb7: {  	_ = 	snop;
	(pc) =	sbr.rel @p0 .LBB2_7-.Ltmp2, $4  }
0xb8: {  	s15 =	sadd.s32 $0x1180, s15  }
0xb9: {  	[spmem:s2] =	stream.indirect.scatter.add.f32 [tilespmem:s31], [sflag:$0x2], $0x80, s15, s25, $0xb8;
	[tilespmem:$0x1E000] =	vst v63  }
0xba: {  	_ =	swait.ge [sflag:s22], $0x2000  }
0xbb: {  	[sflag:s22] =	ssyncset.done $0x0  }
0xbc: {  	[sflag:s22] =	ssyncadd.s32 $0xFFFFE000  }
0xbd: {  	_ =	swait.ge [sflag:s30], $0x2000  }
0xbe: {  	[sflag:s30] =	ssyncset.done $0x0  }
0xbf: {  	[sflag:s30] =	ssyncadd.s32 $0xFFFFE000  }
0xc0: {  	[tilespmem:s31], [sflag:$0x1] =	stream.indirect.gather [hbm4b:s5+s25], $0x80, s0, s25, $0xb8;
	[tilespmem:$0x1E000] =	vst v63  }
0xc1: {  	_ = 	snop  }
0xc2: {  	[spmem:s2] =	stream.indirect.scatter.add.f32 [tilespmem:s21], [sflag:$0x2], $0x80, s3, s25, $0xb8;
	[tilespmem:$0x1E000] =	vst v63  }
0xc3: {  	_ =	swait.ge [sflag:s22], $0x2000  }
0xc4: {  	[sflag:s22] =	ssyncset.done $0x0  }
0xc5: {  	[sflag:s22] =	ssyncadd.s32 $0xFFFFE000  }
0xc6: {  	_ =	swait.ge [sflag:s30], $0x2000  }
0xc7: {  	[sflag:s30] =	ssyncset.done $0x0  }
0xc8: {  	[sflag:s30] =	ssyncadd.s32 $0xFFFFE000  }
0xc9: {  	[spmem:s2] =	stream.indirect.scatter.add.f32 [tilespmem:s23], [sflag:$0x2], $0x80, s8, s25, $0xb8;
	[tilespmem:$0x1E000] =	vst v63  }
0xca: {  	_ =	swait.ge [sflag:s22], $0x2000  }
0xcb: {  	[sflag:s22] =	ssyncset.done $0x0  }
0xcc: {  	[sflag:s22] =	ssyncadd.s32 $0xFFFFE000  }
0xcd: {  	_ =	swait.ge [sflag:s30], $0x2000  }
0xce: {  	[sflag:s30] =	ssyncset.done $0x0  }
0xcf: {  	[sflag:s30] =	ssyncadd.s32 $0xFFFFE000  }
0xd0: {  	[spmem:s2] =	stream.indirect.scatter.add.f32 [tilespmem:s29], [sflag:$0x2], $0x80, s9, s25, $0xb8;
	[tilespmem:$0x1E000] =	vst v63  }
0xd1: {  	_ =	swait.ge [sflag:s22], $0x2000  }
0xd2: {  	[sflag:s22] =	ssyncset.done $0x0  }
0xd3: {  	[sflag:s22] =	ssyncadd.s32 $0xFFFFE000  }
0xd4: {  	s12 =	sadd.s32 $0x1, s12;
	_ =	swait.ge [sflag:s30], $0x2000  }
0xd5: {  	p0 =	sne.s32 s12, $0xA;
	[sflag:s30] =	ssyncset.done $0x0  }
.Ltmp3:
0xd6: {  	[sflag:s30] =	ssyncadd.s32 $0xFFFFE000;
	(pc) =	sbr.rel @p0 .LBB2_6-.Ltmp3, $4  }
0xd7: {  	[spmem:s2] =	stream.indirect.scatter.add.f32 [tilespmem:s31], [sflag:$0x2], $0x80, s10, s25, $0xb8;
	[tilespmem:$0x1E000] =	vst v63  }
0xd8: {  	_ =	swait.ge [sflag:s22], $0x2000  }
0xd9: {  	[sflag:s22] =	ssyncset.done $0x0  }
0xda: {  	[sflag:s22] =	ssyncadd.s32 $0xFFFFE000  }
0xdb: {  	s11 =	stileid.u32;
	s4 =	sadd.s32 $0x1, s4  }
0xdc: {  	[bflag:$0x0] =	sbarrier.arrive $0xFFFF;
	s11 =	sshll.u32 s11, $0x6;
	p0 =	sne.s32 s4, s20  }
.Ltmp4:
0xdd: {  	s12 =	sshrl.u32 s7, $0x3;
	s11 =	sor.u32 $0x1C02, s11;
	(pc) =	sbr.rel @p0 .LBB2_1-.Ltmp4, $4  }
0xde: {  	[hbm:s19], [sflag:s11] =	dma.local [spmem:s12], $0x2800  }
0xdf: {  	_ =	swait.ge [sflag:s22], $0x2800  }
0xe0: {  	[sflag:s22] =	ssyncset.done $0x0  }
0xe1: {  	[sflag:s22] =	ssyncadd.s32 $0xFFFFD800  }
0xe2: {  	_ =	sfence.sel $0x180000  }
0xe3: {  	[bflag:$0x0] =	sbarrier.arrive $0xFFFF  }
0xe4: {  	_ =	strace $0x90000047  }
0xe5: {  	s0 =	stileid.u32;
	[bflag:$0x2] =	sbarrier.arrive $0xFFFF  }
0xe6: {  	p0 =	sne.s32 s0, $0x0;
	s0 =	rddreg [dreg:$0x3]  }
0xe7: {  	s0 =	sadd.s32 @!p0 $0x100000, s0  }
0xe8: {  	[sflag:s0] =	ssyncadd.tile.s32 @!p0 $0x1;
	_ =	shalt  }
.Lfunc_end2:
_tile_overlayer_lowered:
.L_overlay_start_2:
0xe9: {  	(tag) =	ssettag $0x2  }
0xea: {  	s0 =	rddreg [dreg:$0x0];
	s2 =	stileid.u32  }
0xeb: {  	s1 =	rddreg [dreg:$0x1];
	p0 =	sne.s32 s2, $0x0  }
0xec: {  	s3 =	rddreg [dreg:$0x2];
	[bflag:$0x3] =	sbarrier.arrive $0xFFFF;
	s2 =	simm.s32 @!p0 $0x1C02  }
0xed: {  	[timem:s3], [sflag:s2] =	dma.local @!p0 [hbm:s0], s1  }
0xee: {  	s0 =	simm.s32 @!p0 $0x2  }
0xef: {  	_ =	swait.ge @!p0 [sflag:s0], s1  }
0xf0: {  	s1 =	ssub.s32 @!p0 $0x0, s1;
	[sflag:s0] =	ssyncset.done @!p0 $0x0  }
0xf1: {  	[sflag:s0] =	ssyncadd.s32 @!p0 s1  }
0xf2: {  	[bflag:$0x3] =	sbarrier.arrive $0xFFFF  }
0xf3: {  	_ =	shalt  }

// kernel: kernel.14.cloned.1.call-start
scs
__scs_entry_jumppad:
0x0: {  	(pc) =	sbr.rel $0x88, $3  }
0x1: {  	(tag) =	ssettag $0x0;
	lr =	simm.s32 $0x1  }
0x2: {  	[smem:$0x3F91] =	sst lr;
	_ =	strace $0xD0000000  }
0x3: {  	_ = 	snop  }
0x4: {  	_ = 	snop  }
0x5: {  	_ = 	snop  }
0x6: {  	_ = 	snop  }
0x7: {  	_ = 	snop  }
__scs_overlays_trampoline_lowered:
0x8: {  	[smem:$0x3FA0] =	sst s0  }
0x9: {  	[smem:$0x3FA1] =	sst s1  }
0xa: {  	[smem:$0x3FA2] =	sst s2  }
0xb: {  	[smem:$0x3FA3] =	sst s3  }
0xc: {  	[smem:$0x3FA4] =	sst s4  }
0xd: {  	[smem:$0x3FA5] =	sst s5  }
0xe: {  	[smem:$0x3FA6] =	sst s6  }
0xf: {  	[smem:$0x3FA7] =	sst s7  }
0x10: {  	[smem:$0x3FA8] =	sst s8  }
0x11: {  	[smem:$0x3FA9] =	sst s9;
	s0 =	simm.s32 @!p0 $0x0  }
0x12: {  	s1 =	sld [smem:$0x3F8F];
	s0 =	simm.s32 @p0 $0x1  }
0x13: {  	[smem:$0x3FAA] =	sst s0;
	s0 =	simm.s32 @!p1 $0x0  }
0x14: {  	s2 =	sld [smem:$0x3F8E];
	s0 =	simm.s32 @p1 $0x1  }
0x15: {  	[smem:$0x3FAB] =	sst s0;
	s0 =	simm.s32 @!p2 $0x0  }
0x16: {  	s3 =	sld [smem:$0x3FDB];
	s0 =	simm.s32 @p2 $0x1  }
0x17: {  	s4 =	simm.s32 $0x1BF5;
	[smem:$0x3FAD] =	sst s0  }
0x18: {  	s0 =	sld [smem:$0x3F90];
	_ =	swait.ge [sflag:s4], $0x0  }
0x19: {  	s7 =	sld [smem:$0x3F91]  }
0x1a: {  	s8 =	sadd.s32 $0xFFFFE003, lr  }
0x1b: {  	s9 =	sadd.s32 $0xFFFFFEF7, lr;
	s5 =	simm.s32 $0xFFFFFFFF;
	p2 =	slt.u32 s8, $0xFFFFF086  }
0x1c: {  	p1 =	slt.u32 s9, $0xF7A;
	s5 =	simm.s32 @!p2 $0x0  }
0x1d: {  	s5 =	simm.s32 @p1 $0x1;
	p0 =	seq.s32 s7, s2  }
0x1e: {  	s7 =	smul.u32 @!p0 $0xF7A, s2;
	p2 =	seq.s32 @!p0 s5, $0x0  }
0x1f: {  	s9 =	smul.u32 $0xF7A, s1;
	s8 =	simm.s32 @!p0 $0x1BF5;
	p2 =	por !p2, p0  }
0x20: {  	[sflag:s8] =	ssyncset.s32 @!p0 $0xFFFFF086;
	s6 =	sadd.s32 @!p0 s3, s7;
	s7 =	simm.s32 @!p0 $0x108  }
0x21: {  	s3 =	sadd.s32 s3, s9;
	s6 =	sadd.s32 @!p0 $0x88, s6;
	s7 =	simm.s32 @p2 $0x1082  }
0x22: {  	[simem:s7], [sflag:s8] =	dma.local @!p0 [hbm:s6], $0xF7A  }
0x23: {  	s9 =	sor.u32 $0xD0000000, s2;
	s6 =	simm.s32 $0x108;
	_ =	swait.ge @!p0 [sflag:s8], $0x0  }
0x24: {  	s3 =	sadd.s32 $0x88, s3;
	s6 =	simm.s32 @!p1 $0x1082;
	[sflag:s4] =	ssyncset.s32 $0xFFFFF086  }
0x25: {  	[simem:s6], [sflag:s4] =	dma.local [hbm:s3], $0xF7A  }
0x26: {  	[smem:$0x3F91] =	sst s1;
	(tag) =	ssettag s2;
	_ =	strace s9  }
0x27: {  	s1 =	sld [smem:$0x3FA1]  }
0x28: {  	s2 =	sld [smem:$0x3FA2]  }
0x29: {  	s4 =	sld [smem:$0x3FA4]  }
0x2a: {  	p0 =	seq.s32 s5, $0x0;
	s5 =	sld [smem:$0x3FA5]  }
0x2b: {  	s6 =	sld [smem:$0x3FA6]  }
0x2c: {  	s7 =	sld [smem:$0x3FA7]  }
0x2d: {  	s3 =	simm.s32 $0x108;
	s8 =	sld [smem:$0x3FA8]  }
0x2e: {  	s3 =	simm.s32 @!p0 $0x1082;
	s9 =	sld [smem:$0x3FA9]  }
0x2f: {  	lr =	sadd.s32 s0, s3;
	s0 =	sld [smem:$0x3FA0]  }
0x30: {  	s3 =	sld [smem:$0x3FA3]  }
0x31: {  	[smem:$0x3FAC] =	sst s10  }
0x32: {  	s10 =	sld [smem:$0x3FAA];
	_ =	sdelay $0x3  }
0x33: {  	p0 =	seq.s32 s10, $0x1;
	s10 =	sld [smem:$0x3FAC];
	_ =	sdelay $0x3  }
0x34: {  	[smem:$0x3FAC] =	sst s10  }
0x35: {  	s10 =	sld [smem:$0x3FAB];
	_ =	sdelay $0x3  }
0x36: {  	p1 =	seq.s32 s10, $0x1;
	s10 =	sld [smem:$0x3FAC];
	_ =	sdelay $0x3  }
0x37: {  	[smem:$0x3FAC] =	sst s10  }
0x38: {  	s10 =	sld [smem:$0x3FAD]  }
0x39: {  	_ = 	snop;
	(pc) =	sbr.ind lr, $3  }
0x3a: {  	_ = 	snop  }
0x3b: {  	_ = 	snop  }
0x3c: {  	p2 =	seq.s32 s10, $0x1;
	s10 =	sld [smem:$0x3FAC]  }
0x3d: {  	_ =	shalt  }
0x3e: {  	_ =	shalt  }
0x3f: {  	_ =	shalt  }
0x40: {  	_ =	shalt  }
0x41: {  	_ =	shalt  }
0x42: {  	_ =	shalt  }
0x43: {  	_ =	shalt  }
0x44: {  	_ =	shalt  }
0x45: {  	_ =	shalt  }
0x46: {  	_ =	shalt  }
0x47: {  	_ =	shalt  }
0x48: {  	_ =	shalt  }
0x49: {  	_ =	shalt  }
0x4a: {  	_ =	shalt  }
0x4b: {  	_ =	shalt  }
0x4c: {  	_ =	shalt  }
0x4d: {  	_ =	shalt  }
0x4e: {  	_ =	shalt  }
0x4f: {  	_ =	shalt  }
0x50: {  	_ =	shalt  }
0x51: {  	_ =	shalt  }
0x52: {  	_ =	shalt  }
0x53: {  	_ =	shalt  }
0x54: {  	_ =	shalt  }
0x55: {  	_ =	shalt  }
0x56: {  	_ =	shalt  }
0x57: {  	_ =	shalt  }
0x58: {  	_ =	shalt  }
0x59: {  	_ =	shalt  }
0x5a: {  	_ =	shalt  }
0x5b: {  	_ =	shalt  }
0x5c: {  	_ =	shalt  }
0x5d: {  	_ =	shalt  }
0x5e: {  	_ =	shalt  }
0x5f: {  	_ =	shalt  }
0x60: {  	_ =	shalt  }
0x61: {  	_ =	shalt  }
0x62: {  	_ =	shalt  }
0x63: {  	_ =	shalt  }
0x64: {  	_ =	shalt  }
0x65: {  	_ =	shalt  }
0x66: {  	_ =	shalt  }
0x67: {  	_ =	shalt  }
0x68: {  	_ =	shalt  }
0x69: {  	_ =	shalt  }
0x6a: {  	_ =	shalt  }
0x6b: {  	_ =	shalt  }
0x6c: {  	_ =	shalt  }
0x6d: {  	_ =	shalt  }
0x6e: {  	_ =	shalt  }
0x6f: {  	_ =	shalt  }
0x70: {  	_ =	shalt  }
0x71: {  	_ =	shalt  }
0x72: {  	_ =	shalt  }
0x73: {  	_ =	shalt  }
0x74: {  	_ =	shalt  }
0x75: {  	_ =	shalt  }
0x76: {  	_ =	shalt  }
0x77: {  	_ =	shalt  }
0x78: {  	_ =	shalt  }
0x79: {  	_ =	shalt  }
0x7a: {  	_ =	shalt  }
0x7b: {  	_ =	shalt  }
0x7c: {  	_ =	shalt  }
0x7d: {  	_ =	shalt  }
0x7e: {  	_ =	shalt  }
0x7f: {  	_ =	shalt  }
0x80: {  	_ =	shalt  }
0x81: {  	_ =	shalt  }
0x82: {  	_ =	shalt  }
0x83: {  	_ =	shalt  }
0x84: {  	_ =	shalt  }
0x85: {  	_ =	shalt  }
0x86: {  	_ =	shalt  }
0x87: {  	_ =	shalt  }
.Lfunc_end0:
.L_simem_size_0:
called_computation.2_lowered:
.L_overlay_start_0:
0x88: {  	s2 =	sld [smem:$0x3FD9]  }
0x89: {  	s3 =	sld [smem:$0x3FFE];
	_ =	sdelay $0x1  }
0x8a: {  	s1 =	srdreg.scid  }
0x8b: {  	s0 =	sand.u32 $0x1, s1  }
0x8c: {  	s17 =	sshll.u32 s0, $0xA;
	s2 =	sadd.s32 s3, s2  }
0x8d: {  	s2 =	sadd.s32 s2, s17  }
0x8e: {  	[smem:$0x3FB8] =	sst s2  }
0x8f: {  	_ = 	snop  }
0x90: {  	s2 =	sld [smem:$0x3FD0];
	(tm) =	ssettm $0x1  }
0x91: {  	s18 =	sld [smem:$0x3FFB];
	_ =	sdelay $0x3  }
0x92: {  	_ =	strace s18  }
0x93: {  	s3 =	sld [smem:$0x3FFC];
	_ =	sdelay $0x3  }
0x94: {  	_ =	strace s3  }
0x95: {  	s3 =	sld [smem:$0x3FFD];
	_ =	sdelay $0x3  }
0x96: {  	_ =	strace s3  }
0x97: {  	_ =	strace $0x8FFFFFFF  }
0x98: {  	s19 =	sld [smem:$0x3FDB];
	_ =	sdelay $0x1  }
0x99: {  	s4 =	simm.s32 $_scs_section_size  }
0x9a: {  	s5 =	simm.s32 $_size__tile_overlayer_lowered;
	s6 =	simm.s32 $_tile_overlayer_lowered  }
0x9b: {  	s22 =	simm.s32 $0x1BFF;
	s21 =	sshll.u32 s6, $0x1;
	s3 =	sadd.s32 s4, s19  }
0x9c: {  	s7 =	simm.s32 $0x0;
	s20 =	sshll.u32 s5, $0x1;
	s5 =	sadd.s32 s21, s3  }
0x9d: {  	[timem:s7], [sflag:s22] =	dma.local [hbm:s5], s20  }
0x9e: {  	_ =	swait.ge [sflag:s22], s20  }
0x9f: {  	s4 =	ssub.s32 $0x0, s20;
	[sflag:s22] =	ssyncset.done $0x0  }
0xa0: {  	[sflag:s22] =	ssyncadd.s32 s4;
	_ =	sdelay $0x1  }
0xa1: {  	s23 =	simm.s32 $0x1B8B  }
0xa2: {  	_ =	swait.ge [sflag:s23], $0x1  }
0xa3: {  	[sflag:s23] =	ssyncset.done $0x0  }
0xa4: {  	s25 =	simm.s32 $0x1B8E;
	s24 =	sld [smem:$0x3FFE];
	[sflag:s23] =	ssyncadd.s32 $0xFFFFFFFF  }
0xa5: {  	s26 =	simm.s32 $execute0_lowered;
	[smem:$0x3FD2] =	sst s25  }
0xa6: {  	s5 =	sshll.u32 s26, $0x1;
	_ =	strace $0x8000004C;
	[dreg:$0x1] =	wrdreg $0xFFFFFFFF  }
0xa7: {  	s28 =	simm.s32 $_size_execute0_lowered;
	s3 =	sadd.s32 s3, s5;
	[dreg:$0x0] =	wrdreg $0x0  }
0xa8: {  	s5 =	sshll.u32 s28, $0x1;
	[dreg:$0x2] =	wrdreg s3  }
0xa9: {  	[dreg:$0x3] =	wrdreg s5  }
0xaa: {  	[dreg:$0x4] =	wrdreg $0xC0  }
0xab: {  	_ =	task [dreg:s7], $0x5FFFF  }
0xac: {  	[dreg:$0x1] =	wrdreg $0xFFFFFFFF  }
0xad: {  	[dreg:$0x0] =	wrdreg $0x60  }
0xae: {  	[dreg:$0x2] =	wrdreg s24  }
0xaf: {  	[dreg:$0x3] =	wrdreg s2  }
0xb0: {  	[dreg:$0x4] =	wrdreg $0xA0000  }
0xb1: {  	[dreg:$0x5] =	wrdreg $0x9  }
0xb2: {  	_ =	task.clear_ibuf [dreg:s7], $0x6FFFF;
	_ =	strace $0x9000004C  }
0xb3: {  	s29 =	simm.s32 $0x9;
	_ =	strace $0x8000004E  }
0xb4: {  	_ =	swait.ge [sflag:s29], $0x1  }
0xb5: {  	[sflag:s29] =	ssyncadd.s32 $0xFFFFFFFF  }
0xb6: {  	_ =	strace $0x9000004E  }
0xb7: {  	_ =	sfence  }
0xb8: {  	s30 =	sld [smem:$0x0];
	_ =	sdelay $0x2  }
0xb9: {  	s31 =	sshll.u32 s1, $0xD;
	s1 =	sshrl.u32 s1, $0x2  }
0xba: {  	s3 =	sand.u32 $0x4000, s31;
	s1 =	sadd.s32 s1, s30  }
0xbb: {  	s0 =	sor.u32 s3, s0;
	s1 =	sshll.u32 s1, $0x11  }
0xbc: {  	s0 =	sor.u32 s1, s0  }
0xbd: {  	s0 =	sadd.s32 $0x8F2B, s0  }
0xbe: {  	[sflag:s0] =	ssyncadd.remote.s32 $0x1  }
0xbf: {  	_ =	sfence.sel $0xFFFF  }
0xc0: {  	[dreg:$0x0] =	wrdreg $0xFFFFFFFF;
	(pc) =	sbr.abs _section_cstart, $3  }
0xc1: {  	[dreg:$0x1] =	wrdreg $0xFFFFFFFF  }
0xc2: {  	_ =	task.clear_ibuf [dreg:s7], $0x2FFFF;
	_ =	strace $0x9FFFFFFF  }
0xc3: {  	(tm) =	ssettm $0x7FFFFFFF  }
tec
execute0_lowered:
.L_overlay_start_1:
0x0: {  	(tag) =	ssettag $0x1  }
0x1: {  	s0 =	rddreg [dreg:$0x0]  }
0x2: {  	s1 =	rddreg [dreg:$0x1]  }
0x3: {  	s2 =	rddreg [dreg:$0x2]  }
0x4: {  	s3 =	srdreg.scid;
	s11 =	stileid.u32  }
0x5: {  	s4 =	simm.s32 $0x0;
	s3 =	sand.u32 $0x1, s3;
	s8 =	smul.u32 $0x14000, s11  }
0x6: {  	s28 =	simm.s32 $0x100;
	s29 =	simm.s32 $0x6000;
	s7 =	smul.u32 $0x140000, s3  }
0x7: {  	s30 =	simm.s32 $0x1;
	s31 =	simm.s32 $0x8000;
	s9 =	smul.u32 $0x50000, s11  }
0x8: {  	[smem:$0x7FF] =	sst s4;
	s5 =	sadd.s32 $0x2AA00, s0;
	s7 =	sadd.s32 s8, s7  }
0x9: {  	s6 =	sadd.s32 $0x2A00, s0;
	s9 =	sshrl.u32 s9, $0x2;
	s7 =	sshrl.u32 s7, $0x3  }
0xa: {  	s14 =	smul.u32 $0xA000, s11;
	s0 =	sadd.s32 s7, s0;
	s7 =	sadd.s32 s9, s2  }
0xb: {  	_ =	strace $0x8000004D;
	s19 =	ssub.s32 $0x2, s3;
	s9 =	sadd.s32 $0x2000, s7  }
0xc: {  	s3 =	smul.u32 $0xA0000, s3;
	s20 =	sadd.s32 $0x4000, s7;
	[dreg:$0x4] =	wrdreg s9  }
0xd: {  	s10 =	sshrl.u32 s19, $0x1;
	s21 =	sadd.s32 $0x6000, s7;
	[dreg:$0x5] =	wrdreg s20  }
0xe: {  	s8 =	ssub.s32 s19, s10;
	s22 =	sadd.s32 $0x8000, s7;
	[dreg:$0x6] =	wrdreg s21  }
0xf: {  	s18 =	sadd.s32 s3, s14;
	s23 =	sadd.s32 $0xA000, s7;
	[dreg:$0x7] =	wrdreg s22  }
0x10: {  	s3 =	simm.s32 $0x1E00;
	s24 =	sadd.s32 $0xC000, s7;
	[dreg:$0x8] =	wrdreg s23  }
0x11: {  	s10 =	simm.s32 $0x1F80;
	s25 =	sadd.s32 $0xE000, s7;
	[dreg:$0x9] =	wrdreg s24  }
0x12: {  	s26 =	sadd.s32 $0x10000, s7;
	s17 =	sadd.s32 $0x12000, s7;
	[dreg:$0xa] =	wrdreg s25  }
0x13: {  	s19 =	sadd.s32 $0x7AA00, s0;
	s0 =	simm.s32 $0xF80;
	[dreg:$0xb] =	wrdreg s26  }
0x14: {  	s20 =	smax.u32 s8, $0x1;
	s21 =	simm.s32 $0x2000;
	s22 =	simm.s32 $0x2  }
0x15: {  	s23 =	simm.s32 $0x4000;
	s24 =	simm.s32 $0x1000;
	s25 =	simm.s32 $0x40  }
0x16: {  	v0 =	vimm.f32 $0.0e+00;
	s26 =	simm.s32 $0x80;
	s8 =	simm.s32 $0x1E80;
	s9 =	simm.s32 $0x1F00  }
.LBB2_1:
0x17: {  	s11 =	simm.s32 $0x0;
	s12 =	simm.s32 $0x200  }
.LBB2_2:
0x18: {  	p0 =	sne.s32 s12, $0x7E00;
	[tilespmem:s11+$0x2070] =	vst v0  }
0x19: {  	[tilespmem:s11+$0x2000] =	vst v0  }
0x1a: {  	[tilespmem:s11+$0x2010] =	vst v0  }
.Ltmp0:
0x1b: {  	[tilespmem:s11+$0x2020] =	vst v0;
	(pc) =	sbr.rel @p0 .LBB2_2-.Ltmp0, $4  }
0x1c: {  	[tilespmem:s11+$0x2030] =	vst v0  }
0x1d: {  	[tilespmem:s11+$0x2040] =	vst v0  }
0x1e: {  	[tilespmem:s11+$0x2050] =	vst v0  }
0x1f: {  	[tilespmem:s11+$0x2060] =	vst v0;
	s11 =	sshra.s32 s12, $0x2;
	s12 =	sadd.s32 $0x200, s12  }
0x20: {  	[tilespmem:s11+$0x2070] =	vst v0  }
0x21: {  	[tilespmem:s11+$0x2000] =	vst v0  }
0x22: {  	[tilespmem:s11+$0x2010] =	vst v0  }
0x23: {  	[tilespmem:s11+$0x2020] =	vst v0  }
0x24: {  	[tilespmem:s11+$0x2030] =	vst v0  }
0x25: {  	[tilespmem:s11+$0x2040] =	vst v0  }
0x26: {  	[tilespmem:s11+$0x2050] =	vst v0  }
0x27: {  	[tilespmem:s11+$0x2060] =	vst v0;
	s11 =	simm.s32 $0x0;
	s12 =	simm.s32 $0x200  }
.LBB2_4:
0x28: {  	p0 =	sne.s32 s12, $0x7E00;
	[tilespmem:s11+$0x4070] =	vst v0  }
0x29: {  	[tilespmem:s11+$0x4000] =	vst v0  }
0x2a: {  	[tilespmem:s11+$0x4010] =	vst v0  }
.Ltmp1:
0x2b: {  	[tilespmem:s11+$0x4020] =	vst v0;
	(pc) =	sbr.rel @p0 .LBB2_4-.Ltmp1, $4  }
0x2c: {  	[tilespmem:s11+$0x4030] =	vst v0  }
0x2d: {  	[tilespmem:s11+$0x4040] =	vst v0  }
0x2e: {  	[tilespmem:s11+$0x4050] =	vst v0  }
0x2f: {  	[tilespmem:s11+$0x4060] =	vst v0;
	s11 =	sshra.s32 s12, $0x2;
	s12 =	sadd.s32 $0x200, s12  }
0x30: {  	[tilespmem:s11+$0x4070] =	vst v0  }
0x31: {  	[tilespmem:s11+$0x4000] =	vst v0  }
0x32: {  	[tilespmem:s11+$0x4010] =	vst v0  }
0x33: {  	[tilespmem:s11+$0x4020] =	vst v0  }
0x34: {  	[tilespmem:s11+$0x4030] =	vst v0  }
0x35: {  	[tilespmem:s11+$0x4040] =	vst v0  }
0x36: {  	[tilespmem:s11+$0x4050] =	vst v0  }
0x37: {  	[tilespmem:s11+$0x4060] =	vst v0  }
0x38: {  	[spmem:s7] =	stream.linear.scatter [tilespmem:s21], [sflag:$0x2], $0x2000, $0x38;
	[tilespmem:$0x1E000] =	vst v63  }
0x39: {  	_ =	swait.ge [sflag:s22], $0x2000  }
0x3a: {  	[sflag:s22] =	ssyncset.done $0x0  }
0x3b: {  	s12 =	rddreg [dreg:$0x4];
	[sflag:s22] =	ssyncadd.s32 $0xFFFFE000  }
0x3c: {  	[spmem:s12] =	stream.linear.scatter [tilespmem:s23], [sflag:$0x2], $0x2000, $0x38;
	[tilespmem:$0x1E000] =	vst v63  }
0x3d: {  	_ =	swait.ge [sflag:s22], $0x2000  }
0x3e: {  	[sflag:s22] =	ssyncset.done $0x0  }
0x3f: {  	s13 =	rddreg [dreg:$0x5];
	[sflag:s22] =	ssyncadd.s32 $0xFFFFE000  }
0x40: {  	[spmem:s13] =	stream.linear.scatter [tilespmem:s21], [sflag:$0x2], $0x2000, $0x38;
	[tilespmem:$0x1E000] =	vst v63  }
0x41: {  	_ =	swait.ge [sflag:s22], $0x2000  }
0x42: {  	[sflag:s22] =	ssyncset.done $0x0  }
0x43: {  	s15 =	rddreg [dreg:$0x6];
	[sflag:s22] =	ssyncadd.s32 $0xFFFFE000  }
0x44: {  	[spmem:s15] =	stream.linear.scatter [tilespmem:s23], [sflag:$0x2], $0x2000, $0x38;
	[tilespmem:$0x1E000] =	vst v63  }
0x45: {  	_ =	swait.ge [sflag:s22], $0x2000  }
0x46: {  	[sflag:s22] =	ssyncset.done $0x0  }
0x47: {  	s16 =	rddreg [dreg:$0x7];
	[sflag:s22] =	ssyncadd.s32 $0xFFFFE000  }
0x48: {  	[spmem:s16] =	stream.linear.scatter [tilespmem:s21], [sflag:$0x2], $0x2000, $0x38;
	[tilespmem:$0x1E000] =	vst v63  }
0x49: {  	_ =	swait.ge [sflag:s22], $0x2000  }
0x4a: {  	[sflag:s22] =	ssyncset.done $0x0  }
0x4b: {  	s12 =	rddreg [dreg:$0x8];
	[sflag:s22] =	ssyncadd.s32 $0xFFFFE000  }
0x4c: {  	[spmem:s12] =	stream.linear.scatter [tilespmem:s23], [sflag:$0x2], $0x2000, $0x38;
	[tilespmem:$0x1E000] =	vst v63  }
0x4d: {  	_ =	swait.ge [sflag:s22], $0x2000  }
0x4e: {  	[sflag:s22] =	ssyncset.done $0x0  }
0x4f: {  	s13 =	rddreg [dreg:$0x9];
	[sflag:s22] =	ssyncadd.s32 $0xFFFFE000  }
0x50: {  	[spmem:s13] =	stream.linear.scatter [tilespmem:s21], [sflag:$0x2], $0x2000, $0x38;
	[tilespmem:$0x1E000] =	vst v63  }
0x51: {  	_ =	swait.ge [sflag:s22], $0x2000  }
0x52: {  	[sflag:s22] =	ssyncset.done $0x0  }
0x53: {  	s15 =	rddreg [dreg:$0xa];
	[sflag:s22] =	ssyncadd.s32 $0xFFFFE000  }
0x54: {  	[spmem:s15] =	stream.linear.scatter [tilespmem:s23], [sflag:$0x2], $0x2000, $0x38;
	[tilespmem:$0x1E000] =	vst v63  }
0x55: {  	_ =	swait.ge [sflag:s22], $0x2000  }
0x56: {  	[sflag:s22] =	ssyncset.done $0x0  }
0x57: {  	s16 =	rddreg [dreg:$0xb];
	[sflag:s22] =	ssyncadd.s32 $0xFFFFE000  }
0x58: {  	[spmem:s16] =	stream.linear.scatter [tilespmem:s21], [sflag:$0x2], $0x2000, $0x38;
	[tilespmem:$0x1E000] =	vst v63  }
0x59: {  	_ =	swait.ge [sflag:s22], $0x2000  }
0x5a: {  	[sflag:s22] =	ssyncset.done $0x0  }
0x5b: {  	[sflag:s22] =	ssyncadd.s32 $0xFFFFE000  }
0x5c: {  	[spmem:s17] =	stream.linear.scatter [tilespmem:s23], [sflag:$0x2], $0x2000, $0x38;
	[tilespmem:$0x1E000] =	vst v63  }
0x5d: {  	_ =	swait.ge [sflag:s22], $0x2000  }
0x5e: {  	[sflag:s22] =	ssyncset.done $0x0  }
0x5f: {  	[sflag:s22] =	ssyncadd.s32 $0xFFFFE000  }
0x60: {  	s11 =	simm.s32 $0x0;
	s12 =	simm.s32 $0x0;
	[bflag:$0x0] =	sbarrier.arrive $0xFFFF  }
.LBB2_6:
0x61: {  	s13 =	sshll.u32 s12, $0xC  }
0x62: {  	s15 =	sadd.s32 s18, s13  }
0x63: {  	s15 =	sshrl.u32 s15, $0x3  }
0x64: {  	s15 =	sadd.s32 s6, s15  }
0x65: {  	[tilespmem:s11], [sflag:$0x2] =	stream.linear.gather [hbm4b:s15+s11], $0x1000, $0x38;
	[tilespmem:$0x1E000] =	vst v63  }
0x66: {  	s13 =	sadd.s32 s14, s13;
	_ =	swait.ge [sflag:s22], $0x1000  }
0x67: {  	s13 =	sshrl.u32 s13, $0x3;
	[sflag:s22] =	ssyncset.done $0x0  }
0x68: {  	s13 =	sadd.s32 s1, s13;
	[sflag:s22] =	ssyncadd.s32 $0xFFFFF000  }
0x69: {  	[tilespmem:s24], [sflag:$0x2] =	stream.linear.gather [hbm4b:s13+s11], $0x1000, $0x38;
	[tilespmem:$0x1E000] =	vst v63  }
0x6a: {  	_ =	swait.ge [sflag:s22], $0x1000  }
0x6b: {  	[sflag:s22] =	ssyncset.done $0x0  }
0x6c: {  	[sflag:s22] =	ssyncadd.s32 $0xFFFFF000  }
0x6d: {  	[tilespmem:s21], [sflag:$0x1] =	stream.indirect.gather [hbm4b:s5+s25], $0x80, s11, s25, $0xb8;
	[tilespmem:$0x1E000] =	vst v63  }
0x6e: {  	_ = 	snop  }
0x6f: {  	[tilespmem:s23], [sflag:$0x1] =	stream.indirect.gather [hbm4b:s5+s25], $0x80, s26, s25, $0xb8;
	[tilespmem:$0x1E000] =	vst v63  }
0x70: {  	_ = 	snop  }
0x71: {  	[tilespmem:s29], [sflag:$0x1] =	stream.indirect.gather [hbm4b:s5+s25], $0x80, s28, s25, $0xb8;
	[tilespmem:$0x1E000] =	vst v63  }
0x72: {  	_ =	swait.ge [sflag:s30], $0x2000  }
0x73: {  	[sflag:s30] =	ssyncset.done $0x0  }
0x74: {  	s15 =	simm.s32 $0x180;
	[sflag:s30] =	ssyncadd.s32 $0xFFFFE000  }
0x75: {  	[tilespmem:s31], [sflag:$0x1] =	stream.indirect.gather [hbm4b:s5+s25], $0x80, s15, s25, $0xb8;
	[tilespmem:$0x1E000] =	vst v63  }
0x76: {  	s16 =	simm.s32 $0x1000  }
0x77: {  	[spmem:s2] =	stream.indirect.scatter.add.f32 [tilespmem:s21], [sflag:$0x2], $0x80, s16, s25, $0xb8;
	[tilespmem:$0x1E000] =	vst v63  }
0x78: {  	_ =	swait.ge [sflag:s22], $0x2000  }
0x79: {  	[sflag:s22] =	ssyncset.done $0x0  }
0x7a: {  	[sflag:s22] =	ssyncadd.s32 $0xFFFFE000  }
0x7b: {  	_ =	swait.ge [sflag:s30], $0x2000  }
0x7c: {  	[sflag:s30] =	ssyncset.done $0x0  }
0x7d: {  	s15 =	simm.s32 $0x200;
	[sflag:s30] =	ssyncadd.s32 $0xFFFFE000  }
0x7e: {  	[tilespmem:s21], [sflag:$0x1] =	stream.indirect.gather [hbm4b:s5+s25], $0x80, s15, s25, $0xb8;
	[tilespmem:$0x1E000] =	vst v63  }
0x7f: {  	s16 =	simm.s32 $0x1080  }
0x80: {  	[spmem:s2] =	stream.indirect.scatter.add.f32 [tilespmem:s23], [sflag:$0x2], $0x80, s16, s25, $0xb8;
	[tilespmem:$0x1E000] =	vst v63  }
0x81: {  	_ =	swait.ge [sflag:s22], $0x2000  }
0x82: {  	[sflag:s22] =	ssyncset.done $0x0  }
0x83: {  	[sflag:s22] =	ssyncadd.s32 $0xFFFFE000  }
0x84: {  	_ =	swait.ge [sflag:s30], $0x2000  }
0x85: {  	[sflag:s30] =	ssyncset.done $0x0  }
0x86: {  	s15 =	simm.s32 $0x280;
	[sflag:s30] =	ssyncadd.s32 $0xFFFFE000  }
0x87: {  	[tilespmem:s23], [sflag:$0x1] =	stream.indirect.gather [hbm4b:s5+s25], $0x80, s15, s25, $0xb8;
	[tilespmem:$0x1E000] =	vst v63  }
0x88: {  	s16 =	simm.s32 $0x1100  }
0x89: {  	[spmem:s2] =	stream.indirect.scatter.add.f32 [tilespmem:s29], [sflag:$0x2], $0x80, s16, s25, $0xb8;
	[tilespmem:$0x1E000] =	vst v63  }
0x8a: {  	_ =	swait.ge [sflag:s22], $0x2000  }
0x8b: {  	[sflag:s22] =	ssyncset.done $0x0  }
0x8c: {  	[sflag:s22] =	ssyncadd.s32 $0xFFFFE000  }
0x8d: {  	_ =	swait.ge [sflag:s30], $0x2000  }
0x8e: {  	[sflag:s30] =	ssyncset.done $0x0  }
0x8f: {  	s15 =	simm.s32 $0x300;
	[sflag:s30] =	ssyncadd.s32 $0xFFFFE000  }
0x90: {  	[tilespmem:s29], [sflag:$0x1] =	stream.indirect.gather [hbm4b:s5+s25], $0x80, s15, s25, $0xb8;
	[tilespmem:$0x1E000] =	vst v63  }
0x91: {  	s16 =	simm.s32 $0x1180  }
0x92: {  	[spmem:s2] =	stream.indirect.scatter.add.f32 [tilespmem:s31], [sflag:$0x2], $0x80, s16, s25, $0xb8;
	[tilespmem:$0x1E000] =	vst v63  }
0x93: {  	_ =	swait.ge [sflag:s22], $0x2000  }
0x94: {  	s13 =	simm.s32 $0x800;
	[sflag:s22] =	ssyncset.done $0x0  }
.LBB2_7:
0x95: {  	p0 =	sne.s32 s13, $0x3000  }
0x96: {  	[sflag:s22] =	ssyncadd.s32 $0xFFFFE000;
	s15 =	smov.u32 s13;
	s13 =	sadd.s32 $0x800, s13  }
0x97: {  	_ = 	snop  }
0x98: {  	_ =	swait.ge [sflag:s30], $0x2000  }
0x99: {  	s15 =	sshra.s32 s15, $0x2;
	[sflag:s30] =	ssyncset.done $0x0  }
0x9a: {  	s16 =	sadd.s32 $0x180, s15;
	[sflag:s30] =	ssyncadd.s32 $0xFFFFE000  }
0x9b: {  	[tilespmem:s31], [sflag:$0x1] =	stream.indirect.gather [hbm4b:s5+s25], $0x80, s16, s25, $0xb8;
	[tilespmem:$0x1E000] =	vst v63  }
0x9c: {  	s16 =	sadd.s32 $0x1000, s15  }
0x9d: {  	[spmem:s2] =	stream.indirect.scatter.add.f32 [tilespmem:s21], [sflag:$0x2], $0x80, s16, s25, $0xb8;
	[tilespmem:$0x1E000] =	vst v63  }
0x9e: {  	_ =	swait.ge [sflag:s22], $0x2000  }
0x9f: {  	[sflag:s22] =	ssyncset.done $0x0  }
0xa0: {  	[sflag:s22] =	ssyncadd.s32 $0xFFFFE000  }
0xa1: {  	_ =	swait.ge [sflag:s30], $0x2000  }
0xa2: {  	[sflag:s30] =	ssyncset.done $0x0  }
0xa3: {  	s16 =	sadd.s32 $0x200, s15;
	[sflag:s30] =	ssyncadd.s32 $0xFFFFE000  }
0xa4: {  	[tilespmem:s21], [sflag:$0x1] =	stream.indirect.gather [hbm4b:s5+s25], $0x80, s16, s25, $0xb8;
	[tilespmem:$0x1E000] =	vst v63  }
0xa5: {  	s16 =	sadd.s32 $0x1080, s15  }
0xa6: {  	[spmem:s2] =	stream.indirect.scatter.add.f32 [tilespmem:s23], [sflag:$0x2], $0x80, s16, s25, $0xb8;
	[tilespmem:$0x1E000] =	vst v63  }
0xa7: {  	_ =	swait.ge [sflag:s22], $0x2000  }
0xa8: {  	[sflag:s22] =	ssyncset.done $0x0  }
0xa9: {  	[sflag:s22] =	ssyncadd.s32 $0xFFFFE000  }
0xaa: {  	_ =	swait.ge [sflag:s30], $0x2000  }
0xab: {  	[sflag:s30] =	ssyncset.done $0x0  }
0xac: {  	s16 =	sadd.s32 $0x280, s15;
	[sflag:s30] =	ssyncadd.s32 $0xFFFFE000  }
0xad: {  	[tilespmem:s23], [sflag:$0x1] =	stream.indirect.gather [hbm4b:s5+s25], $0x80, s16, s25, $0xb8;
	[tilespmem:$0x1E000] =	vst v63  }
0xae: {  	s16 =	sadd.s32 $0x1100, s15  }
0xaf: {  	[spmem:s2] =	stream.indirect.scatter.add.f32 [tilespmem:s29], [sflag:$0x2], $0x80, s16, s25, $0xb8;
	[tilespmem:$0x1E000] =	vst v63  }
0xb0: {  	_ =	swait.ge [sflag:s22], $0x2000  }
0xb1: {  	[sflag:s22] =	ssyncset.done $0x0  }
0xb2: {  	[sflag:s22] =	ssyncadd.s32 $0xFFFFE000  }
0xb3: {  	_ =	swait.ge [sflag:s30], $0x2000  }
0xb4: {  	[sflag:s30] =	ssyncset.done $0x0  }
0xb5: {  	s16 =	sadd.s32 $0x300, s15;
	[sflag:s30] =	ssyncadd.s32 $0xFFFFE000  }
0xb6: {  	[tilespmem:s29], [sflag:$0x1] =	stream.indirect.gather [hbm4b:s5+s25], $0x80, s16, s25, $0xb8;
	[tilespmem:$0x1E000] =	vst v63  }
.Ltmp2:
0xb7: {  	_ = 	snop;
	(pc) =	sbr.rel @p0 .LBB2_7-.Ltmp2, $4  }
0xb8: {  	s15 =	sadd.s32 $0x1180, s15  }
0xb9: {  	[spmem:s2] =	stream.indirect.scatter.add.f32 [tilespmem:s31], [sflag:$0x2], $0x80, s15, s25, $0xb8;
	[tilespmem:$0x1E000] =	vst v63  }
0xba: {  	_ =	swait.ge [sflag:s22], $0x2000  }
0xbb: {  	[sflag:s22] =	ssyncset.done $0x0  }
0xbc: {  	[sflag:s22] =	ssyncadd.s32 $0xFFFFE000  }
0xbd: {  	_ =	swait.ge [sflag:s30], $0x2000  }
0xbe: {  	[sflag:s30] =	ssyncset.done $0x0  }
0xbf: {  	[sflag:s30] =	ssyncadd.s32 $0xFFFFE000  }
0xc0: {  	[tilespmem:s31], [sflag:$0x1] =	stream.indirect.gather [hbm4b:s5+s25], $0x80, s0, s25, $0xb8;
	[tilespmem:$0x1E000] =	vst v63  }
0xc1: {  	_ = 	snop  }
0xc2: {  	[spmem:s2] =	stream.indirect.scatter.add.f32 [tilespmem:s21], [sflag:$0x2], $0x80, s3, s25, $0xb8;
	[tilespmem:$0x1E000] =	vst v63  }
0xc3: {  	_ =	swait.ge [sflag:s22], $0x2000  }
0xc4: {  	[sflag:s22] =	ssyncset.done $0x0  }
0xc5: {  	[sflag:s22] =	ssyncadd.s32 $0xFFFFE000  }
0xc6: {  	_ =	swait.ge [sflag:s30], $0x2000  }
0xc7: {  	[sflag:s30] =	ssyncset.done $0x0  }
0xc8: {  	[sflag:s30] =	ssyncadd.s32 $0xFFFFE000  }
0xc9: {  	[spmem:s2] =	stream.indirect.scatter.add.f32 [tilespmem:s23], [sflag:$0x2], $0x80, s8, s25, $0xb8;
	[tilespmem:$0x1E000] =	vst v63  }
0xca: {  	_ =	swait.ge [sflag:s22], $0x2000  }
0xcb: {  	[sflag:s22] =	ssyncset.done $0x0  }
0xcc: {  	[sflag:s22] =	ssyncadd.s32 $0xFFFFE000  }
0xcd: {  	_ =	swait.ge [sflag:s30], $0x2000  }
0xce: {  	[sflag:s30] =	ssyncset.done $0x0  }
0xcf: {  	[sflag:s30] =	ssyncadd.s32 $0xFFFFE000  }
0xd0: {  	[spmem:s2] =	stream.indirect.scatter.add.f32 [tilespmem:s29], [sflag:$0x2], $0x80, s9, s25, $0xb8;
	[tilespmem:$0x1E000] =	vst v63  }
0xd1: {  	_ =	swait.ge [sflag:s22], $0x2000  }
0xd2: {  	[sflag:s22] =	ssyncset.done $0x0  }
0xd3: {  	[sflag:s22] =	ssyncadd.s32 $0xFFFFE000  }
0xd4: {  	s12 =	sadd.s32 $0x1, s12;
	_ =	swait.ge [sflag:s30], $0x2000  }
0xd5: {  	p0 =	sne.s32 s12, $0xA;
	[sflag:s30] =	ssyncset.done $0x0  }
.Ltmp3:
0xd6: {  	[sflag:s30] =	ssyncadd.s32 $0xFFFFE000;
	(pc) =	sbr.rel @p0 .LBB2_6-.Ltmp3, $4  }
0xd7: {  	[spmem:s2] =	stream.indirect.scatter.add.f32 [tilespmem:s31], [sflag:$0x2], $0x80, s10, s25, $0xb8;
	[tilespmem:$0x1E000] =	vst v63  }
0xd8: {  	_ =	swait.ge [sflag:s22], $0x2000  }
0xd9: {  	[sflag:s22] =	ssyncset.done $0x0  }
0xda: {  	[sflag:s22] =	ssyncadd.s32 $0xFFFFE000  }
0xdb: {  	s11 =	stileid.u32;
	s4 =	sadd.s32 $0x1, s4  }
0xdc: {  	[bflag:$0x0] =	sbarrier.arrive $0xFFFF;
	s11 =	sshll.u32 s11, $0x6;
	p0 =	sne.s32 s4, s20  }
.Ltmp4:
0xdd: {  	s12 =	sshrl.u32 s7, $0x3;
	s11 =	sor.u32 $0x1C02, s11;
	(pc) =	sbr.rel @p0 .LBB2_1-.Ltmp4, $4  }
0xde: {  	[hbm:s19], [sflag:s11] =	dma.local [spmem:s12], $0x2800  }
0xdf: {  	_ =	swait.ge [sflag:s22], $0x2800  }
0xe0: {  	[sflag:s22] =	ssyncset.done $0x0  }
0xe1: {  	[sflag:s22] =	ssyncadd.s32 $0xFFFFD800  }
0xe2: {  	_ =	sfence.sel $0x180000  }
0xe3: {  	[bflag:$0x0] =	sbarrier.arrive $0xFFFF  }
0xe4: {  	_ =	strace $0x9000004D  }
0xe5: {  	s0 =	stileid.u32;
	[bflag:$0x2] =	sbarrier.arrive $0xFFFF  }
0xe6: {  	p0 =	sne.s32 s0, $0x0;
	s0 =	rddreg [dreg:$0x3]  }
0xe7: {  	s0 =	sadd.s32 @!p0 $0x100000, s0  }
0xe8: {  	[sflag:s0] =	ssyncadd.tile.s32 @!p0 $0x1;
	_ =	shalt  }
.Lfunc_end2:
_tile_overlayer_lowered:
.L_overlay_start_2:
0xe9: {  	(tag) =	ssettag $0x2  }
0xea: {  	s0 =	rddreg [dreg:$0x0];
	s2 =	stileid.u32  }
0xeb: {  	s1 =	rddreg [dreg:$0x1];
	p0 =	sne.s32 s2, $0x0  }
0xec: {  	s3 =	rddreg [dreg:$0x2];
	[bflag:$0x3] =	sbarrier.arrive $0xFFFF;
	s2 =	simm.s32 @!p0 $0x1C02  }
0xed: {  	[timem:s3], [sflag:s2] =	dma.local @!p0 [hbm:s0], s1  }
0xee: {  	s0 =	simm.s32 @!p0 $0x2  }
0xef: {  	_ =	swait.ge @!p0 [sflag:s0], s1  }
0xf0: {  	s1 =	ssub.s32 @!p0 $0x0, s1;
	[sflag:s0] =	ssyncset.done @!p0 $0x0  }
0xf1: {  	[sflag:s0] =	ssyncadd.s32 @!p0 s1  }
0xf2: {  	[bflag:$0x3] =	sbarrier.arrive $0xFFFF  }
0xf3: {  	_ =	shalt  }

// kernel: kernel.8.cloned.1.call-start
scs
__scs_entry_jumppad:
0x0: {  	(pc) =	sbr.rel $0x88, $3  }
0x1: {  	(tag) =	ssettag $0x0;
	lr =	simm.s32 $0x1  }
0x2: {  	[smem:$0x3F91] =	sst lr;
	_ =	strace $0xD0000000  }
0x3: {  	_ = 	snop  }
0x4: {  	_ = 	snop  }
0x5: {  	_ = 	snop  }
0x6: {  	_ = 	snop  }
0x7: {  	_ = 	snop  }
__scs_overlays_trampoline_lowered:
0x8: {  	[smem:$0x3FA0] =	sst s0  }
0x9: {  	[smem:$0x3FA1] =	sst s1  }
0xa: {  	[smem:$0x3FA2] =	sst s2  }
0xb: {  	[smem:$0x3FA3] =	sst s3  }
0xc: {  	[smem:$0x3FA4] =	sst s4  }
0xd: {  	[smem:$0x3FA5] =	sst s5  }
0xe: {  	[smem:$0x3FA6] =	sst s6  }
0xf: {  	[smem:$0x3FA7] =	sst s7  }
0x10: {  	[smem:$0x3FA8] =	sst s8  }
0x11: {  	[smem:$0x3FA9] =	sst s9;
	s0 =	simm.s32 @!p0 $0x0  }
0x12: {  	s1 =	sld [smem:$0x3F8F];
	s0 =	simm.s32 @p0 $0x1  }
0x13: {  	[smem:$0x3FAA] =	sst s0;
	s0 =	simm.s32 @!p1 $0x0  }
0x14: {  	s2 =	sld [smem:$0x3F8E];
	s0 =	simm.s32 @p1 $0x1  }
0x15: {  	[smem:$0x3FAB] =	sst s0;
	s0 =	simm.s32 @!p2 $0x0  }
0x16: {  	s3 =	sld [smem:$0x3FDB];
	s0 =	simm.s32 @p2 $0x1  }
0x17: {  	s4 =	simm.s32 $0x1BF5;
	[smem:$0x3FAD] =	sst s0  }
0x18: {  	s0 =	sld [smem:$0x3F90];
	_ =	swait.ge [sflag:s4], $0x0  }
0x19: {  	s7 =	sld [smem:$0x3F91]  }
0x1a: {  	s8 =	sadd.s32 $0xFFFFE003, lr  }
0x1b: {  	s9 =	sadd.s32 $0xFFFFFEF7, lr;
	s5 =	simm.s32 $0xFFFFFFFF;
	p2 =	slt.u32 s8, $0xFFFFF086  }
0x1c: {  	p1 =	slt.u32 s9, $0xF7A;
	s5 =	simm.s32 @!p2 $0x0  }
0x1d: {  	s5 =	simm.s32 @p1 $0x1;
	p0 =	seq.s32 s7, s2  }
0x1e: {  	s7 =	smul.u32 @!p0 $0xF7A, s2;
	p2 =	seq.s32 @!p0 s5, $0x0  }
0x1f: {  	s9 =	smul.u32 $0xF7A, s1;
	s8 =	simm.s32 @!p0 $0x1BF5;
	p2 =	por !p2, p0  }
0x20: {  	[sflag:s8] =	ssyncset.s32 @!p0 $0xFFFFF086;
	s6 =	sadd.s32 @!p0 s3, s7;
	s7 =	simm.s32 @!p0 $0x108  }
0x21: {  	s3 =	sadd.s32 s3, s9;
	s6 =	sadd.s32 @!p0 $0x88, s6;
	s7 =	simm.s32 @p2 $0x1082  }
0x22: {  	[simem:s7], [sflag:s8] =	dma.local @!p0 [hbm:s6], $0xF7A  }
0x23: {  	s9 =	sor.u32 $0xD0000000, s2;
	s6 =	simm.s32 $0x108;
	_ =	swait.ge @!p0 [sflag:s8], $0x0  }
0x24: {  	s3 =	sadd.s32 $0x88, s3;
	s6 =	simm.s32 @!p1 $0x1082;
	[sflag:s4] =	ssyncset.s32 $0xFFFFF086  }
0x25: {  	[simem:s6], [sflag:s4] =	dma.local [hbm:s3], $0xF7A  }
0x26: {  	[smem:$0x3F91] =	sst s1;
	(tag) =	ssettag s2;
	_ =	strace s9  }
0x27: {  	s1 =	sld [smem:$0x3FA1]  }
0x28: {  	s2 =	sld [smem:$0x3FA2]  }
0x29: {  	s4 =	sld [smem:$0x3FA4]  }
0x2a: {  	p0 =	seq.s32 s5, $0x0;
	s5 =	sld [smem:$0x3FA5]  }
0x2b: {  	s6 =	sld [smem:$0x3FA6]  }
0x2c: {  	s7 =	sld [smem:$0x3FA7]  }
0x2d: {  	s3 =	simm.s32 $0x108;
	s8 =	sld [smem:$0x3FA8]  }
0x2e: {  	s3 =	simm.s32 @!p0 $0x1082;
	s9 =	sld [smem:$0x3FA9]  }
0x2f: {  	lr =	sadd.s32 s0, s3;
	s0 =	sld [smem:$0x3FA0]  }
0x30: {  	s3 =	sld [smem:$0x3FA3]  }
0x31: {  	[smem:$0x3FAC] =	sst s10  }
0x32: {  	s10 =	sld [smem:$0x3FAA];
	_ =	sdelay $0x3  }
0x33: {  	p0 =	seq.s32 s10, $0x1;
	s10 =	sld [smem:$0x3FAC];
	_ =	sdelay $0x3  }
0x34: {  	[smem:$0x3FAC] =	sst s10  }
0x35: {  	s10 =	sld [smem:$0x3FAB];
	_ =	sdelay $0x3  }
0x36: {  	p1 =	seq.s32 s10, $0x1;
	s10 =	sld [smem:$0x3FAC];
	_ =	sdelay $0x3  }
0x37: {  	[smem:$0x3FAC] =	sst s10  }
0x38: {  	s10 =	sld [smem:$0x3FAD]  }
0x39: {  	_ = 	snop;
	(pc) =	sbr.ind lr, $3  }
0x3a: {  	_ = 	snop  }
0x3b: {  	_ = 	snop  }
0x3c: {  	p2 =	seq.s32 s10, $0x1;
	s10 =	sld [smem:$0x3FAC]  }
0x3d: {  	_ =	shalt  }
0x3e: {  	_ =	shalt  }
0x3f: {  	_ =	shalt  }
0x40: {  	_ =	shalt  }
0x41: {  	_ =	shalt  }
0x42: {  	_ =	shalt  }
0x43: {  	_ =	shalt  }
0x44: {  	_ =	shalt  }
0x45: {  	_ =	shalt  }
0x46: {  	_ =	shalt  }
0x47: {  	_ =	shalt  }
0x48: {  	_ =	shalt  }
0x49: {  	_ =	shalt  }
0x4a: {  	_ =	shalt  }
0x4b: {  	_ =	shalt  }
0x4c: {  	_ =	shalt  }
0x4d: {  	_ =	shalt  }
0x4e: {  	_ =	shalt  }
0x4f: {  	_ =	shalt  }
0x50: {  	_ =	shalt  }
0x51: {  	_ =	shalt  }
0x52: {  	_ =	shalt  }
0x53: {  	_ =	shalt  }
0x54: {  	_ =	shalt  }
0x55: {  	_ =	shalt  }
0x56: {  	_ =	shalt  }
0x57: {  	_ =	shalt  }
0x58: {  	_ =	shalt  }
0x59: {  	_ =	shalt  }
0x5a: {  	_ =	shalt  }
0x5b: {  	_ =	shalt  }
0x5c: {  	_ =	shalt  }
0x5d: {  	_ =	shalt  }
0x5e: {  	_ =	shalt  }
0x5f: {  	_ =	shalt  }
0x60: {  	_ =	shalt  }
0x61: {  	_ =	shalt  }
0x62: {  	_ =	shalt  }
0x63: {  	_ =	shalt  }
0x64: {  	_ =	shalt  }
0x65: {  	_ =	shalt  }
0x66: {  	_ =	shalt  }
0x67: {  	_ =	shalt  }
0x68: {  	_ =	shalt  }
0x69: {  	_ =	shalt  }
0x6a: {  	_ =	shalt  }
0x6b: {  	_ =	shalt  }
0x6c: {  	_ =	shalt  }
0x6d: {  	_ =	shalt  }
0x6e: {  	_ =	shalt  }
0x6f: {  	_ =	shalt  }
0x70: {  	_ =	shalt  }
0x71: {  	_ =	shalt  }
0x72: {  	_ =	shalt  }
0x73: {  	_ =	shalt  }
0x74: {  	_ =	shalt  }
0x75: {  	_ =	shalt  }
0x76: {  	_ =	shalt  }
0x77: {  	_ =	shalt  }
0x78: {  	_ =	shalt  }
0x79: {  	_ =	shalt  }
0x7a: {  	_ =	shalt  }
0x7b: {  	_ =	shalt  }
0x7c: {  	_ =	shalt  }
0x7d: {  	_ =	shalt  }
0x7e: {  	_ =	shalt  }
0x7f: {  	_ =	shalt  }
0x80: {  	_ =	shalt  }
0x81: {  	_ =	shalt  }
0x82: {  	_ =	shalt  }
0x83: {  	_ =	shalt  }
0x84: {  	_ =	shalt  }
0x85: {  	_ =	shalt  }
0x86: {  	_ =	shalt  }
0x87: {  	_ =	shalt  }
.Lfunc_end0:
.L_simem_size_0:
called_computation_lowered:
.L_overlay_start_0:
0x88: {  	s2 =	sld [smem:$0x3FD9]  }
0x89: {  	s3 =	sld [smem:$0x3FFE];
	_ =	sdelay $0x1  }
0x8a: {  	s1 =	srdreg.scid  }
0x8b: {  	s0 =	sand.u32 $0x1, s1  }
0x8c: {  	s17 =	sshll.u32 s0, $0xA;
	s2 =	sadd.s32 s3, s2  }
0x8d: {  	s2 =	sadd.s32 s2, s17  }
0x8e: {  	[smem:$0x3FB8] =	sst s2  }
0x8f: {  	_ = 	snop  }
0x90: {  	(tm) =	ssettm $0x1  }
0x91: {  	s18 =	sld [smem:$0x3FFB];
	_ =	sdelay $0x3  }
0x92: {  	_ =	strace s18  }
0x93: {  	s2 =	sld [smem:$0x3FFC];
	_ =	sdelay $0x3  }
0x94: {  	_ =	strace s2  }
0x95: {  	s2 =	sld [smem:$0x3FFD];
	_ =	sdelay $0x3  }
0x96: {  	_ =	strace s2  }
0x97: {  	_ =	strace $0x8FFFFFFF  }
0x98: {  	s19 =	sld [smem:$0x3FDB];
	_ =	sdelay $0x1  }
0x99: {  	s20 =	simm.s32 $_scs_section_size  }
0x9a: {  	s4 =	simm.s32 $_size__tile_overlayer_lowered;
	s5 =	simm.s32 $_tile_overlayer_lowered  }
0x9b: {  	s6 =	simm.s32 $0x1BFF;
	s21 =	sshll.u32 s5, $0x1;
	s3 =	sadd.s32 s20, s19  }
0x9c: {  	s22 =	simm.s32 $0x0;
	s4 =	sshll.u32 s4, $0x1;
	s5 =	sadd.s32 s21, s3  }
0x9d: {  	[timem:s22], [sflag:s6] =	dma.local [hbm:s5], s4  }
0x9e: {  	_ =	swait.ge [sflag:s6], s4  }
0x9f: {  	s4 =	ssub.s32 $0x0, s4;
	[sflag:s6] =	ssyncset.done $0x0  }
0xa0: {  	[sflag:s6] =	ssyncadd.s32 s4;
	_ =	sdelay $0x1  }
0xa1: {  	s23 =	simm.s32 $0x1B8B  }
0xa2: {  	_ =	swait.ge [sflag:s23], $0x1  }
0xa3: {  	[sflag:s23] =	ssyncset.done $0x0  }
0xa4: {  	[sflag:s23] =	ssyncadd.s32 $0xFFFFFFFF  }
0xa5: {  	s4 =	sld [smem:$0x0]  }
0xa6: {  	s5 =	sand.u32 $0xFFFFFFFE, s1  }
0xa7: {  	p0 =	sne.s32 s1, s5  }
0xa8: {  	s5 =	sshll.u32 @p0 s5, $0xE  }
0xa9: {  	s5 =	sadd.s32 @p0 $0x11B8D, s5;
	s6 =	sshll.u32 @p0 s4, $0x11  }
0xaa: {  	s5 =	sor.u32 @p0 s6, s5  }
0xab: {  	[sflag:s5] =	ssyncadd.remote.s32 @p0 $0x1;
	_ =	sdelay $0x1  }
0xac: {  	s5 =	simm.s32 @p0 $0x1B8D  }
0xad: {  	_ =	swait.eq @p0 [sflag:s5], $0x1  }
0xae: {  	[sflag:s5] =	ssyncadd.s32 @p0 $0xFFFFFFFF  }
0xaf: {  	s6 =	sshll.u32 @!p0 s1, $0xE  }
0xb0: {  	s6 =	sor.u32 @!p0 $0x4000, s6;
	s5 =	simm.s32 @!p0 $0x1B8D  }
0xb1: {  	s4 =	sshll.u32 @!p0 s4, $0x11;
	s6 =	sadd.s32 @!p0 $0x11B8D, s6;
	_ =	swait.eq @!p0 [sflag:s5], $0x1  }
0xb2: {  	s4 =	sor.u32 @!p0 s4, s6;
	[sflag:s5] =	ssyncadd.s32 @!p0 $0xFFFFFFFF  }
0xb3: {  	s25 =	simm.s32 $0x1B8E;
	s24 =	sld [smem:$0x3FFE];
	[sflag:s4] =	ssyncadd.remote.s32 @!p0 $0x1  }
0xb4: {  	s26 =	simm.s32 $execute0_lowered;
	[smem:$0x3FD2] =	sst s25  }
0xb5: {  	s5 =	sshll.u32 s26, $0x1;
	_ =	strace $0x80000049;
	[dreg:$0x1] =	wrdreg $0xFFFFFFFF  }
0xb6: {  	s28 =	simm.s32 $_size_execute0_lowered;
	s3 =	sadd.s32 s3, s5;
	[dreg:$0x0] =	wrdreg $0x0  }
0xb7: {  	s5 =	sshll.u32 s28, $0x1;
	[dreg:$0x2] =	wrdreg s3  }
0xb8: {  	[dreg:$0x3] =	wrdreg s5  }
0xb9: {  	[dreg:$0x4] =	wrdreg $0xC0  }
0xba: {  	_ =	task [dreg:s22], $0x5FFFF  }
0xbb: {  	[dreg:$0x1] =	wrdreg $0xFFFFFFFF  }
0xbc: {  	[dreg:$0x0] =	wrdreg $0x60  }
0xbd: {  	[dreg:$0x2] =	wrdreg s24  }
0xbe: {  	[dreg:$0x3] =	wrdreg $0x9  }
0xbf: {  	_ =	task.clear_ibuf [dreg:s22], $0x4FFFF;
	_ =	strace $0x90000049  }
0xc0: {  	s29 =	simm.s32 $0x9;
	_ =	strace $0x8000004B  }
0xc1: {  	_ =	swait.ge [sflag:s29], $0x1  }
0xc2: {  	[sflag:s29] =	ssyncadd.s32 $0xFFFFFFFF  }
0xc3: {  	_ =	strace $0x9000004B  }
0xc4: {  	_ =	sfence  }
0xc5: {  	s30 =	sld [smem:$0x0];
	_ =	sdelay $0x2  }
0xc6: {  	s31 =	sshll.u32 s1, $0xD;
	s1 =	sshrl.u32 s1, $0x2  }
0xc7: {  	s4 =	sand.u32 $0x4000, s31;
	s1 =	sadd.s32 s1, s30  }
0xc8: {  	s0 =	sor.u32 s4, s0;
	s1 =	sshll.u32 s1, $0x11  }
0xc9: {  	s0 =	sor.u32 s1, s0  }
0xca: {  	s0 =	sadd.s32 $0x8F2B, s0  }
0xcb: {  	[sflag:s0] =	ssyncadd.remote.s32 $0x1  }
0xcc: {  	_ =	sfence.sel $0xFFFF  }
0xcd: {  	[dreg:$0x0] =	wrdreg $0xFFFFFFFF;
	(pc) =	sbr.abs _section_cstart, $3  }
0xce: {  	[dreg:$0x1] =	wrdreg $0xFFFFFFFF  }
0xcf: {  	_ =	task.clear_ibuf [dreg:s22], $0x2FFFF;
	_ =	strace $0x9FFFFFFF  }
0xd0: {  	(tm) =	ssettm $0x7FFFFFFF  }
0xd1: {  	_ =	shalt  }
tec
execute0_lowered:
.L_overlay_start_1:
0x0: {  	(tag) =	ssettag $0x1  }
0x1: {  	s1 =	srdreg.scid;
	s0 =	stileid.u32  }
0x2: {  	s4 =	rddreg [dreg:$0x0];
	s9 =	simm.s32 $0x400;
	s10 =	simm.s32 $0x0  }
0x3: {  	s3 =	sand.u32 $0x1, s1;
	s2 =	sshrl.u32 s0, $0x3;
	s7 =	smul.u32 $0x2800, s0  }
0x4: {  	s1 =	rddreg [dreg:$0x1];
	s8 =	sshll.u32 s0, $0x7;
	s5 =	smul.u32 $0x28000, s3  }
0x5: {  	s6 =	smul.u32 $0x14000, s2;
	s2 =	simm.s32 $0x0;
	s3 =	ssub.s32 $0x2, s3  }
0x6: {  	s8 =	sand.u32 $0x380, s8;
	[smem:$0x7FF] =	sst s2;
	s31 =	sshrl.u32 s3, $0x1  }
0x7: {  	s6 =	sadd.s32 s5, s6;
	_ =	strace $0x8000004A;
	s5 =	sadd.s32 s7, s5  }
0x8: {  	s7 =	simm.s32 $0x2800;
	s6 =	sor.u32 s8, s6;
	s5 =	sshrl.u32 s5, $0x3  }
0x9: {  	s8 =	simm.s32 $0x80;
	s6 =	sshrl.u32 s6, $0x3;
	s5 =	sadd.s32 s5, s4  }
0xa: {  	s4 =	sadd.s32 s6, s4;
	s6 =	ssub.s32 s3, s31;
	s3 =	sadd.s32 $0xCAA00, s5  }
0xb: {  	v0 =	vimm.f32 $0.0e+00;
	v1 =	vimm.f32 $1.000000000e+00;
	s4 =	sadd.s32 $0xD4A00, s4;
	s5 =	smax.u32 s6, $0x1;
	s6 =	simm.s32 $0x1  }
.LBB2_1:
0xc: {  	[tilespmem:s2], [sflag:$0x1] =	stream.linear.gather [hbm4b:s3+s2], $0x2800, $0x38;
	[tilespmem:$0x5000] =	vst v63  }
0xd: {  	_ =	swait.ge [sflag:s6], $0x2800  }
0xe: {  	[sflag:s6] =	ssyncset.done $0x0  }
0xf: {  	s11 =	simm.s32 $0x0;
	[sflag:s6] =	ssyncadd.s32 $0xFFFFD800  }
.LBB2_2:
0x10: {  	p0 =	sne.s32 s11, $0x9FC0  }
.Ltmp0:
0x11: {  	_ = 	snop;
	(pc) =	sbr.rel @p0 .LBB2_2-.Ltmp0, $3  }
0x12: {  	_ =	sdelay $0x1  }
0x13: {  	s12 =	sshra.s32 s11, $0x2  }
0x14: {  	s11 =	sadd.s32 $0x40, s11;
	[tilespmem:s12+$0x2800] =	vst v0  }
0x15: {  	s11 =	simm.s32 $0x0  }
.LBB2_4:
0x16: {  	s12 =	sshra.s32 s11, $0x2  }
0x17: {  	v2 =	vld [tilespmem:s12+$0x0];
	_ =	sdelay $0x7  }
0x18: {  	[tilespmem:v2+s7+$0x0] =	vst.idx.add.f32.msk $0xffff, v1  }
0x19: {  	v2 =	vld [tilespmem:s12+$0x10];
	_ =	sdelay $0x7  }
0x1a: {  	[tilespmem:v2+s7+$0x0] =	vst.idx.add.f32.msk $0xffff, v1  }
0x1b: {  	v2 =	vld [tilespmem:s12+$0x20];
	_ =	sdelay $0x7  }
0x1c: {  	[tilespmem:v2+s7+$0x0] =	vst.idx.add.f32.msk $0xffff, v1  }
0x1d: {  	v2 =	vld [tilespmem:s12+$0x30];
	_ =	sdelay $0x7  }
0x1e: {  	[tilespmem:v2+s7+$0x0] =	vst.idx.add.f32.msk $0xffff, v1  }
0x1f: {  	v2 =	vld [tilespmem:s12+$0x40];
	_ =	sdelay $0x7  }
0x20: {  	[tilespmem:v2+s7+$0x0] =	vst.idx.add.f32.msk $0xffff, v1  }
0x21: {  	v2 =	vld [tilespmem:s12+$0x50];
	_ =	sdelay $0x7  }
0x22: {  	[tilespmem:v2+s7+$0x0] =	vst.idx.add.f32.msk $0xffff, v1  }
0x23: {  	v2 =	vld [tilespmem:s12+$0x60];
	_ =	sdelay $0x7  }
0x24: {  	[tilespmem:v2+s7+$0x0] =	vst.idx.add.f32.msk $0xffff, v1  }
0x25: {  	v2 =	vld [tilespmem:s12+$0x70];
	_ =	sdelay $0x2  }
0x26: {  	p0 =	sne.s32 s11, $0x9E00  }
.Ltmp1:
0x27: {  	_ = 	snop;
	(pc) =	sbr.rel @p0 .LBB2_4-.Ltmp1, $2  }
0x28: {  	_ =	sdelay $0x2  }
0x29: {  	s11 =	sadd.s32 $0x200, s11;
	[tilespmem:v2+s7+$0x0] =	vst.idx.add.f32.msk $0xffff, v1  }
0x2a: {  	s10 =	sadd.s32 $0x1, s10  }
0x2b: {  	p0 =	sne.s32 s10, s5  }
.Ltmp2:
0x2c: {  	_ = 	snop;
	(pc) =	sbr.rel @p0 .LBB2_1-.Ltmp2, $4  }
0x2d: {  	[hbm4b:s4+s8] =	stream.strided.scatter [tilespmem:s7], [sflag:$0x1], $0x2800, s9, s8, $0x38;
	[tilespmem:$0x5000] =	vst v63  }
0x2e: {  	_ =	swait.ge [sflag:s6], $0x2800  }
0x2f: {  	[sflag:s6] =	ssyncset.done $0x0  }
0x30: {  	[sflag:s6] =	ssyncadd.s32 $0xFFFFD800  }
0x31: {  	_ =	sfence.sel $0x180000  }
0x32: {  	[bflag:$0x0] =	sbarrier.arrive $0xFFFF  }
0x33: {  	p0 =	sne.s32 s0, $0x0;
	_ =	strace $0x9000004A  }
0x34: {  	s0 =	sadd.s32 @!p0 $0x100000, s1;
	[bflag:$0x2] =	sbarrier.arrive $0xFFFF  }
0x35: {  	[sflag:s0] =	ssyncadd.tile.s32 @!p0 $0x1;
	_ =	shalt  }
.Lfunc_end2:
_tile_overlayer_lowered:
.L_overlay_start_2:
0x36: {  	(tag) =	ssettag $0x2  }
0x37: {  	s0 =	rddreg [dreg:$0x0];
	s2 =	stileid.u32  }
0x38: {  	s1 =	rddreg [dreg:$0x1];
	p0 =	sne.s32 s2, $0x0  }
0x39: {  	s3 =	rddreg [dreg:$0x2];
	[bflag:$0x3] =	sbarrier.arrive $0xFFFF;
	s2 =	simm.s32 @!p0 $0x1C01  }
0x3a: {  	[timem:s3], [sflag:s2] =	dma.local @!p0 [hbm:s0], s1  }
0x3b: {  	s0 =	simm.s32 @!p0 $0x1  }
0x3c: {  	_ =	swait.ge @!p0 [sflag:s0], s1  }
0x3d: {  	s1 =	ssub.s32 @!p0 $0x0, s1;
	[sflag:s0] =	ssyncset.done @!p0 $0x0  }
0x3e: {  	[sflag:s0] =	ssyncadd.s32 @!p0 s1  }
0x3f: {  	[bflag:$0x3] =	sbarrier.arrive $0xFFFF  }
0x40: {  	_ =	shalt  }

</sc_bundles>
